<compile_context>
chip_gen: v7x
topology: tpu7x:2x2x1
jax: 0.10.2.dev20260603
libtpu: 0.0.44.dev20260713+nightly
codegen_flags: <defaults>
</compile_context>

<pallas_src>
import functools

import jax
import jax.numpy as jnp
from jax import lax
from jax.experimental import pallas as pl
from jax.experimental.pallas import tpu as pltpu
from jax.experimental.pallas import tpu_sc as plsc

_MU = 3.5
_CHUNK = 32


@functools.lru_cache(maxsize=None)
def _build_sc_kernel(B, K):
    info = plsc.get_sparse_core_info()
    NC, NS, L = info.num_cores, info.num_subcores, info.num_lanes
    NW = NC * NS
    assert B % (8 * NW) == 0 and K % L == 0
    b_per_w = B // NW
    n_chunks = b_per_w // _CHUNK
    mesh = plsc.VectorSubcoreMesh(core_axis_name="c", subcore_axis_name="s",
                                  num_cores=NC, num_subcores=NS)

    @functools.partial(
        pl.kernel,
        out_type=jax.ShapeDtypeStruct((B,), jnp.float32),
        mesh=mesh,
        scratch_types=[
            pltpu.VMEM((b_per_w,), jnp.int32),
            pltpu.VMEM((b_per_w,), jnp.int32),
            pltpu.VMEM((b_per_w,), jnp.int32),
            pltpu.VMEM((b_per_w,), jnp.int32),
            pltpu.VMEM((b_per_w,), jnp.int32),
            pltpu.VMEM((b_per_w,), jnp.int32),
            pltpu.VMEM((_CHUNK, 8, K), jnp.float32),
            pltpu.VMEM((_CHUNK, 8, K), jnp.float32),
            pltpu.VMEM((b_per_w,), jnp.float32),
            pltpu.VMEM((b_per_w,), jnp.float32),
            pltpu.VMEM((b_per_w,), jnp.float32),
            pltpu.SemaphoreType.DMA,
            pltpu.SemaphoreType.DMA,
            pltpu.SemaphoreType.DMA,
            pltpu.SemaphoreType.DMA,
        ],
        compiler_params=pltpu.CompilerParams(needs_layout_passes=False),
        interpret=False,
    )
    def sc_kernel(uidx_hbm, iidx_hbm, p_hbm, q_hbm, bu_hbm, bi_hbm, out_hbm,
                  idx_u, idx_i, blk_u, blk_i, sub_u, sub_i,
                  blocks_p, blocks_q, bu_v, bi_v, out_v,
                  sem0, sem1, sem2, sem3):
        wid = lax.axis_index("s") * NC + lax.axis_index("c")
        base = wid * b_per_w
        for c in range(b_per_w // 128):
            pltpu.sync_copy(uidx_hbm.at[pl.ds(base + c * 128, 128)],
                            idx_u.at[pl.ds(c * 128, 128)])
            pltpu.sync_copy(iidx_hbm.at[pl.ds(base + c * 128, 128)],
                            idx_i.at[pl.ds(c * 128, 128)])

        bias_copies = []
        for c in range(b_per_w // 128):
            sl = pl.ds(c * 128, 128)
            bias_copies.append(
                pltpu.async_copy(bu_hbm.at[idx_u.at[sl]], bu_v.at[sl], sem2))
            bias_copies.append(
                pltpu.async_copy(bi_hbm.at[idx_i.at[sl]], bi_v.at[sl], sem3))

        def split(g, carry):
            s = pl.ds(g * L, L)
            u = idx_u[s]
            i = idx_i[s]
            blk_u[s] = u >> 3
            sub_u[s] = u & 7
            blk_i[s] = i >> 3
            sub_i[s] = i & 7
            return carry

        lax.fori_loop(0, b_per_w // L, split, 0)

        lane = lax.iota(jnp.int32, L)

        def chunk_body(c, carry):
            cbase = c * _CHUNK

            for g in range(_CHUNK // L):
                ub_vec = blk_u[pl.ds(cbase + g * L, L)]
                ib_vec = blk_i[pl.ds(cbase + g * L, L)]
                for j in range(L):
                    pltpu.async_copy(
                        p_hbm.at[ub_vec[j]], blocks_p.at[g * L + j], sem0)
                    pltpu.async_copy(
                        q_hbm.at[ib_vec[j]], blocks_q.at[g * L + j], sem1)
            pltpu.make_async_copy(
                p_hbm.at[pl.ds(0, _CHUNK)], blocks_p, sem0).wait()
            pltpu.make_async_copy(
                q_hbm.at[pl.ds(0, _CHUNK)], blocks_q, sem1).wait()
            for g in range(_CHUNK // L):
                s = pl.ds(cbase + g * L, L)
                slot = g * L + lane
                su = sub_u[s]
                si = sub_i[s]
                acc = jnp.zeros((L,), jnp.float32)
                for j in range(K):
                    col = jnp.full((L,), j, jnp.int32)
                    pv = plsc.load_gather(blocks_p, [slot, su, col])
                    qv = plsc.load_gather(blocks_q, [slot, si, col])
                    acc = acc + pv * qv
                out_v[s] = acc
            return carry

        lax.fori_loop(0, n_chunks, chunk_body, 0)
        for cp in bias_copies:
            cp.wait()

        def finish(g, carry):
            s = pl.ds(g * L, L)
            out_v[s] = out_v[s] + (bu_v[s] + bi_v[s] + _MU)
            return carry

        lax.fori_loop(0, b_per_w // L, finish, 0)
        pltpu.sync_copy(out_v, out_hbm.at[pl.ds(base, b_per_w)])

    return sc_kernel


def kernel(user_idx, item_idx, P, Q, b_u, b_i):
    B = user_idx.shape[0]
    K = P.shape[1]
    sc_kernel = _build_sc_kernel(B, K)
    p3 = P.reshape(P.shape[0] // 8, 8, K)
    q3 = Q.reshape(Q.shape[0] // 8, 8, K)
    return sc_kernel(user_idx.astype(jnp.int32), item_idx.astype(jnp.int32),
                     p3, q3, b_u.reshape(-1), b_i.reshape(-1))

# --- scband reference (transcript-rebuilt; emitter-appended) ---
"""Pipeline reference for scband-latent-factor-model-45569603011239 (READ-ONLY COPY).

The authoritative reference and input builder live on the scoring server;
editing this copy changes nothing except your own understanding.
"""

import jax, jax.numpy as jnp
import numpy as np

N_USERS = 1000000
N_ITEMS = 100000
K = 64
MU = 3.5
BATCH = 16384

def _xavier(key, shape):
    fan_in, fan_out = shape[0], shape[1]
    limit = float(np.sqrt(6.0 / (fan_in + fan_out)))
    return jax.random.uniform(key, shape, dtype=jnp.float32, minval=-limit, maxval=limit)

def setup_inputs(seed: int = 0) -> dict:
    key = jax.random.key(seed)
    k1, k2, k3, k4 = jax.random.split(key, 4)
    user_idx = jax.random.randint(k1, (BATCH,), 0, N_USERS, dtype=jnp.int64 if jax.config.jax_enable_x64 else jnp.int32)
    item_idx = jax.random.randint(k2, (BATCH,), 0, N_ITEMS, dtype=jnp.int64 if jax.config.jax_enable_x64 else jnp.int32)
    P = _xavier(k3, (N_USERS, K))
    Q = _xavier(k4, (N_ITEMS, K))
    b_u = jnp.zeros((N_USERS, 1), dtype=jnp.float32)
    b_i = jnp.zeros((N_ITEMS, 1), dtype=jnp.float32)
    return {"user_idx": user_idx, "item_idx": item_idx, "P": P, "Q": Q, "b_u": b_u, "b_i": b_i}

def reference(user_idx, item_idx, P, Q, b_u, b_i):
    p_u = jnp.take(P, user_idx, axis=0)            # [B, K] gather
    q_i = jnp.take(Q, item_idx, axis=0)            # [B, K] gather
    bu = jnp.take(b_u, user_idx, axis=0)[:, 0]     # [B] gather + squeeze
    bi = jnp.take(b_i, item_idx, axis=0)[:, 0]     # [B] gather + squeeze
    dot_product = jnp.sum(p_u * q_i, axis=1)       # [B]
    return MU + bu + bi + dot_product

if __name__ == "__main__":
    import jax
    _d = setup_inputs()
    print(jax.jit(kernel)(*tuple(_d.values())))

</pallas_src>

<mosaic_0001>
#map = affine_map<(d0, d1) -> (0)>
#map1 = affine_map<(d0, d1) -> (0, 0, 0)>
module attributes {stable_mosaic.version = 14 : i64} {
  func.func @sc_kernel(%arg0: i32, %arg1: i32, %arg2: memref<16384xi32, #tpu.memory_space<hbm>>, %arg3: memref<16384xi32, #tpu.memory_space<hbm>>, %arg4: memref<125000x8x64xf32, #tpu.memory_space<hbm>>, %arg5: memref<12500x8x64xf32, #tpu.memory_space<hbm>>, %arg6: memref<1000000xf32, #tpu.memory_space<hbm>>, %arg7: memref<100000xf32, #tpu.memory_space<hbm>>, %arg8: memref<16384xf32, #tpu.memory_space<hbm>>, %arg9: memref<512xi32, #tpu.memory_space<vmem>>, %arg10: memref<512xi32, #tpu.memory_space<vmem>>, %arg11: memref<512xi32, #tpu.memory_space<vmem>>, %arg12: memref<512xi32, #tpu.memory_space<vmem>>, %arg13: memref<512xi32, #tpu.memory_space<vmem>>, %arg14: memref<512xi32, #tpu.memory_space<vmem>>, %arg15: memref<32x8x64xf32, #tpu.memory_space<vmem>>, %arg16: memref<32x8x64xf32, #tpu.memory_space<vmem>>, %arg17: memref<512xf32, #tpu.memory_space<vmem>>, %arg18: memref<512xf32, #tpu.memory_space<vmem>>, %arg19: memref<512xf32, #tpu.memory_space<vmem>>, %arg20: memref<!tpu.dma_semaphore, #tpu.memory_space<semaphore_mem>>, %arg21: memref<!tpu.dma_semaphore, #tpu.memory_space<semaphore_mem>>, %arg22: memref<!tpu.dma_semaphore, #tpu.memory_space<semaphore_mem>>, %arg23: memref<!tpu.dma_semaphore, #tpu.memory_space<semaphore_mem>>) attributes {dimension_semantics = [#tpu.dimension_semantics<core_parallel>, #tpu.dimension_semantics<subcore_parallel>], iteration_bounds = array<i64: 2, 16>, scalar_prefetch = 0 : i64, scratch_operands = 15 : i64, tpu.core_type = #tpu.core_type<sc_vector_subcore>, window_params = [{transform_indices = #map}, {transform_indices = #map}, {transform_indices = #map1}, {transform_indices = #map1}, {transform_indices = #map}, {transform_indices = #map}, {transform_indices = #map}]} {
    %mul3A = arith.constant 2 : i32
    %mul3A_0 = arith.muli %arg1, %mul3A : i32
    %add3A = arith.addi %mul3A_0, %arg0 : i32
    %mul3A_1 = arith.constant 512 : i32
    %mul3A_2 = arith.muli %add3A, %mul3A_1 : i32
    %add3A_3 = arith.constant 0 : i32
    %add3A_4 = arith.addi %mul3A_2, %add3A_3 : i32
    "tpu.region"() ({
      %run_scoped3A = tpu.sem_alloc : memref<!tpu.dma_semaphore, #tpu.memory_space<semaphore_mem>>
      %dma_start3A_130 = arith.constant 0 : i32
      %dma_start3A_131 = tpu.memref_slice %arg9[%dma_start3A_130] : memref<512xi32, #tpu.memory_space<vmem>> -> memref<128xi32, #tpu.memory_space<vmem>>
      %dma_start3A_132 = tpu.memref_slice %arg2[%add3A_4] : memref<16384xi32, #tpu.memory_space<hbm>> -> memref<128xi32, #tpu.memory_space<hbm>>
      %dma_start3A_133 = arith.constant 0 : i32
      %dma_start3A_134 = tpu.memref_slice %arg9[%dma_start3A_133] : memref<512xi32, #tpu.memory_space<vmem>> -> memref<128xi32, #tpu.memory_space<vmem>>
      %dma_start3A_135 = tpu.memref_slice %arg2[%add3A_4] : memref<16384xi32, #tpu.memory_space<hbm>> -> memref<128xi32, #tpu.memory_space<hbm>>
      tpu.enqueue_dma source(%dma_start3A_135 : memref<128xi32, #tpu.memory_space<hbm>>) target(%dma_start3A_134 : memref<128xi32, #tpu.memory_space<vmem>>) target_semaphore(%run_scoped3A : memref<!tpu.dma_semaphore, #tpu.memory_space<semaphore_mem>>)
      %dma_wait3A_136 = arith.constant 0 : i32
      %dma_wait3A_137 = tpu.memref_slice %arg9[%dma_wait3A_136] : memref<512xi32, #tpu.memory_space<vmem>> -> memref<128xi32, #tpu.memory_space<vmem>>
      %dma_wait3A_138 = tpu.memref_slice %arg2[%add3A_4] : memref<16384xi32, #tpu.memory_space<hbm>> -> memref<128xi32, #tpu.memory_space<hbm>>
      %dma_wait3A_139 = arith.constant 0 : i32
      %dma_wait3A_140 = tpu.memref_slice %arg9[%dma_wait3A_139] : memref<512xi32, #tpu.memory_space<vmem>> -> memref<128xi32, #tpu.memory_space<vmem>>
      %dma_wait3A_141 = tpu.memref_slice %arg2[%add3A_4] : memref<16384xi32, #tpu.memory_space<hbm>> -> memref<128xi32, #tpu.memory_space<hbm>>
      tpu.wait_dma2 semaphore(%run_scoped3A : memref<!tpu.dma_semaphore, #tpu.memory_space<semaphore_mem>>) src(%dma_wait3A_141 : memref<128xi32, #tpu.memory_space<hbm>>) dst(%dma_wait3A_140 : memref<128xi32, #tpu.memory_space<vmem>>)
      tpu.yield
    }) : () -> ()
    %add3A_5 = arith.constant 0 : i32
    %add3A_6 = arith.addi %mul3A_2, %add3A_5 : i32
    "tpu.region"() ({
      %run_scoped3A = tpu.sem_alloc : memref<!tpu.dma_semaphore, #tpu.memory_space<semaphore_mem>>
      %dma_start3A_130 = arith.constant 0 : i32
      %dma_start3A_131 = tpu.memref_slice %arg10[%dma_start3A_130] : memref<512xi32, #tpu.memory_space<vmem>> -> memref<128xi32, #tpu.memory_space<vmem>>
      %dma_start3A_132 = tpu.memref_slice %arg3[%add3A_6] : memref<16384xi32, #tpu.memory_space<hbm>> -> memref<128xi32, #tpu.memory_space<hbm>>
      %dma_start3A_133 = arith.constant 0 : i32
      %dma_start3A_134 = tpu.memref_slice %arg10[%dma_start3A_133] : memref<512xi32, #tpu.memory_space<vmem>> -> memref<128xi32, #tpu.memory_space<vmem>>
      %dma_start3A_135 = tpu.memref_slice %arg3[%add3A_6] : memref<16384xi32, #tpu.memory_space<hbm>> -> memref<128xi32, #tpu.memory_space<hbm>>
      tpu.enqueue_dma source(%dma_start3A_135 : memref<128xi32, #tpu.memory_space<hbm>>) target(%dma_start3A_134 : memref<128xi32, #tpu.memory_space<vmem>>) target_semaphore(%run_scoped3A : memref<!tpu.dma_semaphore, #tpu.memory_space<semaphore_mem>>)
      %dma_wait3A_136 = arith.constant 0 : i32
      %dma_wait3A_137 = tpu.memref_slice %arg10[%dma_wait3A_136] : memref<512xi32, #tpu.memory_space<vmem>> -> memref<128xi32, #tpu.memory_space<vmem>>
      %dma_wait3A_138 = tpu.memref_slice %arg3[%add3A_6] : memref<16384xi32, #tpu.memory_space<hbm>> -> memref<128xi32, #tpu.memory_space<hbm>>
      %dma_wait3A_139 = arith.constant 0 : i32
      %dma_wait3A_140 = tpu.memref_slice %arg10[%dma_wait3A_139] : memref<512xi32, #tpu.memory_space<vmem>> -> memref<128xi32, #tpu.memory_space<vmem>>
      %dma_wait3A_141 = tpu.memref_slice %arg3[%add3A_6] : memref<16384xi32, #tpu.memory_space<hbm>> -> memref<128xi32, #tpu.memory_space<hbm>>
      tpu.wait_dma2 semaphore(%run_scoped3A : memref<!tpu.dma_semaphore, #tpu.memory_space<semaphore_mem>>) src(%dma_wait3A_141 : memref<128xi32, #tpu.memory_space<hbm>>) dst(%dma_wait3A_140 : memref<128xi32, #tpu.memory_space<vmem>>)
      tpu.yield
    }) : () -> ()
    %add3A_7 = arith.constant 128 : i32
    %add3A_8 = arith.addi %mul3A_2, %add3A_7 : i32
    "tpu.region"() ({
      %run_scoped3A = tpu.sem_alloc : memref<!tpu.dma_semaphore, #tpu.memory_space<semaphore_mem>>
      %dma_start3A_130 = arith.constant 128 : i32
      %dma_start3A_131 = tpu.memref_slice %arg9[%dma_start3A_130] : memref<512xi32, #tpu.memory_space<vmem>> -> memref<128xi32, #tpu.memory_space<vmem>>
      %dma_start3A_132 = tpu.memref_slice %arg2[%add3A_8] : memref<16384xi32, #tpu.memory_space<hbm>> -> memref<128xi32, #tpu.memory_space<hbm>>
      %dma_start3A_133 = arith.constant 128 : i32
      %dma_start3A_134 = tpu.memref_slice %arg9[%dma_start3A_133] : memref<512xi32, #tpu.memory_space<vmem>> -> memref<128xi32, #tpu.memory_space<vmem>>
      %dma_start3A_135 = tpu.memref_slice %arg2[%add3A_8] : memref<16384xi32, #tpu.memory_space<hbm>> -> memref<128xi32, #tpu.memory_space<hbm>>
      tpu.enqueue_dma source(%dma_start3A_135 : memref<128xi32, #tpu.memory_space<hbm>>) target(%dma_start3A_134 : memref<128xi32, #tpu.memory_space<vmem>>) target_semaphore(%run_scoped3A : memref<!tpu.dma_semaphore, #tpu.memory_space<semaphore_mem>>)
      %dma_wait3A_136 = arith.constant 128 : i32
      %dma_wait3A_137 = tpu.memref_slice %arg9[%dma_wait3A_136] : memref<512xi32, #tpu.memory_space<vmem>> -> memref<128xi32, #tpu.memory_space<vmem>>
      %dma_wait3A_138 = tpu.memref_slice %arg2[%add3A_8] : memref<16384xi32, #tpu.memory_space<hbm>> -> memref<128xi32, #tpu.memory_space<hbm>>
      %dma_wait3A_139 = arith.constant 128 : i32
      %dma_wait3A_140 = tpu.memref_slice %arg9[%dma_wait3A_139] : memref<512xi32, #tpu.memory_space<vmem>> -> memref<128xi32, #tpu.memory_space<vmem>>
      %dma_wait3A_141 = tpu.memref_slice %arg2[%add3A_8] : memref<16384xi32, #tpu.memory_space<hbm>> -> memref<128xi32, #tpu.memory_space<hbm>>
      tpu.wait_dma2 semaphore(%run_scoped3A : memref<!tpu.dma_semaphore, #tpu.memory_space<semaphore_mem>>) src(%dma_wait3A_141 : memref<128xi32, #tpu.memory_space<hbm>>) dst(%dma_wait3A_140 : memref<128xi32, #tpu.memory_space<vmem>>)
      tpu.yield
    }) : () -> ()
    %add3A_9 = arith.constant 128 : i32
    %add3A_10 = arith.addi %mul3A_2, %add3A_9 : i32
    "tpu.region"() ({
      %run_scoped3A = tpu.sem_alloc : memref<!tpu.dma_semaphore, #tpu.memory_space<semaphore_mem>>
      %dma_start3A_130 = arith.constant 128 : i32
      %dma_start3A_131 = tpu.memref_slice %arg10[%dma_start3A_130] : memref<512xi32, #tpu.memory_space<vmem>> -> memref<128xi32, #tpu.memory_space<vmem>>
      %dma_start3A_132 = tpu.memref_slice %arg3[%add3A_10] : memref<16384xi32, #tpu.memory_space<hbm>> -> memref<128xi32, #tpu.memory_space<hbm>>
      %dma_start3A_133 = arith.constant 128 : i32
      %dma_start3A_134 = tpu.memref_slice %arg10[%dma_start3A_133] : memref<512xi32, #tpu.memory_space<vmem>> -> memref<128xi32, #tpu.memory_space<vmem>>
      %dma_start3A_135 = tpu.memref_slice %arg3[%add3A_10] : memref<16384xi32, #tpu.memory_space<hbm>> -> memref<128xi32, #tpu.memory_space<hbm>>
      tpu.enqueue_dma source(%dma_start3A_135 : memref<128xi32, #tpu.memory_space<hbm>>) target(%dma_start3A_134 : memref<128xi32, #tpu.memory_space<vmem>>) target_semaphore(%run_scoped3A : memref<!tpu.dma_semaphore, #tpu.memory_space<semaphore_mem>>)
      %dma_wait3A_136 = arith.constant 128 : i32
      %dma_wait3A_137 = tpu.memref_slice %arg10[%dma_wait3A_136] : memref<512xi32, #tpu.memory_space<vmem>> -> memref<128xi32, #tpu.memory_space<vmem>>
      %dma_wait3A_138 = tpu.memref_slice %arg3[%add3A_10] : memref<16384xi32, #tpu.memory_space<hbm>> -> memref<128xi32, #tpu.memory_space<hbm>>
      %dma_wait3A_139 = arith.constant 128 : i32
      %dma_wait3A_140 = tpu.memref_slice %arg10[%dma_wait3A_139] : memref<512xi32, #tpu.memory_space<vmem>> -> memref<128xi32, #tpu.memory_space<vmem>>
      %dma_wait3A_141 = tpu.memref_slice %arg3[%add3A_10] : memref<16384xi32, #tpu.memory_space<hbm>> -> memref<128xi32, #tpu.memory_space<hbm>>
      tpu.wait_dma2 semaphore(%run_scoped3A : memref<!tpu.dma_semaphore, #tpu.memory_space<semaphore_mem>>) src(%dma_wait3A_141 : memref<128xi32, #tpu.memory_space<hbm>>) dst(%dma_wait3A_140 : memref<128xi32, #tpu.memory_space<vmem>>)
      tpu.yield
    }) : () -> ()
    %add3A_11 = arith.constant 256 : i32
    %add3A_12 = arith.addi %mul3A_2, %add3A_11 : i32
    "tpu.region"() ({
      %run_scoped3A = tpu.sem_alloc : memref<!tpu.dma_semaphore, #tpu.memory_space<semaphore_mem>>
      %dma_start3A_130 = arith.constant 256 : i32
      %dma_start3A_131 = tpu.memref_slice %arg9[%dma_start3A_130] : memref<512xi32, #tpu.memory_space<vmem>> -> memref<128xi32, #tpu.memory_space<vmem>>
      %dma_start3A_132 = tpu.memref_slice %arg2[%add3A_12] : memref<16384xi32, #tpu.memory_space<hbm>> -> memref<128xi32, #tpu.memory_space<hbm>>
      %dma_start3A_133 = arith.constant 256 : i32
      %dma_start3A_134 = tpu.memref_slice %arg9[%dma_start3A_133] : memref<512xi32, #tpu.memory_space<vmem>> -> memref<128xi32, #tpu.memory_space<vmem>>
      %dma_start3A_135 = tpu.memref_slice %arg2[%add3A_12] : memref<16384xi32, #tpu.memory_space<hbm>> -> memref<128xi32, #tpu.memory_space<hbm>>
      tpu.enqueue_dma source(%dma_start3A_135 : memref<128xi32, #tpu.memory_space<hbm>>) target(%dma_start3A_134 : memref<128xi32, #tpu.memory_space<vmem>>) target_semaphore(%run_scoped3A : memref<!tpu.dma_semaphore, #tpu.memory_space<semaphore_mem>>)
      %dma_wait3A_136 = arith.constant 256 : i32
      %dma_wait3A_137 = tpu.memref_slice %arg9[%dma_wait3A_136] : memref<512xi32, #tpu.memory_space<vmem>> -> memref<128xi32, #tpu.memory_space<vmem>>
      %dma_wait3A_138 = tpu.memref_slice %arg2[%add3A_12] : memref<16384xi32, #tpu.memory_space<hbm>> -> memref<128xi32, #tpu.memory_space<hbm>>
      %dma_wait3A_139 = arith.constant 256 : i32
      %dma_wait3A_140 = tpu.memref_slice %arg9[%dma_wait3A_139] : memref<512xi32, #tpu.memory_space<vmem>> -> memref<128xi32, #tpu.memory_space<vmem>>
      %dma_wait3A_141 = tpu.memref_slice %arg2[%add3A_12] : memref<16384xi32, #tpu.memory_space<hbm>> -> memref<128xi32, #tpu.memory_space<hbm>>
      tpu.wait_dma2 semaphore(%run_scoped3A : memref<!tpu.dma_semaphore, #tpu.memory_space<semaphore_mem>>) src(%dma_wait3A_141 : memref<128xi32, #tpu.memory_space<hbm>>) dst(%dma_wait3A_140 : memref<128xi32, #tpu.memory_space<vmem>>)
      tpu.yield
    }) : () -> ()
    %add3A_13 = arith.constant 256 : i32
    %add3A_14 = arith.addi %mul3A_2, %add3A_13 : i32
    "tpu.region"() ({
      %run_scoped3A = tpu.sem_alloc : memref<!tpu.dma_semaphore, #tpu.memory_space<semaphore_mem>>
      %dma_start3A_130 = arith.constant 256 : i32
      %dma_start3A_131 = tpu.memref_slice %arg10[%dma_start3A_130] : memref<512xi32, #tpu.memory_space<vmem>> -> memref<128xi32, #tpu.memory_space<vmem>>
      %dma_start3A_132 = tpu.memref_slice %arg3[%add3A_14] : memref<16384xi32, #tpu.memory_space<hbm>> -> memref<128xi32, #tpu.memory_space<hbm>>
      %dma_start3A_133 = arith.constant 256 : i32
      %dma_start3A_134 = tpu.memref_slice %arg10[%dma_start3A_133] : memref<512xi32, #tpu.memory_space<vmem>> -> memref<128xi32, #tpu.memory_space<vmem>>
      %dma_start3A_135 = tpu.memref_slice %arg3[%add3A_14] : memref<16384xi32, #tpu.memory_space<hbm>> -> memref<128xi32, #tpu.memory_space<hbm>>
      tpu.enqueue_dma source(%dma_start3A_135 : memref<128xi32, #tpu.memory_space<hbm>>) target(%dma_start3A_134 : memref<128xi32, #tpu.memory_space<vmem>>) target_semaphore(%run_scoped3A : memref<!tpu.dma_semaphore, #tpu.memory_space<semaphore_mem>>)
      %dma_wait3A_136 = arith.constant 256 : i32
      %dma_wait3A_137 = tpu.memref_slice %arg10[%dma_wait3A_136] : memref<512xi32, #tpu.memory_space<vmem>> -> memref<128xi32, #tpu.memory_space<vmem>>
      %dma_wait3A_138 = tpu.memref_slice %arg3[%add3A_14] : memref<16384xi32, #tpu.memory_space<hbm>> -> memref<128xi32, #tpu.memory_space<hbm>>
      %dma_wait3A_139 = arith.constant 256 : i32
      %dma_wait3A_140 = tpu.memref_slice %arg10[%dma_wait3A_139] : memref<512xi32, #tpu.memory_space<vmem>> -> memref<128xi32, #tpu.memory_space<vmem>>
      %dma_wait3A_141 = tpu.memref_slice %arg3[%add3A_14] : memref<16384xi32, #tpu.memory_space<hbm>> -> memref<128xi32, #tpu.memory_space<hbm>>
      tpu.wait_dma2 semaphore(%run_scoped3A : memref<!tpu.dma_semaphore, #tpu.memory_space<semaphore_mem>>) src(%dma_wait3A_141 : memref<128xi32, #tpu.memory_space<hbm>>) dst(%dma_wait3A_140 : memref<128xi32, #tpu.memory_space<vmem>>)
      tpu.yield
    }) : () -> ()
    %add3A_15 = arith.constant 384 : i32
    %add3A_16 = arith.addi %mul3A_2, %add3A_15 : i32
    "tpu.region"() ({
      %run_scoped3A = tpu.sem_alloc : memref<!tpu.dma_semaphore, #tpu.memory_space<semaphore_mem>>
      %dma_start3A_130 = arith.constant 384 : i32
      %dma_start3A_131 = tpu.memref_slice %arg9[%dma_start3A_130] : memref<512xi32, #tpu.memory_space<vmem>> -> memref<128xi32, #tpu.memory_space<vmem>>
      %dma_start3A_132 = tpu.memref_slice %arg2[%add3A_16] : memref<16384xi32, #tpu.memory_space<hbm>> -> memref<128xi32, #tpu.memory_space<hbm>>
      %dma_start3A_133 = arith.constant 384 : i32
      %dma_start3A_134 = tpu.memref_slice %arg9[%dma_start3A_133] : memref<512xi32, #tpu.memory_space<vmem>> -> memref<128xi32, #tpu.memory_space<vmem>>
      %dma_start3A_135 = tpu.memref_slice %arg2[%add3A_16] : memref<16384xi32, #tpu.memory_space<hbm>> -> memref<128xi32, #tpu.memory_space<hbm>>
      tpu.enqueue_dma source(%dma_start3A_135 : memref<128xi32, #tpu.memory_space<hbm>>) target(%dma_start3A_134 : memref<128xi32, #tpu.memory_space<vmem>>) target_semaphore(%run_scoped3A : memref<!tpu.dma_semaphore, #tpu.memory_space<semaphore_mem>>)
      %dma_wait3A_136 = arith.constant 384 : i32
      %dma_wait3A_137 = tpu.memref_slice %arg9[%dma_wait3A_136] : memref<512xi32, #tpu.memory_space<vmem>> -> memref<128xi32, #tpu.memory_space<vmem>>
      %dma_wait3A_138 = tpu.memref_slice %arg2[%add3A_16] : memref<16384xi32, #tpu.memory_space<hbm>> -> memref<128xi32, #tpu.memory_space<hbm>>
      %dma_wait3A_139 = arith.constant 384 : i32
      %dma_wait3A_140 = tpu.memref_slice %arg9[%dma_wait3A_139] : memref<512xi32, #tpu.memory_space<vmem>> -> memref<128xi32, #tpu.memory_space<vmem>>
      %dma_wait3A_141 = tpu.memref_slice %arg2[%add3A_16] : memref<16384xi32, #tpu.memory_space<hbm>> -> memref<128xi32, #tpu.memory_space<hbm>>
      tpu.wait_dma2 semaphore(%run_scoped3A : memref<!tpu.dma_semaphore, #tpu.memory_space<semaphore_mem>>) src(%dma_wait3A_141 : memref<128xi32, #tpu.memory_space<hbm>>) dst(%dma_wait3A_140 : memref<128xi32, #tpu.memory_space<vmem>>)
      tpu.yield
    }) : () -> ()
    %add3A_17 = arith.constant 384 : i32
    %add3A_18 = arith.addi %mul3A_2, %add3A_17 : i32
    "tpu.region"() ({
      %run_scoped3A = tpu.sem_alloc : memref<!tpu.dma_semaphore, #tpu.memory_space<semaphore_mem>>
      %dma_start3A_130 = arith.constant 384 : i32
      %dma_start3A_131 = tpu.memref_slice %arg10[%dma_start3A_130] : memref<512xi32, #tpu.memory_space<vmem>> -> memref<128xi32, #tpu.memory_space<vmem>>
      %dma_start3A_132 = tpu.memref_slice %arg3[%add3A_18] : memref<16384xi32, #tpu.memory_space<hbm>> -> memref<128xi32, #tpu.memory_space<hbm>>
      %dma_start3A_133 = arith.constant 384 : i32
      %dma_start3A_134 = tpu.memref_slice %arg10[%dma_start3A_133] : memref<512xi32, #tpu.memory_space<vmem>> -> memref<128xi32, #tpu.memory_space<vmem>>
      %dma_start3A_135 = tpu.memref_slice %arg3[%add3A_18] : memref<16384xi32, #tpu.memory_space<hbm>> -> memref<128xi32, #tpu.memory_space<hbm>>
      tpu.enqueue_dma source(%dma_start3A_135 : memref<128xi32, #tpu.memory_space<hbm>>) target(%dma_start3A_134 : memref<128xi32, #tpu.memory_space<vmem>>) target_semaphore(%run_scoped3A : memref<!tpu.dma_semaphore, #tpu.memory_space<semaphore_mem>>)
      %dma_wait3A_136 = arith.constant 384 : i32
      %dma_wait3A_137 = tpu.memref_slice %arg10[%dma_wait3A_136] : memref<512xi32, #tpu.memory_space<vmem>> -> memref<128xi32, #tpu.memory_space<vmem>>
      %dma_wait3A_138 = tpu.memref_slice %arg3[%add3A_18] : memref<16384xi32, #tpu.memory_space<hbm>> -> memref<128xi32, #tpu.memory_space<hbm>>
      %dma_wait3A_139 = arith.constant 384 : i32
      %dma_wait3A_140 = tpu.memref_slice %arg10[%dma_wait3A_139] : memref<512xi32, #tpu.memory_space<vmem>> -> memref<128xi32, #tpu.memory_space<vmem>>
      %dma_wait3A_141 = tpu.memref_slice %arg3[%add3A_18] : memref<16384xi32, #tpu.memory_space<hbm>> -> memref<128xi32, #tpu.memory_space<hbm>>
      tpu.wait_dma2 semaphore(%run_scoped3A : memref<!tpu.dma_semaphore, #tpu.memory_space<semaphore_mem>>) src(%dma_wait3A_141 : memref<128xi32, #tpu.memory_space<hbm>>) dst(%dma_wait3A_140 : memref<128xi32, #tpu.memory_space<vmem>>)
      tpu.yield
    }) : () -> ()
    %dma_start3A = arith.constant 0 : i32
    %dma_start3A_19 = tpu.memref_slice %arg17[%dma_start3A] : memref<512xf32, #tpu.memory_space<vmem>> -> memref<128xf32, #tpu.memory_space<vmem>>
    %dma_start3A_20 = arith.constant 0 : i32
    %dma_start3A_21 = tpu.memref_slice %arg9[%dma_start3A_20] : memref<512xi32, #tpu.memory_space<vmem>> -> memref<128xi32, #tpu.memory_space<vmem>>
    %dma_start3A_22 = arith.constant 0 : i32
    %dma_start3A_23 = tpu.memref_slice %arg6[%dma_start3A_22] : memref<1000000xf32, #tpu.memory_space<hbm>> -> memref<1000000xf32, #tpu.memory_space<hbm>>
    tpu.enqueue_indirect_dma source(%dma_start3A_23 : memref<1000000xf32, #tpu.memory_space<hbm>>) target(%dma_start3A_19 : memref<128xf32, #tpu.memory_space<vmem>>) offsets(%dma_start3A_21 : memref<128xi32, #tpu.memory_space<vmem>>) semaphore(%arg22 : memref<!tpu.dma_semaphore, #tpu.memory_space<semaphore_mem>>)
    %dma_start3A_24 = arith.constant 0 : i32
    %dma_start3A_25 = tpu.memref_slice %arg18[%dma_start3A_24] : memref<512xf32, #tpu.memory_space<vmem>> -> memref<128xf32, #tpu.memory_space<vmem>>
    %dma_start3A_26 = arith.constant 0 : i32
    %dma_start3A_27 = tpu.memref_slice %arg10[%dma_start3A_26] : memref<512xi32, #tpu.memory_space<vmem>> -> memref<128xi32, #tpu.memory_space<vmem>>
    %dma_start3A_28 = arith.constant 0 : i32
    %dma_start3A_29 = tpu.memref_slice %arg7[%dma_start3A_28] : memref<100000xf32, #tpu.memory_space<hbm>> -> memref<100000xf32, #tpu.memory_space<hbm>>
    tpu.enqueue_indirect_dma source(%dma_start3A_29 : memref<100000xf32, #tpu.memory_space<hbm>>) target(%dma_start3A_25 : memref<128xf32, #tpu.memory_space<vmem>>) offsets(%dma_start3A_27 : memref<128xi32, #tpu.memory_space<vmem>>) semaphore(%arg23 : memref<!tpu.dma_semaphore, #tpu.memory_space<semaphore_mem>>)
    %dma_start3A_30 = arith.constant 128 : i32
    %dma_start3A_31 = tpu.memref_slice %arg17[%dma_start3A_30] : memref<512xf32, #tpu.memory_space<vmem>> -> memref<128xf32, #tpu.memory_space<vmem>>
    %dma_start3A_32 = arith.constant 128 : i32
    %dma_start3A_33 = tpu.memref_slice %arg9[%dma_start3A_32] : memref<512xi32, #tpu.memory_space<vmem>> -> memref<128xi32, #tpu.memory_space<vmem>>
    %dma_start3A_34 = arith.constant 0 : i32
    %dma_start3A_35 = tpu.memref_slice %arg6[%dma_start3A_34] : memref<1000000xf32, #tpu.memory_space<hbm>> -> memref<1000000xf32, #tpu.memory_space<hbm>>
    tpu.enqueue_indirect_dma source(%dma_start3A_35 : memref<1000000xf32, #tpu.memory_space<hbm>>) target(%dma_start3A_31 : memref<128xf32, #tpu.memory_space<vmem>>) offsets(%dma_start3A_33 : memref<128xi32, #tpu.memory_space<vmem>>) semaphore(%arg22 : memref<!tpu.dma_semaphore, #tpu.memory_space<semaphore_mem>>)
    %dma_start3A_36 = arith.constant 128 : i32
    %dma_start3A_37 = tpu.memref_slice %arg18[%dma_start3A_36] : memref<512xf32, #tpu.memory_space<vmem>> -> memref<128xf32, #tpu.memory_space<vmem>>
    %dma_start3A_38 = arith.constant 128 : i32
    %dma_start3A_39 = tpu.memref_slice %arg10[%dma_start3A_38] : memref<512xi32, #tpu.memory_space<vmem>> -> memref<128xi32, #tpu.memory_space<vmem>>
    %dma_start3A_40 = arith.constant 0 : i32
    %dma_start3A_41 = tpu.memref_slice %arg7[%dma_start3A_40] : memref<100000xf32, #tpu.memory_space<hbm>> -> memref<100000xf32, #tpu.memory_space<hbm>>
    tpu.enqueue_indirect_dma source(%dma_start3A_41 : memref<100000xf32, #tpu.memory_space<hbm>>) target(%dma_start3A_37 : memref<128xf32, #tpu.memory_space<vmem>>) offsets(%dma_start3A_39 : memref<128xi32, #tpu.memory_space<vmem>>) semaphore(%arg23 : memref<!tpu.dma_semaphore, #tpu.memory_space<semaphore_mem>>)
    %dma_start3A_42 = arith.constant 256 : i32
    %dma_start3A_43 = tpu.memref_slice %arg17[%dma_start3A_42] : memref<512xf32, #tpu.memory_space<vmem>> -> memref<128xf32, #tpu.memory_space<vmem>>
    %dma_start3A_44 = arith.constant 256 : i32
    %dma_start3A_45 = tpu.memref_slice %arg9[%dma_start3A_44] : memref<512xi32, #tpu.memory_space<vmem>> -> memref<128xi32, #tpu.memory_space<vmem>>
    %dma_start3A_46 = arith.constant 0 : i32
    %dma_start3A_47 = tpu.memref_slice %arg6[%dma_start3A_46] : memref<1000000xf32, #tpu.memory_space<hbm>> -> memref<1000000xf32, #tpu.memory_space<hbm>>
    tpu.enqueue_indirect_dma source(%dma_start3A_47 : memref<1000000xf32, #tpu.memory_space<hbm>>) target(%dma_start3A_43 : memref<128xf32, #tpu.memory_space<vmem>>) offsets(%dma_start3A_45 : memref<128xi32, #tpu.memory_space<vmem>>) semaphore(%arg22 : memref<!tpu.dma_semaphore, #tpu.memory_space<semaphore_mem>>)
    %dma_start3A_48 = arith.constant 256 : i32
    %dma_start3A_49 = tpu.memref_slice %arg18[%dma_start3A_48] : memref<512xf32, #tpu.memory_space<vmem>> -> memref<128xf32, #tpu.memory_space<vmem>>
    %dma_start3A_50 = arith.constant 256 : i32
    %dma_start3A_51 = tpu.memref_slice %arg10[%dma_start3A_50] : memref<512xi32, #tpu.memory_space<vmem>> -> memref<128xi32, #tpu.memory_space<vmem>>
    %dma_start3A_52 = arith.constant 0 : i32
    %dma_start3A_53 = tpu.memref_slice %arg7[%dma_start3A_52] : memref<100000xf32, #tpu.memory_space<hbm>> -> memref<100000xf32, #tpu.memory_space<hbm>>
    tpu.enqueue_indirect_dma source(%dma_start3A_53 : memref<100000xf32, #tpu.memory_space<hbm>>) target(%dma_start3A_49 : memref<128xf32, #tpu.memory_space<vmem>>) offsets(%dma_start3A_51 : memref<128xi32, #tpu.memory_space<vmem>>) semaphore(%arg23 : memref<!tpu.dma_semaphore, #tpu.memory_space<semaphore_mem>>)
    %dma_start3A_54 = arith.constant 384 : i32
    %dma_start3A_55 = tpu.memref_slice %arg17[%dma_start3A_54] : memref<512xf32, #tpu.memory_space<vmem>> -> memref<128xf32, #tpu.memory_space<vmem>>
    %dma_start3A_56 = arith.constant 384 : i32
    %dma_start3A_57 = tpu.memref_slice %arg9[%dma_start3A_56] : memref<512xi32, #tpu.memory_space<vmem>> -> memref<128xi32, #tpu.memory_space<vmem>>
    %dma_start3A_58 = arith.constant 0 : i32
    %dma_start3A_59 = tpu.memref_slice %arg6[%dma_start3A_58] : memref<1000000xf32, #tpu.memory_space<hbm>> -> memref<1000000xf32, #tpu.memory_space<hbm>>
    tpu.enqueue_indirect_dma source(%dma_start3A_59 : memref<1000000xf32, #tpu.memory_space<hbm>>) target(%dma_start3A_55 : memref<128xf32, #tpu.memory_space<vmem>>) offsets(%dma_start3A_57 : memref<128xi32, #tpu.memory_space<vmem>>) semaphore(%arg22 : memref<!tpu.dma_semaphore, #tpu.memory_space<semaphore_mem>>)
    %dma_start3A_60 = arith.constant 384 : i32
    %dma_start3A_61 = tpu.memref_slice %arg18[%dma_start3A_60] : memref<512xf32, #tpu.memory_space<vmem>> -> memref<128xf32, #tpu.memory_space<vmem>>
    %dma_start3A_62 = arith.constant 384 : i32
    %dma_start3A_63 = tpu.memref_slice %arg10[%dma_start3A_62] : memref<512xi32, #tpu.memory_space<vmem>> -> memref<128xi32, #tpu.memory_space<vmem>>
    %dma_start3A_64 = arith.constant 0 : i32
    %dma_start3A_65 = tpu.memref_slice %arg7[%dma_start3A_64] : memref<100000xf32, #tpu.memory_space<hbm>> -> memref<100000xf32, #tpu.memory_space<hbm>>
    tpu.enqueue_indirect_dma source(%dma_start3A_65 : memref<100000xf32, #tpu.memory_space<hbm>>) target(%dma_start3A_61 : memref<128xf32, #tpu.memory_space<vmem>>) offsets(%dma_start3A_63 : memref<128xi32, #tpu.memory_space<vmem>>) semaphore(%arg23 : memref<!tpu.dma_semaphore, #tpu.memory_space<semaphore_mem>>)
    %scan3A = arith.constant 0 : i32
    %scan3A_66 = arith.constant 0 : i32
    %scan3A_67 = arith.constant 32 : i32
    %scan3A_68 = arith.addi %scan3A_66, %scan3A_67 : i32
    %scan3A_69 = arith.constant 1 : i32
    scf.for %scan3A_130 = %scan3A_66 to %scan3A_68 step %scan3A_69  : i32 {
      %mul3A_131 = arith.constant 16 : i32
      %mul3A_132 = arith.muli %scan3A_130, %mul3A_131 : i32
      %get3A = arith.index_cast %mul3A_132 : i32 to index
      %get3A_133 = tpu.vector_load %arg9[%get3A] {strides = array<i32>} : memref<512xi32, #tpu.memory_space<vmem>>, vector<16xi32>,
      %get3A_134 = arith.index_cast %mul3A_132 : i32 to index
      %get3A_135 = tpu.vector_load %arg10[%get3A_134] {strides = array<i32>} : memref<512xi32, #tpu.memory_space<vmem>>, vector<16xi32>,
      %shift_right_arithmetic3A = arith.constant 3 : i32
      %shift_right_arithmetic3A_136 = vector.broadcast %shift_right_arithmetic3A : i32 to vector<16xi32>
      %shift_right_arithmetic3A_137 = arith.shrsi %get3A_133, %shift_right_arithmetic3A_136 : vector<16xi32>
      %swap3A = arith.index_cast %mul3A_132 : i32 to index
      %swap3A_138 = tpu.vector_load %arg11[%swap3A] {strides = array<i32>} : memref<512xi32, #tpu.memory_space<vmem>>, vector<16xi32>,
      tpu.vector_store %arg11[%swap3A], %shift_right_arithmetic3A_137 {strides = array<i32>} : memref<512xi32, #tpu.memory_space<vmem>>, vector<16xi32>,
      %and3A = arith.constant 7 : i32
      %and3A_139 = vector.broadcast %and3A : i32 to vector<16xi32>
      %and3A_140 = arith.andi %get3A_133, %and3A_139 : vector<16xi32>
      %swap3A_141 = arith.index_cast %mul3A_132 : i32 to index
      %swap3A_142 = tpu.vector_load %arg13[%swap3A_141] {strides = array<i32>} : memref<512xi32, #tpu.memory_space<vmem>>, vector<16xi32>,
      tpu.vector_store %arg13[%swap3A_141], %and3A_140 {strides = array<i32>} : memref<512xi32, #tpu.memory_space<vmem>>, vector<16xi32>,
      %shift_right_arithmetic3A_143 = arith.constant 3 : i32
      %shift_right_arithmetic3A_144 = vector.broadcast %shift_right_arithmetic3A_143 : i32 to vector<16xi32>
      %shift_right_arithmetic3A_145 = arith.shrsi %get3A_135, %shift_right_arithmetic3A_144 : vector<16xi32>
      %swap3A_146 = arith.index_cast %mul3A_132 : i32 to index
      %swap3A_147 = tpu.vector_load %arg12[%swap3A_146] {strides = array<i32>} : memref<512xi32, #tpu.memory_space<vmem>>, vector<16xi32>,
      tpu.vector_store %arg12[%swap3A_146], %shift_right_arithmetic3A_145 {strides = array<i32>} : memref<512xi32, #tpu.memory_space<vmem>>, vector<16xi32>,
      %and3A_148 = arith.constant 7 : i32
      %and3A_149 = vector.broadcast %and3A_148 : i32 to vector<16xi32>
      %and3A_150 = arith.andi %get3A_135, %and3A_149 : vector<16xi32>
      %swap3A_151 = arith.index_cast %mul3A_132 : i32 to index
      %swap3A_152 = tpu.vector_load %arg14[%swap3A_151] {strides = array<i32>} : memref<512xi32, #tpu.memory_space<vmem>>, vector<16xi32>,
      tpu.vector_store %arg14[%swap3A_151], %and3A_150 {strides = array<i32>} : memref<512xi32, #tpu.memory_space<vmem>>, vector<16xi32>,
    }
    %scan3A_70 = arith.constant 32 : i32
    %iota3A = tpu.iota {dimensions = array<i32: 0>} : vector<16xi32>
    %scan3A_71 = arith.constant 0 : i32
    %scan3A_72 = arith.constant 0 : i32
    %scan3A_73 = arith.constant 16 : i32
    %scan3A_74 = arith.addi %scan3A_72, %scan3A_73 : i32
    %scan3A_75 = arith.constant 1 : i32
    scf.for %scan3A_130 = %scan3A_72 to %scan3A_74 step %scan3A_75  : i32 {
      %mul3A_131 = arith.constant 32 : i32
      %mul3A_132 = arith.muli %scan3A_130, %mul3A_131 : i32
      %add3A_133 = arith.constant 0 : i32
      %add3A_134 = arith.addi %mul3A_132, %add3A_133 : i32
      %get3A = arith.index_cast %add3A_134 : i32 to index
      %get3A_135 = tpu.vector_load %arg11[%get3A] {strides = array<i32>} : memref<512xi32, #tpu.memory_space<vmem>>, vector<16xi32>,
      %add3A_136 = arith.constant 0 : i32
      %add3A_137 = arith.addi %mul3A_132, %add3A_136 : i32
      %get3A_138 = arith.index_cast %add3A_137 : i32 to index
      %get3A_139 = tpu.vector_load %arg12[%get3A_138] {strides = array<i32>} : memref<512xi32, #tpu.memory_space<vmem>>, vector<16xi32>,
      %slice3A = vector.extract_strided_slice %get3A_135 {offsets = [0], sizes = [1], strides = [1]} : vector<16xi32> to vector<1xi32>
      %squeeze3A = vector.extract %slice3A[0] : i32 from vector<1xi32>
      %dma_start3A_140 = arith.constant 0 : i32
      %dma_start3A_141 = arith.constant 0 : i32
      %dma_start3A_142 = arith.constant 0 : i32
      %dma_start3A_143 = tpu.memref_slice %arg15[%dma_start3A_140, %dma_start3A_141, %dma_start3A_142] : memref<32x8x64xf32, #tpu.memory_space<vmem>> -> memref<1x8x64xf32, #tpu.memory_space<vmem>>
      %dma_start3A_144 = tpu.memref_squeeze %dma_start3A_143 : memref<1x8x64xf32, #tpu.memory_space<vmem>> -> memref<8x64xf32, #tpu.memory_space<vmem>>
      %dma_start3A_145 = arith.constant 0 : i32
      %dma_start3A_146 = arith.constant 0 : i32
      %dma_start3A_147 = tpu.memref_slice %arg4[%squeeze3A, %dma_start3A_145, %dma_start3A_146] : memref<125000x8x64xf32, #tpu.memory_space<hbm>> -> memref<1x8x64xf32, #tpu.memory_space<hbm>>
      %dma_start3A_148 = tpu.memref_squeeze %dma_start3A_147 : memref<1x8x64xf32, #tpu.memory_space<hbm>> -> memref<8x64xf32, #tpu.memory_space<hbm>>
      %dma_start3A_149 = arith.constant 0 : i32
      %dma_start3A_150 = arith.constant 0 : i32
      %dma_start3A_151 = tpu.memref_slice %arg15[%dma_start3A_140, %dma_start3A_149, %dma_start3A_150] : memref<32x8x64xf32, #tpu.memory_space<vmem>> -> memref<1x8x64xf32, #tpu.memory_space<vmem>>
      %dma_start3A_152 = tpu.memref_squeeze %dma_start3A_151 : memref<1x8x64xf32, #tpu.memory_space<vmem>> -> memref<8x64xf32, #tpu.memory_space<vmem>>
      %dma_start3A_153 = arith.constant 0 : i32
      %dma_start3A_154 = arith.constant 0 : i32
      %dma_start3A_155 = tpu.memref_slice %arg4[%squeeze3A, %dma_start3A_153, %dma_start3A_154] : memref<125000x8x64xf32, #tpu.memory_space<hbm>> -> memref<1x8x64xf32, #tpu.memory_space<hbm>>
      %dma_start3A_156 = tpu.memref_squeeze %dma_start3A_155 : memref<1x8x64xf32, #tpu.memory_space<hbm>> -> memref<8x64xf32, #tpu.memory_space<hbm>>
      tpu.enqueue_dma source(%dma_start3A_156 : memref<8x64xf32, #tpu.memory_space<hbm>>) target(%dma_start3A_152 : memref<8x64xf32, #tpu.memory_space<vmem>>) target_semaphore(%arg20 : memref<!tpu.dma_semaphore, #tpu.memory_space<semaphore_mem>>)
      %slice3A_157 = vector.extract_strided_slice %get3A_139 {offsets = [0], sizes = [1], strides = [1]} : vector<16xi32> to vector<1xi32>
      %squeeze3A_158 = vector.extract %slice3A_157[0] : i32 from vector<1xi32>
      %dma_start3A_159 = arith.constant 0 : i32
      %dma_start3A_160 = arith.constant 0 : i32
      %dma_start3A_161 = arith.constant 0 : i32
      %dma_start3A_162 = tpu.memref_slice %arg16[%dma_start3A_159, %dma_start3A_160, %dma_start3A_161] : memref<32x8x64xf32, #tpu.memory_space<vmem>> -> memref<1x8x64xf32, #tpu.memory_space<vmem>>
      %dma_start3A_163 = tpu.memref_squeeze %dma_start3A_162 : memref<1x8x64xf32, #tpu.memory_space<vmem>> -> memref<8x64xf32, #tpu.memory_space<vmem>>
      %dma_start3A_164 = arith.constant 0 : i32
      %dma_start3A_165 = arith.constant 0 : i32
      %dma_start3A_166 = tpu.memref_slice %arg5[%squeeze3A_158, %dma_start3A_164, %dma_start3A_165] : memref<12500x8x64xf32, #tpu.memory_space<hbm>> -> memref<1x8x64xf32, #tpu.memory_space<hbm>>
      %dma_start3A_167 = tpu.memref_squeeze %dma_start3A_166 : memref<1x8x64xf32, #tpu.memory_space<hbm>> -> memref<8x64xf32, #tpu.memory_space<hbm>>
      %dma_start3A_168 = arith.constant 0 : i32
      %dma_start3A_169 = arith.constant 0 : i32
      %dma_start3A_170 = tpu.memref_slice %arg16[%dma_start3A_159, %dma_start3A_168, %dma_start3A_169] : memref<32x8x64xf32, #tpu.memory_space<vmem>> -> memref<1x8x64xf32, #tpu.memory_space<vmem>>
      %dma_start3A_171 = tpu.memref_squeeze %dma_start3A_170 : memref<1x8x64xf32, #tpu.memory_space<vmem>> -> memref<8x64xf32, #tpu.memory_space<vmem>>
      %dma_start3A_172 = arith.constant 0 : i32
      %dma_start3A_173 = arith.constant 0 : i32
      %dma_start3A_174 = tpu.memref_slice %arg5[%squeeze3A_158, %dma_start3A_172, %dma_start3A_173] : memref<12500x8x64xf32, #tpu.memory_space<hbm>> -> memref<1x8x64xf32, #tpu.memory_space<hbm>>
      %dma_start3A_175 = tpu.memref_squeeze %dma_start3A_174 : memref<1x8x64xf32, #tpu.memory_space<hbm>> -> memref<8x64xf32, #tpu.memory_space<hbm>>
      tpu.enqueue_dma source(%dma_start3A_175 : memref<8x64xf32, #tpu.memory_space<hbm>>) target(%dma_start3A_171 : memref<8x64xf32, #tpu.memory_space<vmem>>) target_semaphore(%arg21 : memref<!tpu.dma_semaphore, #tpu.memory_space<semaphore_mem>>)
      %slice3A_176 = vector.extract_strided_slice %get3A_135 {offsets = [1], sizes = [1], strides = [1]} : vector<16xi32> to vector<1xi32>
      %squeeze3A_177 = vector.extract %slice3A_176[0] : i32 from vector<1xi32>
      %dma_start3A_178 = arith.constant 1 : i32
      %dma_start3A_179 = arith.constant 0 : i32
      %dma_start3A_180 = arith.constant 0 : i32
      %dma_start3A_181 = tpu.memref_slice %arg15[%dma_start3A_178, %dma_start3A_179, %dma_start3A_180] : memref<32x8x64xf32, #tpu.memory_space<vmem>> -> memref<1x8x64xf32, #tpu.memory_space<vmem>>
      %dma_start3A_182 = tpu.memref_squeeze %dma_start3A_181 : memref<1x8x64xf32, #tpu.memory_space<vmem>> -> memref<8x64xf32, #tpu.memory_space<vmem>>
      %dma_start3A_183 = arith.constant 0 : i32
      %dma_start3A_184 = arith.constant 0 : i32
      %dma_start3A_185 = tpu.memref_slice %arg4[%squeeze3A_177, %dma_start3A_183, %dma_start3A_184] : memref<125000x8x64xf32, #tpu.memory_space<hbm>> -> memref<1x8x64xf32, #tpu.memory_space<hbm>>
      %dma_start3A_186 = tpu.memref_squeeze %dma_start3A_185 : memref<1x8x64xf32, #tpu.memory_space<hbm>> -> memref<8x64xf32, #tpu.memory_space<hbm>>
      %dma_start3A_187 = arith.constant 0 : i32
      %dma_start3A_188 = arith.constant 0 : i32
      %dma_start3A_189 = tpu.memref_slice %arg15[%dma_start3A_178, %dma_start3A_187, %dma_start3A_188] : memref<32x8x64xf32, #tpu.memory_space<vmem>> -> memref<1x8x64xf32, #tpu.memory_space<vmem>>
      %dma_start3A_190 = tpu.memref_squeeze %dma_start3A_189 : memref<1x8x64xf32, #tpu.memory_space<vmem>> -> memref<8x64xf32, #tpu.memory_space<vmem>>
      %dma_start3A_191 = arith.constant 0 : i32
      %dma_start3A_192 = arith.constant 0 : i32
      %dma_start3A_193 = tpu.memref_slice %arg4[%squeeze3A_177, %dma_start3A_191, %dma_start3A_192] : memref<125000x8x64xf32, #tpu.memory_space<hbm>> -> memref<1x8x64xf32, #tpu.memory_space<hbm>>
      %dma_start3A_194 = tpu.memref_squeeze %dma_start3A_193 : memref<1x8x64xf32, #tpu.memory_space<hbm>> -> memref<8x64xf32, #tpu.memory_space<hbm>>
      tpu.enqueue_dma source(%dma_start3A_194 : memref<8x64xf32, #tpu.memory_space<hbm>>) target(%dma_start3A_190 : memref<8x64xf32, #tpu.memory_space<vmem>>) target_semaphore(%arg20 : memref<!tpu.dma_semaphore, #tpu.memory_space<semaphore_mem>>)
      %slice3A_195 = vector.extract_strided_slice %get3A_139 {offsets = [1], sizes = [1], strides = [1]} : vector<16xi32> to vector<1xi32>
      %squeeze3A_196 = vector.extract %slice3A_195[0] : i32 from vector<1xi32>
      %dma_start3A_197 = arith.constant 1 : i32
      %dma_start3A_198 = arith.constant 0 : i32
      %dma_start3A_199 = arith.constant 0 : i32
      %dma_start3A_200 = tpu.memref_slice %arg16[%dma_start3A_197, %dma_start3A_198, %dma_start3A_199] : memref<32x8x64xf32, #tpu.memory_space<vmem>> -> memref<1x8x64xf32, #tpu.memory_space<vmem>>
      %dma_start3A_201 = tpu.memref_squeeze %dma_start3A_200 : memref<1x8x64xf32, #tpu.memory_space<vmem>> -> memref<8x64xf32, #tpu.memory_space<vmem>>
      %dma_start3A_202 = arith.constant 0 : i32
      %dma_start3A_203 = arith.constant 0 : i32
      %dma_start3A_204 = tpu.memref_slice %arg5[%squeeze3A_196, %dma_start3A_202, %dma_start3A_203] : memref<12500x8x64xf32, #tpu.memory_space<hbm>> -> memref<1x8x64xf32, #tpu.memory_space<hbm>>
      %dma_start3A_205 = tpu.memref_squeeze %dma_start3A_204 : memref<1x8x64xf32, #tpu.memory_space<hbm>> -> memref<8x64xf32, #tpu.memory_space<hbm>>
      %dma_start3A_206 = arith.constant 0 : i32
      %dma_start3A_207 = arith.constant 0 : i32
      %dma_start3A_208 = tpu.memref_slice %arg16[%dma_start3A_197, %dma_start3A_206, %dma_start3A_207] : memref<32x8x64xf32, #tpu.memory_space<vmem>> -> memref<1x8x64xf32, #tpu.memory_space<vmem>>
      %dma_start3A_209 = tpu.memref_squeeze %dma_start3A_208 : memref<1x8x64xf32, #tpu.memory_space<vmem>> -> memref<8x64xf32, #tpu.memory_space<vmem>>
      %dma_start3A_210 = arith.constant 0 : i32
      %dma_start3A_211 = arith.constant 0 : i32
      %dma_start3A_212 = tpu.memref_slice %arg5[%squeeze3A_196, %dma_start3A_210, %dma_start3A_211] : memref<12500x8x64xf32, #tpu.memory_space<hbm>> -> memref<1x8x64xf32, #tpu.memory_space<hbm>>
      %dma_start3A_213 = tpu.memref_squeeze %dma_start3A_212 : memref<1x8x64xf32, #tpu.memory_space<hbm>> -> memref<8x64xf32, #tpu.memory_space<hbm>>
      tpu.enqueue_dma source(%dma_start3A_213 : memref<8x64xf32, #tpu.memory_space<hbm>>) target(%dma_start3A_209 : memref<8x64xf32, #tpu.memory_space<vmem>>) target_semaphore(%arg21 : memref<!tpu.dma_semaphore, #tpu.memory_space<semaphore_mem>>)
      %slice3A_214 = vector.extract_strided_slice %get3A_135 {offsets = [2], sizes = [1], strides = [1]} : vector<16xi32> to vector<1xi32>
      %squeeze3A_215 = vector.extract %slice3A_214[0] : i32 from vector<1xi32>
      %dma_start3A_216 = arith.constant 2 : i32
      %dma_start3A_217 = arith.constant 0 : i32
      %dma_start3A_218 = arith.constant 0 : i32
      %dma_start3A_219 = tpu.memref_slice %arg15[%dma_start3A_216, %dma_start3A_217, %dma_start3A_218] : memref<32x8x64xf32, #tpu.memory_space<vmem>> -> memref<1x8x64xf32, #tpu.memory_space<vmem>>
      %dma_start3A_220 = tpu.memref_squeeze %dma_start3A_219 : memref<1x8x64xf32, #tpu.memory_space<vmem>> -> memref<8x64xf32, #tpu.memory_space<vmem>>
      %dma_start3A_221 = arith.constant 0 : i32
      %dma_start3A_222 = arith.constant 0 : i32
      %dma_start3A_223 = tpu.memref_slice %arg4[%squeeze3A_215, %dma_start3A_221, %dma_start3A_222] : memref<125000x8x64xf32, #tpu.memory_space<hbm>> -> memref<1x8x64xf32, #tpu.memory_space<hbm>>
      %dma_start3A_224 = tpu.memref_squeeze %dma_start3A_223 : memref<1x8x64xf32, #tpu.memory_space<hbm>> -> memref<8x64xf32, #tpu.memory_space<hbm>>
      %dma_start3A_225 = arith.constant 0 : i32
      %dma_start3A_226 = arith.constant 0 : i32
      %dma_start3A_227 = tpu.memref_slice %arg15[%dma_start3A_216, %dma_start3A_225, %dma_start3A_226] : memref<32x8x64xf32, #tpu.memory_space<vmem>> -> memref<1x8x64xf32, #tpu.memory_space<vmem>>
      %dma_start3A_228 = tpu.memref_squeeze %dma_start3A_227 : memref<1x8x64xf32, #tpu.memory_space<vmem>> -> memref<8x64xf32, #tpu.memory_space<vmem>>
      %dma_start3A_229 = arith.constant 0 : i32
      %dma_start3A_230 = arith.constant 0 : i32
      %dma_start3A_231 = tpu.memref_slice %arg4[%squeeze3A_215, %dma_start3A_229, %dma_start3A_230] : memref<125000x8x64xf32, #tpu.memory_space<hbm>> -> memref<1x8x64xf32, #tpu.memory_space<hbm>>
      %dma_start3A_232 = tpu.memref_squeeze %dma_start3A_231 : memref<1x8x64xf32, #tpu.memory_space<hbm>> -> memref<8x64xf32, #tpu.memory_space<hbm>>
      tpu.enqueue_dma source(%dma_start3A_232 : memref<8x64xf32, #tpu.memory_space<hbm>>) target(%dma_start3A_228 : memref<8x64xf32, #tpu.memory_space<vmem>>) target_semaphore(%arg20 : memref<!tpu.dma_semaphore, #tpu.memory_space<semaphore_mem>>)
      %slice3A_233 = vector.extract_strided_slice %get3A_139 {offsets = [2], sizes = [1], strides = [1]} : vector<16xi32> to vector<1xi32>
      %squeeze3A_234 = vector.extract %slice3A_233[0] : i32 from vector<1xi32>
      %dma_start3A_235 = arith.constant 2 : i32
      %dma_start3A_236 = arith.constant 0 : i32
      %dma_start3A_237 = arith.constant 0 : i32
      %dma_start3A_238 = tpu.memref_slice %arg16[%dma_start3A_235, %dma_start3A_236, %dma_start3A_237] : memref<32x8x64xf32, #tpu.memory_space<vmem>> -> memref<1x8x64xf32, #tpu.memory_space<vmem>>
      %dma_start3A_239 = tpu.memref_squeeze %dma_start3A_238 : memref<1x8x64xf32, #tpu.memory_space<vmem>> -> memref<8x64xf32, #tpu.memory_space<vmem>>
      %dma_start3A_240 = arith.constant 0 : i32
      %dma_start3A_241 = arith.constant 0 : i32
      %dma_start3A_242 = tpu.memref_slice %arg5[%squeeze3A_234, %dma_start3A_240, %dma_start3A_241] : memref<12500x8x64xf32, #tpu.memory_space<hbm>> -> memref<1x8x64xf32, #tpu.memory_space<hbm>>
      %dma_start3A_243 = tpu.memref_squeeze %dma_start3A_242 : memref<1x8x64xf32, #tpu.memory_space<hbm>> -> memref<8x64xf32, #tpu.memory_space<hbm>>
      %dma_start3A_244 = arith.constant 0 : i32
      %dma_start3A_245 = arith.constant 0 : i32
      %dma_start3A_246 = tpu.memref_slice %arg16[%dma_start3A_235, %dma_start3A_244, %dma_start3A_245] : memref<32x8x64xf32, #tpu.memory_space<vmem>> -> memref<1x8x64xf32, #tpu.memory_space<vmem>>
      %dma_start3A_247 = tpu.memref_squeeze %dma_start3A_246 : memref<1x8x64xf32, #tpu.memory_space<vmem>> -> memref<8x64xf32, #tpu.memory_space<vmem>>
      %dma_start3A_248 = arith.constant 0 : i32
      %dma_start3A_249 = arith.constant 0 : i32
      %dma_start3A_250 = tpu.memref_slice %arg5[%squeeze3A_234, %dma_start3A_248, %dma_start3A_249] : memref<12500x8x64xf32, #tpu.memory_space<hbm>> -> memref<1x8x64xf32, #tpu.memory_space<hbm>>
      %dma_start3A_251 = tpu.memref_squeeze %dma_start3A_250 : memref<1x8x64xf32, #tpu.memory_space<hbm>> -> memref<8x64xf32, #tpu.memory_space<hbm>>
      tpu.enqueue_dma source(%dma_start3A_251 : memref<8x64xf32, #tpu.memory_space<hbm>>) target(%dma_start3A_247 : memref<8x64xf32, #tpu.memory_space<vmem>>) target_semaphore(%arg21 : memref<!tpu.dma_semaphore, #tpu.memory_space<semaphore_mem>>)
      %slice3A_252 = vector.extract_strided_slice %get3A_135 {offsets = [3], sizes = [1], strides = [1]} : vector<16xi32> to vector<1xi32>
      %squeeze3A_253 = vector.extract %slice3A_252[0] : i32 from vector<1xi32>
      %dma_start3A_254 = arith.constant 3 : i32
      %dma_start3A_255 = arith.constant 0 : i32
      %dma_start3A_256 = arith.constant 0 : i32
      %dma_start3A_257 = tpu.memref_slice %arg15[%dma_start3A_254, %dma_start3A_255, %dma_start3A_256] : memref<32x8x64xf32, #tpu.memory_space<vmem>> -> memref<1x8x64xf32, #tpu.memory_space<vmem>>
      %dma_start3A_258 = tpu.memref_squeeze %dma_start3A_257 : memref<1x8x64xf32, #tpu.memory_space<vmem>> -> memref<8x64xf32, #tpu.memory_space<vmem>>
      %dma_start3A_259 = arith.constant 0 : i32
      %dma_start3A_260 = arith.constant 0 : i32
      %dma_start3A_261 = tpu.memref_slice %arg4[%squeeze3A_253, %dma_start3A_259, %dma_start3A_260] : memref<125000x8x64xf32, #tpu.memory_space<hbm>> -> memref<1x8x64xf32, #tpu.memory_space<hbm>>
      %dma_start3A_262 = tpu.memref_squeeze %dma_start3A_261 : memref<1x8x64xf32, #tpu.memory_space<hbm>> -> memref<8x64xf32, #tpu.memory_space<hbm>>
      %dma_start3A_263 = arith.constant 0 : i32
      %dma_start3A_264 = arith.constant 0 : i32
      %dma_start3A_265 = tpu.memref_slice %arg15[%dma_start3A_254, %dma_start3A_263, %dma_start3A_264] : memref<32x8x64xf32, #tpu.memory_space<vmem>> -> memref<1x8x64xf32, #tpu.memory_space<vmem>>
      %dma_start3A_266 = tpu.memref_squeeze %dma_start3A_265 : memref<1x8x64xf32, #tpu.memory_space<vmem>> -> memref<8x64xf32, #tpu.memory_space<vmem>>
      %dma_start3A_267 = arith.constant 0 : i32
      %dma_start3A_268 = arith.constant 0 : i32
      %dma_start3A_269 = tpu.memref_slice %arg4[%squeeze3A_253, %dma_start3A_267, %dma_start3A_268] : memref<125000x8x64xf32, #tpu.memory_space<hbm>> -> memref<1x8x64xf32, #tpu.memory_space<hbm>>
      %dma_start3A_270 = tpu.memref_squeeze %dma_start3A_269 : memref<1x8x64xf32, #tpu.memory_space<hbm>> -> memref<8x64xf32, #tpu.memory_space<hbm>>
      tpu.enqueue_dma source(%dma_start3A_270 : memref<8x64xf32, #tpu.memory_space<hbm>>) target(%dma_start3A_266 : memref<8x64xf32, #tpu.memory_space<vmem>>) target_semaphore(%arg20 : memref<!tpu.dma_semaphore, #tpu.memory_space<semaphore_mem>>)
      %slice3A_271 = vector.extract_strided_slice %get3A_139 {offsets = [3], sizes = [1], strides = [1]} : vector<16xi32> to vector<1xi32>
      %squeeze3A_272 = vector.extract %slice3A_271[0] : i32 from vector<1xi32>
      %dma_start3A_273 = arith.constant 3 : i32
      %dma_start3A_274 = arith.constant 0 : i32
      %dma_start3A_275 = arith.constant 0 : i32
      %dma_start3A_276 = tpu.memref_slice %arg16[%dma_start3A_273, %dma_start3A_274, %dma_start3A_275] : memref<32x8x64xf32, #tpu.memory_space<vmem>> -> memref<1x8x64xf32, #tpu.memory_space<vmem>>
      %dma_start3A_277 = tpu.memref_squeeze %dma_start3A_276 : memref<1x8x64xf32, #tpu.memory_space<vmem>> -> memref<8x64xf32, #tpu.memory_space<vmem>>
      %dma_start3A_278 = arith.constant 0 : i32
      %dma_start3A_279 = arith.constant 0 : i32
      %dma_start3A_280 = tpu.memref_slice %arg5[%squeeze3A_272, %dma_start3A_278, %dma_start3A_279] : memref<12500x8x64xf32, #tpu.memory_space<hbm>> -> memref<1x8x64xf32, #tpu.memory_space<hbm>>
      %dma_start3A_281 = tpu.memref_squeeze %dma_start3A_280 : memref<1x8x64xf32, #tpu.memory_space<hbm>> -> memref<8x64xf32, #tpu.memory_space<hbm>>
      %dma_start3A_282 = arith.constant 0 : i32
      %dma_start3A_283 = arith.constant 0 : i32
      %dma_start3A_284 = tpu.memref_slice %arg16[%dma_start3A_273, %dma_start3A_282, %dma_start3A_283] : memref<32x8x64xf32, #tpu.memory_space<vmem>> -> memref<1x8x64xf32, #tpu.memory_space<vmem>>
      %dma_start3A_285 = tpu.memref_squeeze %dma_start3A_284 : memref<1x8x64xf32, #tpu.memory_space<vmem>> -> memref<8x64xf32, #tpu.memory_space<vmem>>
      %dma_start3A_286 = arith.constant 0 : i32
      %dma_start3A_287 = arith.constant 0 : i32
      %dma_start3A_288 = tpu.memref_slice %arg5[%squeeze3A_272, %dma_start3A_286, %dma_start3A_287] : memref<12500x8x64xf32, #tpu.memory_space<hbm>> -> memref<1x8x64xf32, #tpu.memory_space<hbm>>
      %dma_start3A_289 = tpu.memref_squeeze %dma_start3A_288 : memref<1x8x64xf32, #tpu.memory_space<hbm>> -> memref<8x64xf32, #tpu.memory_space<hbm>>
      tpu.enqueue_dma source(%dma_start3A_289 : memref<8x64xf32, #tpu.memory_space<hbm>>) target(%dma_start3A_285 : memref<8x64xf32, #tpu.memory_space<vmem>>) target_semaphore(%arg21 : memref<!tpu.dma_semaphore, #tpu.memory_space<semaphore_mem>>)
      %slice3A_290 = vector.extract_strided_slice %get3A_135 {offsets = [4], sizes = [1], strides = [1]} : vector<16xi32> to vector<1xi32>
      %squeeze3A_291 = vector.extract %slice3A_290[0] : i32 from vector<1xi32>
      %dma_start3A_292 = arith.constant 4 : i32
      %dma_start3A_293 = arith.constant 0 : i32
      %dma_start3A_294 = arith.constant 0 : i32
      %dma_start3A_295 = tpu.memref_slice %arg15[%dma_start3A_292, %dma_start3A_293, %dma_start3A_294] : memref<32x8x64xf32, #tpu.memory_space<vmem>> -> memref<1x8x64xf32, #tpu.memory_space<vmem>>
      %dma_start3A_296 = tpu.memref_squeeze %dma_start3A_295 : memref<1x8x64xf32, #tpu.memory_space<vmem>> -> memref<8x64xf32, #tpu.memory_space<vmem>>
      %dma_start3A_297 = arith.constant 0 : i32
      %dma_start3A_298 = arith.constant 0 : i32
      %dma_start3A_299 = tpu.memref_slice %arg4[%squeeze3A_291, %dma_start3A_297, %dma_start3A_298] : memref<125000x8x64xf32, #tpu.memory_space<hbm>> -> memref<1x8x64xf32, #tpu.memory_space<hbm>>
      %dma_start3A_300 = tpu.memref_squeeze %dma_start3A_299 : memref<1x8x64xf32, #tpu.memory_space<hbm>> -> memref<8x64xf32, #tpu.memory_space<hbm>>
      %dma_start3A_301 = arith.constant 0 : i32
      %dma_start3A_302 = arith.constant 0 : i32
      %dma_start3A_303 = tpu.memref_slice %arg15[%dma_start3A_292, %dma_start3A_301, %dma_start3A_302] : memref<32x8x64xf32, #tpu.memory_space<vmem>> -> memref<1x8x64xf32, #tpu.memory_space<vmem>>
      %dma_start3A_304 = tpu.memref_squeeze %dma_start3A_303 : memref<1x8x64xf32, #tpu.memory_space<vmem>> -> memref<8x64xf32, #tpu.memory_space<vmem>>
      %dma_start3A_305 = arith.constant 0 : i32
      %dma_start3A_306 = arith.constant 0 : i32
      %dma_start3A_307 = tpu.memref_slice %arg4[%squeeze3A_291, %dma_start3A_305, %dma_start3A_306] : memref<125000x8x64xf32, #tpu.memory_space<hbm>> -> memref<1x8x64xf32, #tpu.memory_space<hbm>>
      %dma_start3A_308 = tpu.memref_squeeze %dma_start3A_307 : memref<1x8x64xf32, #tpu.memory_space<hbm>> -> memref<8x64xf32, #tpu.memory_space<hbm>>
      tpu.enqueue_dma source(%dma_start3A_308 : memref<8x64xf32, #tpu.memory_space<hbm>>) target(%dma_start3A_304 : memref<8x64xf32, #tpu.memory_space<vmem>>) target_semaphore(%arg20 : memref<!tpu.dma_semaphore, #tpu.memory_space<semaphore_mem>>)
      %slice3A_309 = vector.extract_strided_slice %get3A_139 {offsets = [4], sizes = [1], strides = [1]} : vector<16xi32> to vector<1xi32>
      %squeeze3A_310 = vector.extract %slice3A_309[0] : i32 from vector<1xi32>
      %dma_start3A_311 = arith.constant 4 : i32
      %dma_start3A_312 = arith.constant 0 : i32
      %dma_start3A_313 = arith.constant 0 : i32
      %dma_start3A_314 = tpu.memref_slice %arg16[%dma_start3A_311, %dma_start3A_312, %dma_start3A_313] : memref<32x8x64xf32, #tpu.memory_space<vmem>> -> memref<1x8x64xf32, #tpu.memory_space<vmem>>
      %dma_start3A_315 = tpu.memref_squeeze %dma_start3A_314 : memref<1x8x64xf32, #tpu.memory_space<vmem>> -> memref<8x64xf32, #tpu.memory_space<vmem>>
      %dma_start3A_316 = arith.constant 0 : i32
      %dma_start3A_317 = arith.constant 0 : i32
      %dma_start3A_318 = tpu.memref_slice %arg5[%squeeze3A_310, %dma_start3A_316, %dma_start3A_317] : memref<12500x8x64xf32, #tpu.memory_space<hbm>> -> memref<1x8x64xf32, #tpu.memory_space<hbm>>
      %dma_start3A_319 = tpu.memref_squeeze %dma_start3A_318 : memref<1x8x64xf32, #tpu.memory_space<hbm>> -> memref<8x64xf32, #tpu.memory_space<hbm>>
      %dma_start3A_320 = arith.constant 0 : i32
      %dma_start3A_321 = arith.constant 0 : i32
      %dma_start3A_322 = tpu.memref_slice %arg16[%dma_start3A_311, %dma_start3A_320, %dma_start3A_321] : memref<32x8x64xf32, #tpu.memory_space<vmem>> -> memref<1x8x64xf32, #tpu.memory_space<vmem>>
      %dma_start3A_323 = tpu.memref_squeeze %dma_start3A_322 : memref<1x8x64xf32, #tpu.memory_space<vmem>> -> memref<8x64xf32, #tpu.memory_space<vmem>>
      %dma_start3A_324 = arith.constant 0 : i32
      %dma_start3A_325 = arith.constant 0 : i32
      %dma_start3A_326 = tpu.memref_slice %arg5[%squeeze3A_310, %dma_start3A_324, %dma_start3A_325] : memref<12500x8x64xf32, #tpu.memory_space<hbm>> -> memref<1x8x64xf32, #tpu.memory_space<hbm>>
      %dma_start3A_327 = tpu.memref_squeeze %dma_start3A_326 : memref<1x8x64xf32, #tpu.memory_space<hbm>> -> memref<8x64xf32, #tpu.memory_space<hbm>>
      tpu.enqueue_dma source(%dma_start3A_327 : memref<8x64xf32, #tpu.memory_space<hbm>>) target(%dma_start3A_323 : memref<8x64xf32, #tpu.memory_space<vmem>>) target_semaphore(%arg21 : memref<!tpu.dma_semaphore, #tpu.memory_space<semaphore_mem>>)
      %slice3A_328 = vector.extract_strided_slice %get3A_135 {offsets = [5], sizes = [1], strides = [1]} : vector<16xi32> to vector<1xi32>
      %squeeze3A_329 = vector.extract %slice3A_328[0] : i32 from vector<1xi32>
      %dma_start3A_330 = arith.constant 5 : i32
      %dma_start3A_331 = arith.constant 0 : i32
      %dma_start3A_332 = arith.constant 0 : i32
      %dma_start3A_333 = tpu.memref_slice %arg15[%dma_start3A_330, %dma_start3A_331, %dma_start3A_332] : memref<32x8x64xf32, #tpu.memory_space<vmem>> -> memref<1x8x64xf32, #tpu.memory_space<vmem>>
      %dma_start3A_334 = tpu.memref_squeeze %dma_start3A_333 : memref<1x8x64xf32, #tpu.memory_space<vmem>> -> memref<8x64xf32, #tpu.memory_space<vmem>>
      %dma_start3A_335 = arith.constant 0 : i32
      %dma_start3A_336 = arith.constant 0 : i32
      %dma_start3A_337 = tpu.memref_slice %arg4[%squeeze3A_329, %dma_start3A_335, %dma_start3A_336] : memref<125000x8x64xf32, #tpu.memory_space<hbm>> -> memref<1x8x64xf32, #tpu.memory_space<hbm>>
      %dma_start3A_338 = tpu.memref_squeeze %dma_start3A_337 : memref<1x8x64xf32, #tpu.memory_space<hbm>> -> memref<8x64xf32, #tpu.memory_space<hbm>>
      %dma_start3A_339 = arith.constant 0 : i32
      %dma_start3A_340 = arith.constant 0 : i32
      %dma_start3A_341 = tpu.memref_slice %arg15[%dma_start3A_330, %dma_start3A_339, %dma_start3A_340] : memref<32x8x64xf32, #tpu.memory_space<vmem>> -> memref<1x8x64xf32, #tpu.memory_space<vmem>>
      %dma_start3A_342 = tpu.memref_squeeze %dma_start3A_341 : memref<1x8x64xf32, #tpu.memory_space<vmem>> -> memref<8x64xf32, #tpu.memory_space<vmem>>
      %dma_start3A_343 = arith.constant 0 : i32
      %dma_start3A_344 = arith.constant 0 : i32
      %dma_start3A_345 = tpu.memref_slice %arg4[%squeeze3A_329, %dma_start3A_343, %dma_start3A_344] : memref<125000x8x64xf32, #tpu.memory_space<hbm>> -> memref<1x8x64xf32, #tpu.memory_space<hbm>>
      %dma_start3A_346 = tpu.memref_squeeze %dma_start3A_345 : memref<1x8x64xf32, #tpu.memory_space<hbm>> -> memref<8x64xf32, #tpu.memory_space<hbm>>
      tpu.enqueue_dma source(%dma_start3A_346 : memref<8x64xf32, #tpu.memory_space<hbm>>) target(%dma_start3A_342 : memref<8x64xf32, #tpu.memory_space<vmem>>) target_semaphore(%arg20 : memref<!tpu.dma_semaphore, #tpu.memory_space<semaphore_mem>>)
      %slice3A_347 = vector.extract_strided_slice %get3A_139 {offsets = [5], sizes = [1], strides = [1]} : vector<16xi32> to vector<1xi32>
      %squeeze3A_348 = vector.extract %slice3A_347[0] : i32 from vector<1xi32>
      %dma_start3A_349 = arith.constant 5 : i32
      %dma_start3A_350 = arith.constant 0 : i32
      %dma_start3A_351 = arith.constant 0 : i32
      %dma_start3A_352 = tpu.memref_slice %arg16[%dma_start3A_349, %dma_start3A_350, %dma_start3A_351] : memref<32x8x64xf32, #tpu.memory_space<vmem>> -> memref<1x8x64xf32, #tpu.memory_space<vmem>>
      %dma_start3A_353 = tpu.memref_squeeze %dma_start3A_352 : memref<1x8x64xf32, #tpu.memory_space<vmem>> -> memref<8x64xf32, #tpu.memory_space<vmem>>
      %dma_start3A_354 = arith.constant 0 : i32
      %dma_start3A_355 = arith.constant 0 : i32
      %dma_start3A_356 = tpu.memref_slice %arg5[%squeeze3A_348, %dma_start3A_354, %dma_start3A_355] : memref<12500x8x64xf32, #tpu.memory_space<hbm>> -> memref<1x8x64xf32, #tpu.memory_space<hbm>>
      %dma_start3A_357 = tpu.memref_squeeze %dma_start3A_356 : memref<1x8x64xf32, #tpu.memory_space<hbm>> -> memref<8x64xf32, #tpu.memory_space<hbm>>
      %dma_start3A_358 = arith.constant 0 : i32
      %dma_start3A_359 = arith.constant 0 : i32
      %dma_start3A_360 = tpu.memref_slice %arg16[%dma_start3A_349, %dma_start3A_358, %dma_start3A_359] : memref<32x8x64xf32, #tpu.memory_space<vmem>> -> memref<1x8x64xf32, #tpu.memory_space<vmem>>
      %dma_start3A_361 = tpu.memref_squeeze %dma_start3A_360 : memref<1x8x64xf32, #tpu.memory_space<vmem>> -> memref<8x64xf32, #tpu.memory_space<vmem>>
      %dma_start3A_362 = arith.constant 0 : i32
      %dma_start3A_363 = arith.constant 0 : i32
      %dma_start3A_364 = tpu.memref_slice %arg5[%squeeze3A_348, %dma_start3A_362, %dma_start3A_363] : memref<12500x8x64xf32, #tpu.memory_space<hbm>> -> memref<1x8x64xf32, #tpu.memory_space<hbm>>
      %dma_start3A_365 = tpu.memref_squeeze %dma_start3A_364 : memref<1x8x64xf32, #tpu.memory_space<hbm>> -> memref<8x64xf32, #tpu.memory_space<hbm>>
      tpu.enqueue_dma source(%dma_start3A_365 : memref<8x64xf32, #tpu.memory_space<hbm>>) target(%dma_start3A_361 : memref<8x64xf32, #tpu.memory_space<vmem>>) target_semaphore(%arg21 : memref<!tpu.dma_semaphore, #tpu.memory_space<semaphore_mem>>)
      %slice3A_366 = vector.extract_strided_slice %get3A_135 {offsets = [6], sizes = [1], strides = [1]} : vector<16xi32> to vector<1xi32>
      %squeeze3A_367 = vector.extract %slice3A_366[0] : i32 from vector<1xi32>
      %dma_start3A_368 = arith.constant 6 : i32
      %dma_start3A_369 = arith.constant 0 : i32
      %dma_start3A_370 = arith.constant 0 : i32
      %dma_start3A_371 = tpu.memref_slice %arg15[%dma_start3A_368, %dma_start3A_369, %dma_start3A_370] : memref<32x8x64xf32, #tpu.memory_space<vmem>> -> memref<1x8x64xf32, #tpu.memory_space<vmem>>
      %dma_start3A_372 = tpu.memref_squeeze %dma_start3A_371 : memref<1x8x64xf32, #tpu.memory_space<vmem>> -> memref<8x64xf32, #tpu.memory_space<vmem>>
      %dma_start3A_373 = arith.constant 0 : i32
      %dma_start3A_374 = arith.constant 0 : i32
      %dma_start3A_375 = tpu.memref_slice %arg4[%squeeze3A_367, %dma_start3A_373, %dma_start3A_374] : memref<125000x8x64xf32, #tpu.memory_space<hbm>> -> memref<1x8x64xf32, #tpu.memory_space<hbm>>
      %dma_start3A_376 = tpu.memref_squeeze %dma_start3A_375 : memref<1x8x64xf32, #tpu.memory_space<hbm>> -> memref<8x64xf32, #tpu.memory_space<hbm>>
      %dma_start3A_377 = arith.constant 0 : i32
      %dma_start3A_378 = arith.constant 0 : i32
      %dma_start3A_379 = tpu.memref_slice %arg15[%dma_start3A_368, %dma_start3A_377, %dma_start3A_378] : memref<32x8x64xf32, #tpu.memory_space<vmem>> -> memref<1x8x64xf32, #tpu.memory_space<vmem>>
      %dma_start3A_380 = tpu.memref_squeeze %dma_start3A_379 : memref<1x8x64xf32, #tpu.memory_space<vmem>> -> memref<8x64xf32, #tpu.memory_space<vmem>>
      %dma_start3A_381 = arith.constant 0 : i32
      %dma_start3A_382 = arith.constant 0 : i32
      %dma_start3A_383 = tpu.memref_slice %arg4[%squeeze3A_367, %dma_start3A_381, %dma_start3A_382] : memref<125000x8x64xf32, #tpu.memory_space<hbm>> -> memref<1x8x64xf32, #tpu.memory_space<hbm>>
      %dma_start3A_384 = tpu.memref_squeeze %dma_start3A_383 : memref<1x8x64xf32, #tpu.memory_space<hbm>> -> memref<8x64xf32, #tpu.memory_space<hbm>>
      tpu.enqueue_dma source(%dma_start3A_384 : memref<8x64xf32, #tpu.memory_space<hbm>>) target(%dma_start3A_380 : memref<8x64xf32, #tpu.memory_space<vmem>>) target_semaphore(%arg20 : memref<!tpu.dma_semaphore, #tpu.memory_space<semaphore_mem>>)
      %slice3A_385 = vector.extract_strided_slice %get3A_139 {offsets = [6], sizes = [1], strides = [1]} : vector<16xi32> to vector<1xi32>
      %squeeze3A_386 = vector.extract %slice3A_385[0] : i32 from vector<1xi32>
      %dma_start3A_387 = arith.constant 6 : i32
      %dma_start3A_388 = arith.constant 0 : i32
      %dma_start3A_389 = arith.constant 0 : i32
      %dma_start3A_390 = tpu.memref_slice %arg16[%dma_start3A_387, %dma_start3A_388, %dma_start3A_389] : memref<32x8x64xf32, #tpu.memory_space<vmem>> -> memref<1x8x64xf32, #tpu.memory_space<vmem>>
      %dma_start3A_391 = tpu.memref_squeeze %dma_start3A_390 : memref<1x8x64xf32, #tpu.memory_space<vmem>> -> memref<8x64xf32, #tpu.memory_space<vmem>>
      %dma_start3A_392 = arith.constant 0 : i32
      %dma_start3A_393 = arith.constant 0 : i32
      %dma_start3A_394 = tpu.memref_slice %arg5[%squeeze3A_386, %dma_start3A_392, %dma_start3A_393] : memref<12500x8x64xf32, #tpu.memory_space<hbm>> -> memref<1x8x64xf32, #tpu.memory_space<hbm>>
      %dma_start3A_395 = tpu.memref_squeeze %dma_start3A_394 : memref<1x8x64xf32, #tpu.memory_space<hbm>> -> memref<8x64xf32, #tpu.memory_space<hbm>>
      %dma_start3A_396 = arith.constant 0 : i32
      %dma_start3A_397 = arith.constant 0 : i32
      %dma_start3A_398 = tpu.memref_slice %arg16[%dma_start3A_387, %dma_start3A_396, %dma_start3A_397] : memref<32x8x64xf32, #tpu.memory_space<vmem>> -> memref<1x8x64xf32, #tpu.memory_space<vmem>>
      %dma_start3A_399 = tpu.memref_squeeze %dma_start3A_398 : memref<1x8x64xf32, #tpu.memory_space<vmem>> -> memref<8x64xf32, #tpu.memory_space<vmem>>
      %dma_start3A_400 = arith.constant 0 : i32
      %dma_start3A_401 = arith.constant 0 : i32
      %dma_start3A_402 = tpu.memref_slice %arg5[%squeeze3A_386, %dma_start3A_400, %dma_start3A_401] : memref<12500x8x64xf32, #tpu.memory_space<hbm>> -> memref<1x8x64xf32, #tpu.memory_space<hbm>>
      %dma_start3A_403 = tpu.memref_squeeze %dma_start3A_402 : memref<1x8x64xf32, #tpu.memory_space<hbm>> -> memref<8x64xf32, #tpu.memory_space<hbm>>
      tpu.enqueue_dma source(%dma_start3A_403 : memref<8x64xf32, #tpu.memory_space<hbm>>) target(%dma_start3A_399 : memref<8x64xf32, #tpu.memory_space<vmem>>) target_semaphore(%arg21 : memref<!tpu.dma_semaphore, #tpu.memory_space<semaphore_mem>>)
      %slice3A_404 = vector.extract_strided_slice %get3A_135 {offsets = [7], sizes = [1], strides = [1]} : vector<16xi32> to vector<1xi32>
      %squeeze3A_405 = vector.extract %slice3A_404[0] : i32 from vector<1xi32>
      %dma_start3A_406 = arith.constant 7 : i32
      %dma_start3A_407 = arith.constant 0 : i32
      %dma_start3A_408 = arith.constant 0 : i32
      %dma_start3A_409 = tpu.memref_slice %arg15[%dma_start3A_406, %dma_start3A_407, %dma_start3A_408] : memref<32x8x64xf32, #tpu.memory_space<vmem>> -> memref<1x8x64xf32, #tpu.memory_space<vmem>>
      %dma_start3A_410 = tpu.memref_squeeze %dma_start3A_409 : memref<1x8x64xf32, #tpu.memory_space<vmem>> -> memref<8x64xf32, #tpu.memory_space<vmem>>
      %dma_start3A_411 = arith.constant 0 : i32
      %dma_start3A_412 = arith.constant 0 : i32
      %dma_start3A_413 = tpu.memref_slice %arg4[%squeeze3A_405, %dma_start3A_411, %dma_start3A_412] : memref<125000x8x64xf32, #tpu.memory_space<hbm>> -> memref<1x8x64xf32, #tpu.memory_space<hbm>>
      %dma_start3A_414 = tpu.memref_squeeze %dma_start3A_413 : memref<1x8x64xf32, #tpu.memory_space<hbm>> -> memref<8x64xf32, #tpu.memory_space<hbm>>
      %dma_start3A_415 = arith.constant 0 : i32
      %dma_start3A_416 = arith.constant 0 : i32
      %dma_start3A_417 = tpu.memref_slice %arg15[%dma_start3A_406, %dma_start3A_415, %dma_start3A_416] : memref<32x8x64xf32, #tpu.memory_space<vmem>> -> memref<1x8x64xf32, #tpu.memory_space<vmem>>
      %dma_start3A_418 = tpu.memref_squeeze %dma_start3A_417 : memref<1x8x64xf32, #tpu.memory_space<vmem>> -> memref<8x64xf32, #tpu.memory_space<vmem>>
      %dma_start3A_419 = arith.constant 0 : i32
      %dma_start3A_420 = arith.constant 0 : i32
      %dma_start3A_421 = tpu.memref_slice %arg4[%squeeze3A_405, %dma_start3A_419, %dma_start3A_420] : memref<125000x8x64xf32, #tpu.memory_space<hbm>> -> memref<1x8x64xf32, #tpu.memory_space<hbm>>
      %dma_start3A_422 = tpu.memref_squeeze %dma_start3A_421 : memref<1x8x64xf32, #tpu.memory_space<hbm>> -> memref<8x64xf32, #tpu.memory_space<hbm>>
      tpu.enqueue_dma source(%dma_start3A_422 : memref<8x64xf32, #tpu.memory_space<hbm>>) target(%dma_start3A_418 : memref<8x64xf32, #tpu.memory_space<vmem>>) target_semaphore(%arg20 : memref<!tpu.dma_semaphore, #tpu.memory_space<semaphore_mem>>)
      %slice3A_423 = vector.extract_strided_slice %get3A_139 {offsets = [7], sizes = [1], strides = [1]} : vector<16xi32> to vector<1xi32>
      %squeeze3A_424 = vector.extract %slice3A_423[0] : i32 from vector<1xi32>
      %dma_start3A_425 = arith.constant 7 : i32
      %dma_start3A_426 = arith.constant 0 : i32
      %dma_start3A_427 = arith.constant 0 : i32
      %dma_start3A_428 = tpu.memref_slice %arg16[%dma_start3A_425, %dma_start3A_426, %dma_start3A_427] : memref<32x8x64xf32, #tpu.memory_space<vmem>> -> memref<1x8x64xf32, #tpu.memory_space<vmem>>
      %dma_start3A_429 = tpu.memref_squeeze %dma_start3A_428 : memref<1x8x64xf32, #tpu.memory_space<vmem>> -> memref<8x64xf32, #tpu.memory_space<vmem>>
      %dma_start3A_430 = arith.constant 0 : i32
      %dma_start3A_431 = arith.constant 0 : i32
      %dma_start3A_432 = tpu.memref_slice %arg5[%squeeze3A_424, %dma_start3A_430, %dma_start3A_431] : memref<12500x8x64xf32, #tpu.memory_space<hbm>> -> memref<1x8x64xf32, #tpu.memory_space<hbm>>
      %dma_start3A_433 = tpu.memref_squeeze %dma_start3A_432 : memref<1x8x64xf32, #tpu.memory_space<hbm>> -> memref<8x64xf32, #tpu.memory_space<hbm>>
      %dma_start3A_434 = arith.constant 0 : i32
      %dma_start3A_435 = arith.constant 0 : i32
      %dma_start3A_436 = tpu.memref_slice %arg16[%dma_start3A_425, %dma_start3A_434, %dma_start3A_435] : memref<32x8x64xf32, #tpu.memory_space<vmem>> -> memref<1x8x64xf32, #tpu.memory_space<vmem>>
      %dma_start3A_437 = tpu.memref_squeeze %dma_start3A_436 : memref<1x8x64xf32, #tpu.memory_space<vmem>> -> memref<8x64xf32, #tpu.memory_space<vmem>>
      %dma_start3A_438 = arith.constant 0 : i32
      %dma_start3A_439 = arith.constant 0 : i32
      %dma_start3A_440 = tpu.memref_slice %arg5[%squeeze3A_424, %dma_start3A_438, %dma_start3A_439] : memref<12500x8x64xf32, #tpu.memory_space<hbm>> -> memref<1x8x64xf32, #tpu.memory_space<hbm>>
      %dma_start3A_441 = tpu.memref_squeeze %dma_start3A_440 : memref<1x8x64xf32, #tpu.memory_space<hbm>> -> memref<8x64xf32, #tpu.memory_space<hbm>>
      tpu.enqueue_dma source(%dma_start3A_441 : memref<8x64xf32, #tpu.memory_space<hbm>>) target(%dma_start3A_437 : memref<8x64xf32, #tpu.memory_space<vmem>>) target_semaphore(%arg21 : memref<!tpu.dma_semaphore, #tpu.memory_space<semaphore_mem>>)
      %slice3A_442 = vector.extract_strided_slice %get3A_135 {offsets = [8], sizes = [1], strides = [1]} : vector<16xi32> to vector<1xi32>
      %squeeze3A_443 = vector.extract %slice3A_442[0] : i32 from vector<1xi32>
      %dma_start3A_444 = arith.constant 8 : i32
      %dma_start3A_445 = arith.constant 0 : i32
      %dma_start3A_446 = arith.constant 0 : i32
      %dma_start3A_447 = tpu.memref_slice %arg15[%dma_start3A_444, %dma_start3A_445, %dma_start3A_446] : memref<32x8x64xf32, #tpu.memory_space<vmem>> -> memref<1x8x64xf32, #tpu.memory_space<vmem>>
      %dma_start3A_448 = tpu.memref_squeeze %dma_start3A_447 : memref<1x8x64xf32, #tpu.memory_space<vmem>> -> memref<8x64xf32, #tpu.memory_space<vmem>>
      %dma_start3A_449 = arith.constant 0 : i32
      %dma_start3A_450 = arith.constant 0 : i32
      %dma_start3A_451 = tpu.memref_slice %arg4[%squeeze3A_443, %dma_start3A_449, %dma_start3A_450] : memref<125000x8x64xf32, #tpu.memory_space<hbm>> -> memref<1x8x64xf32, #tpu.memory_space<hbm>>
      %dma_start3A_452 = tpu.memref_squeeze %dma_start3A_451 : memref<1x8x64xf32, #tpu.memory_space<hbm>> -> memref<8x64xf32, #tpu.memory_space<hbm>>
      %dma_start3A_453 = arith.constant 0 : i32
      %dma_start3A_454 = arith.constant 0 : i32
      %dma_start3A_455 = tpu.memref_slice %arg15[%dma_start3A_444, %dma_start3A_453, %dma_start3A_454] : memref<32x8x64xf32, #tpu.memory_space<vmem>> -> memref<1x8x64xf32, #tpu.memory_space<vmem>>
      %dma_start3A_456 = tpu.memref_squeeze %dma_start3A_455 : memref<1x8x64xf32, #tpu.memory_space<vmem>> -> memref<8x64xf32, #tpu.memory_space<vmem>>
      %dma_start3A_457 = arith.constant 0 : i32
      %dma_start3A_458 = arith.constant 0 : i32
      %dma_start3A_459 = tpu.memref_slice %arg4[%squeeze3A_443, %dma_start3A_457, %dma_start3A_458] : memref<125000x8x64xf32, #tpu.memory_space<hbm>> -> memref<1x8x64xf32, #tpu.memory_space<hbm>>
      %dma_start3A_460 = tpu.memref_squeeze %dma_start3A_459 : memref<1x8x64xf32, #tpu.memory_space<hbm>> -> memref<8x64xf32, #tpu.memory_space<hbm>>
      tpu.enqueue_dma source(%dma_start3A_460 : memref<8x64xf32, #tpu.memory_space<hbm>>) target(%dma_start3A_456 : memref<8x64xf32, #tpu.memory_space<vmem>>) target_semaphore(%arg20 : memref<!tpu.dma_semaphore, #tpu.memory_space<semaphore_mem>>)
      %slice3A_461 = vector.extract_strided_slice %get3A_139 {offsets = [8], sizes = [1], strides = [1]} : vector<16xi32> to vector<1xi32>
      %squeeze3A_462 = vector.extract %slice3A_461[0] : i32 from vector<1xi32>
      %dma_start3A_463 = arith.constant 8 : i32
      %dma_start3A_464 = arith.constant 0 : i32
      %dma_start3A_465 = arith.constant 0 : i32
      %dma_start3A_466 = tpu.memref_slice %arg16[%dma_start3A_463, %dma_start3A_464, %dma_start3A_465] : memref<32x8x64xf32, #tpu.memory_space<vmem>> -> memref<1x8x64xf32, #tpu.memory_space<vmem>>
      %dma_start3A_467 = tpu.memref_squeeze %dma_start3A_466 : memref<1x8x64xf32, #tpu.memory_space<vmem>> -> memref<8x64xf32, #tpu.memory_space<vmem>>
      %dma_start3A_468 = arith.constant 0 : i32
      %dma_start3A_469 = arith.constant 0 : i32
      %dma_start3A_470 = tpu.memref_slice %arg5[%squeeze3A_462, %dma_start3A_468, %dma_start3A_469] : memref<12500x8x64xf32, #tpu.memory_space<hbm>> -> memref<1x8x64xf32, #tpu.memory_space<hbm>>
      %dma_start3A_471 = tpu.memref_squeeze %dma_start3A_470 : memref<1x8x64xf32, #tpu.memory_space<hbm>> -> memref<8x64xf32, #tpu.memory_space<hbm>>
      %dma_start3A_472 = arith.constant 0 : i32
      %dma_start3A_473 = arith.constant 0 : i32
      %dma_start3A_474 = tpu.memref_slice %arg16[%dma_start3A_463, %dma_start3A_472, %dma_start3A_473] : memref<32x8x64xf32, #tpu.memory_space<vmem>> -> memref<1x8x64xf32, #tpu.memory_space<vmem>>
      %dma_start3A_475 = tpu.memref_squeeze %dma_start3A_474 : memref<1x8x64xf32, #tpu.memory_space<vmem>> -> memref<8x64xf32, #tpu.memory_space<vmem>>
      %dma_start3A_476 = arith.constant 0 : i32
      %dma_start3A_477 = arith.constant 0 : i32
      %dma_start3A_478 = tpu.memref_slice %arg5[%squeeze3A_462, %dma_start3A_476, %dma_start3A_477] : memref<12500x8x64xf32, #tpu.memory_space<hbm>> -> memref<1x8x64xf32, #tpu.memory_space<hbm>>
      %dma_start3A_479 = tpu.memref_squeeze %dma_start3A_478 : memref<1x8x64xf32, #tpu.memory_space<hbm>> -> memref<8x64xf32, #tpu.memory_space<hbm>>
      tpu.enqueue_dma source(%dma_start3A_479 : memref<8x64xf32, #tpu.memory_space<hbm>>) target(%dma_start3A_475 : memref<8x64xf32, #tpu.memory_space<vmem>>) target_semaphore(%arg21 : memref<!tpu.dma_semaphore, #tpu.memory_space<semaphore_mem>>)
      %slice3A_480 = vector.extract_strided_slice %get3A_135 {offsets = [9], sizes = [1], strides = [1]} : vector<16xi32> to vector<1xi32>
      %squeeze3A_481 = vector.extract %slice3A_480[0] : i32 from vector<1xi32>
      %dma_start3A_482 = arith.constant 9 : i32
      %dma_start3A_483 = arith.constant 0 : i32
      %dma_start3A_484 = arith.constant 0 : i32
      %dma_start3A_485 = tpu.memref_slice %arg15[%dma_start3A_482, %dma_start3A_483, %dma_start3A_484] : memref<32x8x64xf32, #tpu.memory_space<vmem>> -> memref<1x8x64xf32, #tpu.memory_space<vmem>>
      %dma_start3A_486 = tpu.memref_squeeze %dma_start3A_485 : memref<1x8x64xf32, #tpu.memory_space<vmem>> -> memref<8x64xf32, #tpu.memory_space<vmem>>
      %dma_start3A_487 = arith.constant 0 : i32
      %dma_start3A_488 = arith.constant 0 : i32
      %dma_start3A_489 = tpu.memref_slice %arg4[%squeeze3A_481, %dma_start3A_487, %dma_start3A_488] : memref<125000x8x64xf32, #tpu.memory_space<hbm>> -> memref<1x8x64xf32, #tpu.memory_space<hbm>>
      %dma_start3A_490 = tpu.memref_squeeze %dma_start3A_489 : memref<1x8x64xf32, #tpu.memory_space<hbm>> -> memref<8x64xf32, #tpu.memory_space<hbm>>
      %dma_start3A_491 = arith.constant 0 : i32
      %dma_start3A_492 = arith.constant 0 : i32
      %dma_start3A_493 = tpu.memref_slice %arg15[%dma_start3A_482, %dma_start3A_491, %dma_start3A_492] : memref<32x8x64xf32, #tpu.memory_space<vmem>> -> memref<1x8x64xf32, #tpu.memory_space<vmem>>
      %dma_start3A_494 = tpu.memref_squeeze %dma_start3A_493 : memref<1x8x64xf32, #tpu.memory_space<vmem>> -> memref<8x64xf32, #tpu.memory_space<vmem>>
      %dma_start3A_495 = arith.constant 0 : i32
      %dma_start3A_496 = arith.constant 0 : i32
      %dma_start3A_497 = tpu.memref_slice %arg4[%squeeze3A_481, %dma_start3A_495, %dma_start3A_496] : memref<125000x8x64xf32, #tpu.memory_space<hbm>> -> memref<1x8x64xf32, #tpu.memory_space<hbm>>
      %dma_start3A_498 = tpu.memref_squeeze %dma_start3A_497 : memref<1x8x64xf32, #tpu.memory_space<hbm>> -> memref<8x64xf32, #tpu.memory_space<hbm>>
      tpu.enqueue_dma source(%dma_start3A_498 : memref<8x64xf32, #tpu.memory_space<hbm>>) target(%dma_start3A_494 : memref<8x64xf32, #tpu.memory_space<vmem>>) target_semaphore(%arg20 : memref<!tpu.dma_semaphore, #tpu.memory_space<semaphore_mem>>)
      %slice3A_499 = vector.extract_strided_slice %get3A_139 {offsets = [9], sizes = [1], strides = [1]} : vector<16xi32> to vector<1xi32>
      %squeeze3A_500 = vector.extract %slice3A_499[0] : i32 from vector<1xi32>
      %dma_start3A_501 = arith.constant 9 : i32
      %dma_start3A_502 = arith.constant 0 : i32
      %dma_start3A_503 = arith.constant 0 : i32
      %dma_start3A_504 = tpu.memref_slice %arg16[%dma_start3A_501, %dma_start3A_502, %dma_start3A_503] : memref<32x8x64xf32, #tpu.memory_space<vmem>> -> memref<1x8x64xf32, #tpu.memory_space<vmem>>
      %dma_start3A_505 = tpu.memref_squeeze %dma_start3A_504 : memref<1x8x64xf32, #tpu.memory_space<vmem>> -> memref<8x64xf32, #tpu.memory_space<vmem>>
      %dma_start3A_506 = arith.constant 0 : i32
      %dma_start3A_507 = arith.constant 0 : i32
      %dma_start3A_508 = tpu.memref_slice %arg5[%squeeze3A_500, %dma_start3A_506, %dma_start3A_507] : memref<12500x8x64xf32, #tpu.memory_space<hbm>> -> memref<1x8x64xf32, #tpu.memory_space<hbm>>
      %dma_start3A_509 = tpu.memref_squeeze %dma_start3A_508 : memref<1x8x64xf32, #tpu.memory_space<hbm>> -> memref<8x64xf32, #tpu.memory_space<hbm>>
      %dma_start3A_510 = arith.constant 0 : i32
      %dma_start3A_511 = arith.constant 0 : i32
      %dma_start3A_512 = tpu.memref_slice %arg16[%dma_start3A_501, %dma_start3A_510, %dma_start3A_511] : memref<32x8x64xf32, #tpu.memory_space<vmem>> -> memref<1x8x64xf32, #tpu.memory_space<vmem>>
      %dma_start3A_513 = tpu.memref_squeeze %dma_start3A_512 : memref<1x8x64xf32, #tpu.memory_space<vmem>> -> memref<8x64xf32, #tpu.memory_space<vmem>>
      %dma_start3A_514 = arith.constant 0 : i32
      %dma_start3A_515 = arith.constant 0 : i32
      %dma_start3A_516 = tpu.memref_slice %arg5[%squeeze3A_500, %dma_start3A_514, %dma_start3A_515] : memref<12500x8x64xf32, #tpu.memory_space<hbm>> -> memref<1x8x64xf32, #tpu.memory_space<hbm>>
      %dma_start3A_517 = tpu.memref_squeeze %dma_start3A_516 : memref<1x8x64xf32, #tpu.memory_space<hbm>> -> memref<8x64xf32, #tpu.memory_space<hbm>>
      tpu.enqueue_dma source(%dma_start3A_517 : memref<8x64xf32, #tpu.memory_space<hbm>>) target(%dma_start3A_513 : memref<8x64xf32, #tpu.memory_space<vmem>>) target_semaphore(%arg21 : memref<!tpu.dma_semaphore, #tpu.memory_space<semaphore_mem>>)
      %slice3A_518 = vector.extract_strided_slice %get3A_135 {offsets = [10], sizes = [1], strides = [1]} : vector<16xi32> to vector<1xi32>
      %squeeze3A_519 = vector.extract %slice3A_518[0] : i32 from vector<1xi32>
      %dma_start3A_520 = arith.constant 10 : i32
      %dma_start3A_521 = arith.constant 0 : i32
      %dma_start3A_522 = arith.constant 0 : i32
      %dma_start3A_523 = tpu.memref_slice %arg15[%dma_start3A_520, %dma_start3A_521, %dma_start3A_522] : memref<32x8x64xf32, #tpu.memory_space<vmem>> -> memref<1x8x64xf32, #tpu.memory_space<vmem>>
      %dma_start3A_524 = tpu.memref_squeeze %dma_start3A_523 : memref<1x8x64xf32, #tpu.memory_space<vmem>> -> memref<8x64xf32, #tpu.memory_space<vmem>>
      %dma_start3A_525 = arith.constant 0 : i32
      %dma_start3A_526 = arith.constant 0 : i32
      %dma_start3A_527 = tpu.memref_slice %arg4[%squeeze3A_519, %dma_start3A_525, %dma_start3A_526] : memref<125000x8x64xf32, #tpu.memory_space<hbm>> -> memref<1x8x64xf32, #tpu.memory_space<hbm>>
      %dma_start3A_528 = tpu.memref_squeeze %dma_start3A_527 : memref<1x8x64xf32, #tpu.memory_space<hbm>> -> memref<8x64xf32, #tpu.memory_space<hbm>>
      %dma_start3A_529 = arith.constant 0 : i32
      %dma_start3A_530 = arith.constant 0 : i32
      %dma_start3A_531 = tpu.memref_slice %arg15[%dma_start3A_520, %dma_start3A_529, %dma_start3A_530] : memref<32x8x64xf32, #tpu.memory_space<vmem>> -> memref<1x8x64xf32, #tpu.memory_space<vmem>>
      %dma_start3A_532 = tpu.memref_squeeze %dma_start3A_531 : memref<1x8x64xf32, #tpu.memory_space<vmem>> -> memref<8x64xf32, #tpu.memory_space<vmem>>
      %dma_start3A_533 = arith.constant 0 : i32
      %dma_start3A_534 = arith.constant 0 : i32
      %dma_start3A_535 = tpu.memref_slice %arg4[%squeeze3A_519, %dma_start3A_533, %dma_start3A_534] : memref<125000x8x64xf32, #tpu.memory_space<hbm>> -> memref<1x8x64xf32, #tpu.memory_space<hbm>>
      %dma_start3A_536 = tpu.memref_squeeze %dma_start3A_535 : memref<1x8x64xf32, #tpu.memory_space<hbm>> -> memref<8x64xf32, #tpu.memory_space<hbm>>
      tpu.enqueue_dma source(%dma_start3A_536 : memref<8x64xf32, #tpu.memory_space<hbm>>) target(%dma_start3A_532 : memref<8x64xf32, #tpu.memory_space<vmem>>) target_semaphore(%arg20 : memref<!tpu.dma_semaphore, #tpu.memory_space<semaphore_mem>>)
      %slice3A_537 = vector.extract_strided_slice %get3A_139 {offsets = [10], sizes = [1], strides = [1]} : vector<16xi32> to vector<1xi32>
      %squeeze3A_538 = vector.extract %slice3A_537[0] : i32 from vector<1xi32>
      %dma_start3A_539 = arith.constant 10 : i32
      %dma_start3A_540 = arith.constant 0 : i32
      %dma_start3A_541 = arith.constant 0 : i32
      %dma_start3A_542 = tpu.memref_slice %arg16[%dma_start3A_539, %dma_start3A_540, %dma_start3A_541] : memref<32x8x64xf32, #tpu.memory_space<vmem>> -> memref<1x8x64xf32, #tpu.memory_space<vmem>>
      %dma_start3A_543 = tpu.memref_squeeze %dma_start3A_542 : memref<1x8x64xf32, #tpu.memory_space<vmem>> -> memref<8x64xf32, #tpu.memory_space<vmem>>
      %dma_start3A_544 = arith.constant 0 : i32
      %dma_start3A_545 = arith.constant 0 : i32
      %dma_start3A_546 = tpu.memref_slice %arg5[%squeeze3A_538, %dma_start3A_544, %dma_start3A_545] : memref<12500x8x64xf32, #tpu.memory_space<hbm>> -> memref<1x8x64xf32, #tpu.memory_space<hbm>>
      %dma_start3A_547 = tpu.memref_squeeze %dma_start3A_546 : memref<1x8x64xf32, #tpu.memory_space<hbm>> -> memref<8x64xf32, #tpu.memory_space<hbm>>
      %dma_start3A_548 = arith.constant 0 : i32
      %dma_start3A_549 = arith.constant 0 : i32
      %dma_start3A_550 = tpu.memref_slice %arg16[%dma_start3A_539, %dma_start3A_548, %dma_start3A_549] : memref<32x8x64xf32, #tpu.memory_space<vmem>> -> memref<1x8x64xf32, #tpu.memory_space<vmem>>
      %dma_start3A_551 = tpu.memref_squeeze %dma_start3A_550 : memref<1x8x64xf32, #tpu.memory_space<vmem>> -> memref<8x64xf32, #tpu.memory_space<vmem>>
      %dma_start3A_552 = arith.constant 0 : i32
      %dma_start3A_553 = arith.constant 0 : i32
      %dma_start3A_554 = tpu.memref_slice %arg5[%squeeze3A_538, %dma_start3A_552, %dma_start3A_553] : memref<12500x8x64xf32, #tpu.memory_space<hbm>> -> memref<1x8x64xf32, #tpu.memory_space<hbm>>
      %dma_start3A_555 = tpu.memref_squeeze %dma_start3A_554 : memref<1x8x64xf32, #tpu.memory_space<hbm>> -> memref<8x64xf32, #tpu.memory_space<hbm>>
      tpu.enqueue_dma source(%dma_start3A_555 : memref<8x64xf32, #tpu.memory_space<hbm>>) target(%dma_start3A_551 : memref<8x64xf32, #tpu.memory_space<vmem>>) target_semaphore(%arg21 : memref<!tpu.dma_semaphore, #tpu.memory_space<semaphore_mem>>)
      %slice3A_556 = vector.extract_strided_slice %get3A_135 {offsets = [11], sizes = [1], strides = [1]} : vector<16xi32> to vector<1xi32>
      %squeeze3A_557 = vector.extract %slice3A_556[0] : i32 from vector<1xi32>
      %dma_start3A_558 = arith.constant 11 : i32
      %dma_start3A_559 = arith.constant 0 : i32
      %dma_start3A_560 = arith.constant 0 : i32
      %dma_start3A_561 = tpu.memref_slice %arg15[%dma_start3A_558, %dma_start3A_559, %dma_start3A_560] : memref<32x8x64xf32, #tpu.memory_space<vmem>> -> memref<1x8x64xf32, #tpu.memory_space<vmem>>
      %dma_start3A_562 = tpu.memref_squeeze %dma_start3A_561 : memref<1x8x64xf32, #tpu.memory_space<vmem>> -> memref<8x64xf32, #tpu.memory_space<vmem>>
      %dma_start3A_563 = arith.constant 0 : i32
      %dma_start3A_564 = arith.constant 0 : i32
      %dma_start3A_565 = tpu.memref_slice %arg4[%squeeze3A_557, %dma_start3A_563, %dma_start3A_564] : memref<125000x8x64xf32, #tpu.memory_space<hbm>> -> memref<1x8x64xf32, #tpu.memory_space<hbm>>
      %dma_start3A_566 = tpu.memref_squeeze %dma_start3A_565 : memref<1x8x64xf32, #tpu.memory_space<hbm>> -> memref<8x64xf32, #tpu.memory_space<hbm>>
      %dma_start3A_567 = arith.constant 0 : i32
      %dma_start3A_568 = arith.constant 0 : i32
      %dma_start3A_569 = tpu.memref_slice %arg15[%dma_start3A_558, %dma_start3A_567, %dma_start3A_568] : memref<32x8x64xf32, #tpu.memory_space<vmem>> -> memref<1x8x64xf32, #tpu.memory_space<vmem>>
      %dma_start3A_570 = tpu.memref_squeeze %dma_start3A_569 : memref<1x8x64xf32, #tpu.memory_space<vmem>> -> memref<8x64xf32, #tpu.memory_space<vmem>>
      %dma_start3A_571 = arith.constant 0 : i32
      %dma_start3A_572 = arith.constant 0 : i32
      %dma_start3A_573 = tpu.memref_slice %arg4[%squeeze3A_557, %dma_start3A_571, %dma_start3A_572] : memref<125000x8x64xf32, #tpu.memory_space<hbm>> -> memref<1x8x64xf32, #tpu.memory_space<hbm>>
      %dma_start3A_574 = tpu.memref_squeeze %dma_start3A_573 : memref<1x8x64xf32, #tpu.memory_space<hbm>> -> memref<8x64xf32, #tpu.memory_space<hbm>>
      tpu.enqueue_dma source(%dma_start3A_574 : memref<8x64xf32, #tpu.memory_space<hbm>>) target(%dma_start3A_570 : memref<8x64xf32, #tpu.memory_space<vmem>>) target_semaphore(%arg20 : memref<!tpu.dma_semaphore, #tpu.memory_space<semaphore_mem>>)
      %slice3A_575 = vector.extract_strided_slice %get3A_139 {offsets = [11], sizes = [1], strides = [1]} : vector<16xi32> to vector<1xi32>
      %squeeze3A_576 = vector.extract %slice3A_575[0] : i32 from vector<1xi32>
      %dma_start3A_577 = arith.constant 11 : i32
      %dma_start3A_578 = arith.constant 0 : i32
      %dma_start3A_579 = arith.constant 0 : i32
      %dma_start3A_580 = tpu.memref_slice %arg16[%dma_start3A_577, %dma_start3A_578, %dma_start3A_579] : memref<32x8x64xf32, #tpu.memory_space<vmem>> -> memref<1x8x64xf32, #tpu.memory_space<vmem>>
      %dma_start3A_581 = tpu.memref_squeeze %dma_start3A_580 : memref<1x8x64xf32, #tpu.memory_space<vmem>> -> memref<8x64xf32, #tpu.memory_space<vmem>>
      %dma_start3A_582 = arith.constant 0 : i32
      %dma_start3A_583 = arith.constant 0 : i32
      %dma_start3A_584 = tpu.memref_slice %arg5[%squeeze3A_576, %dma_start3A_582, %dma_start3A_583] : memref<12500x8x64xf32, #tpu.memory_space<hbm>> -> memref<1x8x64xf32, #tpu.memory_space<hbm>>
      %dma_start3A_585 = tpu.memref_squeeze %dma_start3A_584 : memref<1x8x64xf32, #tpu.memory_space<hbm>> -> memref<8x64xf32, #tpu.memory_space<hbm>>
      %dma_start3A_586 = arith.constant 0 : i32
      %dma_start3A_587 = arith.constant 0 : i32
      %dma_start3A_588 = tpu.memref_slice %arg16[%dma_start3A_577, %dma_start3A_586, %dma_start3A_587] : memref<32x8x64xf32, #tpu.memory_space<vmem>> -> memref<1x8x64xf32, #tpu.memory_space<vmem>>
      %dma_start3A_589 = tpu.memref_squeeze %dma_start3A_588 : memref<1x8x64xf32, #tpu.memory_space<vmem>> -> memref<8x64xf32, #tpu.memory_space<vmem>>
      %dma_start3A_590 = arith.constant 0 : i32
      %dma_start3A_591 = arith.constant 0 : i32
      %dma_start3A_592 = tpu.memref_slice %arg5[%squeeze3A_576, %dma_start3A_590, %dma_start3A_591] : memref<12500x8x64xf32, #tpu.memory_space<hbm>> -> memref<1x8x64xf32, #tpu.memory_space<hbm>>
      %dma_start3A_593 = tpu.memref_squeeze %dma_start3A_592 : memref<1x8x64xf32, #tpu.memory_space<hbm>> -> memref<8x64xf32, #tpu.memory_space<hbm>>
      tpu.enqueue_dma source(%dma_start3A_593 : memref<8x64xf32, #tpu.memory_space<hbm>>) target(%dma_start3A_589 : memref<8x64xf32, #tpu.memory_space<vmem>>) target_semaphore(%arg21 : memref<!tpu.dma_semaphore, #tpu.memory_space<semaphore_mem>>)
      %slice3A_594 = vector.extract_strided_slice %get3A_135 {offsets = [12], sizes = [1], strides = [1]} : vector<16xi32> to vector<1xi32>
      %squeeze3A_595 = vector.extract %slice3A_594[0] : i32 from vector<1xi32>
      %dma_start3A_596 = arith.constant 12 : i32
      %dma_start3A_597 = arith.constant 0 : i32
      %dma_start3A_598 = arith.constant 0 : i32
      %dma_start3A_599 = tpu.memref_slice %arg15[%dma_start3A_596, %dma_start3A_597, %dma_start3A_598] : memref<32x8x64xf32, #tpu.memory_space<vmem>> -> memref<1x8x64xf32, #tpu.memory_space<vmem>>
      %dma_start3A_600 = tpu.memref_squeeze %dma_start3A_599 : memref<1x8x64xf32, #tpu.memory_space<vmem>> -> memref<8x64xf32, #tpu.memory_space<vmem>>
      %dma_start3A_601 = arith.constant 0 : i32
      %dma_start3A_602 = arith.constant 0 : i32
      %dma_start3A_603 = tpu.memref_slice %arg4[%squeeze3A_595, %dma_start3A_601, %dma_start3A_602] : memref<125000x8x64xf32, #tpu.memory_space<hbm>> -> memref<1x8x64xf32, #tpu.memory_space<hbm>>
      %dma_start3A_604 = tpu.memref_squeeze %dma_start3A_603 : memref<1x8x64xf32, #tpu.memory_space<hbm>> -> memref<8x64xf32, #tpu.memory_space<hbm>>
      %dma_start3A_605 = arith.constant 0 : i32
      %dma_start3A_606 = arith.constant 0 : i32
      %dma_start3A_607 = tpu.memref_slice %arg15[%dma_start3A_596, %dma_start3A_605, %dma_start3A_606] : memref<32x8x64xf32, #tpu.memory_space<vmem>> -> memref<1x8x64xf32, #tpu.memory_space<vmem>>
      %dma_start3A_608 = tpu.memref_squeeze %dma_start3A_607 : memref<1x8x64xf32, #tpu.memory_space<vmem>> -> memref<8x64xf32, #tpu.memory_space<vmem>>
      %dma_start3A_609 = arith.constant 0 : i32
      %dma_start3A_610 = arith.constant 0 : i32
      %dma_start3A_611 = tpu.memref_slice %arg4[%squeeze3A_595, %dma_start3A_609, %dma_start3A_610] : memref<125000x8x64xf32, #tpu.memory_space<hbm>> -> memref<1x8x64xf32, #tpu.memory_space<hbm>>
      %dma_start3A_612 = tpu.memref_squeeze %dma_start3A_611 : memref<1x8x64xf32, #tpu.memory_space<hbm>> -> memref<8x64xf32, #tpu.memory_space<hbm>>
      tpu.enqueue_dma source(%dma_start3A_612 : memref<8x64xf32, #tpu.memory_space<hbm>>) target(%dma_start3A_608 : memref<8x64xf32, #tpu.memory_space<vmem>>) target_semaphore(%arg20 : memref<!tpu.dma_semaphore, #tpu.memory_space<semaphore_mem>>)
      %slice3A_613 = vector.extract_strided_slice %get3A_139 {offsets = [12], sizes = [1], strides = [1]} : vector<16xi32> to vector<1xi32>
      %squeeze3A_614 = vector.extract %slice3A_613[0] : i32 from vector<1xi32>
      %dma_start3A_615 = arith.constant 12 : i32
      %dma_start3A_616 = arith.constant 0 : i32
      %dma_start3A_617 = arith.constant 0 : i32
      %dma_start3A_618 = tpu.memref_slice %arg16[%dma_start3A_615, %dma_start3A_616, %dma_start3A_617] : memref<32x8x64xf32, #tpu.memory_space<vmem>> -> memref<1x8x64xf32, #tpu.memory_space<vmem>>
      %dma_start3A_619 = tpu.memref_squeeze %dma_start3A_618 : memref<1x8x64xf32, #tpu.memory_space<vmem>> -> memref<8x64xf32, #tpu.memory_space<vmem>>
      %dma_start3A_620 = arith.constant 0 : i32
      %dma_start3A_621 = arith.constant 0 : i32
      %dma_start3A_622 = tpu.memref_slice %arg5[%squeeze3A_614, %dma_start3A_620, %dma_start3A_621] : memref<12500x8x64xf32, #tpu.memory_space<hbm>> -> memref<1x8x64xf32, #tpu.memory_space<hbm>>
      %dma_start3A_623 = tpu.memref_squeeze %dma_start3A_622 : memref<1x8x64xf32, #tpu.memory_space<hbm>> -> memref<8x64xf32, #tpu.memory_space<hbm>>
      %dma_start3A_624 = arith.constant 0 : i32
      %dma_start3A_625 = arith.constant 0 : i32
      %dma_start3A_626 = tpu.memref_slice %arg16[%dma_start3A_615, %dma_start3A_624, %dma_start3A_625] : memref<32x8x64xf32, #tpu.memory_space<vmem>> -> memref<1x8x64xf32, #tpu.memory_space<vmem>>
      %dma_start3A_627 = tpu.memref_squeeze %dma_start3A_626 : memref<1x8x64xf32, #tpu.memory_space<vmem>> -> memref<8x64xf32, #tpu.memory_space<vmem>>
      %dma_start3A_628 = arith.constant 0 : i32
      %dma_start3A_629 = arith.constant 0 : i32
      %dma_start3A_630 = tpu.memref_slice %arg5[%squeeze3A_614, %dma_start3A_628, %dma_start3A_629] : memref<12500x8x64xf32, #tpu.memory_space<hbm>> -> memref<1x8x64xf32, #tpu.memory_space<hbm>>
      %dma_start3A_631 = tpu.memref_squeeze %dma_start3A_630 : memref<1x8x64xf32, #tpu.memory_space<hbm>> -> memref<8x64xf32, #tpu.memory_space<hbm>>
      tpu.enqueue_dma source(%dma_start3A_631 : memref<8x64xf32, #tpu.memory_space<hbm>>) target(%dma_start3A_627 : memref<8x64xf32, #tpu.memory_space<vmem>>) target_semaphore(%arg21 : memref<!tpu.dma_semaphore, #tpu.memory_space<semaphore_mem>>)
      %slice3A_632 = vector.extract_strided_slice %get3A_135 {offsets = [13], sizes = [1], strides = [1]} : vector<16xi32> to vector<1xi32>
      %squeeze3A_633 = vector.extract %slice3A_632[0] : i32 from vector<1xi32>
      %dma_start3A_634 = arith.constant 13 : i32
      %dma_start3A_635 = arith.constant 0 : i32
      %dma_start3A_636 = arith.constant 0 : i32
      %dma_start3A_637 = tpu.memref_slice %arg15[%dma_start3A_634, %dma_start3A_635, %dma_start3A_636] : memref<32x8x64xf32, #tpu.memory_space<vmem>> -> memref<1x8x64xf32, #tpu.memory_space<vmem>>
      %dma_start3A_638 = tpu.memref_squeeze %dma_start3A_637 : memref<1x8x64xf32, #tpu.memory_space<vmem>> -> memref<8x64xf32, #tpu.memory_space<vmem>>
      %dma_start3A_639 = arith.constant 0 : i32
      %dma_start3A_640 = arith.constant 0 : i32
      %dma_start3A_641 = tpu.memref_slice %arg4[%squeeze3A_633, %dma_start3A_639, %dma_start3A_640] : memref<125000x8x64xf32, #tpu.memory_space<hbm>> -> memref<1x8x64xf32, #tpu.memory_space<hbm>>
      %dma_start3A_642 = tpu.memref_squeeze %dma_start3A_641 : memref<1x8x64xf32, #tpu.memory_space<hbm>> -> memref<8x64xf32, #tpu.memory_space<hbm>>
      %dma_start3A_643 = arith.constant 0 : i32
      %dma_start3A_644 = arith.constant 0 : i32
      %dma_start3A_645 = tpu.memref_slice %arg15[%dma_start3A_634, %dma_start3A_643, %dma_start3A_644] : memref<32x8x64xf32, #tpu.memory_space<vmem>> -> memref<1x8x64xf32, #tpu.memory_space<vmem>>
      %dma_start3A_646 = tpu.memref_squeeze %dma_start3A_645 : memref<1x8x64xf32, #tpu.memory_space<vmem>> -> memref<8x64xf32, #tpu.memory_space<vmem>>
      %dma_start3A_647 = arith.constant 0 : i32
      %dma_start3A_648 = arith.constant 0 : i32
      %dma_start3A_649 = tpu.memref_slice %arg4[%squeeze3A_633, %dma_start3A_647, %dma_start3A_648] : memref<125000x8x64xf32, #tpu.memory_space<hbm>> -> memref<1x8x64xf32, #tpu.memory_space<hbm>>
      %dma_start3A_650 = tpu.memref_squeeze %dma_start3A_649 : memref<1x8x64xf32, #tpu.memory_space<hbm>> -> memref<8x64xf32, #tpu.memory_space<hbm>>
      tpu.enqueue_dma source(%dma_start3A_650 : memref<8x64xf32, #tpu.memory_space<hbm>>) target(%dma_start3A_646 : memref<8x64xf32, #tpu.memory_space<vmem>>) target_semaphore(%arg20 : memref<!tpu.dma_semaphore, #tpu.memory_space<semaphore_mem>>)
      %slice3A_651 = vector.extract_strided_slice %get3A_139 {offsets = [13], sizes = [1], strides = [1]} : vector<16xi32> to vector<1xi32>
      %squeeze3A_652 = vector.extract %slice3A_651[0] : i32 from vector<1xi32>
      %dma_start3A_653 = arith.constant 13 : i32
      %dma_start3A_654 = arith.constant 0 : i32
      %dma_start3A_655 = arith.constant 0 : i32
      %dma_start3A_656 = tpu.memref_slice %arg16[%dma_start3A_653, %dma_start3A_654, %dma_start3A_655] : memref<32x8x64xf32, #tpu.memory_space<vmem>> -> memref<1x8x64xf32, #tpu.memory_space<vmem>>
      %dma_start3A_657 = tpu.memref_squeeze %dma_start3A_656 : memref<1x8x64xf32, #tpu.memory_space<vmem>> -> memref<8x64xf32, #tpu.memory_space<vmem>>
      %dma_start3A_658 = arith.constant 0 : i32
      %dma_start3A_659 = arith.constant 0 : i32
      %dma_start3A_660 = tpu.memref_slice %arg5[%squeeze3A_652, %dma_start3A_658, %dma_start3A_659] : memref<12500x8x64xf32, #tpu.memory_space<hbm>> -> memref<1x8x64xf32, #tpu.memory_space<hbm>>
      %dma_start3A_661 = tpu.memref_squeeze %dma_start3A_660 : memref<1x8x64xf32, #tpu.memory_space<hbm>> -> memref<8x64xf32, #tpu.memory_space<hbm>>
      %dma_start3A_662 = arith.constant 0 : i32
      %dma_start3A_663 = arith.constant 0 : i32
      %dma_start3A_664 = tpu.memref_slice %arg16[%dma_start3A_653, %dma_start3A_662, %dma_start3A_663] : memref<32x8x64xf32, #tpu.memory_space<vmem>> -> memref<1x8x64xf32, #tpu.memory_space<vmem>>
      %dma_start3A_665 = tpu.memref_squeeze %dma_start3A_664 : memref<1x8x64xf32, #tpu.memory_space<vmem>> -> memref<8x64xf32, #tpu.memory_space<vmem>>
      %dma_start3A_666 = arith.constant 0 : i32
      %dma_start3A_667 = arith.constant 0 : i32
      %dma_start3A_668 = tpu.memref_slice %arg5[%squeeze3A_652, %dma_start3A_666, %dma_start3A_667] : memref<12500x8x64xf32, #tpu.memory_space<hbm>> -> memref<1x8x64xf32, #tpu.memory_space<hbm>>
      %dma_start3A_669 = tpu.memref_squeeze %dma_start3A_668 : memref<1x8x64xf32, #tpu.memory_space<hbm>> -> memref<8x64xf32, #tpu.memory_space<hbm>>
      tpu.enqueue_dma source(%dma_start3A_669 : memref<8x64xf32, #tpu.memory_space<hbm>>) target(%dma_start3A_665 : memref<8x64xf32, #tpu.memory_space<vmem>>) target_semaphore(%arg21 : memref<!tpu.dma_semaphore, #tpu.memory_space<semaphore_mem>>)
      %slice3A_670 = vector.extract_strided_slice %get3A_135 {offsets = [14], sizes = [1], strides = [1]} : vector<16xi32> to vector<1xi32>
      %squeeze3A_671 = vector.extract %slice3A_670[0] : i32 from vector<1xi32>
      %dma_start3A_672 = arith.constant 14 : i32
      %dma_start3A_673 = arith.constant 0 : i32
      %dma_start3A_674 = arith.constant 0 : i32
      %dma_start3A_675 = tpu.memref_slice %arg15[%dma_start3A_672, %dma_start3A_673, %dma_start3A_674] : memref<32x8x64xf32, #tpu.memory_space<vmem>> -> memref<1x8x64xf32, #tpu.memory_space<vmem>>
      %dma_start3A_676 = tpu.memref_squeeze %dma_start3A_675 : memref<1x8x64xf32, #tpu.memory_space<vmem>> -> memref<8x64xf32, #tpu.memory_space<vmem>>
      %dma_start3A_677 = arith.constant 0 : i32
      %dma_start3A_678 = arith.constant 0 : i32
      %dma_start3A_679 = tpu.memref_slice %arg4[%squeeze3A_671, %dma_start3A_677, %dma_start3A_678] : memref<125000x8x64xf32, #tpu.memory_space<hbm>> -> memref<1x8x64xf32, #tpu.memory_space<hbm>>
      %dma_start3A_680 = tpu.memref_squeeze %dma_start3A_679 : memref<1x8x64xf32, #tpu.memory_space<hbm>> -> memref<8x64xf32, #tpu.memory_space<hbm>>
      %dma_start3A_681 = arith.constant 0 : i32
      %dma_start3A_682 = arith.constant 0 : i32
      %dma_start3A_683 = tpu.memref_slice %arg15[%dma_start3A_672, %dma_start3A_681, %dma_start3A_682] : memref<32x8x64xf32, #tpu.memory_space<vmem>> -> memref<1x8x64xf32, #tpu.memory_space<vmem>>
      %dma_start3A_684 = tpu.memref_squeeze %dma_start3A_683 : memref<1x8x64xf32, #tpu.memory_space<vmem>> -> memref<8x64xf32, #tpu.memory_space<vmem>>
      %dma_start3A_685 = arith.constant 0 : i32
      %dma_start3A_686 = arith.constant 0 : i32
      %dma_start3A_687 = tpu.memref_slice %arg4[%squeeze3A_671, %dma_start3A_685, %dma_start3A_686] : memref<125000x8x64xf32, #tpu.memory_space<hbm>> -> memref<1x8x64xf32, #tpu.memory_space<hbm>>
      %dma_start3A_688 = tpu.memref_squeeze %dma_start3A_687 : memref<1x8x64xf32, #tpu.memory_space<hbm>> -> memref<8x64xf32, #tpu.memory_space<hbm>>
      tpu.enqueue_dma source(%dma_start3A_688 : memref<8x64xf32, #tpu.memory_space<hbm>>) target(%dma_start3A_684 : memref<8x64xf32, #tpu.memory_space<vmem>>) target_semaphore(%arg20 : memref<!tpu.dma_semaphore, #tpu.memory_space<semaphore_mem>>)
      %slice3A_689 = vector.extract_strided_slice %get3A_139 {offsets = [14], sizes = [1], strides = [1]} : vector<16xi32> to vector<1xi32>
      %squeeze3A_690 = vector.extract %slice3A_689[0] : i32 from vector<1xi32>
      %dma_start3A_691 = arith.constant 14 : i32
      %dma_start3A_692 = arith.constant 0 : i32
      %dma_start3A_693 = arith.constant 0 : i32
      %dma_start3A_694 = tpu.memref_slice %arg16[%dma_start3A_691, %dma_start3A_692, %dma_start3A_693] : memref<32x8x64xf32, #tpu.memory_space<vmem>> -> memref<1x8x64xf32, #tpu.memory_space<vmem>>
      %dma_start3A_695 = tpu.memref_squeeze %dma_start3A_694 : memref<1x8x64xf32, #tpu.memory_space<vmem>> -> memref<8x64xf32, #tpu.memory_space<vmem>>
      %dma_start3A_696 = arith.constant 0 : i32
      %dma_start3A_697 = arith.constant 0 : i32
      %dma_start3A_698 = tpu.memref_slice %arg5[%squeeze3A_690, %dma_start3A_696, %dma_start3A_697] : memref<12500x8x64xf32, #tpu.memory_space<hbm>> -> memref<1x8x64xf32, #tpu.memory_space<hbm>>
      %dma_start3A_699 = tpu.memref_squeeze %dma_start3A_698 : memref<1x8x64xf32, #tpu.memory_space<hbm>> -> memref<8x64xf32, #tpu.memory_space<hbm>>
      %dma_start3A_700 = arith.constant 0 : i32
      %dma_start3A_701 = arith.constant 0 : i32
      %dma_start3A_702 = tpu.memref_slice %arg16[%dma_start3A_691, %dma_start3A_700, %dma_start3A_701] : memref<32x8x64xf32, #tpu.memory_space<vmem>> -> memref<1x8x64xf32, #tpu.memory_space<vmem>>
      %dma_start3A_703 = tpu.memref_squeeze %dma_start3A_702 : memref<1x8x64xf32, #tpu.memory_space<vmem>> -> memref<8x64xf32, #tpu.memory_space<vmem>>
      %dma_start3A_704 = arith.constant 0 : i32
      %dma_start3A_705 = arith.constant 0 : i32
      %dma_start3A_706 = tpu.memref_slice %arg5[%squeeze3A_690, %dma_start3A_704, %dma_start3A_705] : memref<12500x8x64xf32, #tpu.memory_space<hbm>> -> memref<1x8x64xf32, #tpu.memory_space<hbm>>
      %dma_start3A_707 = tpu.memref_squeeze %dma_start3A_706 : memref<1x8x64xf32, #tpu.memory_space<hbm>> -> memref<8x64xf32, #tpu.memory_space<hbm>>
      tpu.enqueue_dma source(%dma_start3A_707 : memref<8x64xf32, #tpu.memory_space<hbm>>) target(%dma_start3A_703 : memref<8x64xf32, #tpu.memory_space<vmem>>) target_semaphore(%arg21 : memref<!tpu.dma_semaphore, #tpu.memory_space<semaphore_mem>>)
      %slice3A_708 = vector.extract_strided_slice %get3A_135 {offsets = [15], sizes = [1], strides = [1]} : vector<16xi32> to vector<1xi32>
      %squeeze3A_709 = vector.extract %slice3A_708[0] : i32 from vector<1xi32>
      %dma_start3A_710 = arith.constant 15 : i32
      %dma_start3A_711 = arith.constant 0 : i32
      %dma_start3A_712 = arith.constant 0 : i32
      %dma_start3A_713 = tpu.memref_slice %arg15[%dma_start3A_710, %dma_start3A_711, %dma_start3A_712] : memref<32x8x64xf32, #tpu.memory_space<vmem>> -> memref<1x8x64xf32, #tpu.memory_space<vmem>>
      %dma_start3A_714 = tpu.memref_squeeze %dma_start3A_713 : memref<1x8x64xf32, #tpu.memory_space<vmem>> -> memref<8x64xf32, #tpu.memory_space<vmem>>
      %dma_start3A_715 = arith.constant 0 : i32
      %dma_start3A_716 = arith.constant 0 : i32
      %dma_start3A_717 = tpu.memref_slice %arg4[%squeeze3A_709, %dma_start3A_715, %dma_start3A_716] : memref<125000x8x64xf32, #tpu.memory_space<hbm>> -> memref<1x8x64xf32, #tpu.memory_space<hbm>>
      %dma_start3A_718 = tpu.memref_squeeze %dma_start3A_717 : memref<1x8x64xf32, #tpu.memory_space<hbm>> -> memref<8x64xf32, #tpu.memory_space<hbm>>
      %dma_start3A_719 = arith.constant 0 : i32
      %dma_start3A_720 = arith.constant 0 : i32
      %dma_start3A_721 = tpu.memref_slice %arg15[%dma_start3A_710, %dma_start3A_719, %dma_start3A_720] : memref<32x8x64xf32, #tpu.memory_space<vmem>> -> memref<1x8x64xf32, #tpu.memory_space<vmem>>
      %dma_start3A_722 = tpu.memref_squeeze %dma_start3A_721 : memref<1x8x64xf32, #tpu.memory_space<vmem>> -> memref<8x64xf32, #tpu.memory_space<vmem>>
      %dma_start3A_723 = arith.constant 0 : i32
      %dma_start3A_724 = arith.constant 0 : i32
      %dma_start3A_725 = tpu.memref_slice %arg4[%squeeze3A_709, %dma_start3A_723, %dma_start3A_724] : memref<125000x8x64xf32, #tpu.memory_space<hbm>> -> memref<1x8x64xf32, #tpu.memory_space<hbm>>
      %dma_start3A_726 = tpu.memref_squeeze %dma_start3A_725 : memref<1x8x64xf32, #tpu.memory_space<hbm>> -> memref<8x64xf32, #tpu.memory_space<hbm>>
      tpu.enqueue_dma source(%dma_start3A_726 : memref<8x64xf32, #tpu.memory_space<hbm>>) target(%dma_start3A_722 : memref<8x64xf32, #tpu.memory_space<vmem>>) target_semaphore(%arg20 : memref<!tpu.dma_semaphore, #tpu.memory_space<semaphore_mem>>)
      %slice3A_727 = vector.extract_strided_slice %get3A_139 {offsets = [15], sizes = [1], strides = [1]} : vector<16xi32> to vector<1xi32>
      %squeeze3A_728 = vector.extract %slice3A_727[0] : i32 from vector<1xi32>
      %dma_start3A_729 = arith.constant 15 : i32
      %dma_start3A_730 = arith.constant 0 : i32
      %dma_start3A_731 = arith.constant 0 : i32
      %dma_start3A_732 = tpu.memref_slice %arg16[%dma_start3A_729, %dma_start3A_730, %dma_start3A_731] : memref<32x8x64xf32, #tpu.memory_space<vmem>> -> memref<1x8x64xf32, #tpu.memory_space<vmem>>
      %dma_start3A_733 = tpu.memref_squeeze %dma_start3A_732 : memref<1x8x64xf32, #tpu.memory_space<vmem>> -> memref<8x64xf32, #tpu.memory_space<vmem>>
      %dma_start3A_734 = arith.constant 0 : i32
      %dma_start3A_735 = arith.constant 0 : i32
      %dma_start3A_736 = tpu.memref_slice %arg5[%squeeze3A_728, %dma_start3A_734, %dma_start3A_735] : memref<12500x8x64xf32, #tpu.memory_space<hbm>> -> memref<1x8x64xf32, #tpu.memory_space<hbm>>
      %dma_start3A_737 = tpu.memref_squeeze %dma_start3A_736 : memref<1x8x64xf32, #tpu.memory_space<hbm>> -> memref<8x64xf32, #tpu.memory_space<hbm>>
      %dma_start3A_738 = arith.constant 0 : i32
      %dma_start3A_739 = arith.constant 0 : i32
      %dma_start3A_740 = tpu.memref_slice %arg16[%dma_start3A_729, %dma_start3A_738, %dma_start3A_739] : memref<32x8x64xf32, #tpu.memory_space<vmem>> -> memref<1x8x64xf32, #tpu.memory_space<vmem>>
      %dma_start3A_741 = tpu.memref_squeeze %dma_start3A_740 : memref<1x8x64xf32, #tpu.memory_space<vmem>> -> memref<8x64xf32, #tpu.memory_space<vmem>>
      %dma_start3A_742 = arith.constant 0 : i32
      %dma_start3A_743 = arith.constant 0 : i32
      %dma_start3A_744 = tpu.memref_slice %arg5[%squeeze3A_728, %dma_start3A_742, %dma_start3A_743] : memref<12500x8x64xf32, #tpu.memory_space<hbm>> -> memref<1x8x64xf32, #tpu.memory_space<hbm>>
      %dma_start3A_745 = tpu.memref_squeeze %dma_start3A_744 : memref<1x8x64xf32, #tpu.memory_space<hbm>> -> memref<8x64xf32, #tpu.memory_space<hbm>>
      tpu.enqueue_dma source(%dma_start3A_745 : memref<8x64xf32, #tpu.memory_space<hbm>>) target(%dma_start3A_741 : memref<8x64xf32, #tpu.memory_space<vmem>>) target_semaphore(%arg21 : memref<!tpu.dma_semaphore, #tpu.memory_space<semaphore_mem>>)
      %add3A_746 = arith.constant 16 : i32
      %add3A_747 = arith.addi %mul3A_132, %add3A_746 : i32
      %get3A_748 = arith.index_cast %add3A_747 : i32 to index
      %get3A_749 = tpu.vector_load %arg11[%get3A_748] {strides = array<i32>} : memref<512xi32, #tpu.memory_space<vmem>>, vector<16xi32>,
      %add3A_750 = arith.constant 16 : i32
      %add3A_751 = arith.addi %mul3A_132, %add3A_750 : i32
      %get3A_752 = arith.index_cast %add3A_751 : i32 to index
      %get3A_753 = tpu.vector_load %arg12[%get3A_752] {strides = array<i32>} : memref<512xi32, #tpu.memory_space<vmem>>, vector<16xi32>,
      %slice3A_754 = vector.extract_strided_slice %get3A_749 {offsets = [0], sizes = [1], strides = [1]} : vector<16xi32> to vector<1xi32>
      %squeeze3A_755 = vector.extract %slice3A_754[0] : i32 from vector<1xi32>
      %dma_start3A_756 = arith.constant 16 : i32
      %dma_start3A_757 = arith.constant 0 : i32
      %dma_start3A_758 = arith.constant 0 : i32
      %dma_start3A_759 = tpu.memref_slice %arg15[%dma_start3A_756, %dma_start3A_757, %dma_start3A_758] : memref<32x8x64xf32, #tpu.memory_space<vmem>> -> memref<1x8x64xf32, #tpu.memory_space<vmem>>
      %dma_start3A_760 = tpu.memref_squeeze %dma_start3A_759 : memref<1x8x64xf32, #tpu.memory_space<vmem>> -> memref<8x64xf32, #tpu.memory_space<vmem>>
      %dma_start3A_761 = arith.constant 0 : i32
      %dma_start3A_762 = arith.constant 0 : i32
      %dma_start3A_763 = tpu.memref_slice %arg4[%squeeze3A_755, %dma_start3A_761, %dma_start3A_762] : memref<125000x8x64xf32, #tpu.memory_space<hbm>> -> memref<1x8x64xf32, #tpu.memory_space<hbm>>
      %dma_start3A_764 = tpu.memref_squeeze %dma_start3A_763 : memref<1x8x64xf32, #tpu.memory_space<hbm>> -> memref<8x64xf32, #tpu.memory_space<hbm>>
      %dma_start3A_765 = arith.constant 0 : i32
      %dma_start3A_766 = arith.constant 0 : i32
      %dma_start3A_767 = tpu.memref_slice %arg15[%dma_start3A_756, %dma_start3A_765, %dma_start3A_766] : memref<32x8x64xf32, #tpu.memory_space<vmem>> -> memref<1x8x64xf32, #tpu.memory_space<vmem>>
      %dma_start3A_768 = tpu.memref_squeeze %dma_start3A_767 : memref<1x8x64xf32, #tpu.memory_space<vmem>> -> memref<8x64xf32, #tpu.memory_space<vmem>>
      %dma_start3A_769 = arith.constant 0 : i32
      %dma_start3A_770 = arith.constant 0 : i32
      %dma_start3A_771 = tpu.memref_slice %arg4[%squeeze3A_755, %dma_start3A_769, %dma_start3A_770] : memref<125000x8x64xf32, #tpu.memory_space<hbm>> -> memref<1x8x64xf32, #tpu.memory_space<hbm>>
      %dma_start3A_772 = tpu.memref_squeeze %dma_start3A_771 : memref<1x8x64xf32, #tpu.memory_space<hbm>> -> memref<8x64xf32, #tpu.memory_space<hbm>>
      tpu.enqueue_dma source(%dma_start3A_772 : memref<8x64xf32, #tpu.memory_space<hbm>>) target(%dma_start3A_768 : memref<8x64xf32, #tpu.memory_space<vmem>>) target_semaphore(%arg20 : memref<!tpu.dma_semaphore, #tpu.memory_space<semaphore_mem>>)
      %slice3A_773 = vector.extract_strided_slice %get3A_753 {offsets = [0], sizes = [1], strides = [1]} : vector<16xi32> to vector<1xi32>
      %squeeze3A_774 = vector.extract %slice3A_773[0] : i32 from vector<1xi32>
      %dma_start3A_775 = arith.constant 16 : i32
      %dma_start3A_776 = arith.constant 0 : i32
      %dma_start3A_777 = arith.constant 0 : i32
      %dma_start3A_778 = tpu.memref_slice %arg16[%dma_start3A_775, %dma_start3A_776, %dma_start3A_777] : memref<32x8x64xf32, #tpu.memory_space<vmem>> -> memref<1x8x64xf32, #tpu.memory_space<vmem>>
      %dma_start3A_779 = tpu.memref_squeeze %dma_start3A_778 : memref<1x8x64xf32, #tpu.memory_space<vmem>> -> memref<8x64xf32, #tpu.memory_space<vmem>>
      %dma_start3A_780 = arith.constant 0 : i32
      %dma_start3A_781 = arith.constant 0 : i32
      %dma_start3A_782 = tpu.memref_slice %arg5[%squeeze3A_774, %dma_start3A_780, %dma_start3A_781] : memref<12500x8x64xf32, #tpu.memory_space<hbm>> -> memref<1x8x64xf32, #tpu.memory_space<hbm>>
      %dma_start3A_783 = tpu.memref_squeeze %dma_start3A_782 : memref<1x8x64xf32, #tpu.memory_space<hbm>> -> memref<8x64xf32, #tpu.memory_space<hbm>>
      %dma_start3A_784 = arith.constant 0 : i32
      %dma_start3A_785 = arith.constant 0 : i32
      %dma_start3A_786 = tpu.memref_slice %arg16[%dma_start3A_775, %dma_start3A_784, %dma_start3A_785] : memref<32x8x64xf32, #tpu.memory_space<vmem>> -> memref<1x8x64xf32, #tpu.memory_space<vmem>>
      %dma_start3A_787 = tpu.memref_squeeze %dma_start3A_786 : memref<1x8x64xf32, #tpu.memory_space<vmem>> -> memref<8x64xf32, #tpu.memory_space<vmem>>
      %dma_start3A_788 = arith.constant 0 : i32
      %dma_start3A_789 = arith.constant 0 : i32
      %dma_start3A_790 = tpu.memref_slice %arg5[%squeeze3A_774, %dma_start3A_788, %dma_start3A_789] : memref<12500x8x64xf32, #tpu.memory_space<hbm>> -> memref<1x8x64xf32, #tpu.memory_space<hbm>>
      %dma_start3A_791 = tpu.memref_squeeze %dma_start3A_790 : memref<1x8x64xf32, #tpu.memory_space<hbm>> -> memref<8x64xf32, #tpu.memory_space<hbm>>
      tpu.enqueue_dma source(%dma_start3A_791 : memref<8x64xf32, #tpu.memory_space<hbm>>) target(%dma_start3A_787 : memref<8x64xf32, #tpu.memory_space<vmem>>) target_semaphore(%arg21 : memref<!tpu.dma_semaphore, #tpu.memory_space<semaphore_mem>>)
      %slice3A_792 = vector.extract_strided_slice %get3A_749 {offsets = [1], sizes = [1], strides = [1]} : vector<16xi32> to vector<1xi32>
      %squeeze3A_793 = vector.extract %slice3A_792[0] : i32 from vector<1xi32>
      %dma_start3A_794 = arith.constant 17 : i32
      %dma_start3A_795 = arith.constant 0 : i32
      %dma_start3A_796 = arith.constant 0 : i32
      %dma_start3A_797 = tpu.memref_slice %arg15[%dma_start3A_794, %dma_start3A_795, %dma_start3A_796] : memref<32x8x64xf32, #tpu.memory_space<vmem>> -> memref<1x8x64xf32, #tpu.memory_space<vmem>>
      %dma_start3A_798 = tpu.memref_squeeze %dma_start3A_797 : memref<1x8x64xf32, #tpu.memory_space<vmem>> -> memref<8x64xf32, #tpu.memory_space<vmem>>
      %dma_start3A_799 = arith.constant 0 : i32
      %dma_start3A_800 = arith.constant 0 : i32
      %dma_start3A_801 = tpu.memref_slice %arg4[%squeeze3A_793, %dma_start3A_799, %dma_start3A_800] : memref<125000x8x64xf32, #tpu.memory_space<hbm>> -> memref<1x8x64xf32, #tpu.memory_space<hbm>>
      %dma_start3A_802 = tpu.memref_squeeze %dma_start3A_801 : memref<1x8x64xf32, #tpu.memory_space<hbm>> -> memref<8x64xf32, #tpu.memory_space<hbm>>
      %dma_start3A_803 = arith.constant 0 : i32
      %dma_start3A_804 = arith.constant 0 : i32
      %dma_start3A_805 = tpu.memref_slice %arg15[%dma_start3A_794, %dma_start3A_803, %dma_start3A_804] : memref<32x8x64xf32, #tpu.memory_space<vmem>> -> memref<1x8x64xf32, #tpu.memory_space<vmem>>
      %dma_start3A_806 = tpu.memref_squeeze %dma_start3A_805 : memref<1x8x64xf32, #tpu.memory_space<vmem>> -> memref<8x64xf32, #tpu.memory_space<vmem>>
      %dma_start3A_807 = arith.constant 0 : i32
      %dma_start3A_808 = arith.constant 0 : i32
      %dma_start3A_809 = tpu.memref_slice %arg4[%squeeze3A_793, %dma_start3A_807, %dma_start3A_808] : memref<125000x8x64xf32, #tpu.memory_space<hbm>> -> memref<1x8x64xf32, #tpu.memory_space<hbm>>
      %dma_start3A_810 = tpu.memref_squeeze %dma_start3A_809 : memref<1x8x64xf32, #tpu.memory_space<hbm>> -> memref<8x64xf32, #tpu.memory_space<hbm>>
      tpu.enqueue_dma source(%dma_start3A_810 : memref<8x64xf32, #tpu.memory_space<hbm>>) target(%dma_start3A_806 : memref<8x64xf32, #tpu.memory_space<vmem>>) target_semaphore(%arg20 : memref<!tpu.dma_semaphore, #tpu.memory_space<semaphore_mem>>)
      %slice3A_811 = vector.extract_strided_slice %get3A_753 {offsets = [1], sizes = [1], strides = [1]} : vector<16xi32> to vector<1xi32>
      %squeeze3A_812 = vector.extract %slice3A_811[0] : i32 from vector<1xi32>
      %dma_start3A_813 = arith.constant 17 : i32
      %dma_start3A_814 = arith.constant 0 : i32
      %dma_start3A_815 = arith.constant 0 : i32
      %dma_start3A_816 = tpu.memref_slice %arg16[%dma_start3A_813, %dma_start3A_814, %dma_start3A_815] : memref<32x8x64xf32, #tpu.memory_space<vmem>> -> memref<1x8x64xf32, #tpu.memory_space<vmem>>
      %dma_start3A_817 = tpu.memref_squeeze %dma_start3A_816 : memref<1x8x64xf32, #tpu.memory_space<vmem>> -> memref<8x64xf32, #tpu.memory_space<vmem>>
      %dma_start3A_818 = arith.constant 0 : i32
      %dma_start3A_819 = arith.constant 0 : i32
      %dma_start3A_820 = tpu.memref_slice %arg5[%squeeze3A_812, %dma_start3A_818, %dma_start3A_819] : memref<12500x8x64xf32, #tpu.memory_space<hbm>> -> memref<1x8x64xf32, #tpu.memory_space<hbm>>
      %dma_start3A_821 = tpu.memref_squeeze %dma_start3A_820 : memref<1x8x64xf32, #tpu.memory_space<hbm>> -> memref<8x64xf32, #tpu.memory_space<hbm>>
      %dma_start3A_822 = arith.constant 0 : i32
      %dma_start3A_823 = arith.constant 0 : i32
      %dma_start3A_824 = tpu.memref_slice %arg16[%dma_start3A_813, %dma_start3A_822, %dma_start3A_823] : memref<32x8x64xf32, #tpu.memory_space<vmem>> -> memref<1x8x64xf32, #tpu.memory_space<vmem>>
      %dma_start3A_825 = tpu.memref_squeeze %dma_start3A_824 : memref<1x8x64xf32, #tpu.memory_space<vmem>> -> memref<8x64xf32, #tpu.memory_space<vmem>>
      %dma_start3A_826 = arith.constant 0 : i32
      %dma_start3A_827 = arith.constant 0 : i32
      %dma_start3A_828 = tpu.memref_slice %arg5[%squeeze3A_812, %dma_start3A_826, %dma_start3A_827] : memref<12500x8x64xf32, #tpu.memory_space<hbm>> -> memref<1x8x64xf32, #tpu.memory_space<hbm>>
      %dma_start3A_829 = tpu.memref_squeeze %dma_start3A_828 : memref<1x8x64xf32, #tpu.memory_space<hbm>> -> memref<8x64xf32, #tpu.memory_space<hbm>>
      tpu.enqueue_dma source(%dma_start3A_829 : memref<8x64xf32, #tpu.memory_space<hbm>>) target(%dma_start3A_825 : memref<8x64xf32, #tpu.memory_space<vmem>>) target_semaphore(%arg21 : memref<!tpu.dma_semaphore, #tpu.memory_space<semaphore_mem>>)
      %slice3A_830 = vector.extract_strided_slice %get3A_749 {offsets = [2], sizes = [1], strides = [1]} : vector<16xi32> to vector<1xi32>
      %squeeze3A_831 = vector.extract %slice3A_830[0] : i32 from vector<1xi32>
      %dma_start3A_832 = arith.constant 18 : i32
      %dma_start3A_833 = arith.constant 0 : i32
      %dma_start3A_834 = arith.constant 0 : i32
      %dma_start3A_835 = tpu.memref_slice %arg15[%dma_start3A_832, %dma_start3A_833, %dma_start3A_834] : memref<32x8x64xf32, #tpu.memory_space<vmem>> -> memref<1x8x64xf32, #tpu.memory_space<vmem>>
      %dma_start3A_836 = tpu.memref_squeeze %dma_start3A_835 : memref<1x8x64xf32, #tpu.memory_space<vmem>> -> memref<8x64xf32, #tpu.memory_space<vmem>>
      %dma_start3A_837 = arith.constant 0 : i32
      %dma_start3A_838 = arith.constant 0 : i32
      %dma_start3A_839 = tpu.memref_slice %arg4[%squeeze3A_831, %dma_start3A_837, %dma_start3A_838] : memref<125000x8x64xf32, #tpu.memory_space<hbm>> -> memref<1x8x64xf32, #tpu.memory_space<hbm>>
      %dma_start3A_840 = tpu.memref_squeeze %dma_start3A_839 : memref<1x8x64xf32, #tpu.memory_space<hbm>> -> memref<8x64xf32, #tpu.memory_space<hbm>>
      %dma_start3A_841 = arith.constant 0 : i32
      %dma_start3A_842 = arith.constant 0 : i32
      %dma_start3A_843 = tpu.memref_slice %arg15[%dma_start3A_832, %dma_start3A_841, %dma_start3A_842] : memref<32x8x64xf32, #tpu.memory_space<vmem>> -> memref<1x8x64xf32, #tpu.memory_space<vmem>>
      %dma_start3A_844 = tpu.memref_squeeze %dma_start3A_843 : memref<1x8x64xf32, #tpu.memory_space<vmem>> -> memref<8x64xf32, #tpu.memory_space<vmem>>
      %dma_start3A_845 = arith.constant 0 : i32
      %dma_start3A_846 = arith.constant 0 : i32
      %dma_start3A_847 = tpu.memref_slice %arg4[%squeeze3A_831, %dma_start3A_845, %dma_start3A_846] : memref<125000x8x64xf32, #tpu.memory_space<hbm>> -> memref<1x8x64xf32, #tpu.memory_space<hbm>>
      %dma_start3A_848 = tpu.memref_squeeze %dma_start3A_847 : memref<1x8x64xf32, #tpu.memory_space<hbm>> -> memref<8x64xf32, #tpu.memory_space<hbm>>
      tpu.enqueue_dma source(%dma_start3A_848 : memref<8x64xf32, #tpu.memory_space<hbm>>) target(%dma_start3A_844 : memref<8x64xf32, #tpu.memory_space<vmem>>) target_semaphore(%arg20 : memref<!tpu.dma_semaphore, #tpu.memory_space<semaphore_mem>>)
      %slice3A_849 = vector.extract_strided_slice %get3A_753 {offsets = [2], sizes = [1], strides = [1]} : vector<16xi32> to vector<1xi32>
      %squeeze3A_850 = vector.extract %slice3A_849[0] : i32 from vector<1xi32>
      %dma_start3A_851 = arith.constant 18 : i32
      %dma_start3A_852 = arith.constant 0 : i32
      %dma_start3A_853 = arith.constant 0 : i32
      %dma_start3A_854 = tpu.memref_slice %arg16[%dma_start3A_851, %dma_start3A_852, %dma_start3A_853] : memref<32x8x64xf32, #tpu.memory_space<vmem>> -> memref<1x8x64xf32, #tpu.memory_space<vmem>>
      %dma_start3A_855 = tpu.memref_squeeze %dma_start3A_854 : memref<1x8x64xf32, #tpu.memory_space<vmem>> -> memref<8x64xf32, #tpu.memory_space<vmem>>
      %dma_start3A_856 = arith.constant 0 : i32
      %dma_start3A_857 = arith.constant 0 : i32
      %dma_start3A_858 = tpu.memref_slice %arg5[%squeeze3A_850, %dma_start3A_856, %dma_start3A_857] : memref<12500x8x64xf32, #tpu.memory_space<hbm>> -> memref<1x8x64xf32, #tpu.memory_space<hbm>>
      %dma_start3A_859 = tpu.memref_squeeze %dma_start3A_858 : memref<1x8x64xf32, #tpu.memory_space<hbm>> -> memref<8x64xf32, #tpu.memory_space<hbm>>
      %dma_start3A_860 = arith.constant 0 : i32
      %dma_start3A_861 = arith.constant 0 : i32
      %dma_start3A_862 = tpu.memref_slice %arg16[%dma_start3A_851, %dma_start3A_860, %dma_start3A_861] : memref<32x8x64xf32, #tpu.memory_space<vmem>> -> memref<1x8x64xf32, #tpu.memory_space<vmem>>
      %dma_start3A_863 = tpu.memref_squeeze %dma_start3A_862 : memref<1x8x64xf32, #tpu.memory_space<vmem>> -> memref<8x64xf32, #tpu.memory_space<vmem>>
      %dma_start3A_864 = arith.constant 0 : i32
      %dma_start3A_865 = arith.constant 0 : i32
      %dma_start3A_866 = tpu.memref_slice %arg5[%squeeze3A_850, %dma_start3A_864, %dma_start3A_865] : memref<12500x8x64xf32, #tpu.memory_space<hbm>> -> memref<1x8x64xf32, #tpu.memory_space<hbm>>
      %dma_start3A_867 = tpu.memref_squeeze %dma_start3A_866 : memref<1x8x64xf32, #tpu.memory_space<hbm>> -> memref<8x64xf32, #tpu.memory_space<hbm>>
      tpu.enqueue_dma source(%dma_start3A_867 : memref<8x64xf32, #tpu.memory_space<hbm>>) target(%dma_start3A_863 : memref<8x64xf32, #tpu.memory_space<vmem>>) target_semaphore(%arg21 : memref<!tpu.dma_semaphore, #tpu.memory_space<semaphore_mem>>)
      %slice3A_868 = vector.extract_strided_slice %get3A_749 {offsets = [3], sizes = [1], strides = [1]} : vector<16xi32> to vector<1xi32>
      %squeeze3A_869 = vector.extract %slice3A_868[0] : i32 from vector<1xi32>
      %dma_start3A_870 = arith.constant 19 : i32
      %dma_start3A_871 = arith.constant 0 : i32
      %dma_start3A_872 = arith.constant 0 : i32
      %dma_start3A_873 = tpu.memref_slice %arg15[%dma_start3A_870, %dma_start3A_871, %dma_start3A_872] : memref<32x8x64xf32, #tpu.memory_space<vmem>> -> memref<1x8x64xf32, #tpu.memory_space<vmem>>
      %dma_start3A_874 = tpu.memref_squeeze %dma_start3A_873 : memref<1x8x64xf32, #tpu.memory_space<vmem>> -> memref<8x64xf32, #tpu.memory_space<vmem>>
      %dma_start3A_875 = arith.constant 0 : i32
      %dma_start3A_876 = arith.constant 0 : i32
      %dma_start3A_877 = tpu.memref_slice %arg4[%squeeze3A_869, %dma_start3A_875, %dma_start3A_876] : memref<125000x8x64xf32, #tpu.memory_space<hbm>> -> memref<1x8x64xf32, #tpu.memory_space<hbm>>
      %dma_start3A_878 = tpu.memref_squeeze %dma_start3A_877 : memref<1x8x64xf32, #tpu.memory_space<hbm>> -> memref<8x64xf32, #tpu.memory_space<hbm>>
      %dma_start3A_879 = arith.constant 0 : i32
      %dma_start3A_880 = arith.constant 0 : i32
      %dma_start3A_881 = tpu.memref_slice %arg15[%dma_start3A_870, %dma_start3A_879, %dma_start3A_880] : memref<32x8x64xf32, #tpu.memory_space<vmem>> -> memref<1x8x64xf32, #tpu.memory_space<vmem>>
      %dma_start3A_882 = tpu.memref_squeeze %dma_start3A_881 : memref<1x8x64xf32, #tpu.memory_space<vmem>> -> memref<8x64xf32, #tpu.memory_space<vmem>>
      %dma_start3A_883 = arith.constant 0 : i32
      %dma_start3A_884 = arith.constant 0 : i32
      %dma_start3A_885 = tpu.memref_slice %arg4[%squeeze3A_869, %dma_start3A_883, %dma_start3A_884] : memref<125000x8x64xf32, #tpu.memory_space<hbm>> -> memref<1x8x64xf32, #tpu.memory_space<hbm>>
      %dma_start3A_886 = tpu.memref_squeeze %dma_start3A_885 : memref<1x8x64xf32, #tpu.memory_space<hbm>> -> memref<8x64xf32, #tpu.memory_space<hbm>>
      tpu.enqueue_dma source(%dma_start3A_886 : memref<8x64xf32, #tpu.memory_space<hbm>>) target(%dma_start3A_882 : memref<8x64xf32, #tpu.memory_space<vmem>>) target_semaphore(%arg20 : memref<!tpu.dma_semaphore, #tpu.memory_space<semaphore_mem>>)
      %slice3A_887 = vector.extract_strided_slice %get3A_753 {offsets = [3], sizes = [1], strides = [1]} : vector<16xi32> to vector<1xi32>
      %squeeze3A_888 = vector.extract %slice3A_887[0] : i32 from vector<1xi32>
      %dma_start3A_889 = arith.constant 19 : i32
      %dma_start3A_890 = arith.constant 0 : i32
      %dma_start3A_891 = arith.constant 0 : i32
      %dma_start3A_892 = tpu.memref_slice %arg16[%dma_start3A_889, %dma_start3A_890, %dma_start3A_891] : memref<32x8x64xf32, #tpu.memory_space<vmem>> -> memref<1x8x64xf32, #tpu.memory_space<vmem>>
      %dma_start3A_893 = tpu.memref_squeeze %dma_start3A_892 : memref<1x8x64xf32, #tpu.memory_space<vmem>> -> memref<8x64xf32, #tpu.memory_space<vmem>>
      %dma_start3A_894 = arith.constant 0 : i32
      %dma_start3A_895 = arith.constant 0 : i32
      %dma_start3A_896 = tpu.memref_slice %arg5[%squeeze3A_888, %dma_start3A_894, %dma_start3A_895] : memref<12500x8x64xf32, #tpu.memory_space<hbm>> -> memref<1x8x64xf32, #tpu.memory_space<hbm>>
      %dma_start3A_897 = tpu.memref_squeeze %dma_start3A_896 : memref<1x8x64xf32, #tpu.memory_space<hbm>> -> memref<8x64xf32, #tpu.memory_space<hbm>>
      %dma_start3A_898 = arith.constant 0 : i32
      %dma_start3A_899 = arith.constant 0 : i32
      %dma_start3A_900 = tpu.memref_slice %arg16[%dma_start3A_889, %dma_start3A_898, %dma_start3A_899] : memref<32x8x64xf32, #tpu.memory_space<vmem>> -> memref<1x8x64xf32, #tpu.memory_space<vmem>>
      %dma_start3A_901 = tpu.memref_squeeze %dma_start3A_900 : memref<1x8x64xf32, #tpu.memory_space<vmem>> -> memref<8x64xf32, #tpu.memory_space<vmem>>
      %dma_start3A_902 = arith.constant 0 : i32
      %dma_start3A_903 = arith.constant 0 : i32
      %dma_start3A_904 = tpu.memref_slice %arg5[%squeeze3A_888, %dma_start3A_902, %dma_start3A_903] : memref<12500x8x64xf32, #tpu.memory_space<hbm>> -> memref<1x8x64xf32, #tpu.memory_space<hbm>>
      %dma_start3A_905 = tpu.memref_squeeze %dma_start3A_904 : memref<1x8x64xf32, #tpu.memory_space<hbm>> -> memref<8x64xf32, #tpu.memory_space<hbm>>
      tpu.enqueue_dma source(%dma_start3A_905 : memref<8x64xf32, #tpu.memory_space<hbm>>) target(%dma_start3A_901 : memref<8x64xf32, #tpu.memory_space<vmem>>) target_semaphore(%arg21 : memref<!tpu.dma_semaphore, #tpu.memory_space<semaphore_mem>>)
      %slice3A_906 = vector.extract_strided_slice %get3A_749 {offsets = [4], sizes = [1], strides = [1]} : vector<16xi32> to vector<1xi32>
      %squeeze3A_907 = vector.extract %slice3A_906[0] : i32 from vector<1xi32>
      %dma_start3A_908 = arith.constant 20 : i32
      %dma_start3A_909 = arith.constant 0 : i32
      %dma_start3A_910 = arith.constant 0 : i32
      %dma_start3A_911 = tpu.memref_slice %arg15[%dma_start3A_908, %dma_start3A_909, %dma_start3A_910] : memref<32x8x64xf32, #tpu.memory_space<vmem>> -> memref<1x8x64xf32, #tpu.memory_space<vmem>>
      %dma_start3A_912 = tpu.memref_squeeze %dma_start3A_911 : memref<1x8x64xf32, #tpu.memory_space<vmem>> -> memref<8x64xf32, #tpu.memory_space<vmem>>
      %dma_start3A_913 = arith.constant 0 : i32
      %dma_start3A_914 = arith.constant 0 : i32
      %dma_start3A_915 = tpu.memref_slice %arg4[%squeeze3A_907, %dma_start3A_913, %dma_start3A_914] : memref<125000x8x64xf32, #tpu.memory_space<hbm>> -> memref<1x8x64xf32, #tpu.memory_space<hbm>>
      %dma_start3A_916 = tpu.memref_squeeze %dma_start3A_915 : memref<1x8x64xf32, #tpu.memory_space<hbm>> -> memref<8x64xf32, #tpu.memory_space<hbm>>
      %dma_start3A_917 = arith.constant 0 : i32
      %dma_start3A_918 = arith.constant 0 : i32
      %dma_start3A_919 = tpu.memref_slice %arg15[%dma_start3A_908, %dma_start3A_917, %dma_start3A_918] : memref<32x8x64xf32, #tpu.memory_space<vmem>> -> memref<1x8x64xf32, #tpu.memory_space<vmem>>
      %dma_start3A_920 = tpu.memref_squeeze %dma_start3A_919 : memref<1x8x64xf32, #tpu.memory_space<vmem>> -> memref<8x64xf32, #tpu.memory_space<vmem>>
      %dma_start3A_921 = arith.constant 0 : i32
      %dma_start3A_922 = arith.constant 0 : i32
      %dma_start3A_923 = tpu.memref_slice %arg4[%squeeze3A_907, %dma_start3A_921, %dma_start3A_922] : memref<125000x8x64xf32, #tpu.memory_space<hbm>> -> memref<1x8x64xf32, #tpu.memory_space<hbm>>
      %dma_start3A_924 = tpu.memref_squeeze %dma_start3A_923 : memref<1x8x64xf32, #tpu.memory_space<hbm>> -> memref<8x64xf32, #tpu.memory_space<hbm>>
      tpu.enqueue_dma source(%dma_start3A_924 : memref<8x64xf32, #tpu.memory_space<hbm>>) target(%dma_start3A_920 : memref<8x64xf32, #tpu.memory_space<vmem>>) target_semaphore(%arg20 : memref<!tpu.dma_semaphore, #tpu.memory_space<semaphore_mem>>)
      %slice3A_925 = vector.extract_strided_slice %get3A_753 {offsets = [4], sizes = [1], strides = [1]} : vector<16xi32> to vector<1xi32>
      %squeeze3A_926 = vector.extract %slice3A_925[0] : i32 from vector<1xi32>
      %dma_start3A_927 = arith.constant 20 : i32
      %dma_start3A_928 = arith.constant 0 : i32
      %dma_start3A_929 = arith.constant 0 : i32
      %dma_start3A_930 = tpu.memref_slice %arg16[%dma_start3A_927, %dma_start3A_928, %dma_start3A_929] : memref<32x8x64xf32, #tpu.memory_space<vmem>> -> memref<1x8x64xf32, #tpu.memory_space<vmem>>
      %dma_start3A_931 = tpu.memref_squeeze %dma_start3A_930 : memref<1x8x64xf32, #tpu.memory_space<vmem>> -> memref<8x64xf32, #tpu.memory_space<vmem>>
      %dma_start3A_932 = arith.constant 0 : i32
      %dma_start3A_933 = arith.constant 0 : i32
      %dma_start3A_934 = tpu.memref_slice %arg5[%squeeze3A_926, %dma_start3A_932, %dma_start3A_933] : memref<12500x8x64xf32, #tpu.memory_space<hbm>> -> memref<1x8x64xf32, #tpu.memory_space<hbm>>
      %dma_start3A_935 = tpu.memref_squeeze %dma_start3A_934 : memref<1x8x64xf32, #tpu.memory_space<hbm>> -> memref<8x64xf32, #tpu.memory_space<hbm>>
      %dma_start3A_936 = arith.constant 0 : i32
      %dma_start3A_937 = arith.constant 0 : i32
      %dma_start3A_938 = tpu.memref_slice %arg16[%dma_start3A_927, %dma_start3A_936, %dma_start3A_937] : memref<32x8x64xf32, #tpu.memory_space<vmem>> -> memref<1x8x64xf32, #tpu.memory_space<vmem>>
      %dma_start3A_939 = tpu.memref_squeeze %dma_start3A_938 : memref<1x8x64xf32, #tpu.memory_space<vmem>> -> memref<8x64xf32, #tpu.memory_space<vmem>>
      %dma_start3A_940 = arith.constant 0 : i32
      %dma_start3A_941 = arith.constant 0 : i32
      %dma_start3A_942 = tpu.memref_slice %arg5[%squeeze3A_926, %dma_start3A_940, %dma_start3A_941] : memref<12500x8x64xf32, #tpu.memory_space<hbm>> -> memref<1x8x64xf32, #tpu.memory_space<hbm>>
      %dma_start3A_943 = tpu.memref_squeeze %dma_start3A_942 : memref<1x8x64xf32, #tpu.memory_space<hbm>> -> memref<8x64xf32, #tpu.memory_space<hbm>>
      tpu.enqueue_dma source(%dma_start3A_943 : memref<8x64xf32, #tpu.memory_space<hbm>>) target(%dma_start3A_939 : memref<8x64xf32, #tpu.memory_space<vmem>>) target_semaphore(%arg21 : memref<!tpu.dma_semaphore, #tpu.memory_space<semaphore_mem>>)
      %slice3A_944 = vector.extract_strided_slice %get3A_749 {offsets = [5], sizes = [1], strides = [1]} : vector<16xi32> to vector<1xi32>
      %squeeze3A_945 = vector.extract %slice3A_944[0] : i32 from vector<1xi32>
      %dma_start3A_946 = arith.constant 21 : i32
      %dma_start3A_947 = arith.constant 0 : i32
      %dma_start3A_948 = arith.constant 0 : i32
      %dma_start3A_949 = tpu.memref_slice %arg15[%dma_start3A_946, %dma_start3A_947, %dma_start3A_948] : memref<32x8x64xf32, #tpu.memory_space<vmem>> -> memref<1x8x64xf32, #tpu.memory_space<vmem>>
      %dma_start3A_950 = tpu.memref_squeeze %dma_start3A_949 : memref<1x8x64xf32, #tpu.memory_space<vmem>> -> memref<8x64xf32, #tpu.memory_space<vmem>>
      %dma_start3A_951 = arith.constant 0 : i32
      %dma_start3A_952 = arith.constant 0 : i32
      %dma_start3A_953 = tpu.memref_slice %arg4[%squeeze3A_945, %dma_start3A_951, %dma_start3A_952] : memref<125000x8x64xf32, #tpu.memory_space<hbm>> -> memref<1x8x64xf32, #tpu.memory_space<hbm>>
      %dma_start3A_954 = tpu.memref_squeeze %dma_start3A_953 : memref<1x8x64xf32, #tpu.memory_space<hbm>> -> memref<8x64xf32, #tpu.memory_space<hbm>>
      %dma_start3A_955 = arith.constant 0 : i32
      %dma_start3A_956 = arith.constant 0 : i32
      %dma_start3A_957 = tpu.memref_slice %arg15[%dma_start3A_946, %dma_start3A_955, %dma_start3A_956] : memref<32x8x64xf32, #tpu.memory_space<vmem>> -> memref<1x8x64xf32, #tpu.memory_space<vmem>>
      %dma_start3A_958 = tpu.memref_squeeze %dma_start3A_957 : memref<1x8x64xf32, #tpu.memory_space<vmem>> -> memref<8x64xf32, #tpu.memory_space<vmem>>
      %dma_start3A_959 = arith.constant 0 : i32
      %dma_start3A_960 = arith.constant 0 : i32
      %dma_start3A_961 = tpu.memref_slice %arg4[%squeeze3A_945, %dma_start3A_959, %dma_start3A_960] : memref<125000x8x64xf32, #tpu.memory_space<hbm>> -> memref<1x8x64xf32, #tpu.memory_space<hbm>>
      %dma_start3A_962 = tpu.memref_squeeze %dma_start3A_961 : memref<1x8x64xf32, #tpu.memory_space<hbm>> -> memref<8x64xf32, #tpu.memory_space<hbm>>
      tpu.enqueue_dma source(%dma_start3A_962 : memref<8x64xf32, #tpu.memory_space<hbm>>) target(%dma_start3A_958 : memref<8x64xf32, #tpu.memory_space<vmem>>) target_semaphore(%arg20 : memref<!tpu.dma_semaphore, #tpu.memory_space<semaphore_mem>>)
      %slice3A_963 = vector.extract_strided_slice %get3A_753 {offsets = [5], sizes = [1], strides = [1]} : vector<16xi32> to vector<1xi32>
      %squeeze3A_964 = vector.extract %slice3A_963[0] : i32 from vector<1xi32>
      %dma_start3A_965 = arith.constant 21 : i32
      %dma_start3A_966 = arith.constant 0 : i32
      %dma_start3A_967 = arith.constant 0 : i32
      %dma_start3A_968 = tpu.memref_slice %arg16[%dma_start3A_965, %dma_start3A_966, %dma_start3A_967] : memref<32x8x64xf32, #tpu.memory_space<vmem>> -> memref<1x8x64xf32, #tpu.memory_space<vmem>>
      %dma_start3A_969 = tpu.memref_squeeze %dma_start3A_968 : memref<1x8x64xf32, #tpu.memory_space<vmem>> -> memref<8x64xf32, #tpu.memory_space<vmem>>
      %dma_start3A_970 = arith.constant 0 : i32
      %dma_start3A_971 = arith.constant 0 : i32
      %dma_start3A_972 = tpu.memref_slice %arg5[%squeeze3A_964, %dma_start3A_970, %dma_start3A_971] : memref<12500x8x64xf32, #tpu.memory_space<hbm>> -> memref<1x8x64xf32, #tpu.memory_space<hbm>>
      %dma_start3A_973 = tpu.memref_squeeze %dma_start3A_972 : memref<1x8x64xf32, #tpu.memory_space<hbm>> -> memref<8x64xf32, #tpu.memory_space<hbm>>
      %dma_start3A_974 = arith.constant 0 : i32
      %dma_start3A_975 = arith.constant 0 : i32
      %dma_start3A_976 = tpu.memref_slice %arg16[%dma_start3A_965, %dma_start3A_974, %dma_start3A_975] : memref<32x8x64xf32, #tpu.memory_space<vmem>> -> memref<1x8x64xf32, #tpu.memory_space<vmem>>
      %dma_start3A_977 = tpu.memref_squeeze %dma_start3A_976 : memref<1x8x64xf32, #tpu.memory_space<vmem>> -> memref<8x64xf32, #tpu.memory_space<vmem>>
      %dma_start3A_978 = arith.constant 0 : i32
      %dma_start3A_979 = arith.constant 0 : i32
      %dma_start3A_980 = tpu.memref_slice %arg5[%squeeze3A_964, %dma_start3A_978, %dma_start3A_979] : memref<12500x8x64xf32, #tpu.memory_space<hbm>> -> memref<1x8x64xf32, #tpu.memory_space<hbm>>
      %dma_start3A_981 = tpu.memref_squeeze %dma_start3A_980 : memref<1x8x64xf32, #tpu.memory_space<hbm>> -> memref<8x64xf32, #tpu.memory_space<hbm>>
      tpu.enqueue_dma source(%dma_start3A_981 : memref<8x64xf32, #tpu.memory_space<hbm>>) target(%dma_start3A_977 : memref<8x64xf32, #tpu.memory_space<vmem>>) target_semaphore(%arg21 : memref<!tpu.dma_semaphore, #tpu.memory_space<semaphore_mem>>)
      %slice3A_982 = vector.extract_strided_slice %get3A_749 {offsets = [6], sizes = [1], strides = [1]} : vector<16xi32> to vector<1xi32>
      %squeeze3A_983 = vector.extract %slice3A_982[0] : i32 from vector<1xi32>
      %dma_start3A_984 = arith.constant 22 : i32
      %dma_start3A_985 = arith.constant 0 : i32
      %dma_start3A_986 = arith.constant 0 : i32
      %dma_start3A_987 = tpu.memref_slice %arg15[%dma_start3A_984, %dma_start3A_985, %dma_start3A_986] : memref<32x8x64xf32, #tpu.memory_space<vmem>> -> memref<1x8x64xf32, #tpu.memory_space<vmem>>
      %dma_start3A_988 = tpu.memref_squeeze %dma_start3A_987 : memref<1x8x64xf32, #tpu.memory_space<vmem>> -> memref<8x64xf32, #tpu.memory_space<vmem>>
      %dma_start3A_989 = arith.constant 0 : i32
      %dma_start3A_990 = arith.constant 0 : i32
      %dma_start3A_991 = tpu.memref_slice %arg4[%squeeze3A_983, %dma_start3A_989, %dma_start3A_990] : memref<125000x8x64xf32, #tpu.memory_space<hbm>> -> memref<1x8x64xf32, #tpu.memory_space<hbm>>
      %dma_start3A_992 = tpu.memref_squeeze %dma_start3A_991 : memref<1x8x64xf32, #tpu.memory_space<hbm>> -> memref<8x64xf32, #tpu.memory_space<hbm>>
      %dma_start3A_993 = arith.constant 0 : i32
      %dma_start3A_994 = arith.constant 0 : i32
      %dma_start3A_995 = tpu.memref_slice %arg15[%dma_start3A_984, %dma_start3A_993, %dma_start3A_994] : memref<32x8x64xf32, #tpu.memory_space<vmem>> -> memref<1x8x64xf32, #tpu.memory_space<vmem>>
      %dma_start3A_996 = tpu.memref_squeeze %dma_start3A_995 : memref<1x8x64xf32, #tpu.memory_space<vmem>> -> memref<8x64xf32, #tpu.memory_space<vmem>>
      %dma_start3A_997 = arith.constant 0 : i32
      %dma_start3A_998 = arith.constant 0 : i32
      %dma_start3A_999 = tpu.memref_slice %arg4[%squeeze3A_983, %dma_start3A_997, %dma_start3A_998] : memref<125000x8x64xf32, #tpu.memory_space<hbm>> -> memref<1x8x64xf32, #tpu.memory_space<hbm>>
      %dma_start3A_1000 = tpu.memref_squeeze %dma_start3A_999 : memref<1x8x64xf32, #tpu.memory_space<hbm>> -> memref<8x64xf32, #tpu.memory_space<hbm>>
      tpu.enqueue_dma source(%dma_start3A_1000 : memref<8x64xf32, #tpu.memory_space<hbm>>) target(%dma_start3A_996 : memref<8x64xf32, #tpu.memory_space<vmem>>) target_semaphore(%arg20 : memref<!tpu.dma_semaphore, #tpu.memory_space<semaphore_mem>>)
      %slice3A_1001 = vector.extract_strided_slice %get3A_753 {offsets = [6], sizes = [1], strides = [1]} : vector<16xi32> to vector<1xi32>
      %squeeze3A_1002 = vector.extract %slice3A_1001[0] : i32 from vector<1xi32>
      %dma_start3A_1003 = arith.constant 22 : i32
      %dma_start3A_1004 = arith.constant 0 : i32
      %dma_start3A_1005 = arith.constant 0 : i32
      %dma_start3A_1006 = tpu.memref_slice %arg16[%dma_start3A_1003, %dma_start3A_1004, %dma_start3A_1005] : memref<32x8x64xf32, #tpu.memory_space<vmem>> -> memref<1x8x64xf32, #tpu.memory_space<vmem>>
      %dma_start3A_1007 = tpu.memref_squeeze %dma_start3A_1006 : memref<1x8x64xf32, #tpu.memory_space<vmem>> -> memref<8x64xf32, #tpu.memory_space<vmem>>
      %dma_start3A_1008 = arith.constant 0 : i32
      %dma_start3A_1009 = arith.constant 0 : i32
      %dma_start3A_1010 = tpu.memref_slice %arg5[%squeeze3A_1002, %dma_start3A_1008, %dma_start3A_1009] : memref<12500x8x64xf32, #tpu.memory_space<hbm>> -> memref<1x8x64xf32, #tpu.memory_space<hbm>>
      %dma_start3A_1011 = tpu.memref_squeeze %dma_start3A_1010 : memref<1x8x64xf32, #tpu.memory_space<hbm>> -> memref<8x64xf32, #tpu.memory_space<hbm>>
      %dma_start3A_1012 = arith.constant 0 : i32
      %dma_start3A_1013 = arith.constant 0 : i32
      %dma_start3A_1014 = tpu.memref_slice %arg16[%dma_start3A_1003, %dma_start3A_1012, %dma_start3A_1013] : memref<32x8x64xf32, #tpu.memory_space<vmem>> -> memref<1x8x64xf32, #tpu.memory_space<vmem>>
      %dma_start3A_1015 = tpu.memref_squeeze %dma_start3A_1014 : memref<1x8x64xf32, #tpu.memory_space<vmem>> -> memref<8x64xf32, #tpu.memory_space<vmem>>
      %dma_start3A_1016 = arith.constant 0 : i32
      %dma_start3A_1017 = arith.constant 0 : i32
      %dma_start3A_1018 = tpu.memref_slice %arg5[%squeeze3A_1002, %dma_start3A_1016, %dma_start3A_1017] : memref<12500x8x64xf32, #tpu.memory_space<hbm>> -> memref<1x8x64xf32, #tpu.memory_space<hbm>>
      %dma_start3A_1019 = tpu.memref_squeeze %dma_start3A_1018 : memref<1x8x64xf32, #tpu.memory_space<hbm>> -> memref<8x64xf32, #tpu.memory_space<hbm>>
      tpu.enqueue_dma source(%dma_start3A_1019 : memref<8x64xf32, #tpu.memory_space<hbm>>) target(%dma_start3A_1015 : memref<8x64xf32, #tpu.memory_space<vmem>>) target_semaphore(%arg21 : memref<!tpu.dma_semaphore, #tpu.memory_space<semaphore_mem>>)
      %slice3A_1020 = vector.extract_strided_slice %get3A_749 {offsets = [7], sizes = [1], strides = [1]} : vector<16xi32> to vector<1xi32>
      %squeeze3A_1021 = vector.extract %slice3A_1020[0] : i32 from vector<1xi32>
      %dma_start3A_1022 = arith.constant 23 : i32
      %dma_start3A_1023 = arith.constant 0 : i32
      %dma_start3A_1024 = arith.constant 0 : i32
      %dma_start3A_1025 = tpu.memref_slice %arg15[%dma_start3A_1022, %dma_start3A_1023, %dma_start3A_1024] : memref<32x8x64xf32, #tpu.memory_space<vmem>> -> memref<1x8x64xf32, #tpu.memory_space<vmem>>
      %dma_start3A_1026 = tpu.memref_squeeze %dma_start3A_1025 : memref<1x8x64xf32, #tpu.memory_space<vmem>> -> memref<8x64xf32, #tpu.memory_space<vmem>>
      %dma_start3A_1027 = arith.constant 0 : i32
      %dma_start3A_1028 = arith.constant 0 : i32
      %dma_start3A_1029 = tpu.memref_slice %arg4[%squeeze3A_1021, %dma_start3A_1027, %dma_start3A_1028] : memref<125000x8x64xf32, #tpu.memory_space<hbm>> -> memref<1x8x64xf32, #tpu.memory_space<hbm>>
      %dma_start3A_1030 = tpu.memref_squeeze %dma_start3A_1029 : memref<1x8x64xf32, #tpu.memory_space<hbm>> -> memref<8x64xf32, #tpu.memory_space<hbm>>
      %dma_start3A_1031 = arith.constant 0 : i32
      %dma_start3A_1032 = arith.constant 0 : i32
      %dma_start3A_1033 = tpu.memref_slice %arg15[%dma_start3A_1022, %dma_start3A_1031, %dma_start3A_1032] : memref<32x8x64xf32, #tpu.memory_space<vmem>> -> memref<1x8x64xf32, #tpu.memory_space<vmem>>
      %dma_start3A_1034 = tpu.memref_squeeze %dma_start3A_1033 : memref<1x8x64xf32, #tpu.memory_space<vmem>> -> memref<8x64xf32, #tpu.memory_space<vmem>>
      %dma_start3A_1035 = arith.constant 0 : i32
      %dma_start3A_1036 = arith.constant 0 : i32
      %dma_start3A_1037 = tpu.memref_slice %arg4[%squeeze3A_1021, %dma_start3A_1035, %dma_start3A_1036] : memref<125000x8x64xf32, #tpu.memory_space<hbm>> -> memref<1x8x64xf32, #tpu.memory_space<hbm>>
      %dma_start3A_1038 = tpu.memref_squeeze %dma_start3A_1037 : memref<1x8x64xf32, #tpu.memory_space<hbm>> -> memref<8x64xf32, #tpu.memory_space<hbm>>
      tpu.enqueue_dma source(%dma_start3A_1038 : memref<8x64xf32, #tpu.memory_space<hbm>>) target(%dma_start3A_1034 : memref<8x64xf32, #tpu.memory_space<vmem>>) target_semaphore(%arg20 : memref<!tpu.dma_semaphore, #tpu.memory_space<semaphore_mem>>)
      %slice3A_1039 = vector.extract_strided_slice %get3A_753 {offsets = [7], sizes = [1], strides = [1]} : vector<16xi32> to vector<1xi32>
      %squeeze3A_1040 = vector.extract %slice3A_1039[0] : i32 from vector<1xi32>
      %dma_start3A_1041 = arith.constant 23 : i32
      %dma_start3A_1042 = arith.constant 0 : i32
      %dma_start3A_1043 = arith.constant 0 : i32
      %dma_start3A_1044 = tpu.memref_slice %arg16[%dma_start3A_1041, %dma_start3A_1042, %dma_start3A_1043] : memref<32x8x64xf32, #tpu.memory_space<vmem>> -> memref<1x8x64xf32, #tpu.memory_space<vmem>>
      %dma_start3A_1045 = tpu.memref_squeeze %dma_start3A_1044 : memref<1x8x64xf32, #tpu.memory_space<vmem>> -> memref<8x64xf32, #tpu.memory_space<vmem>>
      %dma_start3A_1046 = arith.constant 0 : i32
      %dma_start3A_1047 = arith.constant 0 : i32
      %dma_start3A_1048 = tpu.memref_slice %arg5[%squeeze3A_1040, %dma_start3A_1046, %dma_start3A_1047] : memref<12500x8x64xf32, #tpu.memory_space<hbm>> -> memref<1x8x64xf32, #tpu.memory_space<hbm>>
      %dma_start3A_1049 = tpu.memref_squeeze %dma_start3A_1048 : memref<1x8x64xf32, #tpu.memory_space<hbm>> -> memref<8x64xf32, #tpu.memory_space<hbm>>
      %dma_start3A_1050 = arith.constant 0 : i32
      %dma_start3A_1051 = arith.constant 0 : i32
      %dma_start3A_1052 = tpu.memref_slice %arg16[%dma_start3A_1041, %dma_start3A_1050, %dma_start3A_1051] : memref<32x8x64xf32, #tpu.memory_space<vmem>> -> memref<1x8x64xf32, #tpu.memory_space<vmem>>
      %dma_start3A_1053 = tpu.memref_squeeze %dma_start3A_1052 : memref<1x8x64xf32, #tpu.memory_space<vmem>> -> memref<8x64xf32, #tpu.memory_space<vmem>>
      %dma_start3A_1054 = arith.constant 0 : i32
      %dma_start3A_1055 = arith.constant 0 : i32
      %dma_start3A_1056 = tpu.memref_slice %arg5[%squeeze3A_1040, %dma_start3A_1054, %dma_start3A_1055] : memref<12500x8x64xf32, #tpu.memory_space<hbm>> -> memref<1x8x64xf32, #tpu.memory_space<hbm>>
      %dma_start3A_1057 = tpu.memref_squeeze %dma_start3A_1056 : memref<1x8x64xf32, #tpu.memory_space<hbm>> -> memref<8x64xf32, #tpu.memory_space<hbm>>
      tpu.enqueue_dma source(%dma_start3A_1057 : memref<8x64xf32, #tpu.memory_space<hbm>>) target(%dma_start3A_1053 : memref<8x64xf32, #tpu.memory_space<vmem>>) target_semaphore(%arg21 : memref<!tpu.dma_semaphore, #tpu.memory_space<semaphore_mem>>)
      %slice3A_1058 = vector.extract_strided_slice %get3A_749 {offsets = [8], sizes = [1], strides = [1]} : vector<16xi32> to vector<1xi32>
      %squeeze3A_1059 = vector.extract %slice3A_1058[0] : i32 from vector<1xi32>
      %dma_start3A_1060 = arith.constant 24 : i32
      %dma_start3A_1061 = arith.constant 0 : i32
      %dma_start3A_1062 = arith.constant 0 : i32
      %dma_start3A_1063 = tpu.memref_slice %arg15[%dma_start3A_1060, %dma_start3A_1061, %dma_start3A_1062] : memref<32x8x64xf32, #tpu.memory_space<vmem>> -> memref<1x8x64xf32, #tpu.memory_space<vmem>>
      %dma_start3A_1064 = tpu.memref_squeeze %dma_start3A_1063 : memref<1x8x64xf32, #tpu.memory_space<vmem>> -> memref<8x64xf32, #tpu.memory_space<vmem>>
      %dma_start3A_1065 = arith.constant 0 : i32
      %dma_start3A_1066 = arith.constant 0 : i32
      %dma_start3A_1067 = tpu.memref_slice %arg4[%squeeze3A_1059, %dma_start3A_1065, %dma_start3A_1066] : memref<125000x8x64xf32, #tpu.memory_space<hbm>> -> memref<1x8x64xf32, #tpu.memory_space<hbm>>
      %dma_start3A_1068 = tpu.memref_squeeze %dma_start3A_1067 : memref<1x8x64xf32, #tpu.memory_space<hbm>> -> memref<8x64xf32, #tpu.memory_space<hbm>>
      %dma_start3A_1069 = arith.constant 0 : i32
      %dma_start3A_1070 = arith.constant 0 : i32
      %dma_start3A_1071 = tpu.memref_slice %arg15[%dma_start3A_1060, %dma_start3A_1069, %dma_start3A_1070] : memref<32x8x64xf32, #tpu.memory_space<vmem>> -> memref<1x8x64xf32, #tpu.memory_space<vmem>>
      %dma_start3A_1072 = tpu.memref_squeeze %dma_start3A_1071 : memref<1x8x64xf32, #tpu.memory_space<vmem>> -> memref<8x64xf32, #tpu.memory_space<vmem>>
      %dma_start3A_1073 = arith.constant 0 : i32
      %dma_start3A_1074 = arith.constant 0 : i32
      %dma_start3A_1075 = tpu.memref_slice %arg4[%squeeze3A_1059, %dma_start3A_1073, %dma_start3A_1074] : memref<125000x8x64xf32, #tpu.memory_space<hbm>> -> memref<1x8x64xf32, #tpu.memory_space<hbm>>
      %dma_start3A_1076 = tpu.memref_squeeze %dma_start3A_1075 : memref<1x8x64xf32, #tpu.memory_space<hbm>> -> memref<8x64xf32, #tpu.memory_space<hbm>>
      tpu.enqueue_dma source(%dma_start3A_1076 : memref<8x64xf32, #tpu.memory_space<hbm>>) target(%dma_start3A_1072 : memref<8x64xf32, #tpu.memory_space<vmem>>) target_semaphore(%arg20 : memref<!tpu.dma_semaphore, #tpu.memory_space<semaphore_mem>>)
      %slice3A_1077 = vector.extract_strided_slice %get3A_753 {offsets = [8], sizes = [1], strides = [1]} : vector<16xi32> to vector<1xi32>
      %squeeze3A_1078 = vector.extract %slice3A_1077[0] : i32 from vector<1xi32>
      %dma_start3A_1079 = arith.constant 24 : i32
      %dma_start3A_1080 = arith.constant 0 : i32
      %dma_start3A_1081 = arith.constant 0 : i32
      %dma_start3A_1082 = tpu.memref_slice %arg16[%dma_start3A_1079, %dma_start3A_1080, %dma_start3A_1081] : memref<32x8x64xf32, #tpu.memory_space<vmem>> -> memref<1x8x64xf32, #tpu.memory_space<vmem>>
      %dma_start3A_1083 = tpu.memref_squeeze %dma_start3A_1082 : memref<1x8x64xf32, #tpu.memory_space<vmem>> -> memref<8x64xf32, #tpu.memory_space<vmem>>
      %dma_start3A_1084 = arith.constant 0 : i32
      %dma_start3A_1085 = arith.constant 0 : i32
      %dma_start3A_1086 = tpu.memref_slice %arg5[%squeeze3A_1078, %dma_start3A_1084, %dma_start3A_1085] : memref<12500x8x64xf32, #tpu.memory_space<hbm>> -> memref<1x8x64xf32, #tpu.memory_space<hbm>>
      %dma_start3A_1087 = tpu.memref_squeeze %dma_start3A_1086 : memref<1x8x64xf32, #tpu.memory_space<hbm>> -> memref<8x64xf32, #tpu.memory_space<hbm>>
      %dma_start3A_1088 = arith.constant 0 : i32
      %dma_start3A_1089 = arith.constant 0 : i32
      %dma_start3A_1090 = tpu.memref_slice %arg16[%dma_start3A_1079, %dma_start3A_1088, %dma_start3A_1089] : memref<32x8x64xf32, #tpu.memory_space<vmem>> -> memref<1x8x64xf32, #tpu.memory_space<vmem>>
      %dma_start3A_1091 = tpu.memref_squeeze %dma_start3A_1090 : memref<1x8x64xf32, #tpu.memory_space<vmem>> -> memref<8x64xf32, #tpu.memory_space<vmem>>
      %dma_start3A_1092 = arith.constant 0 : i32
      %dma_start3A_1093 = arith.constant 0 : i32
      %dma_start3A_1094 = tpu.memref_slice %arg5[%squeeze3A_1078, %dma_start3A_1092, %dma_start3A_1093] : memref<12500x8x64xf32, #tpu.memory_space<hbm>> -> memref<1x8x64xf32, #tpu.memory_space<hbm>>
      %dma_start3A_1095 = tpu.memref_squeeze %dma_start3A_1094 : memref<1x8x64xf32, #tpu.memory_space<hbm>> -> memref<8x64xf32, #tpu.memory_space<hbm>>
      tpu.enqueue_dma source(%dma_start3A_1095 : memref<8x64xf32, #tpu.memory_space<hbm>>) target(%dma_start3A_1091 : memref<8x64xf32, #tpu.memory_space<vmem>>) target_semaphore(%arg21 : memref<!tpu.dma_semaphore, #tpu.memory_space<semaphore_mem>>)
      %slice3A_1096 = vector.extract_strided_slice %get3A_749 {offsets = [9], sizes = [1], strides = [1]} : vector<16xi32> to vector<1xi32>
      %squeeze3A_1097 = vector.extract %slice3A_1096[0] : i32 from vector<1xi32>
      %dma_start3A_1098 = arith.constant 25 : i32
      %dma_start3A_1099 = arith.constant 0 : i32
      %dma_start3A_1100 = arith.constant 0 : i32
      %dma_start3A_1101 = tpu.memref_slice %arg15[%dma_start3A_1098, %dma_start3A_1099, %dma_start3A_1100] : memref<32x8x64xf32, #tpu.memory_space<vmem>> -> memref<1x8x64xf32, #tpu.memory_space<vmem>>
      %dma_start3A_1102 = tpu.memref_squeeze %dma_start3A_1101 : memref<1x8x64xf32, #tpu.memory_space<vmem>> -> memref<8x64xf32, #tpu.memory_space<vmem>>
      %dma_start3A_1103 = arith.constant 0 : i32
      %dma_start3A_1104 = arith.constant 0 : i32
      %dma_start3A_1105 = tpu.memref_slice %arg4[%squeeze3A_1097, %dma_start3A_1103, %dma_start3A_1104] : memref<125000x8x64xf32, #tpu.memory_space<hbm>> -> memref<1x8x64xf32, #tpu.memory_space<hbm>>
      %dma_start3A_1106 = tpu.memref_squeeze %dma_start3A_1105 : memref<1x8x64xf32, #tpu.memory_space<hbm>> -> memref<8x64xf32, #tpu.memory_space<hbm>>
      %dma_start3A_1107 = arith.constant 0 : i32
      %dma_start3A_1108 = arith.constant 0 : i32
      %dma_start3A_1109 = tpu.memref_slice %arg15[%dma_start3A_1098, %dma_start3A_1107, %dma_start3A_1108] : memref<32x8x64xf32, #tpu.memory_space<vmem>> -> memref<1x8x64xf32, #tpu.memory_space<vmem>>
      %dma_start3A_1110 = tpu.memref_squeeze %dma_start3A_1109 : memref<1x8x64xf32, #tpu.memory_space<vmem>> -> memref<8x64xf32, #tpu.memory_space<vmem>>
      %dma_start3A_1111 = arith.constant 0 : i32
      %dma_start3A_1112 = arith.constant 0 : i32
      %dma_start3A_1113 = tpu.memref_slice %arg4[%squeeze3A_1097, %dma_start3A_1111, %dma_start3A_1112] : memref<125000x8x64xf32, #tpu.memory_space<hbm>> -> memref<1x8x64xf32, #tpu.memory_space<hbm>>
      %dma_start3A_1114 = tpu.memref_squeeze %dma_start3A_1113 : memref<1x8x64xf32, #tpu.memory_space<hbm>> -> memref<8x64xf32, #tpu.memory_space<hbm>>
      tpu.enqueue_dma source(%dma_start3A_1114 : memref<8x64xf32, #tpu.memory_space<hbm>>) target(%dma_start3A_1110 : memref<8x64xf32, #tpu.memory_space<vmem>>) target_semaphore(%arg20 : memref<!tpu.dma_semaphore, #tpu.memory_space<semaphore_mem>>)
      %slice3A_1115 = vector.extract_strided_slice %get3A_753 {offsets = [9], sizes = [1], strides = [1]} : vector<16xi32> to vector<1xi32>
      %squeeze3A_1116 = vector.extract %slice3A_1115[0] : i32 from vector<1xi32>
      %dma_start3A_1117 = arith.constant 25 : i32
      %dma_start3A_1118 = arith.constant 0 : i32
      %dma_start3A_1119 = arith.constant 0 : i32
      %dma_start3A_1120 = tpu.memref_slice %arg16[%dma_start3A_1117, %dma_start3A_1118, %dma_start3A_1119] : memref<32x8x64xf32, #tpu.memory_space<vmem>> -> memref<1x8x64xf32, #tpu.memory_space<vmem>>
      %dma_start3A_1121 = tpu.memref_squeeze %dma_start3A_1120 : memref<1x8x64xf32, #tpu.memory_space<vmem>> -> memref<8x64xf32, #tpu.memory_space<vmem>>
      %dma_start3A_1122 = arith.constant 0 : i32
      %dma_start3A_1123 = arith.constant 0 : i32
      %dma_start3A_1124 = tpu.memref_slice %arg5[%squeeze3A_1116, %dma_start3A_1122, %dma_start3A_1123] : memref<12500x8x64xf32, #tpu.memory_space<hbm>> -> memref<1x8x64xf32, #tpu.memory_space<hbm>>
      %dma_start3A_1125 = tpu.memref_squeeze %dma_start3A_1124 : memref<1x8x64xf32, #tpu.memory_space<hbm>> -> memref<8x64xf32, #tpu.memory_space<hbm>>
      %dma_start3A_1126 = arith.constant 0 : i32
      %dma_start3A_1127 = arith.constant 0 : i32
      %dma_start3A_1128 = tpu.memref_slice %arg16[%dma_start3A_1117, %dma_start3A_1126, %dma_start3A_1127] : memref<32x8x64xf32, #tpu.memory_space<vmem>> -> memref<1x8x64xf32, #tpu.memory_space<vmem>>
      %dma_start3A_1129 = tpu.memref_squeeze %dma_start3A_1128 : memref<1x8x64xf32, #tpu.memory_space<vmem>> -> memref<8x64xf32, #tpu.memory_space<vmem>>
      %dma_start3A_1130 = arith.constant 0 : i32
      %dma_start3A_1131 = arith.constant 0 : i32
      %dma_start3A_1132 = tpu.memref_slice %arg5[%squeeze3A_1116, %dma_start3A_1130, %dma_start3A_1131] : memref<12500x8x64xf32, #tpu.memory_space<hbm>> -> memref<1x8x64xf32, #tpu.memory_space<hbm>>
      %dma_start3A_1133 = tpu.memref_squeeze %dma_start3A_1132 : memref<1x8x64xf32, #tpu.memory_space<hbm>> -> memref<8x64xf32, #tpu.memory_space<hbm>>
      tpu.enqueue_dma source(%dma_start3A_1133 : memref<8x64xf32, #tpu.memory_space<hbm>>) target(%dma_start3A_1129 : memref<8x64xf32, #tpu.memory_space<vmem>>) target_semaphore(%arg21 : memref<!tpu.dma_semaphore, #tpu.memory_space<semaphore_mem>>)
      %slice3A_1134 = vector.extract_strided_slice %get3A_749 {offsets = [10], sizes = [1], strides = [1]} : vector<16xi32> to vector<1xi32>
      %squeeze3A_1135 = vector.extract %slice3A_1134[0] : i32 from vector<1xi32>
      %dma_start3A_1136 = arith.constant 26 : i32
      %dma_start3A_1137 = arith.constant 0 : i32
      %dma_start3A_1138 = arith.constant 0 : i32
      %dma_start3A_1139 = tpu.memref_slice %arg15[%dma_start3A_1136, %dma_start3A_1137, %dma_start3A_1138] : memref<32x8x64xf32, #tpu.memory_space<vmem>> -> memref<1x8x64xf32, #tpu.memory_space<vmem>>
      %dma_start3A_1140 = tpu.memref_squeeze %dma_start3A_1139 : memref<1x8x64xf32, #tpu.memory_space<vmem>> -> memref<8x64xf32, #tpu.memory_space<vmem>>
      %dma_start3A_1141 = arith.constant 0 : i32
      %dma_start3A_1142 = arith.constant 0 : i32
      %dma_start3A_1143 = tpu.memref_slice %arg4[%squeeze3A_1135, %dma_start3A_1141, %dma_start3A_1142] : memref<125000x8x64xf32, #tpu.memory_space<hbm>> -> memref<1x8x64xf32, #tpu.memory_space<hbm>>
      %dma_start3A_1144 = tpu.memref_squeeze %dma_start3A_1143 : memref<1x8x64xf32, #tpu.memory_space<hbm>> -> memref<8x64xf32, #tpu.memory_space<hbm>>
      %dma_start3A_1145 = arith.constant 0 : i32
      %dma_start3A_1146 = arith.constant 0 : i32
      %dma_start3A_1147 = tpu.memref_slice %arg15[%dma_start3A_1136, %dma_start3A_1145, %dma_start3A_1146] : memref<32x8x64xf32, #tpu.memory_space<vmem>> -> memref<1x8x64xf32, #tpu.memory_space<vmem>>
      %dma_start3A_1148 = tpu.memref_squeeze %dma_start3A_1147 : memref<1x8x64xf32, #tpu.memory_space<vmem>> -> memref<8x64xf32, #tpu.memory_space<vmem>>
      %dma_start3A_1149 = arith.constant 0 : i32
      %dma_start3A_1150 = arith.constant 0 : i32
      %dma_start3A_1151 = tpu.memref_slice %arg4[%squeeze3A_1135, %dma_start3A_1149, %dma_start3A_1150] : memref<125000x8x64xf32, #tpu.memory_space<hbm>> -> memref<1x8x64xf32, #tpu.memory_space<hbm>>
      %dma_start3A_1152 = tpu.memref_squeeze %dma_start3A_1151 : memref<1x8x64xf32, #tpu.memory_space<hbm>> -> memref<8x64xf32, #tpu.memory_space<hbm>>
      tpu.enqueue_dma source(%dma_start3A_1152 : memref<8x64xf32, #tpu.memory_space<hbm>>) target(%dma_start3A_1148 : memref<8x64xf32, #tpu.memory_space<vmem>>) target_semaphore(%arg20 : memref<!tpu.dma_semaphore, #tpu.memory_space<semaphore_mem>>)
      %slice3A_1153 = vector.extract_strided_slice %get3A_753 {offsets = [10], sizes = [1], strides = [1]} : vector<16xi32> to vector<1xi32>
      %squeeze3A_1154 = vector.extract %slice3A_1153[0] : i32 from vector<1xi32>
      %dma_start3A_1155 = arith.constant 26 : i32
      %dma_start3A_1156 = arith.constant 0 : i32
      %dma_start3A_1157 = arith.constant 0 : i32
      %dma_start3A_1158 = tpu.memref_slice %arg16[%dma_start3A_1155, %dma_start3A_1156, %dma_start3A_1157] : memref<32x8x64xf32, #tpu.memory_space<vmem>> -> memref<1x8x64xf32, #tpu.memory_space<vmem>>
      %dma_start3A_1159 = tpu.memref_squeeze %dma_start3A_1158 : memref<1x8x64xf32, #tpu.memory_space<vmem>> -> memref<8x64xf32, #tpu.memory_space<vmem>>
      %dma_start3A_1160 = arith.constant 0 : i32
      %dma_start3A_1161 = arith.constant 0 : i32
      %dma_start3A_1162 = tpu.memref_slice %arg5[%squeeze3A_1154, %dma_start3A_1160, %dma_start3A_1161] : memref<12500x8x64xf32, #tpu.memory_space<hbm>> -> memref<1x8x64xf32, #tpu.memory_space<hbm>>
      %dma_start3A_1163 = tpu.memref_squeeze %dma_start3A_1162 : memref<1x8x64xf32, #tpu.memory_space<hbm>> -> memref<8x64xf32, #tpu.memory_space<hbm>>
      %dma_start3A_1164 = arith.constant 0 : i32
      %dma_start3A_1165 = arith.constant 0 : i32
      %dma_start3A_1166 = tpu.memref_slice %arg16[%dma_start3A_1155, %dma_start3A_1164, %dma_start3A_1165] : memref<32x8x64xf32, #tpu.memory_space<vmem>> -> memref<1x8x64xf32, #tpu.memory_space<vmem>>
      %dma_start3A_1167 = tpu.memref_squeeze %dma_start3A_1166 : memref<1x8x64xf32, #tpu.memory_space<vmem>> -> memref<8x64xf32, #tpu.memory_space<vmem>>
      %dma_start3A_1168 = arith.constant 0 : i32
      %dma_start3A_1169 = arith.constant 0 : i32
      %dma_start3A_1170 = tpu.memref_slice %arg5[%squeeze3A_1154, %dma_start3A_1168, %dma_start3A_1169] : memref<12500x8x64xf32, #tpu.memory_space<hbm>> -> memref<1x8x64xf32, #tpu.memory_space<hbm>>
      %dma_start3A_1171 = tpu.memref_squeeze %dma_start3A_1170 : memref<1x8x64xf32, #tpu.memory_space<hbm>> -> memref<8x64xf32, #tpu.memory_space<hbm>>
      tpu.enqueue_dma source(%dma_start3A_1171 : memref<8x64xf32, #tpu.memory_space<hbm>>) target(%dma_start3A_1167 : memref<8x64xf32, #tpu.memory_space<vmem>>) target_semaphore(%arg21 : memref<!tpu.dma_semaphore, #tpu.memory_space<semaphore_mem>>)
      %slice3A_1172 = vector.extract_strided_slice %get3A_749 {offsets = [11], sizes = [1], strides = [1]} : vector<16xi32> to vector<1xi32>
      %squeeze3A_1173 = vector.extract %slice3A_1172[0] : i32 from vector<1xi32>
      %dma_start3A_1174 = arith.constant 27 : i32
      %dma_start3A_1175 = arith.constant 0 : i32
      %dma_start3A_1176 = arith.constant 0 : i32
      %dma_start3A_1177 = tpu.memref_slice %arg15[%dma_start3A_1174, %dma_start3A_1175, %dma_start3A_1176] : memref<32x8x64xf32, #tpu.memory_space<vmem>> -> memref<1x8x64xf32, #tpu.memory_space<vmem>>
      %dma_start3A_1178 = tpu.memref_squeeze %dma_start3A_1177 : memref<1x8x64xf32, #tpu.memory_space<vmem>> -> memref<8x64xf32, #tpu.memory_space<vmem>>
      %dma_start3A_1179 = arith.constant 0 : i32
      %dma_start3A_1180 = arith.constant 0 : i32
      %dma_start3A_1181 = tpu.memref_slice %arg4[%squeeze3A_1173, %dma_start3A_1179, %dma_start3A_1180] : memref<125000x8x64xf32, #tpu.memory_space<hbm>> -> memref<1x8x64xf32, #tpu.memory_space<hbm>>
      %dma_start3A_1182 = tpu.memref_squeeze %dma_start3A_1181 : memref<1x8x64xf32, #tpu.memory_space<hbm>> -> memref<8x64xf32, #tpu.memory_space<hbm>>
      %dma_start3A_1183 = arith.constant 0 : i32
      %dma_start3A_1184 = arith.constant 0 : i32
      %dma_start3A_1185 = tpu.memref_slice %arg15[%dma_start3A_1174, %dma_start3A_1183, %dma_start3A_1184] : memref<32x8x64xf32, #tpu.memory_space<vmem>> -> memref<1x8x64xf32, #tpu.memory_space<vmem>>
      %dma_start3A_1186 = tpu.memref_squeeze %dma_start3A_1185 : memref<1x8x64xf32, #tpu.memory_space<vmem>> -> memref<8x64xf32, #tpu.memory_space<vmem>>
      %dma_start3A_1187 = arith.constant 0 : i32
      %dma_start3A_1188 = arith.constant 0 : i32
      %dma_start3A_1189 = tpu.memref_slice %arg4[%squeeze3A_1173, %dma_start3A_1187, %dma_start3A_1188] : memref<125000x8x64xf32, #tpu.memory_space<hbm>> -> memref<1x8x64xf32, #tpu.memory_space<hbm>>
      %dma_start3A_1190 = tpu.memref_squeeze %dma_start3A_1189 : memref<1x8x64xf32, #tpu.memory_space<hbm>> -> memref<8x64xf32, #tpu.memory_space<hbm>>
      tpu.enqueue_dma source(%dma_start3A_1190 : memref<8x64xf32, #tpu.memory_space<hbm>>) target(%dma_start3A_1186 : memref<8x64xf32, #tpu.memory_space<vmem>>) target_semaphore(%arg20 : memref<!tpu.dma_semaphore, #tpu.memory_space<semaphore_mem>>)
      %slice3A_1191 = vector.extract_strided_slice %get3A_753 {offsets = [11], sizes = [1], strides = [1]} : vector<16xi32> to vector<1xi32>
      %squeeze3A_1192 = vector.extract %slice3A_1191[0] : i32 from vector<1xi32>
      %dma_start3A_1193 = arith.constant 27 : i32
      %dma_start3A_1194 = arith.constant 0 : i32
      %dma_start3A_1195 = arith.constant 0 : i32
      %dma_start3A_1196 = tpu.memref_slice %arg16[%dma_start3A_1193, %dma_start3A_1194, %dma_start3A_1195] : memref<32x8x64xf32, #tpu.memory_space<vmem>> -> memref<1x8x64xf32, #tpu.memory_space<vmem>>
      %dma_start3A_1197 = tpu.memref_squeeze %dma_start3A_1196 : memref<1x8x64xf32, #tpu.memory_space<vmem>> -> memref<8x64xf32, #tpu.memory_space<vmem>>
      %dma_start3A_1198 = arith.constant 0 : i32
      %dma_start3A_1199 = arith.constant 0 : i32
      %dma_start3A_1200 = tpu.memref_slice %arg5[%squeeze3A_1192, %dma_start3A_1198, %dma_start3A_1199] : memref<12500x8x64xf32, #tpu.memory_space<hbm>> -> memref<1x8x64xf32, #tpu.memory_space<hbm>>
      %dma_start3A_1201 = tpu.memref_squeeze %dma_start3A_1200 : memref<1x8x64xf32, #tpu.memory_space<hbm>> -> memref<8x64xf32, #tpu.memory_space<hbm>>
      %dma_start3A_1202 = arith.constant 0 : i32
      %dma_start3A_1203 = arith.constant 0 : i32
      %dma_start3A_1204 = tpu.memref_slice %arg16[%dma_start3A_1193, %dma_start3A_1202, %dma_start3A_1203] : memref<32x8x64xf32, #tpu.memory_space<vmem>> -> memref<1x8x64xf32, #tpu.memory_space<vmem>>
      %dma_start3A_1205 = tpu.memref_squeeze %dma_start3A_1204 : memref<1x8x64xf32, #tpu.memory_space<vmem>> -> memref<8x64xf32, #tpu.memory_space<vmem>>
      %dma_start3A_1206 = arith.constant 0 : i32
      %dma_start3A_1207 = arith.constant 0 : i32
      %dma_start3A_1208 = tpu.memref_slice %arg5[%squeeze3A_1192, %dma_start3A_1206, %dma_start3A_1207] : memref<12500x8x64xf32, #tpu.memory_space<hbm>> -> memref<1x8x64xf32, #tpu.memory_space<hbm>>
      %dma_start3A_1209 = tpu.memref_squeeze %dma_start3A_1208 : memref<1x8x64xf32, #tpu.memory_space<hbm>> -> memref<8x64xf32, #tpu.memory_space<hbm>>
      tpu.enqueue_dma source(%dma_start3A_1209 : memref<8x64xf32, #tpu.memory_space<hbm>>) target(%dma_start3A_1205 : memref<8x64xf32, #tpu.memory_space<vmem>>) target_semaphore(%arg21 : memref<!tpu.dma_semaphore, #tpu.memory_space<semaphore_mem>>)
      %slice3A_1210 = vector.extract_strided_slice %get3A_749 {offsets = [12], sizes = [1], strides = [1]} : vector<16xi32> to vector<1xi32>
      %squeeze3A_1211 = vector.extract %slice3A_1210[0] : i32 from vector<1xi32>
      %dma_start3A_1212 = arith.constant 28 : i32
      %dma_start3A_1213 = arith.constant 0 : i32
      %dma_start3A_1214 = arith.constant 0 : i32
      %dma_start3A_1215 = tpu.memref_slice %arg15[%dma_start3A_1212, %dma_start3A_1213, %dma_start3A_1214] : memref<32x8x64xf32, #tpu.memory_space<vmem>> -> memref<1x8x64xf32, #tpu.memory_space<vmem>>
      %dma_start3A_1216 = tpu.memref_squeeze %dma_start3A_1215 : memref<1x8x64xf32, #tpu.memory_space<vmem>> -> memref<8x64xf32, #tpu.memory_space<vmem>>
      %dma_start3A_1217 = arith.constant 0 : i32
      %dma_start3A_1218 = arith.constant 0 : i32
      %dma_start3A_1219 = tpu.memref_slice %arg4[%squeeze3A_1211, %dma_start3A_1217, %dma_start3A_1218] : memref<125000x8x64xf32, #tpu.memory_space<hbm>> -> memref<1x8x64xf32, #tpu.memory_space<hbm>>
      %dma_start3A_1220 = tpu.memref_squeeze %dma_start3A_1219 : memref<1x8x64xf32, #tpu.memory_space<hbm>> -> memref<8x64xf32, #tpu.memory_space<hbm>>
      %dma_start3A_1221 = arith.constant 0 : i32
      %dma_start3A_1222 = arith.constant 0 : i32
      %dma_start3A_1223 = tpu.memref_slice %arg15[%dma_start3A_1212, %dma_start3A_1221, %dma_start3A_1222] : memref<32x8x64xf32, #tpu.memory_space<vmem>> -> memref<1x8x64xf32, #tpu.memory_space<vmem>>
      %dma_start3A_1224 = tpu.memref_squeeze %dma_start3A_1223 : memref<1x8x64xf32, #tpu.memory_space<vmem>> -> memref<8x64xf32, #tpu.memory_space<vmem>>
      %dma_start3A_1225 = arith.constant 0 : i32
      %dma_start3A_1226 = arith.constant 0 : i32
      %dma_start3A_1227 = tpu.memref_slice %arg4[%squeeze3A_1211, %dma_start3A_1225, %dma_start3A_1226] : memref<125000x8x64xf32, #tpu.memory_space<hbm>> -> memref<1x8x64xf32, #tpu.memory_space<hbm>>
      %dma_start3A_1228 = tpu.memref_squeeze %dma_start3A_1227 : memref<1x8x64xf32, #tpu.memory_space<hbm>> -> memref<8x64xf32, #tpu.memory_space<hbm>>
      tpu.enqueue_dma source(%dma_start3A_1228 : memref<8x64xf32, #tpu.memory_space<hbm>>) target(%dma_start3A_1224 : memref<8x64xf32, #tpu.memory_space<vmem>>) target_semaphore(%arg20 : memref<!tpu.dma_semaphore, #tpu.memory_space<semaphore_mem>>)
      %slice3A_1229 = vector.extract_strided_slice %get3A_753 {offsets = [12], sizes = [1], strides = [1]} : vector<16xi32> to vector<1xi32>
      %squeeze3A_1230 = vector.extract %slice3A_1229[0] : i32 from vector<1xi32>
      %dma_start3A_1231 = arith.constant 28 : i32
      %dma_start3A_1232 = arith.constant 0 : i32
      %dma_start3A_1233 = arith.constant 0 : i32
      %dma_start3A_1234 = tpu.memref_slice %arg16[%dma_start3A_1231, %dma_start3A_1232, %dma_start3A_1233] : memref<32x8x64xf32, #tpu.memory_space<vmem>> -> memref<1x8x64xf32, #tpu.memory_space<vmem>>
      %dma_start3A_1235 = tpu.memref_squeeze %dma_start3A_1234 : memref<1x8x64xf32, #tpu.memory_space<vmem>> -> memref<8x64xf32, #tpu.memory_space<vmem>>
      %dma_start3A_1236 = arith.constant 0 : i32
      %dma_start3A_1237 = arith.constant 0 : i32
      %dma_start3A_1238 = tpu.memref_slice %arg5[%squeeze3A_1230, %dma_start3A_1236, %dma_start3A_1237] : memref<12500x8x64xf32, #tpu.memory_space<hbm>> -> memref<1x8x64xf32, #tpu.memory_space<hbm>>
      %dma_start3A_1239 = tpu.memref_squeeze %dma_start3A_1238 : memref<1x8x64xf32, #tpu.memory_space<hbm>> -> memref<8x64xf32, #tpu.memory_space<hbm>>
      %dma_start3A_1240 = arith.constant 0 : i32
      %dma_start3A_1241 = arith.constant 0 : i32
      %dma_start3A_1242 = tpu.memref_slice %arg16[%dma_start3A_1231, %dma_start3A_1240, %dma_start3A_1241] : memref<32x8x64xf32, #tpu.memory_space<vmem>> -> memref<1x8x64xf32, #tpu.memory_space<vmem>>
      %dma_start3A_1243 = tpu.memref_squeeze %dma_start3A_1242 : memref<1x8x64xf32, #tpu.memory_space<vmem>> -> memref<8x64xf32, #tpu.memory_space<vmem>>
      %dma_start3A_1244 = arith.constant 0 : i32
      %dma_start3A_1245 = arith.constant 0 : i32
      %dma_start3A_1246 = tpu.memref_slice %arg5[%squeeze3A_1230, %dma_start3A_1244, %dma_start3A_1245] : memref<12500x8x64xf32, #tpu.memory_space<hbm>> -> memref<1x8x64xf32, #tpu.memory_space<hbm>>
      %dma_start3A_1247 = tpu.memref_squeeze %dma_start3A_1246 : memref<1x8x64xf32, #tpu.memory_space<hbm>> -> memref<8x64xf32, #tpu.memory_space<hbm>>
      tpu.enqueue_dma source(%dma_start3A_1247 : memref<8x64xf32, #tpu.memory_space<hbm>>) target(%dma_start3A_1243 : memref<8x64xf32, #tpu.memory_space<vmem>>) target_semaphore(%arg21 : memref<!tpu.dma_semaphore, #tpu.memory_space<semaphore_mem>>)
      %slice3A_1248 = vector.extract_strided_slice %get3A_749 {offsets = [13], sizes = [1], strides = [1]} : vector<16xi32> to vector<1xi32>
      %squeeze3A_1249 = vector.extract %slice3A_1248[0] : i32 from vector<1xi32>
      %dma_start3A_1250 = arith.constant 29 : i32
      %dma_start3A_1251 = arith.constant 0 : i32
      %dma_start3A_1252 = arith.constant 0 : i32
      %dma_start3A_1253 = tpu.memref_slice %arg15[%dma_start3A_1250, %dma_start3A_1251, %dma_start3A_1252] : memref<32x8x64xf32, #tpu.memory_space<vmem>> -> memref<1x8x64xf32, #tpu.memory_space<vmem>>
      %dma_start3A_1254 = tpu.memref_squeeze %dma_start3A_1253 : memref<1x8x64xf32, #tpu.memory_space<vmem>> -> memref<8x64xf32, #tpu.memory_space<vmem>>
      %dma_start3A_1255 = arith.constant 0 : i32
      %dma_start3A_1256 = arith.constant 0 : i32
      %dma_start3A_1257 = tpu.memref_slice %arg4[%squeeze3A_1249, %dma_start3A_1255, %dma_start3A_1256] : memref<125000x8x64xf32, #tpu.memory_space<hbm>> -> memref<1x8x64xf32, #tpu.memory_space<hbm>>
      %dma_start3A_1258 = tpu.memref_squeeze %dma_start3A_1257 : memref<1x8x64xf32, #tpu.memory_space<hbm>> -> memref<8x64xf32, #tpu.memory_space<hbm>>
      %dma_start3A_1259 = arith.constant 0 : i32
      %dma_start3A_1260 = arith.constant 0 : i32
      %dma_start3A_1261 = tpu.memref_slice %arg15[%dma_start3A_1250, %dma_start3A_1259, %dma_start3A_1260] : memref<32x8x64xf32, #tpu.memory_space<vmem>> -> memref<1x8x64xf32, #tpu.memory_space<vmem>>
      %dma_start3A_1262 = tpu.memref_squeeze %dma_start3A_1261 : memref<1x8x64xf32, #tpu.memory_space<vmem>> -> memref<8x64xf32, #tpu.memory_space<vmem>>
      %dma_start3A_1263 = arith.constant 0 : i32
      %dma_start3A_1264 = arith.constant 0 : i32
      %dma_start3A_1265 = tpu.memref_slice %arg4[%squeeze3A_1249, %dma_start3A_1263, %dma_start3A_1264] : memref<125000x8x64xf32, #tpu.memory_space<hbm>> -> memref<1x8x64xf32, #tpu.memory_space<hbm>>
      %dma_start3A_1266 = tpu.memref_squeeze %dma_start3A_1265 : memref<1x8x64xf32, #tpu.memory_space<hbm>> -> memref<8x64xf32, #tpu.memory_space<hbm>>
      tpu.enqueue_dma source(%dma_start3A_1266 : memref<8x64xf32, #tpu.memory_space<hbm>>) target(%dma_start3A_1262 : memref<8x64xf32, #tpu.memory_space<vmem>>) target_semaphore(%arg20 : memref<!tpu.dma_semaphore, #tpu.memory_space<semaphore_mem>>)
      %slice3A_1267 = vector.extract_strided_slice %get3A_753 {offsets = [13], sizes = [1], strides = [1]} : vector<16xi32> to vector<1xi32>
      %squeeze3A_1268 = vector.extract %slice3A_1267[0] : i32 from vector<1xi32>
      %dma_start3A_1269 = arith.constant 29 : i32
      %dma_start3A_1270 = arith.constant 0 : i32
      %dma_start3A_1271 = arith.constant 0 : i32
      %dma_start3A_1272 = tpu.memref_slice %arg16[%dma_start3A_1269, %dma_start3A_1270, %dma_start3A_1271] : memref<32x8x64xf32, #tpu.memory_space<vmem>> -> memref<1x8x64xf32, #tpu.memory_space<vmem>>
      %dma_start3A_1273 = tpu.memref_squeeze %dma_start3A_1272 : memref<1x8x64xf32, #tpu.memory_space<vmem>> -> memref<8x64xf32, #tpu.memory_space<vmem>>
      %dma_start3A_1274 = arith.constant 0 : i32
      %dma_start3A_1275 = arith.constant 0 : i32
      %dma_start3A_1276 = tpu.memref_slice %arg5[%squeeze3A_1268, %dma_start3A_1274, %dma_start3A_1275] : memref<12500x8x64xf32, #tpu.memory_space<hbm>> -> memref<1x8x64xf32, #tpu.memory_space<hbm>>
      %dma_start3A_1277 = tpu.memref_squeeze %dma_start3A_1276 : memref<1x8x64xf32, #tpu.memory_space<hbm>> -> memref<8x64xf32, #tpu.memory_space<hbm>>
      %dma_start3A_1278 = arith.constant 0 : i32
      %dma_start3A_1279 = arith.constant 0 : i32
      %dma_start3A_1280 = tpu.memref_slice %arg16[%dma_start3A_1269, %dma_start3A_1278, %dma_start3A_1279] : memref<32x8x64xf32, #tpu.memory_space<vmem>> -> memref<1x8x64xf32, #tpu.memory_space<vmem>>
      %dma_start3A_1281 = tpu.memref_squeeze %dma_start3A_1280 : memref<1x8x64xf32, #tpu.memory_space<vmem>> -> memref<8x64xf32, #tpu.memory_space<vmem>>
      %dma_start3A_1282 = arith.constant 0 : i32
      %dma_start3A_1283 = arith.constant 0 : i32
      %dma_start3A_1284 = tpu.memref_slice %arg5[%squeeze3A_1268, %dma_start3A_1282, %dma_start3A_1283] : memref<12500x8x64xf32, #tpu.memory_space<hbm>> -> memref<1x8x64xf32, #tpu.memory_space<hbm>>
      %dma_start3A_1285 = tpu.memref_squeeze %dma_start3A_1284 : memref<1x8x64xf32, #tpu.memory_space<hbm>> -> memref<8x64xf32, #tpu.memory_space<hbm>>
      tpu.enqueue_dma source(%dma_start3A_1285 : memref<8x64xf32, #tpu.memory_space<hbm>>) target(%dma_start3A_1281 : memref<8x64xf32, #tpu.memory_space<vmem>>) target_semaphore(%arg21 : memref<!tpu.dma_semaphore, #tpu.memory_space<semaphore_mem>>)
      %slice3A_1286 = vector.extract_strided_slice %get3A_749 {offsets = [14], sizes = [1], strides = [1]} : vector<16xi32> to vector<1xi32>
      %squeeze3A_1287 = vector.extract %slice3A_1286[0] : i32 from vector<1xi32>
      %dma_start3A_1288 = arith.constant 30 : i32
      %dma_start3A_1289 = arith.constant 0 : i32
      %dma_start3A_1290 = arith.constant 0 : i32
      %dma_start3A_1291 = tpu.memref_slice %arg15[%dma_start3A_1288, %dma_start3A_1289, %dma_start3A_1290] : memref<32x8x64xf32, #tpu.memory_space<vmem>> -> memref<1x8x64xf32, #tpu.memory_space<vmem>>
      %dma_start3A_1292 = tpu.memref_squeeze %dma_start3A_1291 : memref<1x8x64xf32, #tpu.memory_space<vmem>> -> memref<8x64xf32, #tpu.memory_space<vmem>>
      %dma_start3A_1293 = arith.constant 0 : i32
      %dma_start3A_1294 = arith.constant 0 : i32
      %dma_start3A_1295 = tpu.memref_slice %arg4[%squeeze3A_1287, %dma_start3A_1293, %dma_start3A_1294] : memref<125000x8x64xf32, #tpu.memory_space<hbm>> -> memref<1x8x64xf32, #tpu.memory_space<hbm>>
      %dma_start3A_1296 = tpu.memref_squeeze %dma_start3A_1295 : memref<1x8x64xf32, #tpu.memory_space<hbm>> -> memref<8x64xf32, #tpu.memory_space<hbm>>
      %dma_start3A_1297 = arith.constant 0 : i32
      %dma_start3A_1298 = arith.constant 0 : i32
      %dma_start3A_1299 = tpu.memref_slice %arg15[%dma_start3A_1288, %dma_start3A_1297, %dma_start3A_1298] : memref<32x8x64xf32, #tpu.memory_space<vmem>> -> memref<1x8x64xf32, #tpu.memory_space<vmem>>
      %dma_start3A_1300 = tpu.memref_squeeze %dma_start3A_1299 : memref<1x8x64xf32, #tpu.memory_space<vmem>> -> memref<8x64xf32, #tpu.memory_space<vmem>>
      %dma_start3A_1301 = arith.constant 0 : i32
      %dma_start3A_1302 = arith.constant 0 : i32
      %dma_start3A_1303 = tpu.memref_slice %arg4[%squeeze3A_1287, %dma_start3A_1301, %dma_start3A_1302] : memref<125000x8x64xf32, #tpu.memory_space<hbm>> -> memref<1x8x64xf32, #tpu.memory_space<hbm>>
      %dma_start3A_1304 = tpu.memref_squeeze %dma_start3A_1303 : memref<1x8x64xf32, #tpu.memory_space<hbm>> -> memref<8x64xf32, #tpu.memory_space<hbm>>
      tpu.enqueue_dma source(%dma_start3A_1304 : memref<8x64xf32, #tpu.memory_space<hbm>>) target(%dma_start3A_1300 : memref<8x64xf32, #tpu.memory_space<vmem>>) target_semaphore(%arg20 : memref<!tpu.dma_semaphore, #tpu.memory_space<semaphore_mem>>)
      %slice3A_1305 = vector.extract_strided_slice %get3A_753 {offsets = [14], sizes = [1], strides = [1]} : vector<16xi32> to vector<1xi32>
      %squeeze3A_1306 = vector.extract %slice3A_1305[0] : i32 from vector<1xi32>
      %dma_start3A_1307 = arith.constant 30 : i32
      %dma_start3A_1308 = arith.constant 0 : i32
      %dma_start3A_1309 = arith.constant 0 : i32
      %dma_start3A_1310 = tpu.memref_slice %arg16[%dma_start3A_1307, %dma_start3A_1308, %dma_start3A_1309] : memref<32x8x64xf32, #tpu.memory_space<vmem>> -> memref<1x8x64xf32, #tpu.memory_space<vmem>>
      %dma_start3A_1311 = tpu.memref_squeeze %dma_start3A_1310 : memref<1x8x64xf32, #tpu.memory_space<vmem>> -> memref<8x64xf32, #tpu.memory_space<vmem>>
      %dma_start3A_1312 = arith.constant 0 : i32
      %dma_start3A_1313 = arith.constant 0 : i32
      %dma_start3A_1314 = tpu.memref_slice %arg5[%squeeze3A_1306, %dma_start3A_1312, %dma_start3A_1313] : memref<12500x8x64xf32, #tpu.memory_space<hbm>> -> memref<1x8x64xf32, #tpu.memory_space<hbm>>
      %dma_start3A_1315 = tpu.memref_squeeze %dma_start3A_1314 : memref<1x8x64xf32, #tpu.memory_space<hbm>> -> memref<8x64xf32, #tpu.memory_space<hbm>>
      %dma_start3A_1316 = arith.constant 0 : i32
      %dma_start3A_1317 = arith.constant 0 : i32
      %dma_start3A_1318 = tpu.memref_slice %arg16[%dma_start3A_1307, %dma_start3A_1316, %dma_start3A_1317] : memref<32x8x64xf32, #tpu.memory_space<vmem>> -> memref<1x8x64xf32, #tpu.memory_space<vmem>>
      %dma_start3A_1319 = tpu.memref_squeeze %dma_start3A_1318 : memref<1x8x64xf32, #tpu.memory_space<vmem>> -> memref<8x64xf32, #tpu.memory_space<vmem>>
      %dma_start3A_1320 = arith.constant 0 : i32
      %dma_start3A_1321 = arith.constant 0 : i32
      %dma_start3A_1322 = tpu.memref_slice %arg5[%squeeze3A_1306, %dma_start3A_1320, %dma_start3A_1321] : memref<12500x8x64xf32, #tpu.memory_space<hbm>> -> memref<1x8x64xf32, #tpu.memory_space<hbm>>
      %dma_start3A_1323 = tpu.memref_squeeze %dma_start3A_1322 : memref<1x8x64xf32, #tpu.memory_space<hbm>> -> memref<8x64xf32, #tpu.memory_space<hbm>>
      tpu.enqueue_dma source(%dma_start3A_1323 : memref<8x64xf32, #tpu.memory_space<hbm>>) target(%dma_start3A_1319 : memref<8x64xf32, #tpu.memory_space<vmem>>) target_semaphore(%arg21 : memref<!tpu.dma_semaphore, #tpu.memory_space<semaphore_mem>>)
      %slice3A_1324 = vector.extract_strided_slice %get3A_749 {offsets = [15], sizes = [1], strides = [1]} : vector<16xi32> to vector<1xi32>
      %squeeze3A_1325 = vector.extract %slice3A_1324[0] : i32 from vector<1xi32>
      %dma_start3A_1326 = arith.constant 31 : i32
      %dma_start3A_1327 = arith.constant 0 : i32
      %dma_start3A_1328 = arith.constant 0 : i32
      %dma_start3A_1329 = tpu.memref_slice %arg15[%dma_start3A_1326, %dma_start3A_1327, %dma_start3A_1328] : memref<32x8x64xf32, #tpu.memory_space<vmem>> -> memref<1x8x64xf32, #tpu.memory_space<vmem>>
      %dma_start3A_1330 = tpu.memref_squeeze %dma_start3A_1329 : memref<1x8x64xf32, #tpu.memory_space<vmem>> -> memref<8x64xf32, #tpu.memory_space<vmem>>
      %dma_start3A_1331 = arith.constant 0 : i32
      %dma_start3A_1332 = arith.constant 0 : i32
      %dma_start3A_1333 = tpu.memref_slice %arg4[%squeeze3A_1325, %dma_start3A_1331, %dma_start3A_1332] : memref<125000x8x64xf32, #tpu.memory_space<hbm>> -> memref<1x8x64xf32, #tpu.memory_space<hbm>>
      %dma_start3A_1334 = tpu.memref_squeeze %dma_start3A_1333 : memref<1x8x64xf32, #tpu.memory_space<hbm>> -> memref<8x64xf32, #tpu.memory_space<hbm>>
      %dma_start3A_1335 = arith.constant 0 : i32
      %dma_start3A_1336 = arith.constant 0 : i32
      %dma_start3A_1337 = tpu.memref_slice %arg15[%dma_start3A_1326, %dma_start3A_1335, %dma_start3A_1336] : memref<32x8x64xf32, #tpu.memory_space<vmem>> -> memref<1x8x64xf32, #tpu.memory_space<vmem>>
      %dma_start3A_1338 = tpu.memref_squeeze %dma_start3A_1337 : memref<1x8x64xf32, #tpu.memory_space<vmem>> -> memref<8x64xf32, #tpu.memory_space<vmem>>
      %dma_start3A_1339 = arith.constant 0 : i32
      %dma_start3A_1340 = arith.constant 0 : i32
      %dma_start3A_1341 = tpu.memref_slice %arg4[%squeeze3A_1325, %dma_start3A_1339, %dma_start3A_1340] : memref<125000x8x64xf32, #tpu.memory_space<hbm>> -> memref<1x8x64xf32, #tpu.memory_space<hbm>>
      %dma_start3A_1342 = tpu.memref_squeeze %dma_start3A_1341 : memref<1x8x64xf32, #tpu.memory_space<hbm>> -> memref<8x64xf32, #tpu.memory_space<hbm>>
      tpu.enqueue_dma source(%dma_start3A_1342 : memref<8x64xf32, #tpu.memory_space<hbm>>) target(%dma_start3A_1338 : memref<8x64xf32, #tpu.memory_space<vmem>>) target_semaphore(%arg20 : memref<!tpu.dma_semaphore, #tpu.memory_space<semaphore_mem>>)
      %slice3A_1343 = vector.extract_strided_slice %get3A_753 {offsets = [15], sizes = [1], strides = [1]} : vector<16xi32> to vector<1xi32>
      %squeeze3A_1344 = vector.extract %slice3A_1343[0] : i32 from vector<1xi32>
      %dma_start3A_1345 = arith.constant 31 : i32
      %dma_start3A_1346 = arith.constant 0 : i32
      %dma_start3A_1347 = arith.constant 0 : i32
      %dma_start3A_1348 = tpu.memref_slice %arg16[%dma_start3A_1345, %dma_start3A_1346, %dma_start3A_1347] : memref<32x8x64xf32, #tpu.memory_space<vmem>> -> memref<1x8x64xf32, #tpu.memory_space<vmem>>
      %dma_start3A_1349 = tpu.memref_squeeze %dma_start3A_1348 : memref<1x8x64xf32, #tpu.memory_space<vmem>> -> memref<8x64xf32, #tpu.memory_space<vmem>>
      %dma_start3A_1350 = arith.constant 0 : i32
      %dma_start3A_1351 = arith.constant 0 : i32
      %dma_start3A_1352 = tpu.memref_slice %arg5[%squeeze3A_1344, %dma_start3A_1350, %dma_start3A_1351] : memref<12500x8x64xf32, #tpu.memory_space<hbm>> -> memref<1x8x64xf32, #tpu.memory_space<hbm>>
      %dma_start3A_1353 = tpu.memref_squeeze %dma_start3A_1352 : memref<1x8x64xf32, #tpu.memory_space<hbm>> -> memref<8x64xf32, #tpu.memory_space<hbm>>
      %dma_start3A_1354 = arith.constant 0 : i32
      %dma_start3A_1355 = arith.constant 0 : i32
      %dma_start3A_1356 = tpu.memref_slice %arg16[%dma_start3A_1345, %dma_start3A_1354, %dma_start3A_1355] : memref<32x8x64xf32, #tpu.memory_space<vmem>> -> memref<1x8x64xf32, #tpu.memory_space<vmem>>
      %dma_start3A_1357 = tpu.memref_squeeze %dma_start3A_1356 : memref<1x8x64xf32, #tpu.memory_space<vmem>> -> memref<8x64xf32, #tpu.memory_space<vmem>>
      %dma_start3A_1358 = arith.constant 0 : i32
      %dma_start3A_1359 = arith.constant 0 : i32
      %dma_start3A_1360 = tpu.memref_slice %arg5[%squeeze3A_1344, %dma_start3A_1358, %dma_start3A_1359] : memref<12500x8x64xf32, #tpu.memory_space<hbm>> -> memref<1x8x64xf32, #tpu.memory_space<hbm>>
      %dma_start3A_1361 = tpu.memref_squeeze %dma_start3A_1360 : memref<1x8x64xf32, #tpu.memory_space<hbm>> -> memref<8x64xf32, #tpu.memory_space<hbm>>
      tpu.enqueue_dma source(%dma_start3A_1361 : memref<8x64xf32, #tpu.memory_space<hbm>>) target(%dma_start3A_1357 : memref<8x64xf32, #tpu.memory_space<vmem>>) target_semaphore(%arg21 : memref<!tpu.dma_semaphore, #tpu.memory_space<semaphore_mem>>)
      %dma_wait3A_1362 = arith.constant 0 : i32
      %dma_wait3A_1363 = arith.constant 0 : i32
      %dma_wait3A_1364 = arith.constant 0 : i32
      %dma_wait3A_1365 = tpu.memref_slice %arg4[%dma_wait3A_1362, %dma_wait3A_1363, %dma_wait3A_1364] : memref<125000x8x64xf32, #tpu.memory_space<hbm>> -> memref<32x8x64xf32, #tpu.memory_space<hbm>>
      %dma_wait3A_1366 = arith.constant 0 : i32
      %dma_wait3A_1367 = arith.constant 0 : i32
      %dma_wait3A_1368 = arith.constant 0 : i32
      %dma_wait3A_1369 = tpu.memref_slice %arg4[%dma_wait3A_1366, %dma_wait3A_1367, %dma_wait3A_1368] : memref<125000x8x64xf32, #tpu.memory_space<hbm>> -> memref<32x8x64xf32, #tpu.memory_space<hbm>>
      tpu.wait_dma2 semaphore(%arg20 : memref<!tpu.dma_semaphore, #tpu.memory_space<semaphore_mem>>) src(%dma_wait3A_1369 : memref<32x8x64xf32, #tpu.memory_space<hbm>>) dst(%arg15 : memref<32x8x64xf32, #tpu.memory_space<vmem>>)
      %dma_wait3A_1370 = arith.constant 0 : i32
      %dma_wait3A_1371 = arith.constant 0 : i32
      %dma_wait3A_1372 = arith.constant 0 : i32
      %dma_wait3A_1373 = tpu.memref_slice %arg5[%dma_wait3A_1370, %dma_wait3A_1371, %dma_wait3A_1372] : memref<12500x8x64xf32, #tpu.memory_space<hbm>> -> memref<32x8x64xf32, #tpu.memory_space<hbm>>
      %dma_wait3A_1374 = arith.constant 0 : i32
      %dma_wait3A_1375 = arith.constant 0 : i32
      %dma_wait3A_1376 = arith.constant 0 : i32
      %dma_wait3A_1377 = tpu.memref_slice %arg5[%dma_wait3A_1374, %dma_wait3A_1375, %dma_wait3A_1376] : memref<12500x8x64xf32, #tpu.memory_space<hbm>> -> memref<32x8x64xf32, #tpu.memory_space<hbm>>
      tpu.wait_dma2 semaphore(%arg21 : memref<!tpu.dma_semaphore, #tpu.memory_space<semaphore_mem>>) src(%dma_wait3A_1377 : memref<32x8x64xf32, #tpu.memory_space<hbm>>) dst(%arg16 : memref<32x8x64xf32, #tpu.memory_space<vmem>>)
      %add3A_1378 = arith.constant 0 : i32
      %add3A_1379 = arith.addi %mul3A_132, %add3A_1378 : i32
      %add3A_1380 = arith.constant 0 : i32
      %add3A_1381 = vector.broadcast %add3A_1380 : i32 to vector<16xi32>
      %add3A_1382 = arith.addi %add3A_1381, %iota3A : vector<16xi32>
      %get3A_1383 = arith.index_cast %add3A_1379 : i32 to index
      %get3A_1384 = tpu.vector_load %arg13[%get3A_1383] {strides = array<i32>} : memref<512xi32, #tpu.memory_space<vmem>>, vector<16xi32>,
      %get3A_1385 = arith.index_cast %add3A_1379 : i32 to index
      %get3A_1386 = tpu.vector_load %arg14[%get3A_1385] {strides = array<i32>} : memref<512xi32, #tpu.memory_space<vmem>>, vector<16xi32>,
      %broadcast_in_dim3A = arith.constant 0.000000e+00 : f32
      %broadcast_in_dim3A_1387 = vector.broadcast %broadcast_in_dim3A : f32 to vector<16xf32>
      %broadcast_in_dim3A_1388 = arith.constant 0 : i32
      %broadcast_in_dim3A_1389 = vector.broadcast %broadcast_in_dim3A_1388 : i32 to vector<16xi32>
      %gather3A = tpu.vector_load_idx %arg15[%add3A_1382, %get3A_1384, %broadcast_in_dim3A_1389] : memref<32x8x64xf32, #tpu.memory_space<vmem>>[vector<16xi32>, vector<16xi32>, vector<16xi32>], vector<16xf32>,
      %gather3A_1390 = tpu.vector_load_idx %arg16[%add3A_1382, %get3A_1386, %broadcast_in_dim3A_1389] : memref<32x8x64xf32, #tpu.memory_space<vmem>>[vector<16xi32>, vector<16xi32>, vector<16xi32>], vector<16xf32>,
      %mul3A_1391 = arith.mulf %gather3A, %gather3A_1390 : vector<16xf32>
      %add3A_1392 = arith.addf %broadcast_in_dim3A_1387, %mul3A_1391 : vector<16xf32>
      %broadcast_in_dim3A_1393 = arith.constant 1 : i32
      %broadcast_in_dim3A_1394 = vector.broadcast %broadcast_in_dim3A_1393 : i32 to vector<16xi32>
      %gather3A_1395 = tpu.vector_load_idx %arg15[%add3A_1382, %get3A_1384, %broadcast_in_dim3A_1394] : memref<32x8x64xf32, #tpu.memory_space<vmem>>[vector<16xi32>, vector<16xi32>, vector<16xi32>], vector<16xf32>,
      %gather3A_1396 = tpu.vector_load_idx %arg16[%add3A_1382, %get3A_1386, %broadcast_in_dim3A_1394] : memref<32x8x64xf32, #tpu.memory_space<vmem>>[vector<16xi32>, vector<16xi32>, vector<16xi32>], vector<16xf32>,
      %mul3A_1397 = arith.mulf %gather3A_1395, %gather3A_1396 : vector<16xf32>
      %add3A_1398 = arith.addf %add3A_1392, %mul3A_1397 : vector<16xf32>
      %broadcast_in_dim3A_1399 = arith.constant 2 : i32
      %broadcast_in_dim3A_1400 = vector.broadcast %broadcast_in_dim3A_1399 : i32 to vector<16xi32>
      %gather3A_1401 = tpu.vector_load_idx %arg15[%add3A_1382, %get3A_1384, %broadcast_in_dim3A_1400] : memref<32x8x64xf32, #tpu.memory_space<vmem>>[vector<16xi32>, vector<16xi32>, vector<16xi32>], vector<16xf32>,
      %gather3A_1402 = tpu.vector_load_idx %arg16[%add3A_1382, %get3A_1386, %broadcast_in_dim3A_1400] : memref<32x8x64xf32, #tpu.memory_space<vmem>>[vector<16xi32>, vector<16xi32>, vector<16xi32>], vector<16xf32>,
      %mul3A_1403 = arith.mulf %gather3A_1401, %gather3A_1402 : vector<16xf32>
      %add3A_1404 = arith.addf %add3A_1398, %mul3A_1403 : vector<16xf32>
      %broadcast_in_dim3A_1405 = arith.constant 3 : i32
      %broadcast_in_dim3A_1406 = vector.broadcast %broadcast_in_dim3A_1405 : i32 to vector<16xi32>
      %gather3A_1407 = tpu.vector_load_idx %arg15[%add3A_1382, %get3A_1384, %broadcast_in_dim3A_1406] : memref<32x8x64xf32, #tpu.memory_space<vmem>>[vector<16xi32>, vector<16xi32>, vector<16xi32>], vector<16xf32>,
      %gather3A_1408 = tpu.vector_load_idx %arg16[%add3A_1382, %get3A_1386, %broadcast_in_dim3A_1406] : memref<32x8x64xf32, #tpu.memory_space<vmem>>[vector<16xi32>, vector<16xi32>, vector<16xi32>], vector<16xf32>,
      %mul3A_1409 = arith.mulf %gather3A_1407, %gather3A_1408 : vector<16xf32>
      %add3A_1410 = arith.addf %add3A_1404, %mul3A_1409 : vector<16xf32>
      %broadcast_in_dim3A_1411 = arith.constant 4 : i32
      %broadcast_in_dim3A_1412 = vector.broadcast %broadcast_in_dim3A_1411 : i32 to vector<16xi32>
      %gather3A_1413 = tpu.vector_load_idx %arg15[%add3A_1382, %get3A_1384, %broadcast_in_dim3A_1412] : memref<32x8x64xf32, #tpu.memory_space<vmem>>[vector<16xi32>, vector<16xi32>, vector<16xi32>], vector<16xf32>,
      %gather3A_1414 = tpu.vector_load_idx %arg16[%add3A_1382, %get3A_1386, %broadcast_in_dim3A_1412] : memref<32x8x64xf32, #tpu.memory_space<vmem>>[vector<16xi32>, vector<16xi32>, vector<16xi32>], vector<16xf32>,
      %mul3A_1415 = arith.mulf %gather3A_1413, %gather3A_1414 : vector<16xf32>
      %add3A_1416 = arith.addf %add3A_1410, %mul3A_1415 : vector<16xf32>
      %broadcast_in_dim3A_1417 = arith.constant 5 : i32
      %broadcast_in_dim3A_1418 = vector.broadcast %broadcast_in_dim3A_1417 : i32 to vector<16xi32>
      %gather3A_1419 = tpu.vector_load_idx %arg15[%add3A_1382, %get3A_1384, %broadcast_in_dim3A_1418] : memref<32x8x64xf32, #tpu.memory_space<vmem>>[vector<16xi32>, vector<16xi32>, vector<16xi32>], vector<16xf32>,
      %gather3A_1420 = tpu.vector_load_idx %arg16[%add3A_1382, %get3A_1386, %broadcast_in_dim3A_1418] : memref<32x8x64xf32, #tpu.memory_space<vmem>>[vector<16xi32>, vector<16xi32>, vector<16xi32>], vector<16xf32>,
      %mul3A_1421 = arith.mulf %gather3A_1419, %gather3A_1420 : vector<16xf32>
      %add3A_1422 = arith.addf %add3A_1416, %mul3A_1421 : vector<16xf32>
      %broadcast_in_dim3A_1423 = arith.constant 6 : i32
      %broadcast_in_dim3A_1424 = vector.broadcast %broadcast_in_dim3A_1423 : i32 to vector<16xi32>
      %gather3A_1425 = tpu.vector_load_idx %arg15[%add3A_1382, %get3A_1384, %broadcast_in_dim3A_1424] : memref<32x8x64xf32, #tpu.memory_space<vmem>>[vector<16xi32>, vector<16xi32>, vector<16xi32>], vector<16xf32>,
      %gather3A_1426 = tpu.vector_load_idx %arg16[%add3A_1382, %get3A_1386, %broadcast_in_dim3A_1424] : memref<32x8x64xf32, #tpu.memory_space<vmem>>[vector<16xi32>, vector<16xi32>, vector<16xi32>], vector<16xf32>,
      %mul3A_1427 = arith.mulf %gather3A_1425, %gather3A_1426 : vector<16xf32>
      %add3A_1428 = arith.addf %add3A_1422, %mul3A_1427 : vector<16xf32>
      %broadcast_in_dim3A_1429 = arith.constant 7 : i32
      %broadcast_in_dim3A_1430 = vector.broadcast %broadcast_in_dim3A_1429 : i32 to vector<16xi32>
      %gather3A_1431 = tpu.vector_load_idx %arg15[%add3A_1382, %get3A_1384, %broadcast_in_dim3A_1430] : memref<32x8x64xf32, #tpu.memory_space<vmem>>[vector<16xi32>, vector<16xi32>, vector<16xi32>], vector<16xf32>,
      %gather3A_1432 = tpu.vector_load_idx %arg16[%add3A_1382, %get3A_1386, %broadcast_in_dim3A_1430] : memref<32x8x64xf32, #tpu.memory_space<vmem>>[vector<16xi32>, vector<16xi32>, vector<16xi32>], vector<16xf32>,
      %mul3A_1433 = arith.mulf %gather3A_1431, %gather3A_1432 : vector<16xf32>
      %add3A_1434 = arith.addf %add3A_1428, %mul3A_1433 : vector<16xf32>
      %broadcast_in_dim3A_1435 = arith.constant 8 : i32
      %broadcast_in_dim3A_1436 = vector.broadcast %broadcast_in_dim3A_1435 : i32 to vector<16xi32>
      %gather3A_1437 = tpu.vector_load_idx %arg15[%add3A_1382, %get3A_1384, %broadcast_in_dim3A_1436] : memref<32x8x64xf32, #tpu.memory_space<vmem>>[vector<16xi32>, vector<16xi32>, vector<16xi32>], vector<16xf32>,
      %gather3A_1438 = tpu.vector_load_idx %arg16[%add3A_1382, %get3A_1386, %broadcast_in_dim3A_1436] : memref<32x8x64xf32, #tpu.memory_space<vmem>>[vector<16xi32>, vector<16xi32>, vector<16xi32>], vector<16xf32>,
      %mul3A_1439 = arith.mulf %gather3A_1437, %gather3A_1438 : vector<16xf32>
      %add3A_1440 = arith.addf %add3A_1434, %mul3A_1439 : vector<16xf32>
      %broadcast_in_dim3A_1441 = arith.constant 9 : i32
      %broadcast_in_dim3A_1442 = vector.broadcast %broadcast_in_dim3A_1441 : i32 to vector<16xi32>
      %gather3A_1443 = tpu.vector_load_idx %arg15[%add3A_1382, %get3A_1384, %broadcast_in_dim3A_1442] : memref<32x8x64xf32, #tpu.memory_space<vmem>>[vector<16xi32>, vector<16xi32>, vector<16xi32>], vector<16xf32>,
      %gather3A_1444 = tpu.vector_load_idx %arg16[%add3A_1382, %get3A_1386, %broadcast_in_dim3A_1442] : memref<32x8x64xf32, #tpu.memory_space<vmem>>[vector<16xi32>, vector<16xi32>, vector<16xi32>], vector<16xf32>,
      %mul3A_1445 = arith.mulf %gather3A_1443, %gather3A_1444 : vector<16xf32>
      %add3A_1446 = arith.addf %add3A_1440, %mul3A_1445 : vector<16xf32>
      %broadcast_in_dim3A_1447 = arith.constant 10 : i32
      %broadcast_in_dim3A_1448 = vector.broadcast %broadcast_in_dim3A_1447 : i32 to vector<16xi32>
      %gather3A_1449 = tpu.vector_load_idx %arg15[%add3A_1382, %get3A_1384, %broadcast_in_dim3A_1448] : memref<32x8x64xf32, #tpu.memory_space<vmem>>[vector<16xi32>, vector<16xi32>, vector<16xi32>], vector<16xf32>,
      %gather3A_1450 = tpu.vector_load_idx %arg16[%add3A_1382, %get3A_1386, %broadcast_in_dim3A_1448] : memref<32x8x64xf32, #tpu.memory_space<vmem>>[vector<16xi32>, vector<16xi32>, vector<16xi32>], vector<16xf32>,
      %mul3A_1451 = arith.mulf %gather3A_1449, %gather3A_1450 : vector<16xf32>
      %add3A_1452 = arith.addf %add3A_1446, %mul3A_1451 : vector<16xf32>
      %broadcast_in_dim3A_1453 = arith.constant 11 : i32
      %broadcast_in_dim3A_1454 = vector.broadcast %broadcast_in_dim3A_1453 : i32 to vector<16xi32>
      %gather3A_1455 = tpu.vector_load_idx %arg15[%add3A_1382, %get3A_1384, %broadcast_in_dim3A_1454] : memref<32x8x64xf32, #tpu.memory_space<vmem>>[vector<16xi32>, vector<16xi32>, vector<16xi32>], vector<16xf32>,
      %gather3A_1456 = tpu.vector_load_idx %arg16[%add3A_1382, %get3A_1386, %broadcast_in_dim3A_1454] : memref<32x8x64xf32, #tpu.memory_space<vmem>>[vector<16xi32>, vector<16xi32>, vector<16xi32>], vector<16xf32>,
      %mul3A_1457 = arith.mulf %gather3A_1455, %gather3A_1456 : vector<16xf32>
      %add3A_1458 = arith.addf %add3A_1452, %mul3A_1457 : vector<16xf32>
      %broadcast_in_dim3A_1459 = arith.constant 12 : i32
      %broadcast_in_dim3A_1460 = vector.broadcast %broadcast_in_dim3A_1459 : i32 to vector<16xi32>
      %gather3A_1461 = tpu.vector_load_idx %arg15[%add3A_1382, %get3A_1384, %broadcast_in_dim3A_1460] : memref<32x8x64xf32, #tpu.memory_space<vmem>>[vector<16xi32>, vector<16xi32>, vector<16xi32>], vector<16xf32>,
      %gather3A_1462 = tpu.vector_load_idx %arg16[%add3A_1382, %get3A_1386, %broadcast_in_dim3A_1460] : memref<32x8x64xf32, #tpu.memory_space<vmem>>[vector<16xi32>, vector<16xi32>, vector<16xi32>], vector<16xf32>,
      %mul3A_1463 = arith.mulf %gather3A_1461, %gather3A_1462 : vector<16xf32>
      %add3A_1464 = arith.addf %add3A_1458, %mul3A_1463 : vector<16xf32>
      %broadcast_in_dim3A_1465 = arith.constant 13 : i32
      %broadcast_in_dim3A_1466 = vector.broadcast %broadcast_in_dim3A_1465 : i32 to vector<16xi32>
      %gather3A_1467 = tpu.vector_load_idx %arg15[%add3A_1382, %get3A_1384, %broadcast_in_dim3A_1466] : memref<32x8x64xf32, #tpu.memory_space<vmem>>[vector<16xi32>, vector<16xi32>, vector<16xi32>], vector<16xf32>,
      %gather3A_1468 = tpu.vector_load_idx %arg16[%add3A_1382, %get3A_1386, %broadcast_in_dim3A_1466] : memref<32x8x64xf32, #tpu.memory_space<vmem>>[vector<16xi32>, vector<16xi32>, vector<16xi32>], vector<16xf32>,
      %mul3A_1469 = arith.mulf %gather3A_1467, %gather3A_1468 : vector<16xf32>
      %add3A_1470 = arith.addf %add3A_1464, %mul3A_1469 : vector<16xf32>
      %broadcast_in_dim3A_1471 = arith.constant 14 : i32
      %broadcast_in_dim3A_1472 = vector.broadcast %broadcast_in_dim3A_1471 : i32 to vector<16xi32>
      %gather3A_1473 = tpu.vector_load_idx %arg15[%add3A_1382, %get3A_1384, %broadcast_in_dim3A_1472] : memref<32x8x64xf32, #tpu.memory_space<vmem>>[vector<16xi32>, vector<16xi32>, vector<16xi32>], vector<16xf32>,
      %gather3A_1474 = tpu.vector_load_idx %arg16[%add3A_1382, %get3A_1386, %broadcast_in_dim3A_1472] : memref<32x8x64xf32, #tpu.memory_space<vmem>>[vector<16xi32>, vector<16xi32>, vector<16xi32>], vector<16xf32>,
      %mul3A_1475 = arith.mulf %gather3A_1473, %gather3A_1474 : vector<16xf32>
      %add3A_1476 = arith.addf %add3A_1470, %mul3A_1475 : vector<16xf32>
      %broadcast_in_dim3A_1477 = arith.constant 15 : i32
      %broadcast_in_dim3A_1478 = vector.broadcast %broadcast_in_dim3A_1477 : i32 to vector<16xi32>
      %gather3A_1479 = tpu.vector_load_idx %arg15[%add3A_1382, %get3A_1384, %broadcast_in_dim3A_1478] : memref<32x8x64xf32, #tpu.memory_space<vmem>>[vector<16xi32>, vector<16xi32>, vector<16xi32>], vector<16xf32>,
      %gather3A_1480 = tpu.vector_load_idx %arg16[%add3A_1382, %get3A_1386, %broadcast_in_dim3A_1478] : memref<32x8x64xf32, #tpu.memory_space<vmem>>[vector<16xi32>, vector<16xi32>, vector<16xi32>], vector<16xf32>,
      %mul3A_1481 = arith.mulf %gather3A_1479, %gather3A_1480 : vector<16xf32>
      %add3A_1482 = arith.addf %add3A_1476, %mul3A_1481 : vector<16xf32>
      %broadcast_in_dim3A_1483 = arith.constant 16 : i32
      %broadcast_in_dim3A_1484 = vector.broadcast %broadcast_in_dim3A_1483 : i32 to vector<16xi32>
      %gather3A_1485 = tpu.vector_load_idx %arg15[%add3A_1382, %get3A_1384, %broadcast_in_dim3A_1484] : memref<32x8x64xf32, #tpu.memory_space<vmem>>[vector<16xi32>, vector<16xi32>, vector<16xi32>], vector<16xf32>,
      %gather3A_1486 = tpu.vector_load_idx %arg16[%add3A_1382, %get3A_1386, %broadcast_in_dim3A_1484] : memref<32x8x64xf32, #tpu.memory_space<vmem>>[vector<16xi32>, vector<16xi32>, vector<16xi32>], vector<16xf32>,
      %mul3A_1487 = arith.mulf %gather3A_1485, %gather3A_1486 : vector<16xf32>
      %add3A_1488 = arith.addf %add3A_1482, %mul3A_1487 : vector<16xf32>
      %broadcast_in_dim3A_1489 = arith.constant 17 : i32
      %broadcast_in_dim3A_1490 = vector.broadcast %broadcast_in_dim3A_1489 : i32 to vector<16xi32>
      %gather3A_1491 = tpu.vector_load_idx %arg15[%add3A_1382, %get3A_1384, %broadcast_in_dim3A_1490] : memref<32x8x64xf32, #tpu.memory_space<vmem>>[vector<16xi32>, vector<16xi32>, vector<16xi32>], vector<16xf32>,
      %gather3A_1492 = tpu.vector_load_idx %arg16[%add3A_1382, %get3A_1386, %broadcast_in_dim3A_1490] : memref<32x8x64xf32, #tpu.memory_space<vmem>>[vector<16xi32>, vector<16xi32>, vector<16xi32>], vector<16xf32>,
      %mul3A_1493 = arith.mulf %gather3A_1491, %gather3A_1492 : vector<16xf32>
      %add3A_1494 = arith.addf %add3A_1488, %mul3A_1493 : vector<16xf32>
      %broadcast_in_dim3A_1495 = arith.constant 18 : i32
      %broadcast_in_dim3A_1496 = vector.broadcast %broadcast_in_dim3A_1495 : i32 to vector<16xi32>
      %gather3A_1497 = tpu.vector_load_idx %arg15[%add3A_1382, %get3A_1384, %broadcast_in_dim3A_1496] : memref<32x8x64xf32, #tpu.memory_space<vmem>>[vector<16xi32>, vector<16xi32>, vector<16xi32>], vector<16xf32>,
      %gather3A_1498 = tpu.vector_load_idx %arg16[%add3A_1382, %get3A_1386, %broadcast_in_dim3A_1496] : memref<32x8x64xf32, #tpu.memory_space<vmem>>[vector<16xi32>, vector<16xi32>, vector<16xi32>], vector<16xf32>,
      %mul3A_1499 = arith.mulf %gather3A_1497, %gather3A_1498 : vector<16xf32>
      %add3A_1500 = arith.addf %add3A_1494, %mul3A_1499 : vector<16xf32>
      %broadcast_in_dim3A_1501 = arith.constant 19 : i32
      %broadcast_in_dim3A_1502 = vector.broadcast %broadcast_in_dim3A_1501 : i32 to vector<16xi32>
      %gather3A_1503 = tpu.vector_load_idx %arg15[%add3A_1382, %get3A_1384, %broadcast_in_dim3A_1502] : memref<32x8x64xf32, #tpu.memory_space<vmem>>[vector<16xi32>, vector<16xi32>, vector<16xi32>], vector<16xf32>,
      %gather3A_1504 = tpu.vector_load_idx %arg16[%add3A_1382, %get3A_1386, %broadcast_in_dim3A_1502] : memref<32x8x64xf32, #tpu.memory_space<vmem>>[vector<16xi32>, vector<16xi32>, vector<16xi32>], vector<16xf32>,
      %mul3A_1505 = arith.mulf %gather3A_1503, %gather3A_1504 : vector<16xf32>
      %add3A_1506 = arith.addf %add3A_1500, %mul3A_1505 : vector<16xf32>
      %broadcast_in_dim3A_1507 = arith.constant 20 : i32
      %broadcast_in_dim3A_1508 = vector.broadcast %broadcast_in_dim3A_1507 : i32 to vector<16xi32>
      %gather3A_1509 = tpu.vector_load_idx %arg15[%add3A_1382, %get3A_1384, %broadcast_in_dim3A_1508] : memref<32x8x64xf32, #tpu.memory_space<vmem>>[vector<16xi32>, vector<16xi32>, vector<16xi32>], vector<16xf32>,
      %gather3A_1510 = tpu.vector_load_idx %arg16[%add3A_1382, %get3A_1386, %broadcast_in_dim3A_1508] : memref<32x8x64xf32, #tpu.memory_space<vmem>>[vector<16xi32>, vector<16xi32>, vector<16xi32>], vector<16xf32>,
      %mul3A_1511 = arith.mulf %gather3A_1509, %gather3A_1510 : vector<16xf32>
      %add3A_1512 = arith.addf %add3A_1506, %mul3A_1511 : vector<16xf32>
      %broadcast_in_dim3A_1513 = arith.constant 21 : i32
      %broadcast_in_dim3A_1514 = vector.broadcast %broadcast_in_dim3A_1513 : i32 to vector<16xi32>
      %gather3A_1515 = tpu.vector_load_idx %arg15[%add3A_1382, %get3A_1384, %broadcast_in_dim3A_1514] : memref<32x8x64xf32, #tpu.memory_space<vmem>>[vector<16xi32>, vector<16xi32>, vector<16xi32>], vector<16xf32>,
      %gather3A_1516 = tpu.vector_load_idx %arg16[%add3A_1382, %get3A_1386, %broadcast_in_dim3A_1514] : memref<32x8x64xf32, #tpu.memory_space<vmem>>[vector<16xi32>, vector<16xi32>, vector<16xi32>], vector<16xf32>,
      %mul3A_1517 = arith.mulf %gather3A_1515, %gather3A_1516 : vector<16xf32>
      %add3A_1518 = arith.addf %add3A_1512, %mul3A_1517 : vector<16xf32>
      %broadcast_in_dim3A_1519 = arith.constant 22 : i32
      %broadcast_in_dim3A_1520 = vector.broadcast %broadcast_in_dim3A_1519 : i32 to vector<16xi32>
      %gather3A_1521 = tpu.vector_load_idx %arg15[%add3A_1382, %get3A_1384, %broadcast_in_dim3A_1520] : memref<32x8x64xf32, #tpu.memory_space<vmem>>[vector<16xi32>, vector<16xi32>, vector<16xi32>], vector<16xf32>,
      %gather3A_1522 = tpu.vector_load_idx %arg16[%add3A_1382, %get3A_1386, %broadcast_in_dim3A_1520] : memref<32x8x64xf32, #tpu.memory_space<vmem>>[vector<16xi32>, vector<16xi32>, vector<16xi32>], vector<16xf32>,
      %mul3A_1523 = arith.mulf %gather3A_1521, %gather3A_1522 : vector<16xf32>
      %add3A_1524 = arith.addf %add3A_1518, %mul3A_1523 : vector<16xf32>
      %broadcast_in_dim3A_1525 = arith.constant 23 : i32
      %broadcast_in_dim3A_1526 = vector.broadcast %broadcast_in_dim3A_1525 : i32 to vector<16xi32>
      %gather3A_1527 = tpu.vector_load_idx %arg15[%add3A_1382, %get3A_1384, %broadcast_in_dim3A_1526] : memref<32x8x64xf32, #tpu.memory_space<vmem>>[vector<16xi32>, vector<16xi32>, vector<16xi32>], vector<16xf32>,
      %gather3A_1528 = tpu.vector_load_idx %arg16[%add3A_1382, %get3A_1386, %broadcast_in_dim3A_1526] : memref<32x8x64xf32, #tpu.memory_space<vmem>>[vector<16xi32>, vector<16xi32>, vector<16xi32>], vector<16xf32>,
      %mul3A_1529 = arith.mulf %gather3A_1527, %gather3A_1528 : vector<16xf32>
      %add3A_1530 = arith.addf %add3A_1524, %mul3A_1529 : vector<16xf32>
      %broadcast_in_dim3A_1531 = arith.constant 24 : i32
      %broadcast_in_dim3A_1532 = vector.broadcast %broadcast_in_dim3A_1531 : i32 to vector<16xi32>
      %gather3A_1533 = tpu.vector_load_idx %arg15[%add3A_1382, %get3A_1384, %broadcast_in_dim3A_1532] : memref<32x8x64xf32, #tpu.memory_space<vmem>>[vector<16xi32>, vector<16xi32>, vector<16xi32>], vector<16xf32>,
      %gather3A_1534 = tpu.vector_load_idx %arg16[%add3A_1382, %get3A_1386, %broadcast_in_dim3A_1532] : memref<32x8x64xf32, #tpu.memory_space<vmem>>[vector<16xi32>, vector<16xi32>, vector<16xi32>], vector<16xf32>,
      %mul3A_1535 = arith.mulf %gather3A_1533, %gather3A_1534 : vector<16xf32>
      %add3A_1536 = arith.addf %add3A_1530, %mul3A_1535 : vector<16xf32>
      %broadcast_in_dim3A_1537 = arith.constant 25 : i32
      %broadcast_in_dim3A_1538 = vector.broadcast %broadcast_in_dim3A_1537 : i32 to vector<16xi32>
      %gather3A_1539 = tpu.vector_load_idx %arg15[%add3A_1382, %get3A_1384, %broadcast_in_dim3A_1538] : memref<32x8x64xf32, #tpu.memory_space<vmem>>[vector<16xi32>, vector<16xi32>, vector<16xi32>], vector<16xf32>,
      %gather3A_1540 = tpu.vector_load_idx %arg16[%add3A_1382, %get3A_1386, %broadcast_in_dim3A_1538] : memref<32x8x64xf32, #tpu.memory_space<vmem>>[vector<16xi32>, vector<16xi32>, vector<16xi32>], vector<16xf32>,
      %mul3A_1541 = arith.mulf %gather3A_1539, %gather3A_1540 : vector<16xf32>
      %add3A_1542 = arith.addf %add3A_1536, %mul3A_1541 : vector<16xf32>
      %broadcast_in_dim3A_1543 = arith.constant 26 : i32
      %broadcast_in_dim3A_1544 = vector.broadcast %broadcast_in_dim3A_1543 : i32 to vector<16xi32>
      %gather3A_1545 = tpu.vector_load_idx %arg15[%add3A_1382, %get3A_1384, %broadcast_in_dim3A_1544] : memref<32x8x64xf32, #tpu.memory_space<vmem>>[vector<16xi32>, vector<16xi32>, vector<16xi32>], vector<16xf32>,
      %gather3A_1546 = tpu.vector_load_idx %arg16[%add3A_1382, %get3A_1386, %broadcast_in_dim3A_1544] : memref<32x8x64xf32, #tpu.memory_space<vmem>>[vector<16xi32>, vector<16xi32>, vector<16xi32>], vector<16xf32>,
      %mul3A_1547 = arith.mulf %gather3A_1545, %gather3A_1546 : vector<16xf32>
      %add3A_1548 = arith.addf %add3A_1542, %mul3A_1547 : vector<16xf32>
      %broadcast_in_dim3A_1549 = arith.constant 27 : i32
      %broadcast_in_dim3A_1550 = vector.broadcast %broadcast_in_dim3A_1549 : i32 to vector<16xi32>
      %gather3A_1551 = tpu.vector_load_idx %arg15[%add3A_1382, %get3A_1384, %broadcast_in_dim3A_1550] : memref<32x8x64xf32, #tpu.memory_space<vmem>>[vector<16xi32>, vector<16xi32>, vector<16xi32>], vector<16xf32>,
      %gather3A_1552 = tpu.vector_load_idx %arg16[%add3A_1382, %get3A_1386, %broadcast_in_dim3A_1550] : memref<32x8x64xf32, #tpu.memory_space<vmem>>[vector<16xi32>, vector<16xi32>, vector<16xi32>], vector<16xf32>,
      %mul3A_1553 = arith.mulf %gather3A_1551, %gather3A_1552 : vector<16xf32>
      %add3A_1554 = arith.addf %add3A_1548, %mul3A_1553 : vector<16xf32>
      %broadcast_in_dim3A_1555 = arith.constant 28 : i32
      %broadcast_in_dim3A_1556 = vector.broadcast %broadcast_in_dim3A_1555 : i32 to vector<16xi32>
      %gather3A_1557 = tpu.vector_load_idx %arg15[%add3A_1382, %get3A_1384, %broadcast_in_dim3A_1556] : memref<32x8x64xf32, #tpu.memory_space<vmem>>[vector<16xi32>, vector<16xi32>, vector<16xi32>], vector<16xf32>,
      %gather3A_1558 = tpu.vector_load_idx %arg16[%add3A_1382, %get3A_1386, %broadcast_in_dim3A_1556] : memref<32x8x64xf32, #tpu.memory_space<vmem>>[vector<16xi32>, vector<16xi32>, vector<16xi32>], vector<16xf32>,
      %mul3A_1559 = arith.mulf %gather3A_1557, %gather3A_1558 : vector<16xf32>
      %add3A_1560 = arith.addf %add3A_1554, %mul3A_1559 : vector<16xf32>
      %broadcast_in_dim3A_1561 = arith.constant 29 : i32
      %broadcast_in_dim3A_1562 = vector.broadcast %broadcast_in_dim3A_1561 : i32 to vector<16xi32>
      %gather3A_1563 = tpu.vector_load_idx %arg15[%add3A_1382, %get3A_1384, %broadcast_in_dim3A_1562] : memref<32x8x64xf32, #tpu.memory_space<vmem>>[vector<16xi32>, vector<16xi32>, vector<16xi32>], vector<16xf32>,
      %gather3A_1564 = tpu.vector_load_idx %arg16[%add3A_1382, %get3A_1386, %broadcast_in_dim3A_1562] : memref<32x8x64xf32, #tpu.memory_space<vmem>>[vector<16xi32>, vector<16xi32>, vector<16xi32>], vector<16xf32>,
      %mul3A_1565 = arith.mulf %gather3A_1563, %gather3A_1564 : vector<16xf32>
      %add3A_1566 = arith.addf %add3A_1560, %mul3A_1565 : vector<16xf32>
      %broadcast_in_dim3A_1567 = arith.constant 30 : i32
      %broadcast_in_dim3A_1568 = vector.broadcast %broadcast_in_dim3A_1567 : i32 to vector<16xi32>
      %gather3A_1569 = tpu.vector_load_idx %arg15[%add3A_1382, %get3A_1384, %broadcast_in_dim3A_1568] : memref<32x8x64xf32, #tpu.memory_space<vmem>>[vector<16xi32>, vector<16xi32>, vector<16xi32>], vector<16xf32>,
      %gather3A_1570 = tpu.vector_load_idx %arg16[%add3A_1382, %get3A_1386, %broadcast_in_dim3A_1568] : memref<32x8x64xf32, #tpu.memory_space<vmem>>[vector<16xi32>, vector<16xi32>, vector<16xi32>], vector<16xf32>,
      %mul3A_1571 = arith.mulf %gather3A_1569, %gather3A_1570 : vector<16xf32>
      %add3A_1572 = arith.addf %add3A_1566, %mul3A_1571 : vector<16xf32>
      %broadcast_in_dim3A_1573 = arith.constant 31 : i32
      %broadcast_in_dim3A_1574 = vector.broadcast %broadcast_in_dim3A_1573 : i32 to vector<16xi32>
      %gather3A_1575 = tpu.vector_load_idx %arg15[%add3A_1382, %get3A_1384, %broadcast_in_dim3A_1574] : memref<32x8x64xf32, #tpu.memory_space<vmem>>[vector<16xi32>, vector<16xi32>, vector<16xi32>], vector<16xf32>,
      %gather3A_1576 = tpu.vector_load_idx %arg16[%add3A_1382, %get3A_1386, %broadcast_in_dim3A_1574] : memref<32x8x64xf32, #tpu.memory_space<vmem>>[vector<16xi32>, vector<16xi32>, vector<16xi32>], vector<16xf32>,
      %mul3A_1577 = arith.mulf %gather3A_1575, %gather3A_1576 : vector<16xf32>
      %add3A_1578 = arith.addf %add3A_1572, %mul3A_1577 : vector<16xf32>
      %broadcast_in_dim3A_1579 = arith.constant 32 : i32
      %broadcast_in_dim3A_1580 = vector.broadcast %broadcast_in_dim3A_1579 : i32 to vector<16xi32>
      %gather3A_1581 = tpu.vector_load_idx %arg15[%add3A_1382, %get3A_1384, %broadcast_in_dim3A_1580] : memref<32x8x64xf32, #tpu.memory_space<vmem>>[vector<16xi32>, vector<16xi32>, vector<16xi32>], vector<16xf32>,
      %gather3A_1582 = tpu.vector_load_idx %arg16[%add3A_1382, %get3A_1386, %broadcast_in_dim3A_1580] : memref<32x8x64xf32, #tpu.memory_space<vmem>>[vector<16xi32>, vector<16xi32>, vector<16xi32>], vector<16xf32>,
      %mul3A_1583 = arith.mulf %gather3A_1581, %gather3A_1582 : vector<16xf32>
      %add3A_1584 = arith.addf %add3A_1578, %mul3A_1583 : vector<16xf32>
      %broadcast_in_dim3A_1585 = arith.constant 33 : i32
      %broadcast_in_dim3A_1586 = vector.broadcast %broadcast_in_dim3A_1585 : i32 to vector<16xi32>
      %gather3A_1587 = tpu.vector_load_idx %arg15[%add3A_1382, %get3A_1384, %broadcast_in_dim3A_1586] : memref<32x8x64xf32, #tpu.memory_space<vmem>>[vector<16xi32>, vector<16xi32>, vector<16xi32>], vector<16xf32>,
      %gather3A_1588 = tpu.vector_load_idx %arg16[%add3A_1382, %get3A_1386, %broadcast_in_dim3A_1586] : memref<32x8x64xf32, #tpu.memory_space<vmem>>[vector<16xi32>, vector<16xi32>, vector<16xi32>], vector<16xf32>,
      %mul3A_1589 = arith.mulf %gather3A_1587, %gather3A_1588 : vector<16xf32>
      %add3A_1590 = arith.addf %add3A_1584, %mul3A_1589 : vector<16xf32>
      %broadcast_in_dim3A_1591 = arith.constant 34 : i32
      %broadcast_in_dim3A_1592 = vector.broadcast %broadcast_in_dim3A_1591 : i32 to vector<16xi32>
      %gather3A_1593 = tpu.vector_load_idx %arg15[%add3A_1382, %get3A_1384, %broadcast_in_dim3A_1592] : memref<32x8x64xf32, #tpu.memory_space<vmem>>[vector<16xi32>, vector<16xi32>, vector<16xi32>], vector<16xf32>,
      %gather3A_1594 = tpu.vector_load_idx %arg16[%add3A_1382, %get3A_1386, %broadcast_in_dim3A_1592] : memref<32x8x64xf32, #tpu.memory_space<vmem>>[vector<16xi32>, vector<16xi32>, vector<16xi32>], vector<16xf32>,
      %mul3A_1595 = arith.mulf %gather3A_1593, %gather3A_1594 : vector<16xf32>
      %add3A_1596 = arith.addf %add3A_1590, %mul3A_1595 : vector<16xf32>
      %broadcast_in_dim3A_1597 = arith.constant 35 : i32
      %broadcast_in_dim3A_1598 = vector.broadcast %broadcast_in_dim3A_1597 : i32 to vector<16xi32>
      %gather3A_1599 = tpu.vector_load_idx %arg15[%add3A_1382, %get3A_1384, %broadcast_in_dim3A_1598] : memref<32x8x64xf32, #tpu.memory_space<vmem>>[vector<16xi32>, vector<16xi32>, vector<16xi32>], vector<16xf32>,
      %gather3A_1600 = tpu.vector_load_idx %arg16[%add3A_1382, %get3A_1386, %broadcast_in_dim3A_1598] : memref<32x8x64xf32, #tpu.memory_space<vmem>>[vector<16xi32>, vector<16xi32>, vector<16xi32>], vector<16xf32>,
      %mul3A_1601 = arith.mulf %gather3A_1599, %gather3A_1600 : vector<16xf32>
      %add3A_1602 = arith.addf %add3A_1596, %mul3A_1601 : vector<16xf32>
      %broadcast_in_dim3A_1603 = arith.constant 36 : i32
      %broadcast_in_dim3A_1604 = vector.broadcast %broadcast_in_dim3A_1603 : i32 to vector<16xi32>
      %gather3A_1605 = tpu.vector_load_idx %arg15[%add3A_1382, %get3A_1384, %broadcast_in_dim3A_1604] : memref<32x8x64xf32, #tpu.memory_space<vmem>>[vector<16xi32>, vector<16xi32>, vector<16xi32>], vector<16xf32>,
      %gather3A_1606 = tpu.vector_load_idx %arg16[%add3A_1382, %get3A_1386, %broadcast_in_dim3A_1604] : memref<32x8x64xf32, #tpu.memory_space<vmem>>[vector<16xi32>, vector<16xi32>, vector<16xi32>], vector<16xf32>,
      %mul3A_1607 = arith.mulf %gather3A_1605, %gather3A_1606 : vector<16xf32>
      %add3A_1608 = arith.addf %add3A_1602, %mul3A_1607 : vector<16xf32>
      %broadcast_in_dim3A_1609 = arith.constant 37 : i32
      %broadcast_in_dim3A_1610 = vector.broadcast %broadcast_in_dim3A_1609 : i32 to vector<16xi32>
      %gather3A_1611 = tpu.vector_load_idx %arg15[%add3A_1382, %get3A_1384, %broadcast_in_dim3A_1610] : memref<32x8x64xf32, #tpu.memory_space<vmem>>[vector<16xi32>, vector<16xi32>, vector<16xi32>], vector<16xf32>,
      %gather3A_1612 = tpu.vector_load_idx %arg16[%add3A_1382, %get3A_1386, %broadcast_in_dim3A_1610] : memref<32x8x64xf32, #tpu.memory_space<vmem>>[vector<16xi32>, vector<16xi32>, vector<16xi32>], vector<16xf32>,
      %mul3A_1613 = arith.mulf %gather3A_1611, %gather3A_1612 : vector<16xf32>
      %add3A_1614 = arith.addf %add3A_1608, %mul3A_1613 : vector<16xf32>
      %broadcast_in_dim3A_1615 = arith.constant 38 : i32
      %broadcast_in_dim3A_1616 = vector.broadcast %broadcast_in_dim3A_1615 : i32 to vector<16xi32>
      %gather3A_1617 = tpu.vector_load_idx %arg15[%add3A_1382, %get3A_1384, %broadcast_in_dim3A_1616] : memref<32x8x64xf32, #tpu.memory_space<vmem>>[vector<16xi32>, vector<16xi32>, vector<16xi32>], vector<16xf32>,
      %gather3A_1618 = tpu.vector_load_idx %arg16[%add3A_1382, %get3A_1386, %broadcast_in_dim3A_1616] : memref<32x8x64xf32, #tpu.memory_space<vmem>>[vector<16xi32>, vector<16xi32>, vector<16xi32>], vector<16xf32>,
      %mul3A_1619 = arith.mulf %gather3A_1617, %gather3A_1618 : vector<16xf32>
      %add3A_1620 = arith.addf %add3A_1614, %mul3A_1619 : vector<16xf32>
      %broadcast_in_dim3A_1621 = arith.constant 39 : i32
      %broadcast_in_dim3A_1622 = vector.broadcast %broadcast_in_dim3A_1621 : i32 to vector<16xi32>
      %gather3A_1623 = tpu.vector_load_idx %arg15[%add3A_1382, %get3A_1384, %broadcast_in_dim3A_1622] : memref<32x8x64xf32, #tpu.memory_space<vmem>>[vector<16xi32>, vector<16xi32>, vector<16xi32>], vector<16xf32>,
      %gather3A_1624 = tpu.vector_load_idx %arg16[%add3A_1382, %get3A_1386, %broadcast_in_dim3A_1622] : memref<32x8x64xf32, #tpu.memory_space<vmem>>[vector<16xi32>, vector<16xi32>, vector<16xi32>], vector<16xf32>,
      %mul3A_1625 = arith.mulf %gather3A_1623, %gather3A_1624 : vector<16xf32>
      %add3A_1626 = arith.addf %add3A_1620, %mul3A_1625 : vector<16xf32>
      %broadcast_in_dim3A_1627 = arith.constant 40 : i32
      %broadcast_in_dim3A_1628 = vector.broadcast %broadcast_in_dim3A_1627 : i32 to vector<16xi32>
      %gather3A_1629 = tpu.vector_load_idx %arg15[%add3A_1382, %get3A_1384, %broadcast_in_dim3A_1628] : memref<32x8x64xf32, #tpu.memory_space<vmem>>[vector<16xi32>, vector<16xi32>, vector<16xi32>], vector<16xf32>,
      %gather3A_1630 = tpu.vector_load_idx %arg16[%add3A_1382, %get3A_1386, %broadcast_in_dim3A_1628] : memref<32x8x64xf32, #tpu.memory_space<vmem>>[vector<16xi32>, vector<16xi32>, vector<16xi32>], vector<16xf32>,
      %mul3A_1631 = arith.mulf %gather3A_1629, %gather3A_1630 : vector<16xf32>
      %add3A_1632 = arith.addf %add3A_1626, %mul3A_1631 : vector<16xf32>
      %broadcast_in_dim3A_1633 = arith.constant 41 : i32
      %broadcast_in_dim3A_1634 = vector.broadcast %broadcast_in_dim3A_1633 : i32 to vector<16xi32>
      %gather3A_1635 = tpu.vector_load_idx %arg15[%add3A_1382, %get3A_1384, %broadcast_in_dim3A_1634] : memref<32x8x64xf32, #tpu.memory_space<vmem>>[vector<16xi32>, vector<16xi32>, vector<16xi32>], vector<16xf32>,
      %gather3A_1636 = tpu.vector_load_idx %arg16[%add3A_1382, %get3A_1386, %broadcast_in_dim3A_1634] : memref<32x8x64xf32, #tpu.memory_space<vmem>>[vector<16xi32>, vector<16xi32>, vector<16xi32>], vector<16xf32>,
      %mul3A_1637 = arith.mulf %gather3A_1635, %gather3A_1636 : vector<16xf32>
      %add3A_1638 = arith.addf %add3A_1632, %mul3A_1637 : vector<16xf32>
      %broadcast_in_dim3A_1639 = arith.constant 42 : i32
      %broadcast_in_dim3A_1640 = vector.broadcast %broadcast_in_dim3A_1639 : i32 to vector<16xi32>
      %gather3A_1641 = tpu.vector_load_idx %arg15[%add3A_1382, %get3A_1384, %broadcast_in_dim3A_1640] : memref<32x8x64xf32, #tpu.memory_space<vmem>>[vector<16xi32>, vector<16xi32>, vector<16xi32>], vector<16xf32>,
      %gather3A_1642 = tpu.vector_load_idx %arg16[%add3A_1382, %get3A_1386, %broadcast_in_dim3A_1640] : memref<32x8x64xf32, #tpu.memory_space<vmem>>[vector<16xi32>, vector<16xi32>, vector<16xi32>], vector<16xf32>,
      %mul3A_1643 = arith.mulf %gather3A_1641, %gather3A_1642 : vector<16xf32>
      %add3A_1644 = arith.addf %add3A_1638, %mul3A_1643 : vector<16xf32>
      %broadcast_in_dim3A_1645 = arith.constant 43 : i32
      %broadcast_in_dim3A_1646 = vector.broadcast %broadcast_in_dim3A_1645 : i32 to vector<16xi32>
      %gather3A_1647 = tpu.vector_load_idx %arg15[%add3A_1382, %get3A_1384, %broadcast_in_dim3A_1646] : memref<32x8x64xf32, #tpu.memory_space<vmem>>[vector<16xi32>, vector<16xi32>, vector<16xi32>], vector<16xf32>,
      %gather3A_1648 = tpu.vector_load_idx %arg16[%add3A_1382, %get3A_1386, %broadcast_in_dim3A_1646] : memref<32x8x64xf32, #tpu.memory_space<vmem>>[vector<16xi32>, vector<16xi32>, vector<16xi32>], vector<16xf32>,
      %mul3A_1649 = arith.mulf %gather3A_1647, %gather3A_1648 : vector<16xf32>
      %add3A_1650 = arith.addf %add3A_1644, %mul3A_1649 : vector<16xf32>
      %broadcast_in_dim3A_1651 = arith.constant 44 : i32
      %broadcast_in_dim3A_1652 = vector.broadcast %broadcast_in_dim3A_1651 : i32 to vector<16xi32>
      %gather3A_1653 = tpu.vector_load_idx %arg15[%add3A_1382, %get3A_1384, %broadcast_in_dim3A_1652] : memref<32x8x64xf32, #tpu.memory_space<vmem>>[vector<16xi32>, vector<16xi32>, vector<16xi32>], vector<16xf32>,
      %gather3A_1654 = tpu.vector_load_idx %arg16[%add3A_1382, %get3A_1386, %broadcast_in_dim3A_1652] : memref<32x8x64xf32, #tpu.memory_space<vmem>>[vector<16xi32>, vector<16xi32>, vector<16xi32>], vector<16xf32>,
      %mul3A_1655 = arith.mulf %gather3A_1653, %gather3A_1654 : vector<16xf32>
      %add3A_1656 = arith.addf %add3A_1650, %mul3A_1655 : vector<16xf32>
      %broadcast_in_dim3A_1657 = arith.constant 45 : i32
      %broadcast_in_dim3A_1658 = vector.broadcast %broadcast_in_dim3A_1657 : i32 to vector<16xi32>
      %gather3A_1659 = tpu.vector_load_idx %arg15[%add3A_1382, %get3A_1384, %broadcast_in_dim3A_1658] : memref<32x8x64xf32, #tpu.memory_space<vmem>>[vector<16xi32>, vector<16xi32>, vector<16xi32>], vector<16xf32>,
      %gather3A_1660 = tpu.vector_load_idx %arg16[%add3A_1382, %get3A_1386, %broadcast_in_dim3A_1658] : memref<32x8x64xf32, #tpu.memory_space<vmem>>[vector<16xi32>, vector<16xi32>, vector<16xi32>], vector<16xf32>,
      %mul3A_1661 = arith.mulf %gather3A_1659, %gather3A_1660 : vector<16xf32>
      %add3A_1662 = arith.addf %add3A_1656, %mul3A_1661 : vector<16xf32>
      %broadcast_in_dim3A_1663 = arith.constant 46 : i32
      %broadcast_in_dim3A_1664 = vector.broadcast %broadcast_in_dim3A_1663 : i32 to vector<16xi32>
      %gather3A_1665 = tpu.vector_load_idx %arg15[%add3A_1382, %get3A_1384, %broadcast_in_dim3A_1664] : memref<32x8x64xf32, #tpu.memory_space<vmem>>[vector<16xi32>, vector<16xi32>, vector<16xi32>], vector<16xf32>,
      %gather3A_1666 = tpu.vector_load_idx %arg16[%add3A_1382, %get3A_1386, %broadcast_in_dim3A_1664] : memref<32x8x64xf32, #tpu.memory_space<vmem>>[vector<16xi32>, vector<16xi32>, vector<16xi32>], vector<16xf32>,
      %mul3A_1667 = arith.mulf %gather3A_1665, %gather3A_1666 : vector<16xf32>
      %add3A_1668 = arith.addf %add3A_1662, %mul3A_1667 : vector<16xf32>
      %broadcast_in_dim3A_1669 = arith.constant 47 : i32
      %broadcast_in_dim3A_1670 = vector.broadcast %broadcast_in_dim3A_1669 : i32 to vector<16xi32>
      %gather3A_1671 = tpu.vector_load_idx %arg15[%add3A_1382, %get3A_1384, %broadcast_in_dim3A_1670] : memref<32x8x64xf32, #tpu.memory_space<vmem>>[vector<16xi32>, vector<16xi32>, vector<16xi32>], vector<16xf32>,
      %gather3A_1672 = tpu.vector_load_idx %arg16[%add3A_1382, %get3A_1386, %broadcast_in_dim3A_1670] : memref<32x8x64xf32, #tpu.memory_space<vmem>>[vector<16xi32>, vector<16xi32>, vector<16xi32>], vector<16xf32>,
      %mul3A_1673 = arith.mulf %gather3A_1671, %gather3A_1672 : vector<16xf32>
      %add3A_1674 = arith.addf %add3A_1668, %mul3A_1673 : vector<16xf32>
      %broadcast_in_dim3A_1675 = arith.constant 48 : i32
      %broadcast_in_dim3A_1676 = vector.broadcast %broadcast_in_dim3A_1675 : i32 to vector<16xi32>
      %gather3A_1677 = tpu.vector_load_idx %arg15[%add3A_1382, %get3A_1384, %broadcast_in_dim3A_1676] : memref<32x8x64xf32, #tpu.memory_space<vmem>>[vector<16xi32>, vector<16xi32>, vector<16xi32>], vector<16xf32>,
      %gather3A_1678 = tpu.vector_load_idx %arg16[%add3A_1382, %get3A_1386, %broadcast_in_dim3A_1676] : memref<32x8x64xf32, #tpu.memory_space<vmem>>[vector<16xi32>, vector<16xi32>, vector<16xi32>], vector<16xf32>,
      %mul3A_1679 = arith.mulf %gather3A_1677, %gather3A_1678 : vector<16xf32>
      %add3A_1680 = arith.addf %add3A_1674, %mul3A_1679 : vector<16xf32>
      %broadcast_in_dim3A_1681 = arith.constant 49 : i32
      %broadcast_in_dim3A_1682 = vector.broadcast %broadcast_in_dim3A_1681 : i32 to vector<16xi32>
      %gather3A_1683 = tpu.vector_load_idx %arg15[%add3A_1382, %get3A_1384, %broadcast_in_dim3A_1682] : memref<32x8x64xf32, #tpu.memory_space<vmem>>[vector<16xi32>, vector<16xi32>, vector<16xi32>], vector<16xf32>,
      %gather3A_1684 = tpu.vector_load_idx %arg16[%add3A_1382, %get3A_1386, %broadcast_in_dim3A_1682] : memref<32x8x64xf32, #tpu.memory_space<vmem>>[vector<16xi32>, vector<16xi32>, vector<16xi32>], vector<16xf32>,
      %mul3A_1685 = arith.mulf %gather3A_1683, %gather3A_1684 : vector<16xf32>
      %add3A_1686 = arith.addf %add3A_1680, %mul3A_1685 : vector<16xf32>
      %broadcast_in_dim3A_1687 = arith.constant 50 : i32
      %broadcast_in_dim3A_1688 = vector.broadcast %broadcast_in_dim3A_1687 : i32 to vector<16xi32>
      %gather3A_1689 = tpu.vector_load_idx %arg15[%add3A_1382, %get3A_1384, %broadcast_in_dim3A_1688] : memref<32x8x64xf32, #tpu.memory_space<vmem>>[vector<16xi32>, vector<16xi32>, vector<16xi32>], vector<16xf32>,
      %gather3A_1690 = tpu.vector_load_idx %arg16[%add3A_1382, %get3A_1386, %broadcast_in_dim3A_1688] : memref<32x8x64xf32, #tpu.memory_space<vmem>>[vector<16xi32>, vector<16xi32>, vector<16xi32>], vector<16xf32>,
      %mul3A_1691 = arith.mulf %gather3A_1689, %gather3A_1690 : vector<16xf32>
      %add3A_1692 = arith.addf %add3A_1686, %mul3A_1691 : vector<16xf32>
      %broadcast_in_dim3A_1693 = arith.constant 51 : i32
      %broadcast_in_dim3A_1694 = vector.broadcast %broadcast_in_dim3A_1693 : i32 to vector<16xi32>
      %gather3A_1695 = tpu.vector_load_idx %arg15[%add3A_1382, %get3A_1384, %broadcast_in_dim3A_1694] : memref<32x8x64xf32, #tpu.memory_space<vmem>>[vector<16xi32>, vector<16xi32>, vector<16xi32>], vector<16xf32>,
      %gather3A_1696 = tpu.vector_load_idx %arg16[%add3A_1382, %get3A_1386, %broadcast_in_dim3A_1694] : memref<32x8x64xf32, #tpu.memory_space<vmem>>[vector<16xi32>, vector<16xi32>, vector<16xi32>], vector<16xf32>,
      %mul3A_1697 = arith.mulf %gather3A_1695, %gather3A_1696 : vector<16xf32>
      %add3A_1698 = arith.addf %add3A_1692, %mul3A_1697 : vector<16xf32>
      %broadcast_in_dim3A_1699 = arith.constant 52 : i32
      %broadcast_in_dim3A_1700 = vector.broadcast %broadcast_in_dim3A_1699 : i32 to vector<16xi32>
      %gather3A_1701 = tpu.vector_load_idx %arg15[%add3A_1382, %get3A_1384, %broadcast_in_dim3A_1700] : memref<32x8x64xf32, #tpu.memory_space<vmem>>[vector<16xi32>, vector<16xi32>, vector<16xi32>], vector<16xf32>,
      %gather3A_1702 = tpu.vector_load_idx %arg16[%add3A_1382, %get3A_1386, %broadcast_in_dim3A_1700] : memref<32x8x64xf32, #tpu.memory_space<vmem>>[vector<16xi32>, vector<16xi32>, vector<16xi32>], vector<16xf32>,
      %mul3A_1703 = arith.mulf %gather3A_1701, %gather3A_1702 : vector<16xf32>
      %add3A_1704 = arith.addf %add3A_1698, %mul3A_1703 : vector<16xf32>
      %broadcast_in_dim3A_1705 = arith.constant 53 : i32
      %broadcast_in_dim3A_1706 = vector.broadcast %broadcast_in_dim3A_1705 : i32 to vector<16xi32>
      %gather3A_1707 = tpu.vector_load_idx %arg15[%add3A_1382, %get3A_1384, %broadcast_in_dim3A_1706] : memref<32x8x64xf32, #tpu.memory_space<vmem>>[vector<16xi32>, vector<16xi32>, vector<16xi32>], vector<16xf32>,
      %gather3A_1708 = tpu.vector_load_idx %arg16[%add3A_1382, %get3A_1386, %broadcast_in_dim3A_1706] : memref<32x8x64xf32, #tpu.memory_space<vmem>>[vector<16xi32>, vector<16xi32>, vector<16xi32>], vector<16xf32>,
      %mul3A_1709 = arith.mulf %gather3A_1707, %gather3A_1708 : vector<16xf32>
      %add3A_1710 = arith.addf %add3A_1704, %mul3A_1709 : vector<16xf32>
      %broadcast_in_dim3A_1711 = arith.constant 54 : i32
      %broadcast_in_dim3A_1712 = vector.broadcast %broadcast_in_dim3A_1711 : i32 to vector<16xi32>
      %gather3A_1713 = tpu.vector_load_idx %arg15[%add3A_1382, %get3A_1384, %broadcast_in_dim3A_1712] : memref<32x8x64xf32, #tpu.memory_space<vmem>>[vector<16xi32>, vector<16xi32>, vector<16xi32>], vector<16xf32>,
      %gather3A_1714 = tpu.vector_load_idx %arg16[%add3A_1382, %get3A_1386, %broadcast_in_dim3A_1712] : memref<32x8x64xf32, #tpu.memory_space<vmem>>[vector<16xi32>, vector<16xi32>, vector<16xi32>], vector<16xf32>,
      %mul3A_1715 = arith.mulf %gather3A_1713, %gather3A_1714 : vector<16xf32>
      %add3A_1716 = arith.addf %add3A_1710, %mul3A_1715 : vector<16xf32>
      %broadcast_in_dim3A_1717 = arith.constant 55 : i32
      %broadcast_in_dim3A_1718 = vector.broadcast %broadcast_in_dim3A_1717 : i32 to vector<16xi32>
      %gather3A_1719 = tpu.vector_load_idx %arg15[%add3A_1382, %get3A_1384, %broadcast_in_dim3A_1718] : memref<32x8x64xf32, #tpu.memory_space<vmem>>[vector<16xi32>, vector<16xi32>, vector<16xi32>], vector<16xf32>,
      %gather3A_1720 = tpu.vector_load_idx %arg16[%add3A_1382, %get3A_1386, %broadcast_in_dim3A_1718] : memref<32x8x64xf32, #tpu.memory_space<vmem>>[vector<16xi32>, vector<16xi32>, vector<16xi32>], vector<16xf32>,
      %mul3A_1721 = arith.mulf %gather3A_1719, %gather3A_1720 : vector<16xf32>
      %add3A_1722 = arith.addf %add3A_1716, %mul3A_1721 : vector<16xf32>
      %broadcast_in_dim3A_1723 = arith.constant 56 : i32
      %broadcast_in_dim3A_1724 = vector.broadcast %broadcast_in_dim3A_1723 : i32 to vector<16xi32>
      %gather3A_1725 = tpu.vector_load_idx %arg15[%add3A_1382, %get3A_1384, %broadcast_in_dim3A_1724] : memref<32x8x64xf32, #tpu.memory_space<vmem>>[vector<16xi32>, vector<16xi32>, vector<16xi32>], vector<16xf32>,
      %gather3A_1726 = tpu.vector_load_idx %arg16[%add3A_1382, %get3A_1386, %broadcast_in_dim3A_1724] : memref<32x8x64xf32, #tpu.memory_space<vmem>>[vector<16xi32>, vector<16xi32>, vector<16xi32>], vector<16xf32>,
      %mul3A_1727 = arith.mulf %gather3A_1725, %gather3A_1726 : vector<16xf32>
      %add3A_1728 = arith.addf %add3A_1722, %mul3A_1727 : vector<16xf32>
      %broadcast_in_dim3A_1729 = arith.constant 57 : i32
      %broadcast_in_dim3A_1730 = vector.broadcast %broadcast_in_dim3A_1729 : i32 to vector<16xi32>
      %gather3A_1731 = tpu.vector_load_idx %arg15[%add3A_1382, %get3A_1384, %broadcast_in_dim3A_1730] : memref<32x8x64xf32, #tpu.memory_space<vmem>>[vector<16xi32>, vector<16xi32>, vector<16xi32>], vector<16xf32>,
      %gather3A_1732 = tpu.vector_load_idx %arg16[%add3A_1382, %get3A_1386, %broadcast_in_dim3A_1730] : memref<32x8x64xf32, #tpu.memory_space<vmem>>[vector<16xi32>, vector<16xi32>, vector<16xi32>], vector<16xf32>,
      %mul3A_1733 = arith.mulf %gather3A_1731, %gather3A_1732 : vector<16xf32>
      %add3A_1734 = arith.addf %add3A_1728, %mul3A_1733 : vector<16xf32>
      %broadcast_in_dim3A_1735 = arith.constant 58 : i32
      %broadcast_in_dim3A_1736 = vector.broadcast %broadcast_in_dim3A_1735 : i32 to vector<16xi32>
      %gather3A_1737 = tpu.vector_load_idx %arg15[%add3A_1382, %get3A_1384, %broadcast_in_dim3A_1736] : memref<32x8x64xf32, #tpu.memory_space<vmem>>[vector<16xi32>, vector<16xi32>, vector<16xi32>], vector<16xf32>,
      %gather3A_1738 = tpu.vector_load_idx %arg16[%add3A_1382, %get3A_1386, %broadcast_in_dim3A_1736] : memref<32x8x64xf32, #tpu.memory_space<vmem>>[vector<16xi32>, vector<16xi32>, vector<16xi32>], vector<16xf32>,
      %mul3A_1739 = arith.mulf %gather3A_1737, %gather3A_1738 : vector<16xf32>
      %add3A_1740 = arith.addf %add3A_1734, %mul3A_1739 : vector<16xf32>
      %broadcast_in_dim3A_1741 = arith.constant 59 : i32
      %broadcast_in_dim3A_1742 = vector.broadcast %broadcast_in_dim3A_1741 : i32 to vector<16xi32>
      %gather3A_1743 = tpu.vector_load_idx %arg15[%add3A_1382, %get3A_1384, %broadcast_in_dim3A_1742] : memref<32x8x64xf32, #tpu.memory_space<vmem>>[vector<16xi32>, vector<16xi32>, vector<16xi32>], vector<16xf32>,
      %gather3A_1744 = tpu.vector_load_idx %arg16[%add3A_1382, %get3A_1386, %broadcast_in_dim3A_1742] : memref<32x8x64xf32, #tpu.memory_space<vmem>>[vector<16xi32>, vector<16xi32>, vector<16xi32>], vector<16xf32>,
      %mul3A_1745 = arith.mulf %gather3A_1743, %gather3A_1744 : vector<16xf32>
      %add3A_1746 = arith.addf %add3A_1740, %mul3A_1745 : vector<16xf32>
      %broadcast_in_dim3A_1747 = arith.constant 60 : i32
      %broadcast_in_dim3A_1748 = vector.broadcast %broadcast_in_dim3A_1747 : i32 to vector<16xi32>
      %gather3A_1749 = tpu.vector_load_idx %arg15[%add3A_1382, %get3A_1384, %broadcast_in_dim3A_1748] : memref<32x8x64xf32, #tpu.memory_space<vmem>>[vector<16xi32>, vector<16xi32>, vector<16xi32>], vector<16xf32>,
      %gather3A_1750 = tpu.vector_load_idx %arg16[%add3A_1382, %get3A_1386, %broadcast_in_dim3A_1748] : memref<32x8x64xf32, #tpu.memory_space<vmem>>[vector<16xi32>, vector<16xi32>, vector<16xi32>], vector<16xf32>,
      %mul3A_1751 = arith.mulf %gather3A_1749, %gather3A_1750 : vector<16xf32>
      %add3A_1752 = arith.addf %add3A_1746, %mul3A_1751 : vector<16xf32>
      %broadcast_in_dim3A_1753 = arith.constant 61 : i32
      %broadcast_in_dim3A_1754 = vector.broadcast %broadcast_in_dim3A_1753 : i32 to vector<16xi32>
      %gather3A_1755 = tpu.vector_load_idx %arg15[%add3A_1382, %get3A_1384, %broadcast_in_dim3A_1754] : memref<32x8x64xf32, #tpu.memory_space<vmem>>[vector<16xi32>, vector<16xi32>, vector<16xi32>], vector<16xf32>,
      %gather3A_1756 = tpu.vector_load_idx %arg16[%add3A_1382, %get3A_1386, %broadcast_in_dim3A_1754] : memref<32x8x64xf32, #tpu.memory_space<vmem>>[vector<16xi32>, vector<16xi32>, vector<16xi32>], vector<16xf32>,
      %mul3A_1757 = arith.mulf %gather3A_1755, %gather3A_1756 : vector<16xf32>
      %add3A_1758 = arith.addf %add3A_1752, %mul3A_1757 : vector<16xf32>
      %broadcast_in_dim3A_1759 = arith.constant 62 : i32
      %broadcast_in_dim3A_1760 = vector.broadcast %broadcast_in_dim3A_1759 : i32 to vector<16xi32>
      %gather3A_1761 = tpu.vector_load_idx %arg15[%add3A_1382, %get3A_1384, %broadcast_in_dim3A_1760] : memref<32x8x64xf32, #tpu.memory_space<vmem>>[vector<16xi32>, vector<16xi32>, vector<16xi32>], vector<16xf32>,
      %gather3A_1762 = tpu.vector_load_idx %arg16[%add3A_1382, %get3A_1386, %broadcast_in_dim3A_1760] : memref<32x8x64xf32, #tpu.memory_space<vmem>>[vector<16xi32>, vector<16xi32>, vector<16xi32>], vector<16xf32>,
      %mul3A_1763 = arith.mulf %gather3A_1761, %gather3A_1762 : vector<16xf32>
      %add3A_1764 = arith.addf %add3A_1758, %mul3A_1763 : vector<16xf32>
      %broadcast_in_dim3A_1765 = arith.constant 63 : i32
      %broadcast_in_dim3A_1766 = vector.broadcast %broadcast_in_dim3A_1765 : i32 to vector<16xi32>
      %gather3A_1767 = tpu.vector_load_idx %arg15[%add3A_1382, %get3A_1384, %broadcast_in_dim3A_1766] : memref<32x8x64xf32, #tpu.memory_space<vmem>>[vector<16xi32>, vector<16xi32>, vector<16xi32>], vector<16xf32>,
      %gather3A_1768 = tpu.vector_load_idx %arg16[%add3A_1382, %get3A_1386, %broadcast_in_dim3A_1766] : memref<32x8x64xf32, #tpu.memory_space<vmem>>[vector<16xi32>, vector<16xi32>, vector<16xi32>], vector<16xf32>,
      %mul3A_1769 = arith.mulf %gather3A_1767, %gather3A_1768 : vector<16xf32>
      %add3A_1770 = arith.addf %add3A_1764, %mul3A_1769 : vector<16xf32>
      %swap3A = arith.index_cast %add3A_1379 : i32 to index
      %swap3A_1771 = tpu.vector_load %arg19[%swap3A] {strides = array<i32>} : memref<512xf32, #tpu.memory_space<vmem>>, vector<16xf32>,
      tpu.vector_store %arg19[%swap3A], %add3A_1770 {strides = array<i32>} : memref<512xf32, #tpu.memory_space<vmem>>, vector<16xf32>,
      %add3A_1772 = arith.constant 16 : i32
      %add3A_1773 = arith.addi %mul3A_132, %add3A_1772 : i32
      %add3A_1774 = arith.constant 16 : i32
      %add3A_1775 = vector.broadcast %add3A_1774 : i32 to vector<16xi32>
      %add3A_1776 = arith.addi %add3A_1775, %iota3A : vector<16xi32>
      %get3A_1777 = arith.index_cast %add3A_1773 : i32 to index
      %get3A_1778 = tpu.vector_load %arg13[%get3A_1777] {strides = array<i32>} : memref<512xi32, #tpu.memory_space<vmem>>, vector<16xi32>,
      %get3A_1779 = arith.index_cast %add3A_1773 : i32 to index
      %get3A_1780 = tpu.vector_load %arg14[%get3A_1779] {strides = array<i32>} : memref<512xi32, #tpu.memory_space<vmem>>, vector<16xi32>,
      %broadcast_in_dim3A_1781 = arith.constant 0.000000e+00 : f32
      %broadcast_in_dim3A_1782 = vector.broadcast %broadcast_in_dim3A_1781 : f32 to vector<16xf32>
      %broadcast_in_dim3A_1783 = arith.constant 0 : i32
      %broadcast_in_dim3A_1784 = vector.broadcast %broadcast_in_dim3A_1783 : i32 to vector<16xi32>
      %gather3A_1785 = tpu.vector_load_idx %arg15[%add3A_1776, %get3A_1778, %broadcast_in_dim3A_1784] : memref<32x8x64xf32, #tpu.memory_space<vmem>>[vector<16xi32>, vector<16xi32>, vector<16xi32>], vector<16xf32>,
      %gather3A_1786 = tpu.vector_load_idx %arg16[%add3A_1776, %get3A_1780, %broadcast_in_dim3A_1784] : memref<32x8x64xf32, #tpu.memory_space<vmem>>[vector<16xi32>, vector<16xi32>, vector<16xi32>], vector<16xf32>,
      %mul3A_1787 = arith.mulf %gather3A_1785, %gather3A_1786 : vector<16xf32>
      %add3A_1788 = arith.addf %broadcast_in_dim3A_1782, %mul3A_1787 : vector<16xf32>
      %broadcast_in_dim3A_1789 = arith.constant 1 : i32
      %broadcast_in_dim3A_1790 = vector.broadcast %broadcast_in_dim3A_1789 : i32 to vector<16xi32>
      %gather3A_1791 = tpu.vector_load_idx %arg15[%add3A_1776, %get3A_1778, %broadcast_in_dim3A_1790] : memref<32x8x64xf32, #tpu.memory_space<vmem>>[vector<16xi32>, vector<16xi32>, vector<16xi32>], vector<16xf32>,
      %gather3A_1792 = tpu.vector_load_idx %arg16[%add3A_1776, %get3A_1780, %broadcast_in_dim3A_1790] : memref<32x8x64xf32, #tpu.memory_space<vmem>>[vector<16xi32>, vector<16xi32>, vector<16xi32>], vector<16xf32>,
      %mul3A_1793 = arith.mulf %gather3A_1791, %gather3A_1792 : vector<16xf32>
      %add3A_1794 = arith.addf %add3A_1788, %mul3A_1793 : vector<16xf32>
      %broadcast_in_dim3A_1795 = arith.constant 2 : i32
      %broadcast_in_dim3A_1796 = vector.broadcast %broadcast_in_dim3A_1795 : i32 to vector<16xi32>
      %gather3A_1797 = tpu.vector_load_idx %arg15[%add3A_1776, %get3A_1778, %broadcast_in_dim3A_1796] : memref<32x8x64xf32, #tpu.memory_space<vmem>>[vector<16xi32>, vector<16xi32>, vector<16xi32>], vector<16xf32>,
      %gather3A_1798 = tpu.vector_load_idx %arg16[%add3A_1776, %get3A_1780, %broadcast_in_dim3A_1796] : memref<32x8x64xf32, #tpu.memory_space<vmem>>[vector<16xi32>, vector<16xi32>, vector<16xi32>], vector<16xf32>,
      %mul3A_1799 = arith.mulf %gather3A_1797, %gather3A_1798 : vector<16xf32>
      %add3A_1800 = arith.addf %add3A_1794, %mul3A_1799 : vector<16xf32>
      %broadcast_in_dim3A_1801 = arith.constant 3 : i32
      %broadcast_in_dim3A_1802 = vector.broadcast %broadcast_in_dim3A_1801 : i32 to vector<16xi32>
      %gather3A_1803 = tpu.vector_load_idx %arg15[%add3A_1776, %get3A_1778, %broadcast_in_dim3A_1802] : memref<32x8x64xf32, #tpu.memory_space<vmem>>[vector<16xi32>, vector<16xi32>, vector<16xi32>], vector<16xf32>,
      %gather3A_1804 = tpu.vector_load_idx %arg16[%add3A_1776, %get3A_1780, %broadcast_in_dim3A_1802] : memref<32x8x64xf32, #tpu.memory_space<vmem>>[vector<16xi32>, vector<16xi32>, vector<16xi32>], vector<16xf32>,
      %mul3A_1805 = arith.mulf %gather3A_1803, %gather3A_1804 : vector<16xf32>
      %add3A_1806 = arith.addf %add3A_1800, %mul3A_1805 : vector<16xf32>
      %broadcast_in_dim3A_1807 = arith.constant 4 : i32
      %broadcast_in_dim3A_1808 = vector.broadcast %broadcast_in_dim3A_1807 : i32 to vector<16xi32>
      %gather3A_1809 = tpu.vector_load_idx %arg15[%add3A_1776, %get3A_1778, %broadcast_in_dim3A_1808] : memref<32x8x64xf32, #tpu.memory_space<vmem>>[vector<16xi32>, vector<16xi32>, vector<16xi32>], vector<16xf32>,
      %gather3A_1810 = tpu.vector_load_idx %arg16[%add3A_1776, %get3A_1780, %broadcast_in_dim3A_1808] : memref<32x8x64xf32, #tpu.memory_space<vmem>>[vector<16xi32>, vector<16xi32>, vector<16xi32>], vector<16xf32>,
      %mul3A_1811 = arith.mulf %gather3A_1809, %gather3A_1810 : vector<16xf32>
      %add3A_1812 = arith.addf %add3A_1806, %mul3A_1811 : vector<16xf32>
      %broadcast_in_dim3A_1813 = arith.constant 5 : i32
      %broadcast_in_dim3A_1814 = vector.broadcast %broadcast_in_dim3A_1813 : i32 to vector<16xi32>
      %gather3A_1815 = tpu.vector_load_idx %arg15[%add3A_1776, %get3A_1778, %broadcast_in_dim3A_1814] : memref<32x8x64xf32, #tpu.memory_space<vmem>>[vector<16xi32>, vector<16xi32>, vector<16xi32>], vector<16xf32>,
      %gather3A_1816 = tpu.vector_load_idx %arg16[%add3A_1776, %get3A_1780, %broadcast_in_dim3A_1814] : memref<32x8x64xf32, #tpu.memory_space<vmem>>[vector<16xi32>, vector<16xi32>, vector<16xi32>], vector<16xf32>,
      %mul3A_1817 = arith.mulf %gather3A_1815, %gather3A_1816 : vector<16xf32>
      %add3A_1818 = arith.addf %add3A_1812, %mul3A_1817 : vector<16xf32>
      %broadcast_in_dim3A_1819 = arith.constant 6 : i32
      %broadcast_in_dim3A_1820 = vector.broadcast %broadcast_in_dim3A_1819 : i32 to vector<16xi32>
      %gather3A_1821 = tpu.vector_load_idx %arg15[%add3A_1776, %get3A_1778, %broadcast_in_dim3A_1820] : memref<32x8x64xf32, #tpu.memory_space<vmem>>[vector<16xi32>, vector<16xi32>, vector<16xi32>], vector<16xf32>,
      %gather3A_1822 = tpu.vector_load_idx %arg16[%add3A_1776, %get3A_1780, %broadcast_in_dim3A_1820] : memref<32x8x64xf32, #tpu.memory_space<vmem>>[vector<16xi32>, vector<16xi32>, vector<16xi32>], vector<16xf32>,
      %mul3A_1823 = arith.mulf %gather3A_1821, %gather3A_1822 : vector<16xf32>
      %add3A_1824 = arith.addf %add3A_1818, %mul3A_1823 : vector<16xf32>
      %broadcast_in_dim3A_1825 = arith.constant 7 : i32
      %broadcast_in_dim3A_1826 = vector.broadcast %broadcast_in_dim3A_1825 : i32 to vector<16xi32>
      %gather3A_1827 = tpu.vector_load_idx %arg15[%add3A_1776, %get3A_1778, %broadcast_in_dim3A_1826] : memref<32x8x64xf32, #tpu.memory_space<vmem>>[vector<16xi32>, vector<16xi32>, vector<16xi32>], vector<16xf32>,
      %gather3A_1828 = tpu.vector_load_idx %arg16[%add3A_1776, %get3A_1780, %broadcast_in_dim3A_1826] : memref<32x8x64xf32, #tpu.memory_space<vmem>>[vector<16xi32>, vector<16xi32>, vector<16xi32>], vector<16xf32>,
      %mul3A_1829 = arith.mulf %gather3A_1827, %gather3A_1828 : vector<16xf32>
      %add3A_1830 = arith.addf %add3A_1824, %mul3A_1829 : vector<16xf32>
      %broadcast_in_dim3A_1831 = arith.constant 8 : i32
      %broadcast_in_dim3A_1832 = vector.broadcast %broadcast_in_dim3A_1831 : i32 to vector<16xi32>
      %gather3A_1833 = tpu.vector_load_idx %arg15[%add3A_1776, %get3A_1778, %broadcast_in_dim3A_1832] : memref<32x8x64xf32, #tpu.memory_space<vmem>>[vector<16xi32>, vector<16xi32>, vector<16xi32>], vector<16xf32>,
      %gather3A_1834 = tpu.vector_load_idx %arg16[%add3A_1776, %get3A_1780, %broadcast_in_dim3A_1832] : memref<32x8x64xf32, #tpu.memory_space<vmem>>[vector<16xi32>, vector<16xi32>, vector<16xi32>], vector<16xf32>,
      %mul3A_1835 = arith.mulf %gather3A_1833, %gather3A_1834 : vector<16xf32>
      %add3A_1836 = arith.addf %add3A_1830, %mul3A_1835 : vector<16xf32>
      %broadcast_in_dim3A_1837 = arith.constant 9 : i32
      %broadcast_in_dim3A_1838 = vector.broadcast %broadcast_in_dim3A_1837 : i32 to vector<16xi32>
      %gather3A_1839 = tpu.vector_load_idx %arg15[%add3A_1776, %get3A_1778, %broadcast_in_dim3A_1838] : memref<32x8x64xf32, #tpu.memory_space<vmem>>[vector<16xi32>, vector<16xi32>, vector<16xi32>], vector<16xf32>,
      %gather3A_1840 = tpu.vector_load_idx %arg16[%add3A_1776, %get3A_1780, %broadcast_in_dim3A_1838] : memref<32x8x64xf32, #tpu.memory_space<vmem>>[vector<16xi32>, vector<16xi32>, vector<16xi32>], vector<16xf32>,
      %mul3A_1841 = arith.mulf %gather3A_1839, %gather3A_1840 : vector<16xf32>
      %add3A_1842 = arith.addf %add3A_1836, %mul3A_1841 : vector<16xf32>
      %broadcast_in_dim3A_1843 = arith.constant 10 : i32
      %broadcast_in_dim3A_1844 = vector.broadcast %broadcast_in_dim3A_1843 : i32 to vector<16xi32>
      %gather3A_1845 = tpu.vector_load_idx %arg15[%add3A_1776, %get3A_1778, %broadcast_in_dim3A_1844] : memref<32x8x64xf32, #tpu.memory_space<vmem>>[vector<16xi32>, vector<16xi32>, vector<16xi32>], vector<16xf32>,
      %gather3A_1846 = tpu.vector_load_idx %arg16[%add3A_1776, %get3A_1780, %broadcast_in_dim3A_1844] : memref<32x8x64xf32, #tpu.memory_space<vmem>>[vector<16xi32>, vector<16xi32>, vector<16xi32>], vector<16xf32>,
      %mul3A_1847 = arith.mulf %gather3A_1845, %gather3A_1846 : vector<16xf32>
      %add3A_1848 = arith.addf %add3A_1842, %mul3A_1847 : vector<16xf32>
      %broadcast_in_dim3A_1849 = arith.constant 11 : i32
      %broadcast_in_dim3A_1850 = vector.broadcast %broadcast_in_dim3A_1849 : i32 to vector<16xi32>
      %gather3A_1851 = tpu.vector_load_idx %arg15[%add3A_1776, %get3A_1778, %broadcast_in_dim3A_1850] : memref<32x8x64xf32, #tpu.memory_space<vmem>>[vector<16xi32>, vector<16xi32>, vector<16xi32>], vector<16xf32>,
      %gather3A_1852 = tpu.vector_load_idx %arg16[%add3A_1776, %get3A_1780, %broadcast_in_dim3A_1850] : memref<32x8x64xf32, #tpu.memory_space<vmem>>[vector<16xi32>, vector<16xi32>, vector<16xi32>], vector<16xf32>,
      %mul3A_1853 = arith.mulf %gather3A_1851, %gather3A_1852 : vector<16xf32>
      %add3A_1854 = arith.addf %add3A_1848, %mul3A_1853 : vector<16xf32>
      %broadcast_in_dim3A_1855 = arith.constant 12 : i32
      %broadcast_in_dim3A_1856 = vector.broadcast %broadcast_in_dim3A_1855 : i32 to vector<16xi32>
      %gather3A_1857 = tpu.vector_load_idx %arg15[%add3A_1776, %get3A_1778, %broadcast_in_dim3A_1856] : memref<32x8x64xf32, #tpu.memory_space<vmem>>[vector<16xi32>, vector<16xi32>, vector<16xi32>], vector<16xf32>,
      %gather3A_1858 = tpu.vector_load_idx %arg16[%add3A_1776, %get3A_1780, %broadcast_in_dim3A_1856] : memref<32x8x64xf32, #tpu.memory_space<vmem>>[vector<16xi32>, vector<16xi32>, vector<16xi32>], vector<16xf32>,
      %mul3A_1859 = arith.mulf %gather3A_1857, %gather3A_1858 : vector<16xf32>
      %add3A_1860 = arith.addf %add3A_1854, %mul3A_1859 : vector<16xf32>
      %broadcast_in_dim3A_1861 = arith.constant 13 : i32
      %broadcast_in_dim3A_1862 = vector.broadcast %broadcast_in_dim3A_1861 : i32 to vector<16xi32>
      %gather3A_1863 = tpu.vector_load_idx %arg15[%add3A_1776, %get3A_1778, %broadcast_in_dim3A_1862] : memref<32x8x64xf32, #tpu.memory_space<vmem>>[vector<16xi32>, vector<16xi32>, vector<16xi32>], vector<16xf32>,
      %gather3A_1864 = tpu.vector_load_idx %arg16[%add3A_1776, %get3A_1780, %broadcast_in_dim3A_1862] : memref<32x8x64xf32, #tpu.memory_space<vmem>>[vector<16xi32>, vector<16xi32>, vector<16xi32>], vector<16xf32>,
      %mul3A_1865 = arith.mulf %gather3A_1863, %gather3A_1864 : vector<16xf32>
      %add3A_1866 = arith.addf %add3A_1860, %mul3A_1865 : vector<16xf32>
      %broadcast_in_dim3A_1867 = arith.constant 14 : i32
      %broadcast_in_dim3A_1868 = vector.broadcast %broadcast_in_dim3A_1867 : i32 to vector<16xi32>
      %gather3A_1869 = tpu.vector_load_idx %arg15[%add3A_1776, %get3A_1778, %broadcast_in_dim3A_1868] : memref<32x8x64xf32, #tpu.memory_space<vmem>>[vector<16xi32>, vector<16xi32>, vector<16xi32>], vector<16xf32>,
      %gather3A_1870 = tpu.vector_load_idx %arg16[%add3A_1776, %get3A_1780, %broadcast_in_dim3A_1868] : memref<32x8x64xf32, #tpu.memory_space<vmem>>[vector<16xi32>, vector<16xi32>, vector<16xi32>], vector<16xf32>,
      %mul3A_1871 = arith.mulf %gather3A_1869, %gather3A_1870 : vector<16xf32>
      %add3A_1872 = arith.addf %add3A_1866, %mul3A_1871 : vector<16xf32>
      %broadcast_in_dim3A_1873 = arith.constant 15 : i32
      %broadcast_in_dim3A_1874 = vector.broadcast %broadcast_in_dim3A_1873 : i32 to vector<16xi32>
      %gather3A_1875 = tpu.vector_load_idx %arg15[%add3A_1776, %get3A_1778, %broadcast_in_dim3A_1874] : memref<32x8x64xf32, #tpu.memory_space<vmem>>[vector<16xi32>, vector<16xi32>, vector<16xi32>], vector<16xf32>,
      %gather3A_1876 = tpu.vector_load_idx %arg16[%add3A_1776, %get3A_1780, %broadcast_in_dim3A_1874] : memref<32x8x64xf32, #tpu.memory_space<vmem>>[vector<16xi32>, vector<16xi32>, vector<16xi32>], vector<16xf32>,
      %mul3A_1877 = arith.mulf %gather3A_1875, %gather3A_1876 : vector<16xf32>
      %add3A_1878 = arith.addf %add3A_1872, %mul3A_1877 : vector<16xf32>
      %broadcast_in_dim3A_1879 = arith.constant 16 : i32
      %broadcast_in_dim3A_1880 = vector.broadcast %broadcast_in_dim3A_1879 : i32 to vector<16xi32>
      %gather3A_1881 = tpu.vector_load_idx %arg15[%add3A_1776, %get3A_1778, %broadcast_in_dim3A_1880] : memref<32x8x64xf32, #tpu.memory_space<vmem>>[vector<16xi32>, vector<16xi32>, vector<16xi32>], vector<16xf32>,
      %gather3A_1882 = tpu.vector_load_idx %arg16[%add3A_1776, %get3A_1780, %broadcast_in_dim3A_1880] : memref<32x8x64xf32, #tpu.memory_space<vmem>>[vector<16xi32>, vector<16xi32>, vector<16xi32>], vector<16xf32>,
      %mul3A_1883 = arith.mulf %gather3A_1881, %gather3A_1882 : vector<16xf32>
      %add3A_1884 = arith.addf %add3A_1878, %mul3A_1883 : vector<16xf32>
      %broadcast_in_dim3A_1885 = arith.constant 17 : i32
      %broadcast_in_dim3A_1886 = vector.broadcast %broadcast_in_dim3A_1885 : i32 to vector<16xi32>
      %gather3A_1887 = tpu.vector_load_idx %arg15[%add3A_1776, %get3A_1778, %broadcast_in_dim3A_1886] : memref<32x8x64xf32, #tpu.memory_space<vmem>>[vector<16xi32>, vector<16xi32>, vector<16xi32>], vector<16xf32>,
      %gather3A_1888 = tpu.vector_load_idx %arg16[%add3A_1776, %get3A_1780, %broadcast_in_dim3A_1886] : memref<32x8x64xf32, #tpu.memory_space<vmem>>[vector<16xi32>, vector<16xi32>, vector<16xi32>], vector<16xf32>,
      %mul3A_1889 = arith.mulf %gather3A_1887, %gather3A_1888 : vector<16xf32>
      %add3A_1890 = arith.addf %add3A_1884, %mul3A_1889 : vector<16xf32>
      %broadcast_in_dim3A_1891 = arith.constant 18 : i32
      %broadcast_in_dim3A_1892 = vector.broadcast %broadcast_in_dim3A_1891 : i32 to vector<16xi32>
      %gather3A_1893 = tpu.vector_load_idx %arg15[%add3A_1776, %get3A_1778, %broadcast_in_dim3A_1892] : memref<32x8x64xf32, #tpu.memory_space<vmem>>[vector<16xi32>, vector<16xi32>, vector<16xi32>], vector<16xf32>,
      %gather3A_1894 = tpu.vector_load_idx %arg16[%add3A_1776, %get3A_1780, %broadcast_in_dim3A_1892] : memref<32x8x64xf32, #tpu.memory_space<vmem>>[vector<16xi32>, vector<16xi32>, vector<16xi32>], vector<16xf32>,
      %mul3A_1895 = arith.mulf %gather3A_1893, %gather3A_1894 : vector<16xf32>
      %add3A_1896 = arith.addf %add3A_1890, %mul3A_1895 : vector<16xf32>
      %broadcast_in_dim3A_1897 = arith.constant 19 : i32
      %broadcast_in_dim3A_1898 = vector.broadcast %broadcast_in_dim3A_1897 : i32 to vector<16xi32>
      %gather3A_1899 = tpu.vector_load_idx %arg15[%add3A_1776, %get3A_1778, %broadcast_in_dim3A_1898] : memref<32x8x64xf32, #tpu.memory_space<vmem>>[vector<16xi32>, vector<16xi32>, vector<16xi32>], vector<16xf32>,
      %gather3A_1900 = tpu.vector_load_idx %arg16[%add3A_1776, %get3A_1780, %broadcast_in_dim3A_1898] : memref<32x8x64xf32, #tpu.memory_space<vmem>>[vector<16xi32>, vector<16xi32>, vector<16xi32>], vector<16xf32>,
      %mul3A_1901 = arith.mulf %gather3A_1899, %gather3A_1900 : vector<16xf32>
      %add3A_1902 = arith.addf %add3A_1896, %mul3A_1901 : vector<16xf32>
      %broadcast_in_dim3A_1903 = arith.constant 20 : i32
      %broadcast_in_dim3A_1904 = vector.broadcast %broadcast_in_dim3A_1903 : i32 to vector<16xi32>
      %gather3A_1905 = tpu.vector_load_idx %arg15[%add3A_1776, %get3A_1778, %broadcast_in_dim3A_1904] : memref<32x8x64xf32, #tpu.memory_space<vmem>>[vector<16xi32>, vector<16xi32>, vector<16xi32>], vector<16xf32>,
      %gather3A_1906 = tpu.vector_load_idx %arg16[%add3A_1776, %get3A_1780, %broadcast_in_dim3A_1904] : memref<32x8x64xf32, #tpu.memory_space<vmem>>[vector<16xi32>, vector<16xi32>, vector<16xi32>], vector<16xf32>,
      %mul3A_1907 = arith.mulf %gather3A_1905, %gather3A_1906 : vector<16xf32>
      %add3A_1908 = arith.addf %add3A_1902, %mul3A_1907 : vector<16xf32>
      %broadcast_in_dim3A_1909 = arith.constant 21 : i32
      %broadcast_in_dim3A_1910 = vector.broadcast %broadcast_in_dim3A_1909 : i32 to vector<16xi32>
      %gather3A_1911 = tpu.vector_load_idx %arg15[%add3A_1776, %get3A_1778, %broadcast_in_dim3A_1910] : memref<32x8x64xf32, #tpu.memory_space<vmem>>[vector<16xi32>, vector<16xi32>, vector<16xi32>], vector<16xf32>,
      %gather3A_1912 = tpu.vector_load_idx %arg16[%add3A_1776, %get3A_1780, %broadcast_in_dim3A_1910] : memref<32x8x64xf32, #tpu.memory_space<vmem>>[vector<16xi32>, vector<16xi32>, vector<16xi32>], vector<16xf32>,
      %mul3A_1913 = arith.mulf %gather3A_1911, %gather3A_1912 : vector<16xf32>
      %add3A_1914 = arith.addf %add3A_1908, %mul3A_1913 : vector<16xf32>
      %broadcast_in_dim3A_1915 = arith.constant 22 : i32
      %broadcast_in_dim3A_1916 = vector.broadcast %broadcast_in_dim3A_1915 : i32 to vector<16xi32>
      %gather3A_1917 = tpu.vector_load_idx %arg15[%add3A_1776, %get3A_1778, %broadcast_in_dim3A_1916] : memref<32x8x64xf32, #tpu.memory_space<vmem>>[vector<16xi32>, vector<16xi32>, vector<16xi32>], vector<16xf32>,
      %gather3A_1918 = tpu.vector_load_idx %arg16[%add3A_1776, %get3A_1780, %broadcast_in_dim3A_1916] : memref<32x8x64xf32, #tpu.memory_space<vmem>>[vector<16xi32>, vector<16xi32>, vector<16xi32>], vector<16xf32>,
      %mul3A_1919 = arith.mulf %gather3A_1917, %gather3A_1918 : vector<16xf32>
      %add3A_1920 = arith.addf %add3A_1914, %mul3A_1919 : vector<16xf32>
      %broadcast_in_dim3A_1921 = arith.constant 23 : i32
      %broadcast_in_dim3A_1922 = vector.broadcast %broadcast_in_dim3A_1921 : i32 to vector<16xi32>
      %gather3A_1923 = tpu.vector_load_idx %arg15[%add3A_1776, %get3A_1778, %broadcast_in_dim3A_1922] : memref<32x8x64xf32, #tpu.memory_space<vmem>>[vector<16xi32>, vector<16xi32>, vector<16xi32>], vector<16xf32>,
      %gather3A_1924 = tpu.vector_load_idx %arg16[%add3A_1776, %get3A_1780, %broadcast_in_dim3A_1922] : memref<32x8x64xf32, #tpu.memory_space<vmem>>[vector<16xi32>, vector<16xi32>, vector<16xi32>], vector<16xf32>,
      %mul3A_1925 = arith.mulf %gather3A_1923, %gather3A_1924 : vector<16xf32>
      %add3A_1926 = arith.addf %add3A_1920, %mul3A_1925 : vector<16xf32>
      %broadcast_in_dim3A_1927 = arith.constant 24 : i32
      %broadcast_in_dim3A_1928 = vector.broadcast %broadcast_in_dim3A_1927 : i32 to vector<16xi32>
      %gather3A_1929 = tpu.vector_load_idx %arg15[%add3A_1776, %get3A_1778, %broadcast_in_dim3A_1928] : memref<32x8x64xf32, #tpu.memory_space<vmem>>[vector<16xi32>, vector<16xi32>, vector<16xi32>], vector<16xf32>,
      %gather3A_1930 = tpu.vector_load_idx %arg16[%add3A_1776, %get3A_1780, %broadcast_in_dim3A_1928] : memref<32x8x64xf32, #tpu.memory_space<vmem>>[vector<16xi32>, vector<16xi32>, vector<16xi32>], vector<16xf32>,
      %mul3A_1931 = arith.mulf %gather3A_1929, %gather3A_1930 : vector<16xf32>
      %add3A_1932 = arith.addf %add3A_1926, %mul3A_1931 : vector<16xf32>
      %broadcast_in_dim3A_1933 = arith.constant 25 : i32
      %broadcast_in_dim3A_1934 = vector.broadcast %broadcast_in_dim3A_1933 : i32 to vector<16xi32>
      %gather3A_1935 = tpu.vector_load_idx %arg15[%add3A_1776, %get3A_1778, %broadcast_in_dim3A_1934] : memref<32x8x64xf32, #tpu.memory_space<vmem>>[vector<16xi32>, vector<16xi32>, vector<16xi32>], vector<16xf32>,
      %gather3A_1936 = tpu.vector_load_idx %arg16[%add3A_1776, %get3A_1780, %broadcast_in_dim3A_1934] : memref<32x8x64xf32, #tpu.memory_space<vmem>>[vector<16xi32>, vector<16xi32>, vector<16xi32>], vector<16xf32>,
      %mul3A_1937 = arith.mulf %gather3A_1935, %gather3A_1936 : vector<16xf32>
      %add3A_1938 = arith.addf %add3A_1932, %mul3A_1937 : vector<16xf32>
      %broadcast_in_dim3A_1939 = arith.constant 26 : i32
      %broadcast_in_dim3A_1940 = vector.broadcast %broadcast_in_dim3A_1939 : i32 to vector<16xi32>
      %gather3A_1941 = tpu.vector_load_idx %arg15[%add3A_1776, %get3A_1778, %broadcast_in_dim3A_1940] : memref<32x8x64xf32, #tpu.memory_space<vmem>>[vector<16xi32>, vector<16xi32>, vector<16xi32>], vector<16xf32>,
      %gather3A_1942 = tpu.vector_load_idx %arg16[%add3A_1776, %get3A_1780, %broadcast_in_dim3A_1940] : memref<32x8x64xf32, #tpu.memory_space<vmem>>[vector<16xi32>, vector<16xi32>, vector<16xi32>], vector<16xf32>,
      %mul3A_1943 = arith.mulf %gather3A_1941, %gather3A_1942 : vector<16xf32>
      %add3A_1944 = arith.addf %add3A_1938, %mul3A_1943 : vector<16xf32>
      %broadcast_in_dim3A_1945 = arith.constant 27 : i32
      %broadcast_in_dim3A_1946 = vector.broadcast %broadcast_in_dim3A_1945 : i32 to vector<16xi32>
      %gather3A_1947 = tpu.vector_load_idx %arg15[%add3A_1776, %get3A_1778, %broadcast_in_dim3A_1946] : memref<32x8x64xf32, #tpu.memory_space<vmem>>[vector<16xi32>, vector<16xi32>, vector<16xi32>], vector<16xf32>,
      %gather3A_1948 = tpu.vector_load_idx %arg16[%add3A_1776, %get3A_1780, %broadcast_in_dim3A_1946] : memref<32x8x64xf32, #tpu.memory_space<vmem>>[vector<16xi32>, vector<16xi32>, vector<16xi32>], vector<16xf32>,
      %mul3A_1949 = arith.mulf %gather3A_1947, %gather3A_1948 : vector<16xf32>
      %add3A_1950 = arith.addf %add3A_1944, %mul3A_1949 : vector<16xf32>
      %broadcast_in_dim3A_1951 = arith.constant 28 : i32
      %broadcast_in_dim3A_1952 = vector.broadcast %broadcast_in_dim3A_1951 : i32 to vector<16xi32>
      %gather3A_1953 = tpu.vector_load_idx %arg15[%add3A_1776, %get3A_1778, %broadcast_in_dim3A_1952] : memref<32x8x64xf32, #tpu.memory_space<vmem>>[vector<16xi32>, vector<16xi32>, vector<16xi32>], vector<16xf32>,
      %gather3A_1954 = tpu.vector_load_idx %arg16[%add3A_1776, %get3A_1780, %broadcast_in_dim3A_1952] : memref<32x8x64xf32, #tpu.memory_space<vmem>>[vector<16xi32>, vector<16xi32>, vector<16xi32>], vector<16xf32>,
      %mul3A_1955 = arith.mulf %gather3A_1953, %gather3A_1954 : vector<16xf32>
      %add3A_1956 = arith.addf %add3A_1950, %mul3A_1955 : vector<16xf32>
      %broadcast_in_dim3A_1957 = arith.constant 29 : i32
      %broadcast_in_dim3A_1958 = vector.broadcast %broadcast_in_dim3A_1957 : i32 to vector<16xi32>
      %gather3A_1959 = tpu.vector_load_idx %arg15[%add3A_1776, %get3A_1778, %broadcast_in_dim3A_1958] : memref<32x8x64xf32, #tpu.memory_space<vmem>>[vector<16xi32>, vector<16xi32>, vector<16xi32>], vector<16xf32>,
      %gather3A_1960 = tpu.vector_load_idx %arg16[%add3A_1776, %get3A_1780, %broadcast_in_dim3A_1958] : memref<32x8x64xf32, #tpu.memory_space<vmem>>[vector<16xi32>, vector<16xi32>, vector<16xi32>], vector<16xf32>,
      %mul3A_1961 = arith.mulf %gather3A_1959, %gather3A_1960 : vector<16xf32>
      %add3A_1962 = arith.addf %add3A_1956, %mul3A_1961 : vector<16xf32>
      %broadcast_in_dim3A_1963 = arith.constant 30 : i32
      %broadcast_in_dim3A_1964 = vector.broadcast %broadcast_in_dim3A_1963 : i32 to vector<16xi32>
      %gather3A_1965 = tpu.vector_load_idx %arg15[%add3A_1776, %get3A_1778, %broadcast_in_dim3A_1964] : memref<32x8x64xf32, #tpu.memory_space<vmem>>[vector<16xi32>, vector<16xi32>, vector<16xi32>], vector<16xf32>,
      %gather3A_1966 = tpu.vector_load_idx %arg16[%add3A_1776, %get3A_1780, %broadcast_in_dim3A_1964] : memref<32x8x64xf32, #tpu.memory_space<vmem>>[vector<16xi32>, vector<16xi32>, vector<16xi32>], vector<16xf32>,
      %mul3A_1967 = arith.mulf %gather3A_1965, %gather3A_1966 : vector<16xf32>
      %add3A_1968 = arith.addf %add3A_1962, %mul3A_1967 : vector<16xf32>
      %broadcast_in_dim3A_1969 = arith.constant 31 : i32
      %broadcast_in_dim3A_1970 = vector.broadcast %broadcast_in_dim3A_1969 : i32 to vector<16xi32>
      %gather3A_1971 = tpu.vector_load_idx %arg15[%add3A_1776, %get3A_1778, %broadcast_in_dim3A_1970] : memref<32x8x64xf32, #tpu.memory_space<vmem>>[vector<16xi32>, vector<16xi32>, vector<16xi32>], vector<16xf32>,
      %gather3A_1972 = tpu.vector_load_idx %arg16[%add3A_1776, %get3A_1780, %broadcast_in_dim3A_1970] : memref<32x8x64xf32, #tpu.memory_space<vmem>>[vector<16xi32>, vector<16xi32>, vector<16xi32>], vector<16xf32>,
      %mul3A_1973 = arith.mulf %gather3A_1971, %gather3A_1972 : vector<16xf32>
      %add3A_1974 = arith.addf %add3A_1968, %mul3A_1973 : vector<16xf32>
      %broadcast_in_dim3A_1975 = arith.constant 32 : i32
      %broadcast_in_dim3A_1976 = vector.broadcast %broadcast_in_dim3A_1975 : i32 to vector<16xi32>
      %gather3A_1977 = tpu.vector_load_idx %arg15[%add3A_1776, %get3A_1778, %broadcast_in_dim3A_1976] : memref<32x8x64xf32, #tpu.memory_space<vmem>>[vector<16xi32>, vector<16xi32>, vector<16xi32>], vector<16xf32>,
      %gather3A_1978 = tpu.vector_load_idx %arg16[%add3A_1776, %get3A_1780, %broadcast_in_dim3A_1976] : memref<32x8x64xf32, #tpu.memory_space<vmem>>[vector<16xi32>, vector<16xi32>, vector<16xi32>], vector<16xf32>,
      %mul3A_1979 = arith.mulf %gather3A_1977, %gather3A_1978 : vector<16xf32>
      %add3A_1980 = arith.addf %add3A_1974, %mul3A_1979 : vector<16xf32>
      %broadcast_in_dim3A_1981 = arith.constant 33 : i32
      %broadcast_in_dim3A_1982 = vector.broadcast %broadcast_in_dim3A_1981 : i32 to vector<16xi32>
      %gather3A_1983 = tpu.vector_load_idx %arg15[%add3A_1776, %get3A_1778, %broadcast_in_dim3A_1982] : memref<32x8x64xf32, #tpu.memory_space<vmem>>[vector<16xi32>, vector<16xi32>, vector<16xi32>], vector<16xf32>,
      %gather3A_1984 = tpu.vector_load_idx %arg16[%add3A_1776, %get3A_1780, %broadcast_in_dim3A_1982] : memref<32x8x64xf32, #tpu.memory_space<vmem>>[vector<16xi32>, vector<16xi32>, vector<16xi32>], vector<16xf32>,
      %mul3A_1985 = arith.mulf %gather3A_1983, %gather3A_1984 : vector<16xf32>
      %add3A_1986 = arith.addf %add3A_1980, %mul3A_1985 : vector<16xf32>
      %broadcast_in_dim3A_1987 = arith.constant 34 : i32
      %broadcast_in_dim3A_1988 = vector.broadcast %broadcast_in_dim3A_1987 : i32 to vector<16xi32>
      %gather3A_1989 = tpu.vector_load_idx %arg15[%add3A_1776, %get3A_1778, %broadcast_in_dim3A_1988] : memref<32x8x64xf32, #tpu.memory_space<vmem>>[vector<16xi32>, vector<16xi32>, vector<16xi32>], vector<16xf32>,
      %gather3A_1990 = tpu.vector_load_idx %arg16[%add3A_1776, %get3A_1780, %broadcast_in_dim3A_1988] : memref<32x8x64xf32, #tpu.memory_space<vmem>>[vector<16xi32>, vector<16xi32>, vector<16xi32>], vector<16xf32>,
      %mul3A_1991 = arith.mulf %gather3A_1989, %gather3A_1990 : vector<16xf32>
      %add3A_1992 = arith.addf %add3A_1986, %mul3A_1991 : vector<16xf32>
      %broadcast_in_dim3A_1993 = arith.constant 35 : i32
      %broadcast_in_dim3A_1994 = vector.broadcast %broadcast_in_dim3A_1993 : i32 to vector<16xi32>
      %gather3A_1995 = tpu.vector_load_idx %arg15[%add3A_1776, %get3A_1778, %broadcast_in_dim3A_1994] : memref<32x8x64xf32, #tpu.memory_space<vmem>>[vector<16xi32>, vector<16xi32>, vector<16xi32>], vector<16xf32>,
      %gather3A_1996 = tpu.vector_load_idx %arg16[%add3A_1776, %get3A_1780, %broadcast_in_dim3A_1994] : memref<32x8x64xf32, #tpu.memory_space<vmem>>[vector<16xi32>, vector<16xi32>, vector<16xi32>], vector<16xf32>,
      %mul3A_1997 = arith.mulf %gather3A_1995, %gather3A_1996 : vector<16xf32>
      %add3A_1998 = arith.addf %add3A_1992, %mul3A_1997 : vector<16xf32>
      %broadcast_in_dim3A_1999 = arith.constant 36 : i32
      %broadcast_in_dim3A_2000 = vector.broadcast %broadcast_in_dim3A_1999 : i32 to vector<16xi32>
      %gather3A_2001 = tpu.vector_load_idx %arg15[%add3A_1776, %get3A_1778, %broadcast_in_dim3A_2000] : memref<32x8x64xf32, #tpu.memory_space<vmem>>[vector<16xi32>, vector<16xi32>, vector<16xi32>], vector<16xf32>,
      %gather3A_2002 = tpu.vector_load_idx %arg16[%add3A_1776, %get3A_1780, %broadcast_in_dim3A_2000] : memref<32x8x64xf32, #tpu.memory_space<vmem>>[vector<16xi32>, vector<16xi32>, vector<16xi32>], vector<16xf32>,
      %mul3A_2003 = arith.mulf %gather3A_2001, %gather3A_2002 : vector<16xf32>
      %add3A_2004 = arith.addf %add3A_1998, %mul3A_2003 : vector<16xf32>
      %broadcast_in_dim3A_2005 = arith.constant 37 : i32
      %broadcast_in_dim3A_2006 = vector.broadcast %broadcast_in_dim3A_2005 : i32 to vector<16xi32>
      %gather3A_2007 = tpu.vector_load_idx %arg15[%add3A_1776, %get3A_1778, %broadcast_in_dim3A_2006] : memref<32x8x64xf32, #tpu.memory_space<vmem>>[vector<16xi32>, vector<16xi32>, vector<16xi32>], vector<16xf32>,
      %gather3A_2008 = tpu.vector_load_idx %arg16[%add3A_1776, %get3A_1780, %broadcast_in_dim3A_2006] : memref<32x8x64xf32, #tpu.memory_space<vmem>>[vector<16xi32>, vector<16xi32>, vector<16xi32>], vector<16xf32>,
      %mul3A_2009 = arith.mulf %gather3A_2007, %gather3A_2008 : vector<16xf32>
      %add3A_2010 = arith.addf %add3A_2004, %mul3A_2009 : vector<16xf32>
      %broadcast_in_dim3A_2011 = arith.constant 38 : i32
      %broadcast_in_dim3A_2012 = vector.broadcast %broadcast_in_dim3A_2011 : i32 to vector<16xi32>
      %gather3A_2013 = tpu.vector_load_idx %arg15[%add3A_1776, %get3A_1778, %broadcast_in_dim3A_2012] : memref<32x8x64xf32, #tpu.memory_space<vmem>>[vector<16xi32>, vector<16xi32>, vector<16xi32>], vector<16xf32>,
      %gather3A_2014 = tpu.vector_load_idx %arg16[%add3A_1776, %get3A_1780, %broadcast_in_dim3A_2012] : memref<32x8x64xf32, #tpu.memory_space<vmem>>[vector<16xi32>, vector<16xi32>, vector<16xi32>], vector<16xf32>,
      %mul3A_2015 = arith.mulf %gather3A_2013, %gather3A_2014 : vector<16xf32>
      %add3A_2016 = arith.addf %add3A_2010, %mul3A_2015 : vector<16xf32>
      %broadcast_in_dim3A_2017 = arith.constant 39 : i32
      %broadcast_in_dim3A_2018 = vector.broadcast %broadcast_in_dim3A_2017 : i32 to vector<16xi32>
      %gather3A_2019 = tpu.vector_load_idx %arg15[%add3A_1776, %get3A_1778, %broadcast_in_dim3A_2018] : memref<32x8x64xf32, #tpu.memory_space<vmem>>[vector<16xi32>, vector<16xi32>, vector<16xi32>], vector<16xf32>,
      %gather3A_2020 = tpu.vector_load_idx %arg16[%add3A_1776, %get3A_1780, %broadcast_in_dim3A_2018] : memref<32x8x64xf32, #tpu.memory_space<vmem>>[vector<16xi32>, vector<16xi32>, vector<16xi32>], vector<16xf32>,
      %mul3A_2021 = arith.mulf %gather3A_2019, %gather3A_2020 : vector<16xf32>
      %add3A_2022 = arith.addf %add3A_2016, %mul3A_2021 : vector<16xf32>
      %broadcast_in_dim3A_2023 = arith.constant 40 : i32
      %broadcast_in_dim3A_2024 = vector.broadcast %broadcast_in_dim3A_2023 : i32 to vector<16xi32>
      %gather3A_2025 = tpu.vector_load_idx %arg15[%add3A_1776, %get3A_1778, %broadcast_in_dim3A_2024] : memref<32x8x64xf32, #tpu.memory_space<vmem>>[vector<16xi32>, vector<16xi32>, vector<16xi32>], vector<16xf32>,
      %gather3A_2026 = tpu.vector_load_idx %arg16[%add3A_1776, %get3A_1780, %broadcast_in_dim3A_2024] : memref<32x8x64xf32, #tpu.memory_space<vmem>>[vector<16xi32>, vector<16xi32>, vector<16xi32>], vector<16xf32>,
      %mul3A_2027 = arith.mulf %gather3A_2025, %gather3A_2026 : vector<16xf32>
      %add3A_2028 = arith.addf %add3A_2022, %mul3A_2027 : vector<16xf32>
      %broadcast_in_dim3A_2029 = arith.constant 41 : i32
      %broadcast_in_dim3A_2030 = vector.broadcast %broadcast_in_dim3A_2029 : i32 to vector<16xi32>
      %gather3A_2031 = tpu.vector_load_idx %arg15[%add3A_1776, %get3A_1778, %broadcast_in_dim3A_2030] : memref<32x8x64xf32, #tpu.memory_space<vmem>>[vector<16xi32>, vector<16xi32>, vector<16xi32>], vector<16xf32>,
      %gather3A_2032 = tpu.vector_load_idx %arg16[%add3A_1776, %get3A_1780, %broadcast_in_dim3A_2030] : memref<32x8x64xf32, #tpu.memory_space<vmem>>[vector<16xi32>, vector<16xi32>, vector<16xi32>], vector<16xf32>,
      %mul3A_2033 = arith.mulf %gather3A_2031, %gather3A_2032 : vector<16xf32>
      %add3A_2034 = arith.addf %add3A_2028, %mul3A_2033 : vector<16xf32>
      %broadcast_in_dim3A_2035 = arith.constant 42 : i32
      %broadcast_in_dim3A_2036 = vector.broadcast %broadcast_in_dim3A_2035 : i32 to vector<16xi32>
      %gather3A_2037 = tpu.vector_load_idx %arg15[%add3A_1776, %get3A_1778, %broadcast_in_dim3A_2036] : memref<32x8x64xf32, #tpu.memory_space<vmem>>[vector<16xi32>, vector<16xi32>, vector<16xi32>], vector<16xf32>,
      %gather3A_2038 = tpu.vector_load_idx %arg16[%add3A_1776, %get3A_1780, %broadcast_in_dim3A_2036] : memref<32x8x64xf32, #tpu.memory_space<vmem>>[vector<16xi32>, vector<16xi32>, vector<16xi32>], vector<16xf32>,
      %mul3A_2039 = arith.mulf %gather3A_2037, %gather3A_2038 : vector<16xf32>
      %add3A_2040 = arith.addf %add3A_2034, %mul3A_2039 : vector<16xf32>
      %broadcast_in_dim3A_2041 = arith.constant 43 : i32
      %broadcast_in_dim3A_2042 = vector.broadcast %broadcast_in_dim3A_2041 : i32 to vector<16xi32>
      %gather3A_2043 = tpu.vector_load_idx %arg15[%add3A_1776, %get3A_1778, %broadcast_in_dim3A_2042] : memref<32x8x64xf32, #tpu.memory_space<vmem>>[vector<16xi32>, vector<16xi32>, vector<16xi32>], vector<16xf32>,
      %gather3A_2044 = tpu.vector_load_idx %arg16[%add3A_1776, %get3A_1780, %broadcast_in_dim3A_2042] : memref<32x8x64xf32, #tpu.memory_space<vmem>>[vector<16xi32>, vector<16xi32>, vector<16xi32>], vector<16xf32>,
      %mul3A_2045 = arith.mulf %gather3A_2043, %gather3A_2044 : vector<16xf32>
      %add3A_2046 = arith.addf %add3A_2040, %mul3A_2045 : vector<16xf32>
      %broadcast_in_dim3A_2047 = arith.constant 44 : i32
      %broadcast_in_dim3A_2048 = vector.broadcast %broadcast_in_dim3A_2047 : i32 to vector<16xi32>
      %gather3A_2049 = tpu.vector_load_idx %arg15[%add3A_1776, %get3A_1778, %broadcast_in_dim3A_2048] : memref<32x8x64xf32, #tpu.memory_space<vmem>>[vector<16xi32>, vector<16xi32>, vector<16xi32>], vector<16xf32>,
      %gather3A_2050 = tpu.vector_load_idx %arg16[%add3A_1776, %get3A_1780, %broadcast_in_dim3A_2048] : memref<32x8x64xf32, #tpu.memory_space<vmem>>[vector<16xi32>, vector<16xi32>, vector<16xi32>], vector<16xf32>,
      %mul3A_2051 = arith.mulf %gather3A_2049, %gather3A_2050 : vector<16xf32>
      %add3A_2052 = arith.addf %add3A_2046, %mul3A_2051 : vector<16xf32>
      %broadcast_in_dim3A_2053 = arith.constant 45 : i32
      %broadcast_in_dim3A_2054 = vector.broadcast %broadcast_in_dim3A_2053 : i32 to vector<16xi32>
      %gather3A_2055 = tpu.vector_load_idx %arg15[%add3A_1776, %get3A_1778, %broadcast_in_dim3A_2054] : memref<32x8x64xf32, #tpu.memory_space<vmem>>[vector<16xi32>, vector<16xi32>, vector<16xi32>], vector<16xf32>,
      %gather3A_2056 = tpu.vector_load_idx %arg16[%add3A_1776, %get3A_1780, %broadcast_in_dim3A_2054] : memref<32x8x64xf32, #tpu.memory_space<vmem>>[vector<16xi32>, vector<16xi32>, vector<16xi32>], vector<16xf32>,
      %mul3A_2057 = arith.mulf %gather3A_2055, %gather3A_2056 : vector<16xf32>
      %add3A_2058 = arith.addf %add3A_2052, %mul3A_2057 : vector<16xf32>
      %broadcast_in_dim3A_2059 = arith.constant 46 : i32
      %broadcast_in_dim3A_2060 = vector.broadcast %broadcast_in_dim3A_2059 : i32 to vector<16xi32>
      %gather3A_2061 = tpu.vector_load_idx %arg15[%add3A_1776, %get3A_1778, %broadcast_in_dim3A_2060] : memref<32x8x64xf32, #tpu.memory_space<vmem>>[vector<16xi32>, vector<16xi32>, vector<16xi32>], vector<16xf32>,
      %gather3A_2062 = tpu.vector_load_idx %arg16[%add3A_1776, %get3A_1780, %broadcast_in_dim3A_2060] : memref<32x8x64xf32, #tpu.memory_space<vmem>>[vector<16xi32>, vector<16xi32>, vector<16xi32>], vector<16xf32>,
      %mul3A_2063 = arith.mulf %gather3A_2061, %gather3A_2062 : vector<16xf32>
      %add3A_2064 = arith.addf %add3A_2058, %mul3A_2063 : vector<16xf32>
      %broadcast_in_dim3A_2065 = arith.constant 47 : i32
      %broadcast_in_dim3A_2066 = vector.broadcast %broadcast_in_dim3A_2065 : i32 to vector<16xi32>
      %gather3A_2067 = tpu.vector_load_idx %arg15[%add3A_1776, %get3A_1778, %broadcast_in_dim3A_2066] : memref<32x8x64xf32, #tpu.memory_space<vmem>>[vector<16xi32>, vector<16xi32>, vector<16xi32>], vector<16xf32>,
      %gather3A_2068 = tpu.vector_load_idx %arg16[%add3A_1776, %get3A_1780, %broadcast_in_dim3A_2066] : memref<32x8x64xf32, #tpu.memory_space<vmem>>[vector<16xi32>, vector<16xi32>, vector<16xi32>], vector<16xf32>,
      %mul3A_2069 = arith.mulf %gather3A_2067, %gather3A_2068 : vector<16xf32>
      %add3A_2070 = arith.addf %add3A_2064, %mul3A_2069 : vector<16xf32>
      %broadcast_in_dim3A_2071 = arith.constant 48 : i32
      %broadcast_in_dim3A_2072 = vector.broadcast %broadcast_in_dim3A_2071 : i32 to vector<16xi32>
      %gather3A_2073 = tpu.vector_load_idx %arg15[%add3A_1776, %get3A_1778, %broadcast_in_dim3A_2072] : memref<32x8x64xf32, #tpu.memory_space<vmem>>[vector<16xi32>, vector<16xi32>, vector<16xi32>], vector<16xf32>,
      %gather3A_2074 = tpu.vector_load_idx %arg16[%add3A_1776, %get3A_1780, %broadcast_in_dim3A_2072] : memref<32x8x64xf32, #tpu.memory_space<vmem>>[vector<16xi32>, vector<16xi32>, vector<16xi32>], vector<16xf32>,
      %mul3A_2075 = arith.mulf %gather3A_2073, %gather3A_2074 : vector<16xf32>
      %add3A_2076 = arith.addf %add3A_2070, %mul3A_2075 : vector<16xf32>
      %broadcast_in_dim3A_2077 = arith.constant 49 : i32
      %broadcast_in_dim3A_2078 = vector.broadcast %broadcast_in_dim3A_2077 : i32 to vector<16xi32>
      %gather3A_2079 = tpu.vector_load_idx %arg15[%add3A_1776, %get3A_1778, %broadcast_in_dim3A_2078] : memref<32x8x64xf32, #tpu.memory_space<vmem>>[vector<16xi32>, vector<16xi32>, vector<16xi32>], vector<16xf32>,
      %gather3A_2080 = tpu.vector_load_idx %arg16[%add3A_1776, %get3A_1780, %broadcast_in_dim3A_2078] : memref<32x8x64xf32, #tpu.memory_space<vmem>>[vector<16xi32>, vector<16xi32>, vector<16xi32>], vector<16xf32>,
      %mul3A_2081 = arith.mulf %gather3A_2079, %gather3A_2080 : vector<16xf32>
      %add3A_2082 = arith.addf %add3A_2076, %mul3A_2081 : vector<16xf32>
      %broadcast_in_dim3A_2083 = arith.constant 50 : i32
      %broadcast_in_dim3A_2084 = vector.broadcast %broadcast_in_dim3A_2083 : i32 to vector<16xi32>
      %gather3A_2085 = tpu.vector_load_idx %arg15[%add3A_1776, %get3A_1778, %broadcast_in_dim3A_2084] : memref<32x8x64xf32, #tpu.memory_space<vmem>>[vector<16xi32>, vector<16xi32>, vector<16xi32>], vector<16xf32>,
      %gather3A_2086 = tpu.vector_load_idx %arg16[%add3A_1776, %get3A_1780, %broadcast_in_dim3A_2084] : memref<32x8x64xf32, #tpu.memory_space<vmem>>[vector<16xi32>, vector<16xi32>, vector<16xi32>], vector<16xf32>,
      %mul3A_2087 = arith.mulf %gather3A_2085, %gather3A_2086 : vector<16xf32>
      %add3A_2088 = arith.addf %add3A_2082, %mul3A_2087 : vector<16xf32>
      %broadcast_in_dim3A_2089 = arith.constant 51 : i32
      %broadcast_in_dim3A_2090 = vector.broadcast %broadcast_in_dim3A_2089 : i32 to vector<16xi32>
      %gather3A_2091 = tpu.vector_load_idx %arg15[%add3A_1776, %get3A_1778, %broadcast_in_dim3A_2090] : memref<32x8x64xf32, #tpu.memory_space<vmem>>[vector<16xi32>, vector<16xi32>, vector<16xi32>], vector<16xf32>,
      %gather3A_2092 = tpu.vector_load_idx %arg16[%add3A_1776, %get3A_1780, %broadcast_in_dim3A_2090] : memref<32x8x64xf32, #tpu.memory_space<vmem>>[vector<16xi32>, vector<16xi32>, vector<16xi32>], vector<16xf32>,
      %mul3A_2093 = arith.mulf %gather3A_2091, %gather3A_2092 : vector<16xf32>
      %add3A_2094 = arith.addf %add3A_2088, %mul3A_2093 : vector<16xf32>
      %broadcast_in_dim3A_2095 = arith.constant 52 : i32
      %broadcast_in_dim3A_2096 = vector.broadcast %broadcast_in_dim3A_2095 : i32 to vector<16xi32>
      %gather3A_2097 = tpu.vector_load_idx %arg15[%add3A_1776, %get3A_1778, %broadcast_in_dim3A_2096] : memref<32x8x64xf32, #tpu.memory_space<vmem>>[vector<16xi32>, vector<16xi32>, vector<16xi32>], vector<16xf32>,
      %gather3A_2098 = tpu.vector_load_idx %arg16[%add3A_1776, %get3A_1780, %broadcast_in_dim3A_2096] : memref<32x8x64xf32, #tpu.memory_space<vmem>>[vector<16xi32>, vector<16xi32>, vector<16xi32>], vector<16xf32>,
      %mul3A_2099 = arith.mulf %gather3A_2097, %gather3A_2098 : vector<16xf32>
      %add3A_2100 = arith.addf %add3A_2094, %mul3A_2099 : vector<16xf32>
      %broadcast_in_dim3A_2101 = arith.constant 53 : i32
      %broadcast_in_dim3A_2102 = vector.broadcast %broadcast_in_dim3A_2101 : i32 to vector<16xi32>
      %gather3A_2103 = tpu.vector_load_idx %arg15[%add3A_1776, %get3A_1778, %broadcast_in_dim3A_2102] : memref<32x8x64xf32, #tpu.memory_space<vmem>>[vector<16xi32>, vector<16xi32>, vector<16xi32>], vector<16xf32>,
      %gather3A_2104 = tpu.vector_load_idx %arg16[%add3A_1776, %get3A_1780, %broadcast_in_dim3A_2102] : memref<32x8x64xf32, #tpu.memory_space<vmem>>[vector<16xi32>, vector<16xi32>, vector<16xi32>], vector<16xf32>,
      %mul3A_2105 = arith.mulf %gather3A_2103, %gather3A_2104 : vector<16xf32>
      %add3A_2106 = arith.addf %add3A_2100, %mul3A_2105 : vector<16xf32>
      %broadcast_in_dim3A_2107 = arith.constant 54 : i32
      %broadcast_in_dim3A_2108 = vector.broadcast %broadcast_in_dim3A_2107 : i32 to vector<16xi32>
      %gather3A_2109 = tpu.vector_load_idx %arg15[%add3A_1776, %get3A_1778, %broadcast_in_dim3A_2108] : memref<32x8x64xf32, #tpu.memory_space<vmem>>[vector<16xi32>, vector<16xi32>, vector<16xi32>], vector<16xf32>,
      %gather3A_2110 = tpu.vector_load_idx %arg16[%add3A_1776, %get3A_1780, %broadcast_in_dim3A_2108] : memref<32x8x64xf32, #tpu.memory_space<vmem>>[vector<16xi32>, vector<16xi32>, vector<16xi32>], vector<16xf32>,
      %mul3A_2111 = arith.mulf %gather3A_2109, %gather3A_2110 : vector<16xf32>
      %add3A_2112 = arith.addf %add3A_2106, %mul3A_2111 : vector<16xf32>
      %broadcast_in_dim3A_2113 = arith.constant 55 : i32
      %broadcast_in_dim3A_2114 = vector.broadcast %broadcast_in_dim3A_2113 : i32 to vector<16xi32>
      %gather3A_2115 = tpu.vector_load_idx %arg15[%add3A_1776, %get3A_1778, %broadcast_in_dim3A_2114] : memref<32x8x64xf32, #tpu.memory_space<vmem>>[vector<16xi32>, vector<16xi32>, vector<16xi32>], vector<16xf32>,
      %gather3A_2116 = tpu.vector_load_idx %arg16[%add3A_1776, %get3A_1780, %broadcast_in_dim3A_2114] : memref<32x8x64xf32, #tpu.memory_space<vmem>>[vector<16xi32>, vector<16xi32>, vector<16xi32>], vector<16xf32>,
      %mul3A_2117 = arith.mulf %gather3A_2115, %gather3A_2116 : vector<16xf32>
      %add3A_2118 = arith.addf %add3A_2112, %mul3A_2117 : vector<16xf32>
      %broadcast_in_dim3A_2119 = arith.constant 56 : i32
      %broadcast_in_dim3A_2120 = vector.broadcast %broadcast_in_dim3A_2119 : i32 to vector<16xi32>
      %gather3A_2121 = tpu.vector_load_idx %arg15[%add3A_1776, %get3A_1778, %broadcast_in_dim3A_2120] : memref<32x8x64xf32, #tpu.memory_space<vmem>>[vector<16xi32>, vector<16xi32>, vector<16xi32>], vector<16xf32>,
      %gather3A_2122 = tpu.vector_load_idx %arg16[%add3A_1776, %get3A_1780, %broadcast_in_dim3A_2120] : memref<32x8x64xf32, #tpu.memory_space<vmem>>[vector<16xi32>, vector<16xi32>, vector<16xi32>], vector<16xf32>,
      %mul3A_2123 = arith.mulf %gather3A_2121, %gather3A_2122 : vector<16xf32>
      %add3A_2124 = arith.addf %add3A_2118, %mul3A_2123 : vector<16xf32>
      %broadcast_in_dim3A_2125 = arith.constant 57 : i32
      %broadcast_in_dim3A_2126 = vector.broadcast %broadcast_in_dim3A_2125 : i32 to vector<16xi32>
      %gather3A_2127 = tpu.vector_load_idx %arg15[%add3A_1776, %get3A_1778, %broadcast_in_dim3A_2126] : memref<32x8x64xf32, #tpu.memory_space<vmem>>[vector<16xi32>, vector<16xi32>, vector<16xi32>], vector<16xf32>,
      %gather3A_2128 = tpu.vector_load_idx %arg16[%add3A_1776, %get3A_1780, %broadcast_in_dim3A_2126] : memref<32x8x64xf32, #tpu.memory_space<vmem>>[vector<16xi32>, vector<16xi32>, vector<16xi32>], vector<16xf32>,
      %mul3A_2129 = arith.mulf %gather3A_2127, %gather3A_2128 : vector<16xf32>
      %add3A_2130 = arith.addf %add3A_2124, %mul3A_2129 : vector<16xf32>
      %broadcast_in_dim3A_2131 = arith.constant 58 : i32
      %broadcast_in_dim3A_2132 = vector.broadcast %broadcast_in_dim3A_2131 : i32 to vector<16xi32>
      %gather3A_2133 = tpu.vector_load_idx %arg15[%add3A_1776, %get3A_1778, %broadcast_in_dim3A_2132] : memref<32x8x64xf32, #tpu.memory_space<vmem>>[vector<16xi32>, vector<16xi32>, vector<16xi32>], vector<16xf32>,
      %gather3A_2134 = tpu.vector_load_idx %arg16[%add3A_1776, %get3A_1780, %broadcast_in_dim3A_2132] : memref<32x8x64xf32, #tpu.memory_space<vmem>>[vector<16xi32>, vector<16xi32>, vector<16xi32>], vector<16xf32>,
      %mul3A_2135 = arith.mulf %gather3A_2133, %gather3A_2134 : vector<16xf32>
      %add3A_2136 = arith.addf %add3A_2130, %mul3A_2135 : vector<16xf32>
      %broadcast_in_dim3A_2137 = arith.constant 59 : i32
      %broadcast_in_dim3A_2138 = vector.broadcast %broadcast_in_dim3A_2137 : i32 to vector<16xi32>
      %gather3A_2139 = tpu.vector_load_idx %arg15[%add3A_1776, %get3A_1778, %broadcast_in_dim3A_2138] : memref<32x8x64xf32, #tpu.memory_space<vmem>>[vector<16xi32>, vector<16xi32>, vector<16xi32>], vector<16xf32>,
      %gather3A_2140 = tpu.vector_load_idx %arg16[%add3A_1776, %get3A_1780, %broadcast_in_dim3A_2138] : memref<32x8x64xf32, #tpu.memory_space<vmem>>[vector<16xi32>, vector<16xi32>, vector<16xi32>], vector<16xf32>,
      %mul3A_2141 = arith.mulf %gather3A_2139, %gather3A_2140 : vector<16xf32>
      %add3A_2142 = arith.addf %add3A_2136, %mul3A_2141 : vector<16xf32>
      %broadcast_in_dim3A_2143 = arith.constant 60 : i32
      %broadcast_in_dim3A_2144 = vector.broadcast %broadcast_in_dim3A_2143 : i32 to vector<16xi32>
      %gather3A_2145 = tpu.vector_load_idx %arg15[%add3A_1776, %get3A_1778, %broadcast_in_dim3A_2144] : memref<32x8x64xf32, #tpu.memory_space<vmem>>[vector<16xi32>, vector<16xi32>, vector<16xi32>], vector<16xf32>,
      %gather3A_2146 = tpu.vector_load_idx %arg16[%add3A_1776, %get3A_1780, %broadcast_in_dim3A_2144] : memref<32x8x64xf32, #tpu.memory_space<vmem>>[vector<16xi32>, vector<16xi32>, vector<16xi32>], vector<16xf32>,
      %mul3A_2147 = arith.mulf %gather3A_2145, %gather3A_2146 : vector<16xf32>
      %add3A_2148 = arith.addf %add3A_2142, %mul3A_2147 : vector<16xf32>
      %broadcast_in_dim3A_2149 = arith.constant 61 : i32
      %broadcast_in_dim3A_2150 = vector.broadcast %broadcast_in_dim3A_2149 : i32 to vector<16xi32>
      %gather3A_2151 = tpu.vector_load_idx %arg15[%add3A_1776, %get3A_1778, %broadcast_in_dim3A_2150] : memref<32x8x64xf32, #tpu.memory_space<vmem>>[vector<16xi32>, vector<16xi32>, vector<16xi32>], vector<16xf32>,
      %gather3A_2152 = tpu.vector_load_idx %arg16[%add3A_1776, %get3A_1780, %broadcast_in_dim3A_2150] : memref<32x8x64xf32, #tpu.memory_space<vmem>>[vector<16xi32>, vector<16xi32>, vector<16xi32>], vector<16xf32>,
      %mul3A_2153 = arith.mulf %gather3A_2151, %gather3A_2152 : vector<16xf32>
      %add3A_2154 = arith.addf %add3A_2148, %mul3A_2153 : vector<16xf32>
      %broadcast_in_dim3A_2155 = arith.constant 62 : i32
      %broadcast_in_dim3A_2156 = vector.broadcast %broadcast_in_dim3A_2155 : i32 to vector<16xi32>
      %gather3A_2157 = tpu.vector_load_idx %arg15[%add3A_1776, %get3A_1778, %broadcast_in_dim3A_2156] : memref<32x8x64xf32, #tpu.memory_space<vmem>>[vector<16xi32>, vector<16xi32>, vector<16xi32>], vector<16xf32>,
      %gather3A_2158 = tpu.vector_load_idx %arg16[%add3A_1776, %get3A_1780, %broadcast_in_dim3A_2156] : memref<32x8x64xf32, #tpu.memory_space<vmem>>[vector<16xi32>, vector<16xi32>, vector<16xi32>], vector<16xf32>,
      %mul3A_2159 = arith.mulf %gather3A_2157, %gather3A_2158 : vector<16xf32>
      %add3A_2160 = arith.addf %add3A_2154, %mul3A_2159 : vector<16xf32>
      %broadcast_in_dim3A_2161 = arith.constant 63 : i32
      %broadcast_in_dim3A_2162 = vector.broadcast %broadcast_in_dim3A_2161 : i32 to vector<16xi32>
      %gather3A_2163 = tpu.vector_load_idx %arg15[%add3A_1776, %get3A_1778, %broadcast_in_dim3A_2162] : memref<32x8x64xf32, #tpu.memory_space<vmem>>[vector<16xi32>, vector<16xi32>, vector<16xi32>], vector<16xf32>,
      %gather3A_2164 = tpu.vector_load_idx %arg16[%add3A_1776, %get3A_1780, %broadcast_in_dim3A_2162] : memref<32x8x64xf32, #tpu.memory_space<vmem>>[vector<16xi32>, vector<16xi32>, vector<16xi32>], vector<16xf32>,
      %mul3A_2165 = arith.mulf %gather3A_2163, %gather3A_2164 : vector<16xf32>
      %add3A_2166 = arith.addf %add3A_2160, %mul3A_2165 : vector<16xf32>
      %swap3A_2167 = arith.index_cast %add3A_1773 : i32 to index
      %swap3A_2168 = tpu.vector_load %arg19[%swap3A_2167] {strides = array<i32>} : memref<512xf32, #tpu.memory_space<vmem>>, vector<16xf32>,
      tpu.vector_store %arg19[%swap3A_2167], %add3A_2166 {strides = array<i32>} : memref<512xf32, #tpu.memory_space<vmem>>, vector<16xf32>,
    }
    %scan3A_76 = arith.constant 16 : i32
    %dma_wait3A = arith.constant 0 : i32
    %dma_wait3A_77 = tpu.memref_slice %arg17[%dma_wait3A] : memref<512xf32, #tpu.memory_space<vmem>> -> memref<128xf32, #tpu.memory_space<vmem>>
    %dma_wait3A_78 = arith.constant 0 : i32
    %dma_wait3A_79 = tpu.memref_slice %arg9[%dma_wait3A_78] : memref<512xi32, #tpu.memory_space<vmem>> -> memref<128xi32, #tpu.memory_space<vmem>>
    %dma_wait3A_80 = arith.constant 0 : i32
    %dma_wait3A_81 = tpu.memref_slice %arg6[%dma_wait3A_80] : memref<1000000xf32, #tpu.memory_space<hbm>> -> memref<1000000xf32, #tpu.memory_space<hbm>>
    tpu.wait_indirect_dma semaphore(%arg22 : memref<!tpu.dma_semaphore, #tpu.memory_space<semaphore_mem>>) src(%dma_wait3A_81 : memref<1000000xf32, #tpu.memory_space<hbm>>) dst(%dma_wait3A_77 : memref<128xf32, #tpu.memory_space<vmem>>)
    %dma_wait3A_82 = arith.constant 0 : i32
    %dma_wait3A_83 = tpu.memref_slice %arg18[%dma_wait3A_82] : memref<512xf32, #tpu.memory_space<vmem>> -> memref<128xf32, #tpu.memory_space<vmem>>
    %dma_wait3A_84 = arith.constant 0 : i32
    %dma_wait3A_85 = tpu.memref_slice %arg10[%dma_wait3A_84] : memref<512xi32, #tpu.memory_space<vmem>> -> memref<128xi32, #tpu.memory_space<vmem>>
    %dma_wait3A_86 = arith.constant 0 : i32
    %dma_wait3A_87 = tpu.memref_slice %arg7[%dma_wait3A_86] : memref<100000xf32, #tpu.memory_space<hbm>> -> memref<100000xf32, #tpu.memory_space<hbm>>
    tpu.wait_indirect_dma semaphore(%arg23 : memref<!tpu.dma_semaphore, #tpu.memory_space<semaphore_mem>>) src(%dma_wait3A_87 : memref<100000xf32, #tpu.memory_space<hbm>>) dst(%dma_wait3A_83 : memref<128xf32, #tpu.memory_space<vmem>>)
    %dma_wait3A_88 = arith.constant 128 : i32
    %dma_wait3A_89 = tpu.memref_slice %arg17[%dma_wait3A_88] : memref<512xf32, #tpu.memory_space<vmem>> -> memref<128xf32, #tpu.memory_space<vmem>>
    %dma_wait3A_90 = arith.constant 128 : i32
    %dma_wait3A_91 = tpu.memref_slice %arg9[%dma_wait3A_90] : memref<512xi32, #tpu.memory_space<vmem>> -> memref<128xi32, #tpu.memory_space<vmem>>
    %dma_wait3A_92 = arith.constant 0 : i32
    %dma_wait3A_93 = tpu.memref_slice %arg6[%dma_wait3A_92] : memref<1000000xf32, #tpu.memory_space<hbm>> -> memref<1000000xf32, #tpu.memory_space<hbm>>
    tpu.wait_indirect_dma semaphore(%arg22 : memref<!tpu.dma_semaphore, #tpu.memory_space<semaphore_mem>>) src(%dma_wait3A_93 : memref<1000000xf32, #tpu.memory_space<hbm>>) dst(%dma_wait3A_89 : memref<128xf32, #tpu.memory_space<vmem>>)
    %dma_wait3A_94 = arith.constant 128 : i32
    %dma_wait3A_95 = tpu.memref_slice %arg18[%dma_wait3A_94] : memref<512xf32, #tpu.memory_space<vmem>> -> memref<128xf32, #tpu.memory_space<vmem>>
    %dma_wait3A_96 = arith.constant 128 : i32
    %dma_wait3A_97 = tpu.memref_slice %arg10[%dma_wait3A_96] : memref<512xi32, #tpu.memory_space<vmem>> -> memref<128xi32, #tpu.memory_space<vmem>>
    %dma_wait3A_98 = arith.constant 0 : i32
    %dma_wait3A_99 = tpu.memref_slice %arg7[%dma_wait3A_98] : memref<100000xf32, #tpu.memory_space<hbm>> -> memref<100000xf32, #tpu.memory_space<hbm>>
    tpu.wait_indirect_dma semaphore(%arg23 : memref<!tpu.dma_semaphore, #tpu.memory_space<semaphore_mem>>) src(%dma_wait3A_99 : memref<100000xf32, #tpu.memory_space<hbm>>) dst(%dma_wait3A_95 : memref<128xf32, #tpu.memory_space<vmem>>)
    %dma_wait3A_100 = arith.constant 256 : i32
    %dma_wait3A_101 = tpu.memref_slice %arg17[%dma_wait3A_100] : memref<512xf32, #tpu.memory_space<vmem>> -> memref<128xf32, #tpu.memory_space<vmem>>
    %dma_wait3A_102 = arith.constant 256 : i32
    %dma_wait3A_103 = tpu.memref_slice %arg9[%dma_wait3A_102] : memref<512xi32, #tpu.memory_space<vmem>> -> memref<128xi32, #tpu.memory_space<vmem>>
    %dma_wait3A_104 = arith.constant 0 : i32
    %dma_wait3A_105 = tpu.memref_slice %arg6[%dma_wait3A_104] : memref<1000000xf32, #tpu.memory_space<hbm>> -> memref<1000000xf32, #tpu.memory_space<hbm>>
    tpu.wait_indirect_dma semaphore(%arg22 : memref<!tpu.dma_semaphore, #tpu.memory_space<semaphore_mem>>) src(%dma_wait3A_105 : memref<1000000xf32, #tpu.memory_space<hbm>>) dst(%dma_wait3A_101 : memref<128xf32, #tpu.memory_space<vmem>>)
    %dma_wait3A_106 = arith.constant 256 : i32
    %dma_wait3A_107 = tpu.memref_slice %arg18[%dma_wait3A_106] : memref<512xf32, #tpu.memory_space<vmem>> -> memref<128xf32, #tpu.memory_space<vmem>>
    %dma_wait3A_108 = arith.constant 256 : i32
    %dma_wait3A_109 = tpu.memref_slice %arg10[%dma_wait3A_108] : memref<512xi32, #tpu.memory_space<vmem>> -> memref<128xi32, #tpu.memory_space<vmem>>
    %dma_wait3A_110 = arith.constant 0 : i32
    %dma_wait3A_111 = tpu.memref_slice %arg7[%dma_wait3A_110] : memref<100000xf32, #tpu.memory_space<hbm>> -> memref<100000xf32, #tpu.memory_space<hbm>>
    tpu.wait_indirect_dma semaphore(%arg23 : memref<!tpu.dma_semaphore, #tpu.memory_space<semaphore_mem>>) src(%dma_wait3A_111 : memref<100000xf32, #tpu.memory_space<hbm>>) dst(%dma_wait3A_107 : memref<128xf32, #tpu.memory_space<vmem>>)
    %dma_wait3A_112 = arith.constant 384 : i32
    %dma_wait3A_113 = tpu.memref_slice %arg17[%dma_wait3A_112] : memref<512xf32, #tpu.memory_space<vmem>> -> memref<128xf32, #tpu.memory_space<vmem>>
    %dma_wait3A_114 = arith.constant 384 : i32
    %dma_wait3A_115 = tpu.memref_slice %arg9[%dma_wait3A_114] : memref<512xi32, #tpu.memory_space<vmem>> -> memref<128xi32, #tpu.memory_space<vmem>>
    %dma_wait3A_116 = arith.constant 0 : i32
    %dma_wait3A_117 = tpu.memref_slice %arg6[%dma_wait3A_116] : memref<1000000xf32, #tpu.memory_space<hbm>> -> memref<1000000xf32, #tpu.memory_space<hbm>>
    tpu.wait_indirect_dma semaphore(%arg22 : memref<!tpu.dma_semaphore, #tpu.memory_space<semaphore_mem>>) src(%dma_wait3A_117 : memref<1000000xf32, #tpu.memory_space<hbm>>) dst(%dma_wait3A_113 : memref<128xf32, #tpu.memory_space<vmem>>)
    %dma_wait3A_118 = arith.constant 384 : i32
    %dma_wait3A_119 = tpu.memref_slice %arg18[%dma_wait3A_118] : memref<512xf32, #tpu.memory_space<vmem>> -> memref<128xf32, #tpu.memory_space<vmem>>
    %dma_wait3A_120 = arith.constant 384 : i32
    %dma_wait3A_121 = tpu.memref_slice %arg10[%dma_wait3A_120] : memref<512xi32, #tpu.memory_space<vmem>> -> memref<128xi32, #tpu.memory_space<vmem>>
    %dma_wait3A_122 = arith.constant 0 : i32
    %dma_wait3A_123 = tpu.memref_slice %arg7[%dma_wait3A_122] : memref<100000xf32, #tpu.memory_space<hbm>> -> memref<100000xf32, #tpu.memory_space<hbm>>
    tpu.wait_indirect_dma semaphore(%arg23 : memref<!tpu.dma_semaphore, #tpu.memory_space<semaphore_mem>>) src(%dma_wait3A_123 : memref<100000xf32, #tpu.memory_space<hbm>>) dst(%dma_wait3A_119 : memref<128xf32, #tpu.memory_space<vmem>>)
    %scan3A_124 = arith.constant 0 : i32
    %scan3A_125 = arith.constant 0 : i32
    %scan3A_126 = arith.constant 32 : i32
    %scan3A_127 = arith.addi %scan3A_125, %scan3A_126 : i32
    %scan3A_128 = arith.constant 1 : i32
    scf.for %scan3A_130 = %scan3A_125 to %scan3A_127 step %scan3A_128  : i32 {
      %mul3A_131 = arith.constant 16 : i32
      %mul3A_132 = arith.muli %scan3A_130, %mul3A_131 : i32
      %get3A = arith.index_cast %mul3A_132 : i32 to index
      %get3A_133 = tpu.vector_load %arg19[%get3A] {strides = array<i32>} : memref<512xf32, #tpu.memory_space<vmem>>, vector<16xf32>,
      %get3A_134 = arith.index_cast %mul3A_132 : i32 to index
      %get3A_135 = tpu.vector_load %arg17[%get3A_134] {strides = array<i32>} : memref<512xf32, #tpu.memory_space<vmem>>, vector<16xf32>,
      %get3A_136 = arith.index_cast %mul3A_132 : i32 to index
      %get3A_137 = tpu.vector_load %arg18[%get3A_136] {strides = array<i32>} : memref<512xf32, #tpu.memory_space<vmem>>, vector<16xf32>,
      %add3A_138 = arith.addf %get3A_135, %get3A_137 : vector<16xf32>
      %add3A_139 = arith.constant 3.500000e+00 : f32
      %add3A_140 = vector.broadcast %add3A_139 : f32 to vector<16xf32>
      %add3A_141 = arith.addf %add3A_138, %add3A_140 : vector<16xf32>
      %add3A_142 = arith.addf %get3A_133, %add3A_141 : vector<16xf32>
      %swap3A = arith.index_cast %mul3A_132 : i32 to index
      %swap3A_143 = tpu.vector_load %arg19[%swap3A] {strides = array<i32>} : memref<512xf32, #tpu.memory_space<vmem>>, vector<16xf32>,
      tpu.vector_store %arg19[%swap3A], %add3A_142 {strides = array<i32>} : memref<512xf32, #tpu.memory_space<vmem>>, vector<16xf32>,
    }
    %scan3A_129 = arith.constant 32 : i32
    "tpu.region"() ({
      %run_scoped3A = tpu.sem_alloc : memref<!tpu.dma_semaphore, #tpu.memory_space<semaphore_mem>>
      %dma_start3A_130 = tpu.memref_slice %arg8[%mul3A_2] : memref<16384xf32, #tpu.memory_space<hbm>> -> memref<512xf32, #tpu.memory_space<hbm>>
      %dma_start3A_131 = tpu.memref_slice %arg8[%mul3A_2] : memref<16384xf32, #tpu.memory_space<hbm>> -> memref<512xf32, #tpu.memory_space<hbm>>
      tpu.enqueue_dma source(%arg19 : memref<512xf32, #tpu.memory_space<vmem>>) target(%dma_start3A_131 : memref<512xf32, #tpu.memory_space<hbm>>) target_semaphore(%run_scoped3A : memref<!tpu.dma_semaphore, #tpu.memory_space<semaphore_mem>>)
      %dma_wait3A_132 = tpu.memref_slice %arg8[%mul3A_2] : memref<16384xf32, #tpu.memory_space<hbm>> -> memref<512xf32, #tpu.memory_space<hbm>>
      %dma_wait3A_133 = tpu.memref_slice %arg8[%mul3A_2] : memref<16384xf32, #tpu.memory_space<hbm>> -> memref<512xf32, #tpu.memory_space<hbm>>
      tpu.wait_dma2 semaphore(%run_scoped3A : memref<!tpu.dma_semaphore, #tpu.memory_space<semaphore_mem>>) src(%arg19 : memref<512xf32, #tpu.memory_space<vmem>>) dst(%dma_wait3A_133 : memref<512xf32, #tpu.memory_space<hbm>>)
      tpu.yield
    }) : () -> ()
    return
  }
}

</mosaic_0001>

<sc_bundles>
// kernel: kernel.3.cloned.1.call-start
scs
__scs_entry_jumppad:
0x0: {  	(pc) =	sbr.rel $0x88, $3  }
0x1: {  	(tag) =	ssettag $0x0;
	lr =	simm.s32 $0x1  }
0x2: {  	[smem:$0x3F9B] =	sst lr;
	_ =	strace $0xD0000000  }
0x3: {  	_ = 	snop  }
0x4: {  	_ = 	snop  }
0x5: {  	_ = 	snop  }
0x6: {  	_ = 	snop  }
0x7: {  	_ = 	snop  }
__scs_overlays_trampoline_lowered:
0x8: {  	[smem:$0x3FAA] =	sst s0  }
0x9: {  	[smem:$0x3FAB] =	sst s1  }
0xa: {  	[smem:$0x3FAC] =	sst s2  }
0xb: {  	[smem:$0x3FAD] =	sst s3  }
0xc: {  	[smem:$0x3FAE] =	sst s4  }
0xd: {  	[smem:$0x3FAF] =	sst s5  }
0xe: {  	[smem:$0x3FB0] =	sst s6  }
0xf: {  	[smem:$0x3FB1] =	sst s7  }
0x10: {  	[smem:$0x3FB2] =	sst s8  }
0x11: {  	[smem:$0x3FB3] =	sst s9;
	s0 =	simm.s32 @!p0 $0x0  }
0x12: {  	s1 =	sld [smem:$0x3F99];
	s0 =	simm.s32 @p0 $0x1  }
0x13: {  	[smem:$0x3FB4] =	sst s0;
	s0 =	simm.s32 @!p1 $0x0  }
0x14: {  	s2 =	sld [smem:$0x3F98];
	s0 =	simm.s32 @p1 $0x1  }
0x15: {  	[smem:$0x3FB5] =	sst s0;
	s0 =	simm.s32 @!p2 $0x0  }
0x16: {  	s3 =	sld [smem:$0x3FDB];
	s0 =	simm.s32 @p2 $0x1  }
0x17: {  	s4 =	simm.s32 $0x1BF5;
	[smem:$0x3FB7] =	sst s0  }
0x18: {  	s0 =	sld [smem:$0x3F9A];
	_ =	swait.ge [sflag:s4], $0x0  }
0x19: {  	s7 =	sld [smem:$0x3F9B]  }
0x1a: {  	s8 =	sadd.s32 $0xFFFFE003, lr  }
0x1b: {  	s9 =	sadd.s32 $0xFFFFFEF7, lr;
	s5 =	simm.s32 $0xFFFFFFFF;
	p2 =	slt.u32 s8, $0xFFFFF086  }
0x1c: {  	p1 =	slt.u32 s9, $0xF7A;
	s5 =	simm.s32 @!p2 $0x0  }
0x1d: {  	s5 =	simm.s32 @p1 $0x1;
	p0 =	seq.s32 s7, s2  }
0x1e: {  	s7 =	smul.u32 @!p0 $0xF7A, s2;
	p2 =	seq.s32 @!p0 s5, $0x0  }
0x1f: {  	s9 =	smul.u32 $0xF7A, s1;
	s8 =	simm.s32 @!p0 $0x1BF5;
	p2 =	por !p2, p0  }
0x20: {  	[sflag:s8] =	ssyncset.s32 @!p0 $0xFFFFF086;
	s6 =	sadd.s32 @!p0 s3, s7;
	s7 =	simm.s32 @!p0 $0x108  }
0x21: {  	s3 =	sadd.s32 s3, s9;
	s6 =	sadd.s32 @!p0 $0x88, s6;
	s7 =	simm.s32 @p2 $0x1082  }
0x22: {  	[simem:s7], [sflag:s8] =	dma.local @!p0 [hbm:s6], $0xF7A  }
0x23: {  	s9 =	sor.u32 $0xD0000000, s2;
	s6 =	simm.s32 $0x108;
	_ =	swait.ge @!p0 [sflag:s8], $0x0  }
0x24: {  	s3 =	sadd.s32 $0x88, s3;
	s6 =	simm.s32 @!p1 $0x1082;
	[sflag:s4] =	ssyncset.s32 $0xFFFFF086  }
0x25: {  	[simem:s6], [sflag:s4] =	dma.local [hbm:s3], $0xF7A  }
0x26: {  	[smem:$0x3F9B] =	sst s1;
	(tag) =	ssettag s2;
	_ =	strace s9  }
0x27: {  	s1 =	sld [smem:$0x3FAB]  }
0x28: {  	s2 =	sld [smem:$0x3FAC]  }
0x29: {  	s4 =	sld [smem:$0x3FAE]  }
0x2a: {  	p0 =	seq.s32 s5, $0x0;
	s5 =	sld [smem:$0x3FAF]  }
0x2b: {  	s6 =	sld [smem:$0x3FB0]  }
0x2c: {  	s7 =	sld [smem:$0x3FB1]  }
0x2d: {  	s3 =	simm.s32 $0x108;
	s8 =	sld [smem:$0x3FB2]  }
0x2e: {  	s3 =	simm.s32 @!p0 $0x1082;
	s9 =	sld [smem:$0x3FB3]  }
0x2f: {  	lr =	sadd.s32 s0, s3;
	s0 =	sld [smem:$0x3FAA]  }
0x30: {  	s3 =	sld [smem:$0x3FAD]  }
0x31: {  	[smem:$0x3FB6] =	sst s10  }
0x32: {  	s10 =	sld [smem:$0x3FB4];
	_ =	sdelay $0x3  }
0x33: {  	p0 =	seq.s32 s10, $0x1;
	s10 =	sld [smem:$0x3FB6];
	_ =	sdelay $0x3  }
0x34: {  	[smem:$0x3FB6] =	sst s10  }
0x35: {  	s10 =	sld [smem:$0x3FB5];
	_ =	sdelay $0x3  }
0x36: {  	p1 =	seq.s32 s10, $0x1;
	s10 =	sld [smem:$0x3FB6];
	_ =	sdelay $0x3  }
0x37: {  	[smem:$0x3FB6] =	sst s10  }
0x38: {  	s10 =	sld [smem:$0x3FB7]  }
0x39: {  	_ = 	snop;
	(pc) =	sbr.ind lr, $3  }
0x3a: {  	_ = 	snop  }
0x3b: {  	_ = 	snop  }
0x3c: {  	p2 =	seq.s32 s10, $0x1;
	s10 =	sld [smem:$0x3FB6]  }
0x3d: {  	_ =	shalt  }
0x3e: {  	_ =	shalt  }
0x3f: {  	_ =	shalt  }
0x40: {  	_ =	shalt  }
0x41: {  	_ =	shalt  }
0x42: {  	_ =	shalt  }
0x43: {  	_ =	shalt  }
0x44: {  	_ =	shalt  }
0x45: {  	_ =	shalt  }
0x46: {  	_ =	shalt  }
0x47: {  	_ =	shalt  }
0x48: {  	_ =	shalt  }
0x49: {  	_ =	shalt  }
0x4a: {  	_ =	shalt  }
0x4b: {  	_ =	shalt  }
0x4c: {  	_ =	shalt  }
0x4d: {  	_ =	shalt  }
0x4e: {  	_ =	shalt  }
0x4f: {  	_ =	shalt  }
0x50: {  	_ =	shalt  }
0x51: {  	_ =	shalt  }
0x52: {  	_ =	shalt  }
0x53: {  	_ =	shalt  }
0x54: {  	_ =	shalt  }
0x55: {  	_ =	shalt  }
0x56: {  	_ =	shalt  }
0x57: {  	_ =	shalt  }
0x58: {  	_ =	shalt  }
0x59: {  	_ =	shalt  }
0x5a: {  	_ =	shalt  }
0x5b: {  	_ =	shalt  }
0x5c: {  	_ =	shalt  }
0x5d: {  	_ =	shalt  }
0x5e: {  	_ =	shalt  }
0x5f: {  	_ =	shalt  }
0x60: {  	_ =	shalt  }
0x61: {  	_ =	shalt  }
0x62: {  	_ =	shalt  }
0x63: {  	_ =	shalt  }
0x64: {  	_ =	shalt  }
0x65: {  	_ =	shalt  }
0x66: {  	_ =	shalt  }
0x67: {  	_ =	shalt  }
0x68: {  	_ =	shalt  }
0x69: {  	_ =	shalt  }
0x6a: {  	_ =	shalt  }
0x6b: {  	_ =	shalt  }
0x6c: {  	_ =	shalt  }
0x6d: {  	_ =	shalt  }
0x6e: {  	_ =	shalt  }
0x6f: {  	_ =	shalt  }
0x70: {  	_ =	shalt  }
0x71: {  	_ =	shalt  }
0x72: {  	_ =	shalt  }
0x73: {  	_ =	shalt  }
0x74: {  	_ =	shalt  }
0x75: {  	_ =	shalt  }
0x76: {  	_ =	shalt  }
0x77: {  	_ =	shalt  }
0x78: {  	_ =	shalt  }
0x79: {  	_ =	shalt  }
0x7a: {  	_ =	shalt  }
0x7b: {  	_ =	shalt  }
0x7c: {  	_ =	shalt  }
0x7d: {  	_ =	shalt  }
0x7e: {  	_ =	shalt  }
0x7f: {  	_ =	shalt  }
0x80: {  	_ =	shalt  }
0x81: {  	_ =	shalt  }
0x82: {  	_ =	shalt  }
0x83: {  	_ =	shalt  }
0x84: {  	_ =	shalt  }
0x85: {  	_ =	shalt  }
0x86: {  	_ =	shalt  }
0x87: {  	_ =	shalt  }
.Lfunc_end0:
.L_simem_size_0:
called_computation_lowered:
.L_overlay_start_0:
0x88: {  	s2 =	sld [smem:$0x3FD9]  }
0x89: {  	s3 =	sld [smem:$0x3FFE];
	_ =	sdelay $0x1  }
0x8a: {  	s1 =	srdreg.scid  }
0x8b: {  	s0 =	sand.u32 $0x1, s1  }
0x8c: {  	s17 =	sshll.u32 s0, $0xA;
	s2 =	sadd.s32 s3, s2  }
0x8d: {  	s2 =	sadd.s32 s2, s17  }
0x8e: {  	[smem:$0x3FC2] =	sst s2  }
0x8f: {  	_ = 	snop  }
0x90: {  	s2 =	sld [smem:$0x3FC9]  }
0x91: {  	s18 =	sld [smem:$0x3FC8]  }
0x92: {  	s4 =	sld [smem:$0x3FD0];
	(tm) =	ssettm $0x1  }
0x93: {  	s5 =	sld [smem:$0x3FFB];
	_ =	sdelay $0x3  }
0x94: {  	_ =	strace s5  }
0x95: {  	s5 =	sld [smem:$0x3FFC];
	_ =	sdelay $0x3  }
0x96: {  	_ =	strace s5  }
0x97: {  	s5 =	sld [smem:$0x3FFD];
	_ =	sdelay $0x3  }
0x98: {  	_ =	strace s5  }
0x99: {  	_ =	strace $0x8FFFFFFF  }
0x9a: {  	s19 =	sld [smem:$0x3FDB];
	_ =	sdelay $0x1  }
0x9b: {  	s6 =	simm.s32 $_scs_section_size  }
0x9c: {  	s7 =	simm.s32 $_size__tile_overlayer_lowered;
	s8 =	simm.s32 $_tile_overlayer_lowered  }
0x9d: {  	s22 =	simm.s32 $0x1BFF;
	s21 =	sshll.u32 s8, $0x1;
	s5 =	sadd.s32 s6, s19  }
0x9e: {  	s9 =	simm.s32 $0x0;
	s20 =	sshll.u32 s7, $0x1;
	s7 =	sadd.s32 s21, s5  }
0x9f: {  	[timem:s9], [sflag:s22] =	dma.local [hbm:s7], s20  }
0xa0: {  	_ =	swait.ge [sflag:s22], s20  }
0xa1: {  	s6 =	ssub.s32 $0x0, s20;
	[sflag:s22] =	ssyncset.done $0x0  }
0xa2: {  	[sflag:s22] =	ssyncadd.s32 s6;
	_ =	sdelay $0x1  }
0xa3: {  	s23 =	simm.s32 $0x1B8B  }
0xa4: {  	_ =	swait.ge [sflag:s23], $0x1  }
0xa5: {  	[sflag:s23] =	ssyncset.done $0x0  }
0xa6: {  	s25 =	simm.s32 $0x1B8E;
	s24 =	sld [smem:$0x3FFE];
	[sflag:s23] =	ssyncadd.s32 $0xFFFFFFFF  }
0xa7: {  	s26 =	simm.s32 $execute0_lowered;
	[smem:$0x3FD2] =	sst s25  }
0xa8: {  	s7 =	sshll.u32 s26, $0x1;
	_ =	strace $0x80000046;
	[dreg:$0x1] =	wrdreg $0xFFFFFFFF  }
0xa9: {  	s28 =	simm.s32 $_size_execute0_lowered;
	s5 =	sadd.s32 s5, s7;
	[dreg:$0x0] =	wrdreg $0x0  }
0xaa: {  	s7 =	sshll.u32 s28, $0x1;
	[dreg:$0x2] =	wrdreg s5  }
0xab: {  	[dreg:$0x3] =	wrdreg s7  }
0xac: {  	[dreg:$0x4] =	wrdreg $0xC0  }
0xad: {  	_ =	task [dreg:s9], $0x5FFFF  }
0xae: {  	[dreg:$0x1] =	wrdreg $0xFFFFFFFF  }
0xaf: {  	[dreg:$0x0] =	wrdreg $0x60  }
0xb0: {  	[dreg:$0x2] =	wrdreg s2  }
0xb1: {  	[dreg:$0x3] =	wrdreg s18  }
0xb2: {  	[dreg:$0x4] =	wrdreg s24  }
0xb3: {  	[dreg:$0x5] =	wrdreg s4  }
0xb4: {  	[dreg:$0x6] =	wrdreg $0x9  }
0xb5: {  	_ =	task.clear_ibuf [dreg:s9], $0x7FFFF;
	_ =	strace $0x90000046  }
0xb6: {  	s29 =	simm.s32 $0x9;
	_ =	strace $0x80000048  }
0xb7: {  	_ =	swait.ge [sflag:s29], $0x1  }
0xb8: {  	[sflag:s29] =	ssyncadd.s32 $0xFFFFFFFF  }
0xb9: {  	_ =	strace $0x90000048  }
0xba: {  	_ =	sfence  }
0xbb: {  	s30 =	sld [smem:$0x0];
	_ =	sdelay $0x2  }
0xbc: {  	s31 =	sshll.u32 s1, $0xD;
	s1 =	sshrl.u32 s1, $0x2  }
0xbd: {  	s3 =	sand.u32 $0x4000, s31;
	s1 =	sadd.s32 s1, s30  }
0xbe: {  	s0 =	sor.u32 s3, s0;
	s1 =	sshll.u32 s1, $0x11  }
0xbf: {  	s0 =	sor.u32 s1, s0  }
0xc0: {  	s0 =	sadd.s32 $0x8F2B, s0  }
0xc1: {  	[sflag:s0] =	ssyncadd.remote.s32 $0x1  }
0xc2: {  	_ =	sfence.sel $0xFFFF  }
0xc3: {  	[dreg:$0x0] =	wrdreg $0xFFFFFFFF;
	(pc) =	sbr.abs _section_cstart, $3  }
0xc4: {  	[dreg:$0x1] =	wrdreg $0xFFFFFFFF  }
0xc5: {  	_ =	task.clear_ibuf [dreg:s9], $0x2FFFF;
	_ =	strace $0x9FFFFFFF  }
0xc6: {  	(tm) =	ssettm $0x7FFFFFFF  }
0xc7: {  	_ =	shalt  }
tec
execute0_lowered:
.L_overlay_start_1:
0x0: {  	(tag) =	ssettag $0x1  }
0x1: {  	s7 =	rddreg [dreg:$0x0]  }
0x2: {  	s6 =	rddreg [dreg:$0x1]  }
0x3: {  	s1 =	rddreg [dreg:$0x2]  }
0x4: {  	s0 =	rddreg [dreg:$0x3];
	s2 =	simm.s32 $0x0  }
0x5: {  	s3 =	simm.s32 $0x1000;
	[smem:$0x7FF] =	sst s2  }
0x6: {  	s11 =	simm.s32 $0x9000;
	_ =	strace $0x80000047;
	[dreg:$0x5] =	wrdreg s3  }
0x7: {  	s12 =	simm.s32 $0x1400;
	[dreg:$0x6] =	wrdreg s11  }
0x8: {  	s13 =	simm.s32 $0x9400;
	[dreg:$0x7] =	wrdreg s12  }
0x9: {  	s14 =	simm.s32 $0x1800;
	[dreg:$0x8] =	wrdreg s13  }
0xa: {  	s15 =	simm.s32 $0x9800;
	[dreg:$0x9] =	wrdreg s14  }
0xb: {  	s16 =	simm.s32 $0x1C00;
	[dreg:$0xa] =	wrdreg s15  }
0xc: {  	s17 =	simm.s32 $0x9C00;
	[dreg:$0xb] =	wrdreg s16  }
0xd: {  	s18 =	simm.s32 $0x2000;
	[dreg:$0xc] =	wrdreg s17  }
0xe: {  	s19 =	simm.s32 $0xA000;
	[dreg:$0xd] =	wrdreg s18  }
0xf: {  	s20 =	simm.s32 $0x2400;
	[dreg:$0xe] =	wrdreg s19  }
0x10: {  	s21 =	simm.s32 $0xA400;
	[dreg:$0xf] =	wrdreg s20  }
0x11: {  	s22 =	simm.s32 $0x2800;
	[dreg:$0x10] =	wrdreg s21  }
0x12: {  	s23 =	simm.s32 $0xA800;
	[dreg:$0x11] =	wrdreg s22  }
0x13: {  	s24 =	simm.s32 $0x2C00;
	[dreg:$0x12] =	wrdreg s23  }
0x14: {  	s25 =	simm.s32 $0xAC00;
	[dreg:$0x13] =	wrdreg s24  }
0x15: {  	s26 =	simm.s32 $0x3000;
	[dreg:$0x14] =	wrdreg s25  }
0x16: {  	s4 =	simm.s32 $0xB000;
	[dreg:$0x15] =	wrdreg s26  }
0x17: {  	s5 =	simm.s32 $0x3400;
	[dreg:$0x16] =	wrdreg s4  }
0x18: {  	s8 =	simm.s32 $0xB400;
	[dreg:$0x17] =	wrdreg s5  }
0x19: {  	s9 =	simm.s32 $0x3800;
	[dreg:$0x18] =	wrdreg s8  }
0x1a: {  	s10 =	simm.s32 $0xB800;
	[dreg:$0x19] =	wrdreg s9  }
0x1b: {  	[dreg:$0x1a] =	wrdreg s10;
	s11 =	simm.s32 $0x3C00  }
0x1c: {  	s12 =	simm.s32 $0xBC00;
	[dreg:$0x1b] =	wrdreg s11  }
0x1d: {  	s13 =	simm.s32 $0x4000;
	[dreg:$0x1c] =	wrdreg s12  }
0x1e: {  	s14 =	simm.s32 $0xC000;
	[dreg:$0x1d] =	wrdreg s13  }
0x1f: {  	s15 =	simm.s32 $0x4400;
	[dreg:$0x1e] =	wrdreg s14  }
0x20: {  	s16 =	simm.s32 $0xC400;
	[dreg:$0x1f] =	wrdreg s15  }
0x21: {  	s17 =	simm.s32 $0x4800;
	[smem:$0x7D8] =	sst s16  }
0x22: {  	s4 =	simm.s32 $0xC800;
	[smem:$0x7D9] =	sst s17  }
0x23: {  	s5 =	simm.s32 $0x4C00;
	[smem:$0x7DA] =	sst s4  }
0x24: {  	s8 =	simm.s32 $0xCC00;
	[smem:$0x7DB] =	sst s5  }
0x25: {  	s18 =	simm.s32 $0x5000;
	[smem:$0x7DC] =	sst s8  }
0x26: {  	s19 =	simm.s32 $0xD000;
	[smem:$0x7DD] =	sst s18  }
0x27: {  	s20 =	simm.s32 $0x5400;
	[smem:$0x7DE] =	sst s19  }
0x28: {  	s21 =	simm.s32 $0xD400;
	[smem:$0x7DF] =	sst s20  }
0x29: {  	s28 =	simm.s32 $0x1;
	s22 =	simm.s32 $0x5800;
	[smem:$0x7E0] =	sst s21  }
0x2a: {  	s29 =	simm.s32 $0x2;
	s23 =	simm.s32 $0xD800;
	[smem:$0x7E1] =	sst s22  }
0x2b: {  	s30 =	simm.s32 $0x3;
	s24 =	simm.s32 $0x5C00;
	[smem:$0x7E2] =	sst s23  }
0x2c: {  	s31 =	simm.s32 $0x4;
	s26 =	simm.s32 $0xDC00;
	[smem:$0x7E3] =	sst s24  }
0x2d: {  	s3 =	sadd.s32 $0x1A8600, s1;
	[smem:$0x7E4] =	sst s26;
	s13 =	simm.s32 $0x6400  }
0x2e: {  	s9 =	srdreg.scid;
	s17 =	simm.s32 $0xE400;
	[smem:$0x7E9] =	sst s13  }
0x2f: {  	s4 =	sadd.s32 $0x21C00, s1;
	s18 =	simm.s32 $0x6800;
	[smem:$0x7EA] =	sst s17  }
0x30: {  	s5 =	sadd.s32 $0x3200, s1;
	s20 =	simm.s32 $0xE800;
	[smem:$0x7EC] =	sst s18  }
0x31: {  	v0 =	vlaneseq.u32;
	s12 =	stileid.u32;
	s21 =	simm.s32 $0x6C00;
	[smem:$0x7ED] =	sst s20  }
0x32: {  	v0 =	vmul.u32 $0x400, v0;
	s9 =	sand.u32 $0x1, s9;
	s23 =	simm.s32 $0xEC00;
	[smem:$0x7EE] =	sst s21  }
0x33: {  	s24 =	simm.s32 $0x7000;
	s26 =	simm.s32 $0x7400;
	[smem:$0x7EF] =	sst s23  }
0x34: {  	v5 =	vor.u32 $0x1, v0;
	v6 =	vor.u32 $0x2, v0;
	s10 =	ssub.s32 $0x2, s9;
	s25 =	sshll.u32 s12, $0x7;
	[smem:$0x7F0] =	sst s24  }
0x35: {  	v8 =	vor.u32 $0x3, v0;
	v9 =	vor.u32 $0x4, v0;
	v12 =	vor.u32 $0x5, v0;
	s9 =	sshll.u32 s9, $0x6;
	s12 =	simm.s32 $0xE000;
	[smem:$0x7F2] =	sst s26  }
0x36: {  	v13 =	vor.u32 $0x6, v0;
	v23 =	vor.u32 $0x9, v0;
	v24 =	vor.u32 $0xA, v0;
	s17 =	simm.s32 $0x7800;
	s18 =	simm.s32 $0xF800;
	[smem:$0x7E7] =	sst s12  }
0x37: {  	v25 =	vor.u32 $0xB, v0;
	v26 =	vor.u32 $0xC, v0;
	v27 =	vor.u32 $0xD, v0;
	s20 =	simm.s32 $0xFC00;
	s21 =	simm.s32 $0x8000;
	[smem:$0x7F4] =	sst s17  }
0x38: {  	v28 =	vor.u32 $0xE, v0;
	v29 =	vor.u32 $0xF, v0;
	v30 =	vor.u32 $0x10, v0;
	s23 =	simm.s32 $0x8400;
	s24 =	simm.s32 $0x10400;
	[smem:$0x7F5] =	sst s18  }
0x39: {  	v31 =	vor.u32 $0x11, v0;
	v32 =	vor.u32 $0x12, v0;
	v33 =	vor.u32 $0x13, v0;
	s26 =	simm.s32 $0x10800;
	s11 =	sshrl.u32 s10, $0x1;
	[smem:$0x7F7] =	sst s20  }
0x3a: {  	v34 =	vor.u32 $0x14, v0;
	v35 =	vor.u32 $0x15, v0;
	v36 =	vor.u32 $0x16, v0;
	[tilespmem:$0x1FF10] =	vst v5;
	s15 =	sor.u32 s9, s25;
	s25 =	simm.s32 $0xF000;
	[smem:$0x7F8] =	sst s21  }
0x3b: {  	v37 =	vor.u32 $0x17, v0;
	v38 =	vor.u32 $0x18, v0;
	v39 =	vor.u32 $0x19, v0;
	[tilespmem:$0x1FF20] =	vst v6;
	s17 =	simm.s32 $0x5;
	s18 =	simm.s32 $0x200;
	[smem:$0x7FA] =	sst s23  }
0x3c: {  	v40 =	vor.u32 $0x1A, v0;
	v41 =	vor.u32 $0x1B, v0;
	v42 =	vor.u32 $0x1C, v0;
	[tilespmem:$0x1FF30] =	vst v8;
	s20 =	simm.s32 $0x280;
	s21 =	simm.s32 $0x100;
	[smem:$0x7FB] =	sst s24  }
0x3d: {  	v14 =	vor.u32 $0x7, v0;
	v43 =	vor.u32 $0x1D, v0;
	v44 =	vor.u32 $0x1E, v0;
	[tilespmem:$0x1FF40] =	vst v9;
	s23 =	simm.s32 $0x180;
	s24 =	simm.s32 $0x380;
	[smem:$0x7FD] =	sst s26  }
0x3e: {  	v45 =	vor.u32 $0x1F, v0;
	v46 =	vor.u32 $0x20, v0;
	v47 =	vor.u32 $0x21, v0;
	[tilespmem:$0x1FF50] =	vst v12;
	s16 =	ssub.s32 s10, s11;
	s11 =	simm.s32 $0x6000;
	[smem:$0x7F1] =	sst s25  }
0x3f: {  	v48 =	vor.u32 $0x22, v0;
	v49 =	vor.u32 $0x23, v0;
	v50 =	vor.u32 $0x24, v0;
	[tilespmem:$0x1FF60] =	vst v13;
	s26 =	simm.s32 $0x8C00;
	s9 =	sadd.s32 s7, s15;
	[smem:$0x7E5] =	sst s11  }
0x40: {  	v51 =	vor.u32 $0x25, v0;
	v52 =	vor.u32 $0x26, v0;
	v22 =	vor.u32 $0x36, v0;
	[tilespmem:$0x1FF70] =	vst v14;
	s14 =	sadd.s32 s6, s15;
	s10 =	sor.u32 $0x10, s15;
	[smem:$0x7E6] =	sst s9  }
0x41: {  	v53 =	vor.u32 $0x27, v0;
	v54 =	vor.u32 $0x28, v0;
	v1 =	vor.u32 $0x37, v0;
	[tilespmem:$0x1FF80] =	vst v22;
	s22 =	sor.u32 $0x20, s15;
	s25 =	simm.s32 $0x8800;
	[smem:$0x7E8] =	sst s14  }
0x42: {  	v55 =	vor.u32 $0x29, v0;
	v56 =	vor.u32 $0x2A, v0;
	v2 =	vor.u32 $0x38, v0;
	[tilespmem:$0x1FF90] =	vst v1;
	s19 =	sadd.s32 s7, s10;
	s10 =	sadd.s32 s6, s10;
	s11 =	sadd.s32 s7, s22  }
0x43: {  	v57 =	vor.u32 $0x2B, v0;
	v58 =	vor.u32 $0x2C, v0;
	v3 =	vor.u32 $0x39, v0;
	[tilespmem:$0x1FFA0] =	vst v2;
	s12 =	sadd.s32 s6, s22;
	s14 =	sor.u32 $0x30, s15;
	s9 =	simm.s32 $0xF400  }
0x44: {  	v59 =	vor.u32 $0x2D, v0;
	v60 =	vor.u32 $0x2E, v0;
	v4 =	vor.u32 $0x3A, v0;
	[tilespmem:$0x1FFB0] =	vst v3;
	s15 =	sadd.s32 s0, s15;
	s16 =	smax.u32 s16, $0x1;
	[smem:$0x7FC] =	sst s25  }
0x45: {  	v61 =	vor.u32 $0x2F, v0;
	v7 =	vor.u32 $0x3B, v0;
	[tilespmem:$0x1FFC0] =	vst v4;
	s22 =	simm.s32 $0x10000;
	s25 =	simm.s32 $0xC00;
	[smem:$0x7EB] =	sst s19  }
0x46: {  	v16 =	vor.u32 $0x30, v0;
	v17 =	vor.u32 $0x31, v0;
	v10 =	vor.u32 $0x3C, v0;
	[tilespmem:$0x1FFD0] =	vst v7;
	s13 =	sadd.s32 s7, s14;
	s14 =	sadd.s32 s6, s14;
	[smem:$0x7F3] =	sst s9  }
0x47: {  	v15 =	vor.u32 $0x8, v0;
	v18 =	vor.u32 $0x32, v0;
	v11 =	vor.u32 $0x3D, v0;
	[tilespmem:$0x1FFE0] =	vst v10;
	s19 =	simm.s32 $0x7C00;
	[smem:$0x7F9] =	sst s22;
	s22 =	simm.s32 $0x300  }
0x48: {  	v19 =	vor.u32 $0x33, v0;
	v20 =	vor.u32 $0x34, v0;
	v21 =	vor.u32 $0x35, v0;
	[tilespmem:$0x1FFF0] =	vst v11;
	s6 =	simm.s32 $0x0;
	[smem:$0x7F6] =	sst s19;
	s19 =	simm.s32 $0x80  }
.LBB2_1:
0x49: {  	s0 =	sld [smem:$0x7E6];
	_ =	sdelay $0x2  }
0x4a: {  	[tilespmem:s2], [sflag:$0x5] =	stream.linear.gather [hbm4b:s0+s2], $0x80, $0x38;
	[tilespmem:$0x11200] =	vst v63  }
0x4b: {  	_ =	swait.ge [sflag:s17], $0x80  }
0x4c: {  	s9 =	sld [smem:$0x7E8]  }
0x4d: {  	[sflag:s17] =	ssyncset.done $0x0  }
0x4e: {  	[sflag:s17] =	ssyncadd.s32 $0xFFFFFF80  }
0x4f: {  	[tilespmem:s18], [sflag:$0x5] =	stream.linear.gather [hbm4b:s9+s2], $0x80, $0x38;
	[tilespmem:$0x11200] =	vst v63  }
0x50: {  	_ =	swait.ge [sflag:s17], $0x80  }
0x51: {  	s7 =	sld [smem:$0x7EB]  }
0x52: {  	[sflag:s17] =	ssyncset.done $0x0  }
0x53: {  	[sflag:s17] =	ssyncadd.s32 $0xFFFFFF80  }
0x54: {  	[tilespmem:s19], [sflag:$0x5] =	stream.linear.gather [hbm4b:s7+s2], $0x80, $0x38;
	[tilespmem:$0x11200] =	vst v63  }
0x55: {  	_ =	swait.ge [sflag:s17], $0x80  }
0x56: {  	[sflag:s17] =	ssyncset.done $0x0  }
0x57: {  	[sflag:s17] =	ssyncadd.s32 $0xFFFFFF80  }
0x58: {  	[tilespmem:s20], [sflag:$0x5] =	stream.linear.gather [hbm4b:s10+s2], $0x80, $0x38;
	[tilespmem:$0x11200] =	vst v63  }
0x59: {  	_ =	swait.ge [sflag:s17], $0x80  }
0x5a: {  	[sflag:s17] =	ssyncset.done $0x0  }
0x5b: {  	[sflag:s17] =	ssyncadd.s32 $0xFFFFFF80  }
0x5c: {  	[tilespmem:s21], [sflag:$0x5] =	stream.linear.gather [hbm4b:s11+s2], $0x80, $0x38;
	[tilespmem:$0x11200] =	vst v63  }
0x5d: {  	_ =	swait.ge [sflag:s17], $0x80  }
0x5e: {  	[sflag:s17] =	ssyncset.done $0x0  }
0x5f: {  	[sflag:s17] =	ssyncadd.s32 $0xFFFFFF80  }
0x60: {  	[tilespmem:s22], [sflag:$0x5] =	stream.linear.gather [hbm4b:s12+s2], $0x80, $0x38;
	[tilespmem:$0x11200] =	vst v63  }
0x61: {  	_ =	swait.ge [sflag:s17], $0x80  }
0x62: {  	[sflag:s17] =	ssyncset.done $0x0  }
0x63: {  	[sflag:s17] =	ssyncadd.s32 $0xFFFFFF80  }
0x64: {  	[tilespmem:s23], [sflag:$0x5] =	stream.linear.gather [hbm4b:s13+s2], $0x80, $0x38;
	[tilespmem:$0x11200] =	vst v63  }
0x65: {  	_ =	swait.ge [sflag:s17], $0x80  }
0x66: {  	[sflag:s17] =	ssyncset.done $0x0  }
0x67: {  	[sflag:s17] =	ssyncadd.s32 $0xFFFFFF80  }
0x68: {  	[tilespmem:s24], [sflag:$0x5] =	stream.linear.gather [hbm4b:s14+s2], $0x80, $0x38;
	[tilespmem:$0x11200] =	vst v63  }
0x69: {  	_ =	swait.ge [sflag:s17], $0x80  }
0x6a: {  	[sflag:s17] =	ssyncset.done $0x0  }
0x6b: {  	s8 =	simm.s32 $0x10C00;
	[sflag:s17] =	ssyncadd.s32 $0xFFFFFF80  }
0x6c: {  	[tilespmem:s8], [sflag:$0x3] =	stream.indirect.gather [hbm4b:s5+s19], $0x1, s2, s19, $0xb8;
	[tilespmem:$0x11200] =	vst v63  }
0x6d: {  	s9 =	simm.s32 $0x10E00  }
0x6e: {  	[tilespmem:s9], [sflag:$0x4] =	stream.indirect.gather [hbm4b:s1+s19], $0x1, s18, s19, $0xb8;
	[tilespmem:$0x11200] =	vst v63  }
0x6f: {  	s7 =	simm.s32 $0x10C80  }
0x70: {  	[tilespmem:s7], [sflag:$0x3] =	stream.indirect.gather [hbm4b:s5+s19], $0x1, s19, s19, $0xb8;
	[tilespmem:$0x11200] =	vst v63  }
0x71: {  	s8 =	simm.s32 $0x10E80  }
0x72: {  	[tilespmem:s8], [sflag:$0x4] =	stream.indirect.gather [hbm4b:s1+s19], $0x1, s20, s19, $0xb8;
	[tilespmem:$0x11200] =	vst v63  }
0x73: {  	s9 =	simm.s32 $0x10D00  }
0x74: {  	[tilespmem:s9], [sflag:$0x3] =	stream.indirect.gather [hbm4b:s5+s19], $0x1, s21, s19, $0xb8;
	[tilespmem:$0x11200] =	vst v63  }
0x75: {  	s7 =	simm.s32 $0x10F00  }
0x76: {  	[tilespmem:s7], [sflag:$0x4] =	stream.indirect.gather [hbm4b:s1+s19], $0x1, s22, s19, $0xb8;
	[tilespmem:$0x11200] =	vst v63  }
0x77: {  	s8 =	simm.s32 $0x10D80  }
0x78: {  	[tilespmem:s8], [sflag:$0x3] =	stream.indirect.gather [hbm4b:s5+s19], $0x1, s23, s19, $0xb8;
	[tilespmem:$0x11200] =	vst v63  }
0x79: {  	s0 =	simm.s32 $0x0;
	s9 =	simm.s32 $0x10F80  }
0x7a: {  	[tilespmem:s9], [sflag:$0x4] =	stream.indirect.gather [hbm4b:s1+s19], $0x1, s24, s19, $0xb8;
	[tilespmem:$0x11200] =	vst v63  }
0x7b: {  	v62 =	vld [tilespmem:s0+$0x200]  }
0x7c: {  	v63 =	vld [tilespmem:s0+$0x0];
	_ =	sdelay $0x1  }
0x7d: {  	s7 =	simm.s32 $0x40  }
.LBB2_2:
0x7e: {  	p0 =	sne.s32 s7, $0x7C0  }
.Ltmp0:
0x7f: {  	s8 =	sshra.s32 s7, $0x2;
	s7 =	sadd.s32 $0x40, s7;
	v1 =	vshra.s32 v62, $0x3;
	v2 =	vand.u32 $0x7, v62;
	(pc) =	sbr.rel @p0 .LBB2_2-.Ltmp0, $4  }
0x80: {  	v62 =	vld [tilespmem:s8+$0x200];
	v3 =	vshra.s32 v63, $0x3;
	v4 =	vand.u32 $0x7, v63;
	[tilespmem:s0+$0xA00] =	vst v2  }
0x81: {  	v63 =	vld [tilespmem:s8+$0x0];
	[tilespmem:s0+$0x400] =	vst v3  }
0x82: {  	[tilespmem:s0+$0x800] =	vst v4  }
0x83: {  	[tilespmem:s0+$0x600] =	vst v1;
	s0 =	smov.u32 s8  }
0x84: {  	_ = 	snop  }
0x85: {  	v1 =	vand.u32 $0x7, v62  }
0x86: {  	v2 =	vshra.s32 v63, $0x3;
	[tilespmem:s0+$0xA00] =	vst v1  }
0x87: {  	v1 =	vand.u32 $0x7, v63;
	[tilespmem:s0+$0x400] =	vst v2  }
0x88: {  	v2 =	vshra.s32 v62, $0x3;
	[tilespmem:s0+$0x800] =	vst v1  }
0x89: {  	[tilespmem:s0+$0x600] =	vst v2;
	s0 =	simm.s32 $0x0  }
.LBB2_4:
0x8a: {  	s7 =	sshra.s32 s0, $0x2  }
0x8b: {  	v1 =	vld [tilespmem:s7+$0x400];
	_ =	sdelay $0x1  }
0x8c: {  	v2 =	vld [tilespmem:s7+$0x600];
	_ =	sdelay $0x2  }
0x8d: {  	v63 =	vshll.u32 v1, $0x7  }
0x8e: {  	(v2sf) =	vpush v63, $0x0  }
0x8f: {  	v62 =	vshll.u32 v2, $0x7  }
0x90: {  	(v2sf) =	vpush v62, $0x0;
	_ =	sdelay $0x4  }
0x91: {  	(v2sf) =	vpush v63, $0x1;
	_ =	sdelay $0x3  }
0x92: {  	(v2sf) =	vpush v62, $0x1;
	_ =	sdelay $0x3  }
0x93: {  	s8 =	spop (v2sf);
	(v2sf) =	vpush v63, $0x2  }
0x94: {  	s8 =	sand.u32 $0x1FFFFF80, s8  }
0x95: {  	s9 =	spop (v2sf);
	s8 =	sadd.s32 s3, s8  }
0x96: {  	[tilespmem:s25], [sflag:$0x1] =	stream.linear.gather [hbm4b:s8+s2], $0x400, $0x38;
	[tilespmem:$0x11200] =	vst v63  }
0x97: {  	(v2sf) =	vpush v62, $0x2;
	s8 =	sand.u32 $0x1FFFFF80, s9  }
0x98: {  	s8 =	sadd.s32 s4, s8  }
0x99: {  	[tilespmem:s26], [sflag:$0x2] =	stream.linear.gather [hbm4b:s8+s2], $0x400, $0x38;
	[tilespmem:$0x11200] =	vst v63  }
0x9a: {  	s8 =	spop (v2sf)  }
0x9b: {  	s8 =	sand.u32 $0x1FFFFF80, s8  }
0x9c: {  	s9 =	rddreg [dreg:$0x5];
	s8 =	sadd.s32 s3, s8  }
0x9d: {  	[tilespmem:s9], [sflag:$0x1] =	stream.linear.gather [hbm4b:s8+s2], $0x400, $0x38;
	[tilespmem:$0x11200] =	vst v63  }
0x9e: {  	s8 =	spop (v2sf)  }
0x9f: {  	s8 =	sand.u32 $0x1FFFFF80, s8  }
0xa0: {  	s9 =	rddreg [dreg:$0x6];
	s8 =	sadd.s32 s4, s8  }
0xa1: {  	[tilespmem:s9], [sflag:$0x2] =	stream.linear.gather [hbm4b:s8+s2], $0x400, $0x38;
	[tilespmem:$0x11200] =	vst v63  }
0xa2: {  	s8 =	spop (v2sf);
	(v2sf) =	vpush v63, $0x3  }
0xa3: {  	s8 =	sand.u32 $0x1FFFFF80, s8  }
0xa4: {  	s9 =	rddreg [dreg:$0x7];
	s8 =	sadd.s32 s3, s8  }
0xa5: {  	[tilespmem:s9], [sflag:$0x1] =	stream.linear.gather [hbm4b:s8+s2], $0x400, $0x38;
	[tilespmem:$0x11200] =	vst v63  }
0xa6: {  	s8 =	spop (v2sf);
	(v2sf) =	vpush v62, $0x3;
	_ =	sdelay $0x3  }
0xa7: {  	(v2sf) =	vpush v63, $0x4;
	_ =	sdelay $0x3  }
0xa8: {  	s8 =	sand.u32 $0x1FFFFF80, s8;
	(v2sf) =	vpush v62, $0x4  }
0xa9: {  	s9 =	rddreg [dreg:$0x8];
	s8 =	sadd.s32 s4, s8  }
0xaa: {  	[tilespmem:s9], [sflag:$0x2] =	stream.linear.gather [hbm4b:s8+s2], $0x400, $0x38;
	[tilespmem:$0x11200] =	vst v63  }
0xab: {  	s8 =	spop (v2sf)  }
0xac: {  	(v2sf) =	vpush v63, $0x5;
	s8 =	sand.u32 $0x1FFFFF80, s8  }
0xad: {  	s9 =	rddreg [dreg:$0x9];
	s8 =	sadd.s32 s3, s8  }
0xae: {  	[tilespmem:s9], [sflag:$0x1] =	stream.linear.gather [hbm4b:s8+s2], $0x400, $0x38;
	[tilespmem:$0x11200] =	vst v63  }
0xaf: {  	s8 =	spop (v2sf)  }
0xb0: {  	(v2sf) =	vpush v62, $0x5;
	s8 =	sand.u32 $0x1FFFFF80, s8  }
0xb1: {  	s9 =	rddreg [dreg:$0xa];
	s8 =	sadd.s32 s4, s8  }
0xb2: {  	[tilespmem:s9], [sflag:$0x2] =	stream.linear.gather [hbm4b:s8+s2], $0x400, $0x38;
	[tilespmem:$0x11200] =	vst v63  }
0xb3: {  	s8 =	spop (v2sf)  }
0xb4: {  	(v2sf) =	vpush v63, $0x6;
	s8 =	sand.u32 $0x1FFFFF80, s8  }
0xb5: {  	s9 =	rddreg [dreg:$0xb];
	s8 =	sadd.s32 s3, s8  }
0xb6: {  	[tilespmem:s9], [sflag:$0x1] =	stream.linear.gather [hbm4b:s8+s2], $0x400, $0x38;
	[tilespmem:$0x11200] =	vst v63  }
0xb7: {  	s8 =	spop (v2sf)  }
0xb8: {  	(v2sf) =	vpush v62, $0x6;
	s8 =	sand.u32 $0x1FFFFF80, s8  }
0xb9: {  	s9 =	rddreg [dreg:$0xc];
	s8 =	sadd.s32 s4, s8  }
0xba: {  	[tilespmem:s9], [sflag:$0x2] =	stream.linear.gather [hbm4b:s8+s2], $0x400, $0x38;
	[tilespmem:$0x11200] =	vst v63  }
0xbb: {  	s8 =	spop (v2sf)  }
0xbc: {  	s9 =	rddreg [dreg:$0xd];
	s8 =	sand.u32 $0x1FFFFF80, s8;
	(v2sf) =	vpush v63, $0x7  }
0xbd: {  	s8 =	sadd.s32 s3, s8  }
0xbe: {  	[tilespmem:s9], [sflag:$0x1] =	stream.linear.gather [hbm4b:s8+s2], $0x400, $0x38;
	[tilespmem:$0x11200] =	vst v63  }
0xbf: {  	s8 =	spop (v2sf)  }
0xc0: {  	(v2sf) =	vpush v62, $0x7;
	s8 =	sand.u32 $0x1FFFFF80, s8  }
0xc1: {  	s9 =	rddreg [dreg:$0xe];
	s8 =	sadd.s32 s4, s8  }
0xc2: {  	[tilespmem:s9], [sflag:$0x2] =	stream.linear.gather [hbm4b:s8+s2], $0x400, $0x38;
	[tilespmem:$0x11200] =	vst v63  }
0xc3: {  	s8 =	spop (v2sf)  }
0xc4: {  	(v2sf) =	vpush v63, $0x8;
	s8 =	sand.u32 $0x1FFFFF80, s8  }
0xc5: {  	s9 =	rddreg [dreg:$0xf];
	s8 =	sadd.s32 s3, s8  }
0xc6: {  	[tilespmem:s9], [sflag:$0x1] =	stream.linear.gather [hbm4b:s8+s2], $0x400, $0x38;
	[tilespmem:$0x11200] =	vst v63  }
0xc7: {  	s8 =	spop (v2sf)  }
0xc8: {  	(v2sf) =	vpush v62, $0x8;
	s8 =	sand.u32 $0x1FFFFF80, s8  }
0xc9: {  	s9 =	rddreg [dreg:$0x10];
	s8 =	sadd.s32 s4, s8  }
0xca: {  	[tilespmem:s9], [sflag:$0x2] =	stream.linear.gather [hbm4b:s8+s2], $0x400, $0x38;
	[tilespmem:$0x11200] =	vst v63  }
0xcb: {  	s8 =	spop (v2sf)  }
0xcc: {  	(v2sf) =	vpush v63, $0x9;
	s8 =	sand.u32 $0x1FFFFF80, s8  }
0xcd: {  	s9 =	rddreg [dreg:$0x11];
	s8 =	sadd.s32 s3, s8  }
0xce: {  	[tilespmem:s9], [sflag:$0x1] =	stream.linear.gather [hbm4b:s8+s2], $0x400, $0x38;
	[tilespmem:$0x11200] =	vst v63  }
0xcf: {  	s8 =	spop (v2sf)  }
0xd0: {  	(v2sf) =	vpush v62, $0x9;
	s8 =	sand.u32 $0x1FFFFF80, s8  }
0xd1: {  	s9 =	rddreg [dreg:$0x12];
	s8 =	sadd.s32 s4, s8  }
0xd2: {  	[tilespmem:s9], [sflag:$0x2] =	stream.linear.gather [hbm4b:s8+s2], $0x400, $0x38;
	[tilespmem:$0x11200] =	vst v63  }
0xd3: {  	s8 =	spop (v2sf)  }
0xd4: {  	(v2sf) =	vpush v63, $0xA;
	s8 =	sand.u32 $0x1FFFFF80, s8  }
0xd5: {  	s9 =	rddreg [dreg:$0x13];
	s8 =	sadd.s32 s3, s8  }
0xd6: {  	[tilespmem:s9], [sflag:$0x1] =	stream.linear.gather [hbm4b:s8+s2], $0x400, $0x38;
	[tilespmem:$0x11200] =	vst v63  }
0xd7: {  	s8 =	spop (v2sf)  }
0xd8: {  	(v2sf) =	vpush v62, $0xA;
	s8 =	sand.u32 $0x1FFFFF80, s8  }
0xd9: {  	s9 =	rddreg [dreg:$0x14];
	s8 =	sadd.s32 s4, s8  }
0xda: {  	[tilespmem:s9], [sflag:$0x2] =	stream.linear.gather [hbm4b:s8+s2], $0x400, $0x38;
	[tilespmem:$0x11200] =	vst v63  }
0xdb: {  	s8 =	spop (v2sf)  }
0xdc: {  	(v2sf) =	vpush v63, $0xB;
	s8 =	sand.u32 $0x1FFFFF80, s8  }
0xdd: {  	s9 =	rddreg [dreg:$0x15];
	s8 =	sadd.s32 s3, s8  }
0xde: {  	[tilespmem:s9], [sflag:$0x1] =	stream.linear.gather [hbm4b:s8+s2], $0x400, $0x38;
	[tilespmem:$0x11200] =	vst v63  }
0xdf: {  	s8 =	spop (v2sf)  }
0xe0: {  	(v2sf) =	vpush v62, $0xB;
	s8 =	sand.u32 $0x1FFFFF80, s8  }
0xe1: {  	s9 =	rddreg [dreg:$0x16];
	s8 =	sadd.s32 s4, s8  }
0xe2: {  	[tilespmem:s9], [sflag:$0x2] =	stream.linear.gather [hbm4b:s8+s2], $0x400, $0x38;
	[tilespmem:$0x11200] =	vst v63  }
0xe3: {  	s8 =	spop (v2sf)  }
0xe4: {  	(v2sf) =	vpush v63, $0xC;
	s8 =	sand.u32 $0x1FFFFF80, s8  }
0xe5: {  	s9 =	rddreg [dreg:$0x17];
	s8 =	sadd.s32 s3, s8  }
0xe6: {  	[tilespmem:s9], [sflag:$0x1] =	stream.linear.gather [hbm4b:s8+s2], $0x400, $0x38;
	[tilespmem:$0x11200] =	vst v63  }
0xe7: {  	s8 =	spop (v2sf)  }
0xe8: {  	(v2sf) =	vpush v62, $0xC;
	s8 =	sand.u32 $0x1FFFFF80, s8  }
0xe9: {  	s9 =	rddreg [dreg:$0x18];
	s8 =	sadd.s32 s4, s8  }
0xea: {  	[tilespmem:s9], [sflag:$0x2] =	stream.linear.gather [hbm4b:s8+s2], $0x400, $0x38;
	[tilespmem:$0x11200] =	vst v63  }
0xeb: {  	s8 =	spop (v2sf)  }
0xec: {  	(v2sf) =	vpush v63, $0xD;
	s8 =	sand.u32 $0x1FFFFF80, s8  }
0xed: {  	s9 =	rddreg [dreg:$0x19];
	s8 =	sadd.s32 s3, s8  }
0xee: {  	[tilespmem:s9], [sflag:$0x1] =	stream.linear.gather [hbm4b:s8+s2], $0x400, $0x38;
	[tilespmem:$0x11200] =	vst v63  }
0xef: {  	s8 =	spop (v2sf)  }
0xf0: {  	(v2sf) =	vpush v62, $0xD;
	s8 =	sand.u32 $0x1FFFFF80, s8  }
0xf1: {  	s9 =	rddreg [dreg:$0x1a];
	s8 =	sadd.s32 s4, s8  }
0xf2: {  	[tilespmem:s9], [sflag:$0x2] =	stream.linear.gather [hbm4b:s8+s2], $0x400, $0x38;
	[tilespmem:$0x11200] =	vst v63  }
0xf3: {  	s8 =	spop (v2sf)  }
0xf4: {  	(v2sf) =	vpush v63, $0xE;
	s8 =	sand.u32 $0x1FFFFF80, s8  }
0xf5: {  	s9 =	rddreg [dreg:$0x1b];
	s8 =	sadd.s32 s3, s8  }
0xf6: {  	[tilespmem:s9], [sflag:$0x1] =	stream.linear.gather [hbm4b:s8+s2], $0x400, $0x38;
	[tilespmem:$0x11200] =	vst v63  }
0xf7: {  	s8 =	spop (v2sf)  }
0xf8: {  	(v2sf) =	vpush v62, $0xE;
	s8 =	sand.u32 $0x1FFFFF80, s8  }
0xf9: {  	s9 =	rddreg [dreg:$0x1c];
	s8 =	sadd.s32 s4, s8  }
0xfa: {  	[tilespmem:s9], [sflag:$0x2] =	stream.linear.gather [hbm4b:s8+s2], $0x400, $0x38;
	[tilespmem:$0x11200] =	vst v63  }
0xfb: {  	s8 =	spop (v2sf)  }
0xfc: {  	(v2sf) =	vpush v63, $0xF;
	s8 =	sand.u32 $0x1FFFFF80, s8  }
0xfd: {  	s9 =	rddreg [dreg:$0x1d];
	s8 =	sadd.s32 s3, s8  }
0xfe: {  	[tilespmem:s9], [sflag:$0x1] =	stream.linear.gather [hbm4b:s8+s2], $0x400, $0x38;
	[tilespmem:$0x11200] =	vst v63  }
0xff: {  	s8 =	spop (v2sf)  }
0x100: {  	(v2sf) =	vpush v62, $0xF;
	s8 =	sand.u32 $0x1FFFFF80, s8  }
0x101: {  	s9 =	rddreg [dreg:$0x1e];
	s8 =	sadd.s32 s4, s8  }
0x102: {  	[tilespmem:s9], [sflag:$0x2] =	stream.linear.gather [hbm4b:s8+s2], $0x400, $0x38;
	[tilespmem:$0x11200] =	vst v63  }
0x103: {  	s8 =	spop (v2sf)  }
0x104: {  	s8 =	sand.u32 $0x1FFFFF80, s8  }
0x105: {  	s9 =	rddreg [dreg:$0x1f];
	s8 =	sadd.s32 s3, s8  }
0x106: {  	[tilespmem:s9], [sflag:$0x1] =	stream.linear.gather [hbm4b:s8+s2], $0x400, $0x38;
	[tilespmem:$0x11200] =	vst v63  }
0x107: {  	s8 =	spop (v2sf);
	s9 =	sld [smem:$0x7D8]  }
0x108: {  	s8 =	sand.u32 $0x1FFFFF80, s8  }
0x109: {  	s8 =	sadd.s32 s4, s8  }
0x10a: {  	[tilespmem:s9], [sflag:$0x2] =	stream.linear.gather [hbm4b:s8+s2], $0x400, $0x38;
	[tilespmem:$0x11200] =	vst v63  }
0x10b: {  	s9 =	sld [smem:$0x7D9];
	s8 =	spop (v2sf)  }
0x10c: {  	s8 =	sand.u32 $0x1FFFFF80, s8  }
0x10d: {  	s8 =	sadd.s32 s3, s8  }
0x10e: {  	[tilespmem:s9], [sflag:$0x1] =	stream.linear.gather [hbm4b:s8+s2], $0x400, $0x38;
	[tilespmem:$0x11200] =	vst v63  }
0x10f: {  	s8 =	spop (v2sf);
	s9 =	sld [smem:$0x7DA]  }
0x110: {  	s8 =	sand.u32 $0x1FFFFF80, s8  }
0x111: {  	s8 =	sadd.s32 s4, s8  }
0x112: {  	[tilespmem:s9], [sflag:$0x2] =	stream.linear.gather [hbm4b:s8+s2], $0x400, $0x38;
	[tilespmem:$0x11200] =	vst v63  }
0x113: {  	v1 =	vld [tilespmem:s7+$0x410];
	_ =	sdelay $0x3  }
0x114: {  	v2 =	vld [tilespmem:s7+$0x610]  }
0x115: {  	v63 =	vshll.u32 v1, $0x7  }
0x116: {  	(v2sf) =	vpush v63, $0x0;
	_ =	sdelay $0x2  }
0x117: {  	v62 =	vshll.u32 v2, $0x7  }
0x118: {  	(v2sf) =	vpush v62, $0x0;
	_ =	sdelay $0x3  }
0x119: {  	(v2sf) =	vpush v63, $0x1;
	_ =	sdelay $0x3  }
0x11a: {  	(v2sf) =	vpush v62, $0x1;
	_ =	sdelay $0x2  }
0x11b: {  	s9 =	sld [smem:$0x7DB];
	s8 =	spop (v2sf)  }
0x11c: {  	(v2sf) =	vpush v63, $0x2;
	s8 =	sand.u32 $0x1FFFFF80, s8  }
0x11d: {  	s8 =	sadd.s32 s3, s8  }
0x11e: {  	[tilespmem:s9], [sflag:$0x1] =	stream.linear.gather [hbm4b:s8+s2], $0x400, $0x38;
	[tilespmem:$0x11200] =	vst v63  }
0x11f: {  	s8 =	spop (v2sf);
	s9 =	sld [smem:$0x7DC]  }
0x120: {  	(v2sf) =	vpush v62, $0x2;
	s8 =	sand.u32 $0x1FFFFF80, s8  }
0x121: {  	s8 =	sadd.s32 s4, s8  }
0x122: {  	[tilespmem:s9], [sflag:$0x2] =	stream.linear.gather [hbm4b:s8+s2], $0x400, $0x38;
	[tilespmem:$0x11200] =	vst v63  }
0x123: {  	s8 =	spop (v2sf);
	s9 =	sld [smem:$0x7DD]  }
0x124: {  	(v2sf) =	vpush v63, $0x3;
	s8 =	sand.u32 $0x1FFFFF80, s8  }
0x125: {  	s8 =	sadd.s32 s3, s8  }
0x126: {  	[tilespmem:s9], [sflag:$0x1] =	stream.linear.gather [hbm4b:s8+s2], $0x400, $0x38;
	[tilespmem:$0x11200] =	vst v63  }
0x127: {  	s8 =	spop (v2sf);
	s9 =	sld [smem:$0x7DE]  }
0x128: {  	(v2sf) =	vpush v62, $0x3;
	s8 =	sand.u32 $0x1FFFFF80, s8  }
0x129: {  	s8 =	sadd.s32 s4, s8  }
0x12a: {  	[tilespmem:s9], [sflag:$0x2] =	stream.linear.gather [hbm4b:s8+s2], $0x400, $0x38;
	[tilespmem:$0x11200] =	vst v63  }
0x12b: {  	s9 =	sld [smem:$0x7DF];
	s8 =	spop (v2sf)  }
0x12c: {  	(v2sf) =	vpush v63, $0x4;
	s8 =	sand.u32 $0x1FFFFF80, s8  }
0x12d: {  	s8 =	sadd.s32 s3, s8  }
0x12e: {  	[tilespmem:s9], [sflag:$0x1] =	stream.linear.gather [hbm4b:s8+s2], $0x400, $0x38;
	[tilespmem:$0x11200] =	vst v63  }
0x12f: {  	s8 =	spop (v2sf);
	s9 =	sld [smem:$0x7E0]  }
0x130: {  	(v2sf) =	vpush v62, $0x4;
	s8 =	sand.u32 $0x1FFFFF80, s8  }
0x131: {  	s8 =	sadd.s32 s4, s8  }
0x132: {  	[tilespmem:s9], [sflag:$0x2] =	stream.linear.gather [hbm4b:s8+s2], $0x400, $0x38;
	[tilespmem:$0x11200] =	vst v63  }
0x133: {  	s8 =	spop (v2sf);
	s9 =	sld [smem:$0x7E1]  }
0x134: {  	(v2sf) =	vpush v63, $0x5;
	s8 =	sand.u32 $0x1FFFFF80, s8  }
0x135: {  	s8 =	sadd.s32 s3, s8  }
0x136: {  	[tilespmem:s9], [sflag:$0x1] =	stream.linear.gather [hbm4b:s8+s2], $0x400, $0x38;
	[tilespmem:$0x11200] =	vst v63  }
0x137: {  	s8 =	spop (v2sf);
	s9 =	sld [smem:$0x7E2]  }
0x138: {  	(v2sf) =	vpush v62, $0x5;
	s8 =	sand.u32 $0x1FFFFF80, s8  }
0x139: {  	s8 =	sadd.s32 s4, s8  }
0x13a: {  	[tilespmem:s9], [sflag:$0x2] =	stream.linear.gather [hbm4b:s8+s2], $0x400, $0x38;
	[tilespmem:$0x11200] =	vst v63  }
0x13b: {  	s9 =	sld [smem:$0x7E3];
	s8 =	spop (v2sf)  }
0x13c: {  	(v2sf) =	vpush v63, $0x6;
	s8 =	sand.u32 $0x1FFFFF80, s8  }
0x13d: {  	s8 =	sadd.s32 s3, s8  }
0x13e: {  	[tilespmem:s9], [sflag:$0x1] =	stream.linear.gather [hbm4b:s8+s2], $0x400, $0x38;
	[tilespmem:$0x11200] =	vst v63  }
0x13f: {  	s8 =	spop (v2sf);
	s9 =	sld [smem:$0x7E4]  }
0x140: {  	(v2sf) =	vpush v62, $0x6;
	s8 =	sand.u32 $0x1FFFFF80, s8  }
0x141: {  	s8 =	sadd.s32 s4, s8  }
0x142: {  	[tilespmem:s9], [sflag:$0x2] =	stream.linear.gather [hbm4b:s8+s2], $0x400, $0x38;
	[tilespmem:$0x11200] =	vst v63  }
0x143: {  	s8 =	spop (v2sf);
	s9 =	sld [smem:$0x7E5]  }
0x144: {  	(v2sf) =	vpush v63, $0x7;
	s8 =	sand.u32 $0x1FFFFF80, s8  }
0x145: {  	s8 =	sadd.s32 s3, s8  }
0x146: {  	[tilespmem:s9], [sflag:$0x1] =	stream.linear.gather [hbm4b:s8+s2], $0x400, $0x38;
	[tilespmem:$0x11200] =	vst v63  }
0x147: {  	s8 =	spop (v2sf);
	s9 =	sld [smem:$0x7E7]  }
0x148: {  	(v2sf) =	vpush v62, $0x7;
	s8 =	sand.u32 $0x1FFFFF80, s8  }
0x149: {  	s8 =	sadd.s32 s4, s8  }
0x14a: {  	[tilespmem:s9], [sflag:$0x2] =	stream.linear.gather [hbm4b:s8+s2], $0x400, $0x38;
	[tilespmem:$0x11200] =	vst v63  }
0x14b: {  	s9 =	sld [smem:$0x7E9];
	s8 =	spop (v2sf)  }
0x14c: {  	(v2sf) =	vpush v63, $0x8;
	s8 =	sand.u32 $0x1FFFFF80, s8  }
0x14d: {  	s8 =	sadd.s32 s3, s8  }
0x14e: {  	[tilespmem:s9], [sflag:$0x1] =	stream.linear.gather [hbm4b:s8+s2], $0x400, $0x38;
	[tilespmem:$0x11200] =	vst v63  }
0x14f: {  	s8 =	spop (v2sf);
	s9 =	sld [smem:$0x7EA]  }
0x150: {  	(v2sf) =	vpush v62, $0x8;
	s8 =	sand.u32 $0x1FFFFF80, s8  }
0x151: {  	s8 =	sadd.s32 s4, s8  }
0x152: {  	[tilespmem:s9], [sflag:$0x2] =	stream.linear.gather [hbm4b:s8+s2], $0x400, $0x38;
	[tilespmem:$0x11200] =	vst v63  }
0x153: {  	s8 =	spop (v2sf);
	s9 =	sld [smem:$0x7EC]  }
0x154: {  	(v2sf) =	vpush v63, $0x9;
	s8 =	sand.u32 $0x1FFFFF80, s8  }
0x155: {  	s8 =	sadd.s32 s3, s8  }
0x156: {  	[tilespmem:s9], [sflag:$0x1] =	stream.linear.gather [hbm4b:s8+s2], $0x400, $0x38;
	[tilespmem:$0x11200] =	vst v63  }
0x157: {  	s8 =	spop (v2sf);
	s9 =	sld [smem:$0x7ED]  }
0x158: {  	(v2sf) =	vpush v62, $0x9;
	s8 =	sand.u32 $0x1FFFFF80, s8  }
0x159: {  	s8 =	sadd.s32 s4, s8  }
0x15a: {  	[tilespmem:s9], [sflag:$0x2] =	stream.linear.gather [hbm4b:s8+s2], $0x400, $0x38;
	[tilespmem:$0x11200] =	vst v63  }
0x15b: {  	s9 =	sld [smem:$0x7EE];
	s8 =	spop (v2sf)  }
0x15c: {  	(v2sf) =	vpush v63, $0xA;
	s8 =	sand.u32 $0x1FFFFF80, s8  }
0x15d: {  	s8 =	sadd.s32 s3, s8  }
0x15e: {  	[tilespmem:s9], [sflag:$0x1] =	stream.linear.gather [hbm4b:s8+s2], $0x400, $0x38;
	[tilespmem:$0x11200] =	vst v63  }
0x15f: {  	s8 =	spop (v2sf);
	s9 =	sld [smem:$0x7EF]  }
0x160: {  	(v2sf) =	vpush v62, $0xA;
	s8 =	sand.u32 $0x1FFFFF80, s8  }
0x161: {  	s8 =	sadd.s32 s4, s8  }
0x162: {  	[tilespmem:s9], [sflag:$0x2] =	stream.linear.gather [hbm4b:s8+s2], $0x400, $0x38;
	[tilespmem:$0x11200] =	vst v63  }
0x163: {  	s8 =	spop (v2sf);
	s9 =	sld [smem:$0x7F0]  }
0x164: {  	(v2sf) =	vpush v63, $0xB;
	s8 =	sand.u32 $0x1FFFFF80, s8  }
0x165: {  	s8 =	sadd.s32 s3, s8  }
0x166: {  	[tilespmem:s9], [sflag:$0x1] =	stream.linear.gather [hbm4b:s8+s2], $0x400, $0x38;
	[tilespmem:$0x11200] =	vst v63  }
0x167: {  	s8 =	spop (v2sf);
	s9 =	sld [smem:$0x7F1]  }
0x168: {  	(v2sf) =	vpush v62, $0xB;
	s8 =	sand.u32 $0x1FFFFF80, s8  }
0x169: {  	s8 =	sadd.s32 s4, s8  }
0x16a: {  	[tilespmem:s9], [sflag:$0x2] =	stream.linear.gather [hbm4b:s8+s2], $0x400, $0x38;
	[tilespmem:$0x11200] =	vst v63  }
0x16b: {  	s9 =	sld [smem:$0x7F2];
	s8 =	spop (v2sf)  }
0x16c: {  	(v2sf) =	vpush v63, $0xC;
	s8 =	sand.u32 $0x1FFFFF80, s8  }
0x16d: {  	s8 =	sadd.s32 s3, s8  }
0x16e: {  	[tilespmem:s9], [sflag:$0x1] =	stream.linear.gather [hbm4b:s8+s2], $0x400, $0x38;
	[tilespmem:$0x11200] =	vst v63  }
0x16f: {  	s8 =	spop (v2sf);
	s9 =	sld [smem:$0x7F3]  }
0x170: {  	(v2sf) =	vpush v62, $0xC;
	s8 =	sand.u32 $0x1FFFFF80, s8  }
0x171: {  	s8 =	sadd.s32 s4, s8  }
0x172: {  	[tilespmem:s9], [sflag:$0x2] =	stream.linear.gather [hbm4b:s8+s2], $0x400, $0x38;
	[tilespmem:$0x11200] =	vst v63  }
0x173: {  	s8 =	spop (v2sf);
	s9 =	sld [smem:$0x7F4]  }
0x174: {  	(v2sf) =	vpush v63, $0xD;
	s8 =	sand.u32 $0x1FFFFF80, s8  }
0x175: {  	s8 =	sadd.s32 s3, s8  }
0x176: {  	[tilespmem:s9], [sflag:$0x1] =	stream.linear.gather [hbm4b:s8+s2], $0x400, $0x38;
	[tilespmem:$0x11200] =	vst v63  }
0x177: {  	s8 =	spop (v2sf);
	s9 =	sld [smem:$0x7F5]  }
0x178: {  	(v2sf) =	vpush v62, $0xD;
	s8 =	sand.u32 $0x1FFFFF80, s8  }
0x179: {  	s8 =	sadd.s32 s4, s8  }
0x17a: {  	[tilespmem:s9], [sflag:$0x2] =	stream.linear.gather [hbm4b:s8+s2], $0x400, $0x38;
	[tilespmem:$0x11200] =	vst v63  }
0x17b: {  	s9 =	sld [smem:$0x7F6];
	s8 =	spop (v2sf)  }
0x17c: {  	(v2sf) =	vpush v63, $0xE;
	s8 =	sand.u32 $0x1FFFFF80, s8  }
0x17d: {  	s8 =	sadd.s32 s3, s8  }
0x17e: {  	[tilespmem:s9], [sflag:$0x1] =	stream.linear.gather [hbm4b:s8+s2], $0x400, $0x38;
	[tilespmem:$0x11200] =	vst v63  }
0x17f: {  	s8 =	spop (v2sf);
	s9 =	sld [smem:$0x7F7]  }
0x180: {  	(v2sf) =	vpush v62, $0xE;
	s8 =	sand.u32 $0x1FFFFF80, s8  }
0x181: {  	s8 =	sadd.s32 s4, s8  }
0x182: {  	[tilespmem:s9], [sflag:$0x2] =	stream.linear.gather [hbm4b:s8+s2], $0x400, $0x38;
	[tilespmem:$0x11200] =	vst v63  }
0x183: {  	s8 =	spop (v2sf);
	s9 =	sld [smem:$0x7F8]  }
0x184: {  	(v2sf) =	vpush v63, $0xF;
	s8 =	sand.u32 $0x1FFFFF80, s8  }
0x185: {  	s8 =	sadd.s32 s3, s8  }
0x186: {  	[tilespmem:s9], [sflag:$0x1] =	stream.linear.gather [hbm4b:s8+s2], $0x400, $0x38;
	[tilespmem:$0x11200] =	vst v63  }
0x187: {  	s8 =	spop (v2sf);
	s9 =	sld [smem:$0x7F9]  }
0x188: {  	(v2sf) =	vpush v62, $0xF;
	s8 =	sand.u32 $0x1FFFFF80, s8  }
0x189: {  	s8 =	sadd.s32 s4, s8  }
0x18a: {  	[tilespmem:s9], [sflag:$0x2] =	stream.linear.gather [hbm4b:s8+s2], $0x400, $0x38;
	[tilespmem:$0x11200] =	vst v63  }
0x18b: {  	s9 =	sld [smem:$0x7FA];
	s8 =	spop (v2sf)  }
0x18c: {  	s8 =	sand.u32 $0x1FFFFF80, s8  }
0x18d: {  	s8 =	sadd.s32 s3, s8  }
0x18e: {  	[tilespmem:s9], [sflag:$0x1] =	stream.linear.gather [hbm4b:s8+s2], $0x400, $0x38;
	[tilespmem:$0x11200] =	vst v63  }
0x18f: {  	s8 =	spop (v2sf);
	s9 =	sld [smem:$0x7FB]  }
0x190: {  	s8 =	sand.u32 $0x1FFFFF80, s8  }
0x191: {  	s8 =	sadd.s32 s4, s8  }
0x192: {  	[tilespmem:s9], [sflag:$0x2] =	stream.linear.gather [hbm4b:s8+s2], $0x400, $0x38;
	[tilespmem:$0x11200] =	vst v63  }
0x193: {  	s8 =	spop (v2sf);
	s9 =	sld [smem:$0x7FC]  }
0x194: {  	s8 =	sand.u32 $0x1FFFFF80, s8  }
0x195: {  	s8 =	sadd.s32 s3, s8  }
0x196: {  	[tilespmem:s9], [sflag:$0x1] =	stream.linear.gather [hbm4b:s8+s2], $0x400, $0x38;
	[tilespmem:$0x11200] =	vst v63  }
0x197: {  	s8 =	spop (v2sf);
	s9 =	sld [smem:$0x7FD]  }
0x198: {  	s8 =	sand.u32 $0x1FFFFF80, s8  }
0x199: {  	s8 =	sadd.s32 s4, s8  }
0x19a: {  	[tilespmem:s9], [sflag:$0x2] =	stream.linear.gather [hbm4b:s8+s2], $0x400, $0x38;
	[tilespmem:$0x11200] =	vst v63  }
0x19b: {  	_ =	swait.ge [sflag:s28], $0x8000  }
0x19c: {  	[sflag:s28] =	ssyncset.done $0x0  }
0x19d: {  	[sflag:s28] =	ssyncadd.s32 $0xFFFF8000  }
0x19e: {  	_ =	swait.ge [sflag:s29], $0x8000  }
0x19f: {  	[sflag:s29] =	ssyncset.done $0x0  }
0x1a0: {  	[sflag:s29] =	ssyncadd.s32 $0xFFFF8000  }
0x1a1: {  	v1 =	vld [tilespmem:s7+$0x800]  }
0x1a2: {  	v2 =	vld [tilespmem:s7+$0xA00];
	_ =	sdelay $0x3  }
0x1a3: {  	v62 =	vshll.u32 v1, $0x7  }
0x1a4: {  	v63 =	vshll.u32 v2, $0x7;
	v1 =	vadd.s32 v0, v62  }
0x1a5: {  	v3 =	vadd.s32 v5, v62;
	v4 =	vadd.s32 v5, v63;
	v5 =	vadd.s32 v6, v62;
	v6 =	vld [tilespmem:$0x1FF20]  }
0x1a6: {  	v2 =	vadd.s32 v0, v63;
	v7 =	vadd.s32 v8, v62;
	v8 =	vld [tilespmem:$0x1FF30];
	_ =	sdelay $0x1  }
0x1a7: {  	v10 =	vld [tilespmem:$0x1FF40]  }
0x1a8: {  	v11 =	vadd.s32 v12, v62;
	v12 =	vld [tilespmem:$0x1FF50]  }
0x1a9: {  	v1 =	vld.idx.msk [tilespmem:v1+s25+$0x0], $0xffff;
	v6 =	vadd.s32 v6, v63  }
0x1aa: {  	v2 =	vld.idx.msk [tilespmem:v2+s26+$0x0], $0xffff;
	v8 =	vadd.s32 v8, v63  }
0x1ab: {  	v3 =	vld.idx.msk [tilespmem:v3+s25+$0x0], $0xffff  }
0x1ac: {  	v10 =	vadd.s32 v10, v63;
	v4 =	vld.idx.msk [tilespmem:v4+s26+$0x0], $0xffff  }
0x1ad: {  	v5 =	vld.idx.msk [tilespmem:v5+s25+$0x0], $0xffff  }
0x1ae: {  	v6 =	vld.idx.msk [tilespmem:v6+s26+$0x0], $0xffff  }
0x1af: {  	v1 =	vmul.f32 v2, v1;
	v2 =	vld.idx.msk [tilespmem:v8+s26+$0x0], $0xffff  }
0x1b0: {  	v8 =	vadd.s32 v13, v62;
	v13 =	vld [tilespmem:$0x1FF60]  }
0x1b1: {  	v9 =	vadd.s32 v9, v62;
	v3 =	vmul.f32 v4, v3;
	v4 =	vld.idx.msk [tilespmem:v10+s26+$0x0], $0xffff  }
0x1b2: {  	v10 =	vadd.s32 v14, v62;
	v14 =	vld [tilespmem:$0x1FF70]  }
0x1b3: {  	v12 =	vadd.s32 v12, v63  }
0x1b4: {  	v7 =	vld.idx.msk [tilespmem:v7+s25+$0x0], $0xffff  }
0x1b5: {  	v1 =	vadd.f32 $0.0e+00, v1;
	v13 =	vadd.s32 v13, v63  }
0x1b6: {  	v9 =	vld.idx.msk [tilespmem:v9+s25+$0x0], $0xffff  }
0x1b7: {  	v11 =	vld.idx.msk [tilespmem:v11+s25+$0x0], $0xffff;
	v1 =	vadd.f32 v3, v1;
	v14 =	vadd.s32 v14, v63;
	v3 =	vmul.f32 v6, v5  }
0x1b8: {  	v5 =	vld.idx.msk [tilespmem:v12+s26+$0x0], $0xffff;
	v6 =	vadd.s32 v15, v62  }
0x1b9: {  	v8 =	vld.idx.msk [tilespmem:v8+s25+$0x0], $0xffff;
	v12 =	vadd.s32 v15, v63;
	v2 =	vmul.f32 v2, v7;
	v1 =	vadd.f32 v3, v1  }
0x1ba: {  	v7 =	vadd.s32 v23, v62;
	v3 =	vld.idx.msk [tilespmem:v13+s26+$0x0], $0xffff  }
0x1bb: {  	v10 =	vld.idx.msk [tilespmem:v10+s25+$0x0], $0xffff;
	v1 =	vadd.f32 v2, v1;
	v2 =	vmul.f32 v4, v9;
	v13 =	vadd.s32 v23, v63  }
0x1bc: {  	v9 =	vadd.s32 v24, v62;
	v4 =	vld.idx.msk [tilespmem:v14+s26+$0x0], $0xffff  }
0x1bd: {  	v6 =	vld.idx.msk [tilespmem:v6+s25+$0x0], $0xffff;
	v14 =	vadd.s32 v24, v63;
	v1 =	vadd.f32 v2, v1;
	v2 =	vmul.f32 v5, v11  }
0x1be: {  	v5 =	vld.idx.msk [tilespmem:v12+s26+$0x0], $0xffff;
	v11 =	vadd.s32 v25, v62  }
0x1bf: {  	v7 =	vld.idx.msk [tilespmem:v7+s25+$0x0], $0xffff;
	v12 =	vadd.s32 v25, v63;
	v1 =	vadd.f32 v2, v1;
	v2 =	vmul.f32 v3, v8  }
0x1c0: {  	v3 =	vld.idx.msk [tilespmem:v13+s26+$0x0], $0xffff;
	v8 =	vadd.s32 v26, v62  }
0x1c1: {  	v9 =	vld.idx.msk [tilespmem:v9+s25+$0x0], $0xffff;
	v13 =	vadd.s32 v26, v63;
	v1 =	vadd.f32 v2, v1;
	v2 =	vmul.f32 v4, v10  }
0x1c2: {  	v4 =	vld.idx.msk [tilespmem:v14+s26+$0x0], $0xffff;
	v10 =	vadd.s32 v27, v62  }
0x1c3: {  	v11 =	vld.idx.msk [tilespmem:v11+s25+$0x0], $0xffff;
	v14 =	vadd.s32 v27, v63;
	v1 =	vadd.f32 v2, v1;
	v2 =	vmul.f32 v5, v6  }
0x1c4: {  	v5 =	vld.idx.msk [tilespmem:v12+s26+$0x0], $0xffff;
	v6 =	vadd.s32 v28, v62  }
0x1c5: {  	v12 =	vadd.s32 v28, v63;
	v8 =	vld.idx.msk [tilespmem:v8+s25+$0x0], $0xffff;
	v1 =	vadd.f32 v2, v1;
	v2 =	vmul.f32 v3, v7  }
0x1c6: {  	v3 =	vld.idx.msk [tilespmem:v13+s26+$0x0], $0xffff;
	v7 =	vadd.s32 v29, v62  }
0x1c7: {  	v13 =	vadd.s32 v29, v63;
	v10 =	vld.idx.msk [tilespmem:v10+s25+$0x0], $0xffff;
	v1 =	vadd.f32 v2, v1;
	v2 =	vmul.f32 v4, v9  }
0x1c8: {  	v4 =	vld.idx.msk [tilespmem:v14+s26+$0x0], $0xffff;
	v9 =	vadd.s32 v30, v62  }
0x1c9: {  	v14 =	vadd.s32 v30, v63;
	v6 =	vld.idx.msk [tilespmem:v6+s25+$0x0], $0xffff;
	v1 =	vadd.f32 v2, v1;
	v2 =	vmul.f32 v5, v11  }
0x1ca: {  	v5 =	vld.idx.msk [tilespmem:v12+s26+$0x0], $0xffff;
	v11 =	vadd.s32 v31, v62  }
0x1cb: {  	v12 =	vadd.s32 v31, v63;
	v7 =	vld.idx.msk [tilespmem:v7+s25+$0x0], $0xffff;
	v1 =	vadd.f32 v2, v1;
	v2 =	vmul.f32 v3, v8  }
0x1cc: {  	v3 =	vld.idx.msk [tilespmem:v13+s26+$0x0], $0xffff;
	v8 =	vadd.s32 v32, v62  }
0x1cd: {  	v13 =	vadd.s32 v32, v63;
	v9 =	vld.idx.msk [tilespmem:v9+s25+$0x0], $0xffff;
	v1 =	vadd.f32 v2, v1;
	v2 =	vmul.f32 v4, v10  }
0x1ce: {  	v4 =	vld.idx.msk [tilespmem:v14+s26+$0x0], $0xffff;
	v10 =	vadd.s32 v33, v62  }
0x1cf: {  	v14 =	vadd.s32 v33, v63;
	v11 =	vld.idx.msk [tilespmem:v11+s25+$0x0], $0xffff;
	v1 =	vadd.f32 v2, v1;
	v2 =	vmul.f32 v5, v6  }
0x1d0: {  	v5 =	vld.idx.msk [tilespmem:v12+s26+$0x0], $0xffff;
	v6 =	vadd.s32 v34, v62  }
0x1d1: {  	v12 =	vadd.s32 v34, v63;
	v8 =	vld.idx.msk [tilespmem:v8+s25+$0x0], $0xffff;
	v1 =	vadd.f32 v2, v1;
	v2 =	vmul.f32 v3, v7  }
0x1d2: {  	v3 =	vld.idx.msk [tilespmem:v13+s26+$0x0], $0xffff;
	v7 =	vadd.s32 v35, v62  }
0x1d3: {  	v13 =	vadd.s32 v35, v63;
	v10 =	vld.idx.msk [tilespmem:v10+s25+$0x0], $0xffff;
	v1 =	vadd.f32 v2, v1;
	v2 =	vmul.f32 v4, v9  }
0x1d4: {  	v4 =	vld.idx.msk [tilespmem:v14+s26+$0x0], $0xffff;
	v9 =	vadd.s32 v36, v62  }
0x1d5: {  	v14 =	vadd.s32 v36, v63;
	v6 =	vld.idx.msk [tilespmem:v6+s25+$0x0], $0xffff;
	v1 =	vadd.f32 v2, v1;
	v2 =	vmul.f32 v5, v11  }
0x1d6: {  	v5 =	vld.idx.msk [tilespmem:v12+s26+$0x0], $0xffff;
	v11 =	vadd.s32 v37, v62  }
0x1d7: {  	v12 =	vadd.s32 v37, v63;
	v7 =	vld.idx.msk [tilespmem:v7+s25+$0x0], $0xffff;
	v1 =	vadd.f32 v2, v1;
	v2 =	vmul.f32 v3, v8  }
0x1d8: {  	v3 =	vld.idx.msk [tilespmem:v13+s26+$0x0], $0xffff;
	v8 =	vadd.s32 v38, v62  }
0x1d9: {  	v13 =	vadd.s32 v38, v63;
	v9 =	vld.idx.msk [tilespmem:v9+s25+$0x0], $0xffff;
	v1 =	vadd.f32 v2, v1;
	v2 =	vmul.f32 v4, v10  }
0x1da: {  	v4 =	vld.idx.msk [tilespmem:v14+s26+$0x0], $0xffff;
	v10 =	vadd.s32 v39, v62  }
0x1db: {  	v14 =	vadd.s32 v39, v63;
	v11 =	vld.idx.msk [tilespmem:v11+s25+$0x0], $0xffff;
	v1 =	vadd.f32 v2, v1;
	v2 =	vmul.f32 v5, v6  }
0x1dc: {  	v5 =	vld.idx.msk [tilespmem:v12+s26+$0x0], $0xffff;
	v6 =	vadd.s32 v40, v62  }
0x1dd: {  	v12 =	vadd.s32 v40, v63;
	v8 =	vld.idx.msk [tilespmem:v8+s25+$0x0], $0xffff;
	v1 =	vadd.f32 v2, v1;
	v2 =	vmul.f32 v3, v7  }
0x1de: {  	v3 =	vld.idx.msk [tilespmem:v13+s26+$0x0], $0xffff;
	v7 =	vadd.s32 v41, v62  }
0x1df: {  	v13 =	vadd.s32 v41, v63;
	v10 =	vld.idx.msk [tilespmem:v10+s25+$0x0], $0xffff;
	v1 =	vadd.f32 v2, v1;
	v2 =	vmul.f32 v4, v9  }
0x1e0: {  	v4 =	vld.idx.msk [tilespmem:v14+s26+$0x0], $0xffff;
	v9 =	vadd.s32 v42, v62  }
0x1e1: {  	v14 =	vadd.s32 v42, v63;
	v6 =	vld.idx.msk [tilespmem:v6+s25+$0x0], $0xffff;
	v1 =	vadd.f32 v2, v1;
	v2 =	vmul.f32 v5, v11  }
0x1e2: {  	v5 =	vld.idx.msk [tilespmem:v12+s26+$0x0], $0xffff;
	v11 =	vadd.s32 v43, v62  }
0x1e3: {  	v12 =	vadd.s32 v43, v63;
	v7 =	vld.idx.msk [tilespmem:v7+s25+$0x0], $0xffff;
	v1 =	vadd.f32 v2, v1;
	v2 =	vmul.f32 v3, v8  }
0x1e4: {  	v3 =	vld.idx.msk [tilespmem:v13+s26+$0x0], $0xffff;
	v8 =	vadd.s32 v44, v62  }
0x1e5: {  	v13 =	vadd.s32 v44, v63;
	v9 =	vld.idx.msk [tilespmem:v9+s25+$0x0], $0xffff;
	v1 =	vadd.f32 v2, v1;
	v2 =	vmul.f32 v4, v10  }
0x1e6: {  	v4 =	vld.idx.msk [tilespmem:v14+s26+$0x0], $0xffff;
	v10 =	vadd.s32 v45, v62  }
0x1e7: {  	v14 =	vadd.s32 v45, v63;
	v11 =	vld.idx.msk [tilespmem:v11+s25+$0x0], $0xffff;
	v1 =	vadd.f32 v2, v1;
	v2 =	vmul.f32 v5, v6  }
0x1e8: {  	v5 =	vld.idx.msk [tilespmem:v12+s26+$0x0], $0xffff;
	v6 =	vadd.s32 v46, v62  }
0x1e9: {  	v12 =	vadd.s32 v46, v63;
	v8 =	vld.idx.msk [tilespmem:v8+s25+$0x0], $0xffff;
	v1 =	vadd.f32 v2, v1;
	v2 =	vmul.f32 v3, v7  }
0x1ea: {  	v3 =	vld.idx.msk [tilespmem:v13+s26+$0x0], $0xffff;
	v7 =	vadd.s32 v47, v62  }
0x1eb: {  	v13 =	vadd.s32 v47, v63;
	v10 =	vld.idx.msk [tilespmem:v10+s25+$0x0], $0xffff;
	v1 =	vadd.f32 v2, v1;
	v2 =	vmul.f32 v4, v9  }
0x1ec: {  	v4 =	vld.idx.msk [tilespmem:v14+s26+$0x0], $0xffff;
	v9 =	vadd.s32 v48, v62  }
0x1ed: {  	v14 =	vadd.s32 v48, v63;
	v6 =	vld.idx.msk [tilespmem:v6+s25+$0x0], $0xffff;
	v1 =	vadd.f32 v2, v1;
	v2 =	vmul.f32 v5, v11  }
0x1ee: {  	v5 =	vld.idx.msk [tilespmem:v12+s26+$0x0], $0xffff;
	v11 =	vadd.s32 v49, v62  }
0x1ef: {  	v12 =	vadd.s32 v49, v63;
	v7 =	vld.idx.msk [tilespmem:v7+s25+$0x0], $0xffff;
	v1 =	vadd.f32 v2, v1;
	v2 =	vmul.f32 v3, v8  }
0x1f0: {  	v3 =	vld.idx.msk [tilespmem:v13+s26+$0x0], $0xffff;
	v8 =	vadd.s32 v50, v62  }
0x1f1: {  	v13 =	vadd.s32 v50, v63;
	v9 =	vld.idx.msk [tilespmem:v9+s25+$0x0], $0xffff;
	v1 =	vadd.f32 v2, v1;
	v2 =	vmul.f32 v4, v10  }
0x1f2: {  	v4 =	vld.idx.msk [tilespmem:v14+s26+$0x0], $0xffff;
	v10 =	vadd.s32 v51, v62  }
0x1f3: {  	v14 =	vadd.s32 v51, v63;
	v11 =	vld.idx.msk [tilespmem:v11+s25+$0x0], $0xffff;
	v1 =	vadd.f32 v2, v1;
	v2 =	vmul.f32 v5, v6  }
0x1f4: {  	v5 =	vld.idx.msk [tilespmem:v12+s26+$0x0], $0xffff;
	v6 =	vadd.s32 v52, v62  }
0x1f5: {  	v12 =	vadd.s32 v52, v63;
	v8 =	vld.idx.msk [tilespmem:v8+s25+$0x0], $0xffff;
	v1 =	vadd.f32 v2, v1;
	v2 =	vmul.f32 v3, v7  }
0x1f6: {  	v3 =	vld.idx.msk [tilespmem:v13+s26+$0x0], $0xffff;
	v7 =	vadd.s32 v53, v62  }
0x1f7: {  	v13 =	vadd.s32 v53, v63;
	v10 =	vld.idx.msk [tilespmem:v10+s25+$0x0], $0xffff;
	v1 =	vadd.f32 v2, v1;
	v2 =	vmul.f32 v4, v9  }
0x1f8: {  	v4 =	vld.idx.msk [tilespmem:v14+s26+$0x0], $0xffff;
	v9 =	vadd.s32 v54, v62  }
0x1f9: {  	v14 =	vadd.s32 v54, v63;
	v6 =	vld.idx.msk [tilespmem:v6+s25+$0x0], $0xffff;
	v1 =	vadd.f32 v2, v1;
	v2 =	vmul.f32 v5, v11  }
0x1fa: {  	v5 =	vld.idx.msk [tilespmem:v12+s26+$0x0], $0xffff;
	v11 =	vadd.s32 v55, v62  }
0x1fb: {  	v12 =	vadd.s32 v55, v63;
	v7 =	vld.idx.msk [tilespmem:v7+s25+$0x0], $0xffff;
	v1 =	vadd.f32 v2, v1;
	v2 =	vmul.f32 v3, v8  }
0x1fc: {  	v3 =	vld.idx.msk [tilespmem:v13+s26+$0x0], $0xffff;
	v8 =	vadd.s32 v56, v62  }
0x1fd: {  	v13 =	vadd.s32 v56, v63;
	v9 =	vld.idx.msk [tilespmem:v9+s25+$0x0], $0xffff;
	v1 =	vadd.f32 v2, v1;
	v2 =	vmul.f32 v4, v10  }
0x1fe: {  	v4 =	vld.idx.msk [tilespmem:v14+s26+$0x0], $0xffff;
	v10 =	vadd.s32 v57, v62  }
0x1ff: {  	v14 =	vadd.s32 v57, v63;
	v11 =	vld.idx.msk [tilespmem:v11+s25+$0x0], $0xffff;
	v1 =	vadd.f32 v2, v1;
	v2 =	vmul.f32 v5, v6  }
0x200: {  	v5 =	vld.idx.msk [tilespmem:v12+s26+$0x0], $0xffff;
	v6 =	vadd.s32 v58, v62  }
0x201: {  	v12 =	vadd.s32 v58, v63;
	v8 =	vld.idx.msk [tilespmem:v8+s25+$0x0], $0xffff;
	v1 =	vadd.f32 v2, v1;
	v2 =	vmul.f32 v3, v7  }
0x202: {  	v3 =	vld.idx.msk [tilespmem:v13+s26+$0x0], $0xffff;
	v7 =	vadd.s32 v59, v62  }
0x203: {  	v13 =	vadd.s32 v59, v63;
	v10 =	vld.idx.msk [tilespmem:v10+s25+$0x0], $0xffff;
	v1 =	vadd.f32 v2, v1;
	v2 =	vmul.f32 v4, v9  }
0x204: {  	v4 =	vld.idx.msk [tilespmem:v14+s26+$0x0], $0xffff;
	v9 =	vadd.s32 v60, v62  }
0x205: {  	v14 =	vadd.s32 v60, v63;
	v6 =	vld.idx.msk [tilespmem:v6+s25+$0x0], $0xffff;
	v1 =	vadd.f32 v2, v1;
	v2 =	vmul.f32 v5, v11  }
0x206: {  	v5 =	vld.idx.msk [tilespmem:v12+s26+$0x0], $0xffff;
	v11 =	vadd.s32 v61, v62  }
0x207: {  	v12 =	vadd.s32 v61, v63;
	v7 =	vld.idx.msk [tilespmem:v7+s25+$0x0], $0xffff;
	v1 =	vadd.f32 v2, v1;
	v2 =	vmul.f32 v3, v8  }
0x208: {  	v3 =	vld.idx.msk [tilespmem:v13+s26+$0x0], $0xffff;
	v8 =	vadd.s32 v16, v62  }
0x209: {  	v13 =	vadd.s32 v16, v63;
	v9 =	vld.idx.msk [tilespmem:v9+s25+$0x0], $0xffff;
	v1 =	vadd.f32 v2, v1;
	v2 =	vmul.f32 v4, v10  }
0x20a: {  	v4 =	vld.idx.msk [tilespmem:v14+s26+$0x0], $0xffff;
	v10 =	vadd.s32 v17, v62  }
0x20b: {  	v14 =	vadd.s32 v17, v63;
	v11 =	vld.idx.msk [tilespmem:v11+s25+$0x0], $0xffff;
	v1 =	vadd.f32 v2, v1;
	v2 =	vmul.f32 v5, v6  }
0x20c: {  	v5 =	vld.idx.msk [tilespmem:v12+s26+$0x0], $0xffff  }
0x20d: {  	v8 =	vld.idx.msk [tilespmem:v8+s25+$0x0], $0xffff;
	v1 =	vadd.f32 v2, v1;
	v2 =	vmul.f32 v3, v7  }
0x20e: {  	v6 =	vadd.s32 v18, v62;
	v3 =	vld.idx.msk [tilespmem:v13+s26+$0x0], $0xffff  }
0x20f: {  	v12 =	vadd.s32 v18, v63;
	v10 =	vld.idx.msk [tilespmem:v10+s25+$0x0], $0xffff;
	v1 =	vadd.f32 v2, v1;
	v2 =	vmul.f32 v4, v9  }
0x210: {  	v4 =	vld.idx.msk [tilespmem:v14+s26+$0x0], $0xffff;
	v14 =	vadd.s32 v20, v63  }
0x211: {  	v1 =	vadd.f32 v2, v1;
	v2 =	vmul.f32 v5, v11;
	_ =	sdelay $0x1  }
0x212: {  	v7 =	vadd.s32 v19, v62;
	v6 =	vld.idx.msk [tilespmem:v6+s25+$0x0], $0xffff;
	v1 =	vadd.f32 v2, v1;
	v2 =	vmul.f32 v3, v8  }
0x213: {  	v13 =	vadd.s32 v19, v63;
	v5 =	vld.idx.msk [tilespmem:v12+s26+$0x0], $0xffff  }
0x214: {  	v9 =	vadd.s32 v20, v62;
	v1 =	vadd.f32 v2, v1;
	v2 =	vmul.f32 v4, v10;
	v4 =	vld.idx.msk [tilespmem:v14+s26+$0x0], $0xffff  }
0x215: {  	v12 =	vadd.s32 v21, v63;
	v14 =	vld [tilespmem:$0x1FF90];
	_ =	sdelay $0x1  }
0x216: {  	v11 =	vadd.s32 v21, v62;
	v7 =	vld.idx.msk [tilespmem:v7+s25+$0x0], $0xffff  }
0x217: {  	v3 =	vld.idx.msk [tilespmem:v13+s26+$0x0], $0xffff;
	v13 =	vadd.s32 v22, v63  }
0x218: {  	v9 =	vld.idx.msk [tilespmem:v9+s25+$0x0], $0xffff;
	v1 =	vadd.f32 v2, v1  }
0x219: {  	v2 =	vmul.f32 v5, v6;
	v5 =	vld.idx.msk [tilespmem:v12+s26+$0x0], $0xffff;
	v10 =	vadd.s32 v14, v62;
	v14 =	vadd.s32 v14, v63  }
0x21a: {  	v12 =	vld [tilespmem:$0x1FFA0]  }
0x21b: {  	v11 =	vld.idx.msk [tilespmem:v11+s25+$0x0], $0xffff  }
0x21c: {  	v1 =	vadd.f32 v2, v1;
	v2 =	vmul.f32 v3, v7;
	v3 =	vld.idx.msk [tilespmem:v13+s26+$0x0], $0xffff  }
0x21d: {  	v8 =	vadd.s32 v22, v62;
	v13 =	vld [tilespmem:$0x1FFB0]  }
0x21e: {  	v22 =	vmov v21;
	v1 =	vadd.f32 v2, v1;
	v2 =	vmul.f32 v4, v9;
	v4 =	vld.idx.msk [tilespmem:v14+s26+$0x0], $0xffff  }
0x21f: {  	v21 =	vmovc v20;
	v20 =	vmovc v19;
	v19 =	vmov v18;
	v6 =	vadd.s32 v12, v62;
	v12 =	vadd.s32 v12, v63;
	v14 =	vld [tilespmem:$0x1FFC0]  }
0x220: {  	v18 =	vmovc v17;
	v17 =	vmovc v16;
	v16 =	vmov v61;
	v61 =	vmov v60;
	v60 =	vmov v59  }
0x221: {  	v59 =	vmovc v58;
	v58 =	vmovc v57;
	v57 =	vmov v56;
	v56 =	vmov v55;
	v55 =	vmov v54  }
0x222: {  	v54 =	vmovc v53;
	v53 =	vmov v52;
	v8 =	vld.idx.msk [tilespmem:v8+s25+$0x0], $0xffff;
	v7 =	vadd.s32 v13, v62;
	v13 =	vadd.s32 v13, v63  }
0x223: {  	v52 =	vmovc v51;
	v51 =	vmovc v50;
	v50 =	vmov v49;
	v49 =	vmov v48;
	v1 =	vadd.f32 v2, v1;
	v10 =	vld.idx.msk [tilespmem:v10+s25+$0x0], $0xffff  }
0x224: {  	v2 =	vmul.f32 v5, v11;
	v5 =	vld.idx.msk [tilespmem:v12+s26+$0x0], $0xffff;
	v9 =	vadd.s32 v14, v62;
	v14 =	vadd.s32 v14, v63  }
0x225: {  	v48 =	vmovc v47;
	v47 =	vmovc v46;
	v46 =	vmov v45;
	v45 =	vmov v44;
	v44 =	vmov v43;
	v12 =	vld [tilespmem:$0x1FFD0]  }
0x226: {  	v43 =	vmovc v42;
	v42 =	vmovc v41;
	v41 =	vmov v40;
	v40 =	vmov v39;
	v39 =	vmov v38;
	v6 =	vld.idx.msk [tilespmem:v6+s25+$0x0], $0xffff  }
0x227: {  	v38 =	vmovc v37;
	v37 =	vmov v36;
	v1 =	vadd.f32 v2, v1;
	v2 =	vmul.f32 v3, v8;
	v3 =	vld.idx.msk [tilespmem:v13+s26+$0x0], $0xffff  }
0x228: {  	v36 =	vmovc v35;
	v35 =	vmovc v34;
	v34 =	vmov v33;
	v33 =	vmov v32;
	v32 =	vmov v31;
	v13 =	vld [tilespmem:$0x1FFE0]  }
0x229: {  	v31 =	vmovc v30;
	v30 =	vmov v29;
	v1 =	vadd.f32 v2, v1;
	v2 =	vmul.f32 v4, v10;
	v4 =	vld.idx.msk [tilespmem:v14+s26+$0x0], $0xffff  }
0x22a: {  	v29 =	vmovc v28;
	v28 =	vmovc v27;
	v27 =	vmov v26;
	v26 =	vmov v25;
	v11 =	vadd.s32 v12, v62;
	v14 =	vld [tilespmem:$0x1FFF0]  }
0x22b: {  	v25 =	vmovc v24;
	v24 =	vmovc v23;
	v23 =	vmov v15;
	v15 =	vor.u32 $0x3E, v0;
	v12 =	vadd.s32 v12, v63  }
0x22c: {  	v1 =	vadd.f32 v2, v1;
	v2 =	vmul.f32 v5, v6;
	v6 =	vadd.s32 v15, v62  }
0x22d: {  	v7 =	vld.idx.msk [tilespmem:v7+s25+$0x0], $0xffff;
	v8 =	vadd.s32 v13, v62  }
0x22e: {  	v13 =	vadd.s32 v13, v63;
	v9 =	vld.idx.msk [tilespmem:v9+s25+$0x0], $0xffff  }
0x22f: {  	v11 =	vld.idx.msk [tilespmem:v11+s25+$0x0], $0xffff;
	v10 =	vadd.s32 v14, v62  }
0x230: {  	v5 =	vld.idx.msk [tilespmem:v12+s26+$0x0], $0xffff;
	v14 =	vadd.s32 v14, v63  }
0x231: {  	v12 =	vadd.s32 v15, v63;
	v15 =	vor.u32 $0x3F, v0;
	v6 =	vld.idx.msk [tilespmem:v6+s25+$0x0], $0xffff  }
0x232: {  	v1 =	vadd.f32 v2, v1;
	v2 =	vmul.f32 v3, v7;
	v7 =	vadd.s32 v15, v62;
	v8 =	vld.idx.msk [tilespmem:v8+s25+$0x0], $0xffff  }
0x233: {  	v3 =	vld.idx.msk [tilespmem:v13+s26+$0x0], $0xffff;
	v13 =	vadd.s32 v15, v63  }
0x234: {  	v1 =	vadd.f32 v2, v1;
	v2 =	vmul.f32 v4, v9;
	v10 =	vld.idx.msk [tilespmem:v10+s25+$0x0], $0xffff  }
0x235: {  	v4 =	vld.idx.msk [tilespmem:v14+s26+$0x0], $0xffff  }
0x236: {  	v1 =	vadd.f32 v2, v1;
	v2 =	vmul.f32 v5, v11;
	v5 =	vld.idx.msk [tilespmem:v12+s26+$0x0], $0xffff  }
0x237: {  	v7 =	vld.idx.msk [tilespmem:v7+s25+$0x0], $0xffff  }
0x238: {  	v1 =	vadd.f32 v2, v1;
	v2 =	vmul.f32 v3, v8;
	v3 =	vld.idx.msk [tilespmem:v13+s26+$0x0], $0xffff  }
0x239: {  	v8 =	vld [tilespmem:s7+$0x810]  }
0x23a: {  	v1 =	vadd.f32 v2, v1;
	v2 =	vmul.f32 v4, v10;
	v4 =	vld [tilespmem:s7+$0xA10];
	_ =	sdelay $0x1  }
0x23b: {  	v1 =	vadd.f32 v2, v1;
	v2 =	vmul.f32 v5, v6;
	_ =	sdelay $0x1  }
0x23c: {  	v62 =	vshll.u32 v8, $0x7;
	v1 =	vadd.f32 v2, v1;
	v2 =	vor.u32 $0x4000, v0  }
0x23d: {  	v3 =	vmul.f32 v3, v7;
	v5 =	vadd.s32 v2, v62;
	v63 =	vshll.u32 v4, $0x7  }
0x23e: {  	v2 =	vadd.s32 v2, v63  }
0x23f: {  	v1 =	vadd.f32 v3, v1;
	v3 =	vor.u32 $0x4001, v0  }
0x240: {  	v4 =	vadd.s32 v3, v62  }
0x241: {  	[tilespmem:s7+$0x11000] =	vst v1;
	v1 =	vadd.s32 v3, v63;
	v3 =	vor.u32 $0x4002, v0  }
0x242: {  	v6 =	vadd.s32 v3, v62;
	v5 =	vld.idx.msk [tilespmem:v5+s25+$0x0], $0xffff  }
0x243: {  	v7 =	vor.u32 $0x4003, v0;
	v3 =	vadd.s32 v3, v63;
	v2 =	vld.idx.msk [tilespmem:v2+s26+$0x0], $0xffff  }
0x244: {  	v8 =	vadd.s32 v7, v62  }
0x245: {  	v9 =	vor.u32 $0x4004, v0;
	v7 =	vadd.s32 v7, v63;
	v4 =	vld.idx.msk [tilespmem:v4+s25+$0x0], $0xffff  }
0x246: {  	v10 =	vadd.s32 v9, v62;
	v1 =	vld.idx.msk [tilespmem:v1+s26+$0x0], $0xffff  }
0x247: {  	v11 =	vor.u32 $0x4005, v0;
	v9 =	vadd.s32 v9, v63;
	v6 =	vld.idx.msk [tilespmem:v6+s25+$0x0], $0xffff  }
0x248: {  	v3 =	vld.idx.msk [tilespmem:v3+s26+$0x0], $0xffff;
	v2 =	vmul.f32 v2, v5;
	v5 =	vadd.s32 v11, v62  }
0x249: {  	v12 =	vor.u32 $0x4006, v0;
	v8 =	vld.idx.msk [tilespmem:v8+s25+$0x0], $0xffff;
	v11 =	vadd.s32 v11, v63  }
0x24a: {  	v13 =	vadd.s32 v12, v62;
	v7 =	vld.idx.msk [tilespmem:v7+s26+$0x0], $0xffff;
	v2 =	vadd.f32 $0.0e+00, v2  }
0x24b: {  	v1 =	vmul.f32 v1, v4;
	v4 =	vld.idx.msk [tilespmem:v10+s25+$0x0], $0xffff;
	v10 =	vadd.s32 v12, v63;
	v12 =	vor.u32 $0x4007, v0  }
0x24c: {  	v9 =	vld.idx.msk [tilespmem:v9+s26+$0x0], $0xffff;
	v14 =	vadd.s32 v12, v62  }
0x24d: {  	v1 =	vadd.f32 v1, v2;
	v2 =	vmul.f32 v3, v6;
	v3 =	vld.idx.msk [tilespmem:v5+s25+$0x0], $0xffff;
	v5 =	vadd.s32 v12, v63  }
0x24e: {  	v6 =	vld.idx.msk [tilespmem:v11+s26+$0x0], $0xffff;
	v11 =	vor.u32 $0x4008, v0  }
0x24f: {  	v1 =	vadd.f32 v2, v1;
	v2 =	vmul.f32 v7, v8;
	v7 =	vld.idx.msk [tilespmem:v13+s25+$0x0], $0xffff;
	v8 =	vadd.s32 v11, v62  }
0x250: {  	v12 =	vor.u32 $0x4009, v0;
	v11 =	vadd.s32 v11, v63;
	v10 =	vld.idx.msk [tilespmem:v10+s26+$0x0], $0xffff  }
0x251: {  	v1 =	vadd.f32 v2, v1;
	v2 =	vmul.f32 v9, v4;
	v4 =	vld.idx.msk [tilespmem:v14+s25+$0x0], $0xffff;
	v9 =	vadd.s32 v12, v62  }
0x252: {  	v13 =	vor.u32 $0x400A, v0;
	v12 =	vadd.s32 v12, v63;
	v5 =	vld.idx.msk [tilespmem:v5+s26+$0x0], $0xffff  }
0x253: {  	v1 =	vadd.f32 v2, v1;
	v2 =	vmul.f32 v6, v3;
	v3 =	vadd.s32 v13, v62  }
0x254: {  	v6 =	vld.idx.msk [tilespmem:v8+s25+$0x0], $0xffff;
	v8 =	vadd.s32 v13, v63;
	v13 =	vor.u32 $0x400B, v0  }
0x255: {  	v1 =	vadd.f32 v2, v1;
	v2 =	vmul.f32 v10, v7;
	v7 =	vld.idx.msk [tilespmem:v11+s26+$0x0], $0xffff;
	v10 =	vadd.s32 v13, v62  }
0x256: {  	v11 =	vadd.s32 v13, v63;
	v13 =	vor.u32 $0x400C, v0;
	v9 =	vld.idx.msk [tilespmem:v9+s25+$0x0], $0xffff  }
0x257: {  	v1 =	vadd.f32 v2, v1;
	v2 =	vmul.f32 v5, v4;
	v4 =	vld.idx.msk [tilespmem:v12+s26+$0x0], $0xffff;
	v5 =	vadd.s32 v13, v62  }
0x258: {  	v3 =	vld.idx.msk [tilespmem:v3+s25+$0x0], $0xffff;
	v12 =	vadd.s32 v13, v63;
	v13 =	vor.u32 $0x400D, v0  }
0x259: {  	v1 =	vadd.f32 v2, v1;
	v2 =	vld.idx.msk [tilespmem:v8+s26+$0x0], $0xffff;
	v8 =	vadd.s32 v13, v62  }
0x25a: {  	v6 =	vmul.f32 v7, v6;
	v7 =	vld.idx.msk [tilespmem:v10+s25+$0x0], $0xffff;
	v10 =	vadd.s32 v13, v63;
	v13 =	vor.u32 $0x400E, v0  }
0x25b: {  	v11 =	vld.idx.msk [tilespmem:v11+s26+$0x0], $0xffff;
	v14 =	vadd.s32 v13, v62  }
0x25c: {  	v1 =	vadd.f32 v6, v1;
	v6 =	vadd.s32 v13, v63;
	v4 =	vmul.f32 v4, v9;
	v5 =	vld.idx.msk [tilespmem:v5+s25+$0x0], $0xffff  }
0x25d: {  	v9 =	vld.idx.msk [tilespmem:v12+s26+$0x0], $0xffff;
	v12 =	vor.u32 $0x400F, v0  }
0x25e: {  	v1 =	vadd.f32 v4, v1;
	v2 =	vmul.f32 v2, v3;
	v3 =	vld.idx.msk [tilespmem:v8+s25+$0x0], $0xffff;
	v4 =	vadd.s32 v12, v62  }
0x25f: {  	v8 =	vld.idx.msk [tilespmem:v10+s26+$0x0], $0xffff;
	v10 =	vadd.s32 v12, v63;
	v12 =	vor.u32 $0x4010, v0  }
0x260: {  	v1 =	vadd.f32 v2, v1;
	v2 =	vmul.f32 v11, v7;
	v7 =	vld.idx.msk [tilespmem:v14+s25+$0x0], $0xffff;
	v11 =	vadd.s32 v12, v62  }
0x261: {  	v13 =	vor.u32 $0x4011, v0;
	v6 =	vld.idx.msk [tilespmem:v6+s26+$0x0], $0xffff;
	v12 =	vadd.s32 v12, v63  }
0x262: {  	v1 =	vadd.f32 v2, v1;
	v2 =	vmul.f32 v9, v5;
	v5 =	vadd.s32 v13, v62  }
0x263: {  	v9 =	vadd.s32 v13, v63;
	v13 =	vor.u32 $0x4012, v0;
	v4 =	vld.idx.msk [tilespmem:v4+s25+$0x0], $0xffff  }
0x264: {  	v1 =	vadd.f32 v2, v1;
	v2 =	vmul.f32 v8, v3;
	v3 =	vld.idx.msk [tilespmem:v10+s26+$0x0], $0xffff;
	v8 =	vadd.s32 v13, v62  }
0x265: {  	v10 =	vld.idx.msk [tilespmem:v11+s25+$0x0], $0xffff;
	v11 =	vadd.s32 v13, v63;
	v13 =	vor.u32 $0x4013, v0  }
0x266: {  	v1 =	vadd.f32 v2, v1;
	v2 =	vmul.f32 v6, v7;
	v6 =	vld.idx.msk [tilespmem:v12+s26+$0x0], $0xffff;
	v7 =	vadd.s32 v13, v62  }
0x267: {  	v12 =	vadd.s32 v13, v63;
	v13 =	vor.u32 $0x4014, v0;
	v5 =	vld.idx.msk [tilespmem:v5+s25+$0x0], $0xffff  }
0x268: {  	v1 =	vadd.f32 v2, v1;
	v2 =	vld.idx.msk [tilespmem:v9+s26+$0x0], $0xffff;
	v9 =	vadd.s32 v13, v62  }
0x269: {  	v3 =	vmul.f32 v3, v4;
	v4 =	vld.idx.msk [tilespmem:v8+s25+$0x0], $0xffff;
	v8 =	vadd.s32 v13, v63;
	v13 =	vor.u32 $0x4015, v0  }
0x26a: {  	v11 =	vld.idx.msk [tilespmem:v11+s26+$0x0], $0xffff;
	v14 =	vadd.s32 v13, v62  }
0x26b: {  	v1 =	vadd.f32 v3, v1;
	v3 =	vmul.f32 v6, v10;
	v6 =	vld.idx.msk [tilespmem:v7+s25+$0x0], $0xffff;
	v7 =	vadd.s32 v13, v63  }
0x26c: {  	v10 =	vld.idx.msk [tilespmem:v12+s26+$0x0], $0xffff;
	v12 =	vor.u32 $0x4016, v0  }
0x26d: {  	v1 =	vadd.f32 v3, v1;
	v2 =	vmul.f32 v2, v5;
	v3 =	vld.idx.msk [tilespmem:v9+s25+$0x0], $0xffff;
	v5 =	vadd.s32 v12, v62  }
0x26e: {  	v9 =	vadd.s32 v12, v63;
	v12 =	vor.u32 $0x4017, v0;
	v8 =	vld.idx.msk [tilespmem:v8+s26+$0x0], $0xffff  }
0x26f: {  	v1 =	vadd.f32 v2, v1;
	v2 =	vmul.f32 v11, v4;
	v4 =	vld.idx.msk [tilespmem:v14+s25+$0x0], $0xffff;
	v11 =	vadd.s32 v12, v62  }
0x270: {  	v13 =	vor.u32 $0x4018, v0;
	v12 =	vadd.s32 v12, v63;
	v7 =	vld.idx.msk [tilespmem:v7+s26+$0x0], $0xffff  }
0x271: {  	v1 =	vadd.f32 v2, v1;
	v2 =	vmul.f32 v10, v6;
	v6 =	vadd.s32 v13, v62  }
0x272: {  	v10 =	vadd.s32 v13, v63;
	v13 =	vor.u32 $0x4019, v0;
	v5 =	vld.idx.msk [tilespmem:v5+s25+$0x0], $0xffff  }
0x273: {  	v1 =	vadd.f32 v2, v1;
	v2 =	vmul.f32 v8, v3;
	v3 =	vld.idx.msk [tilespmem:v9+s26+$0x0], $0xffff;
	v8 =	vadd.s32 v13, v62  }
0x274: {  	v9 =	vld.idx.msk [tilespmem:v11+s25+$0x0], $0xffff;
	v11 =	vadd.s32 v13, v63;
	v13 =	vor.u32 $0x401A, v0  }
0x275: {  	v1 =	vadd.f32 v2, v1;
	v2 =	vmul.f32 v7, v4;
	v4 =	vld.idx.msk [tilespmem:v12+s26+$0x0], $0xffff;
	v7 =	vadd.s32 v13, v62  }
0x276: {  	v12 =	vadd.s32 v13, v63;
	v13 =	vor.u32 $0x401B, v0;
	v6 =	vld.idx.msk [tilespmem:v6+s25+$0x0], $0xffff  }
0x277: {  	v1 =	vadd.f32 v2, v1;
	v2 =	vld.idx.msk [tilespmem:v10+s26+$0x0], $0xffff;
	v10 =	vadd.s32 v13, v62  }
0x278: {  	v3 =	vmul.f32 v3, v5;
	v5 =	vld.idx.msk [tilespmem:v8+s25+$0x0], $0xffff;
	v8 =	vadd.s32 v13, v63;
	v13 =	vor.u32 $0x401C, v0  }
0x279: {  	v11 =	vld.idx.msk [tilespmem:v11+s26+$0x0], $0xffff;
	v14 =	vadd.s32 v13, v62  }
0x27a: {  	v1 =	vadd.f32 v3, v1;
	v3 =	vmul.f32 v4, v9;
	v4 =	vld.idx.msk [tilespmem:v7+s25+$0x0], $0xffff;
	v7 =	vadd.s32 v13, v63  }
0x27b: {  	v9 =	vld.idx.msk [tilespmem:v12+s26+$0x0], $0xffff;
	v12 =	vor.u32 $0x401D, v0  }
0x27c: {  	v1 =	vadd.f32 v3, v1;
	v2 =	vmul.f32 v2, v6;
	v3 =	vld.idx.msk [tilespmem:v10+s25+$0x0], $0xffff;
	v6 =	vadd.s32 v12, v62  }
0x27d: {  	v10 =	vadd.s32 v12, v63;
	v12 =	vor.u32 $0x401E, v0;
	v8 =	vld.idx.msk [tilespmem:v8+s26+$0x0], $0xffff  }
0x27e: {  	v1 =	vadd.f32 v2, v1;
	v2 =	vmul.f32 v11, v5;
	v5 =	vld.idx.msk [tilespmem:v14+s25+$0x0], $0xffff;
	v11 =	vadd.s32 v12, v62  }
0x27f: {  	v13 =	vor.u32 $0x401F, v0;
	v12 =	vadd.s32 v12, v63;
	v7 =	vld.idx.msk [tilespmem:v7+s26+$0x0], $0xffff  }
0x280: {  	v1 =	vadd.f32 v2, v1;
	v2 =	vmul.f32 v9, v4;
	v4 =	vadd.s32 v13, v62  }
0x281: {  	v9 =	vadd.s32 v13, v63;
	v13 =	vor.u32 $0x4020, v0;
	v6 =	vld.idx.msk [tilespmem:v6+s25+$0x0], $0xffff  }
0x282: {  	v1 =	vadd.f32 v2, v1;
	v2 =	vmul.f32 v8, v3;
	v3 =	vld.idx.msk [tilespmem:v10+s26+$0x0], $0xffff;
	v8 =	vadd.s32 v13, v62  }
0x283: {  	v10 =	vld.idx.msk [tilespmem:v11+s25+$0x0], $0xffff;
	v11 =	vadd.s32 v13, v63;
	v13 =	vor.u32 $0x4021, v0  }
0x284: {  	v1 =	vadd.f32 v2, v1;
	v2 =	vmul.f32 v7, v5;
	v5 =	vld.idx.msk [tilespmem:v12+s26+$0x0], $0xffff;
	v7 =	vadd.s32 v13, v62  }
0x285: {  	v12 =	vadd.s32 v13, v63;
	v13 =	vor.u32 $0x4022, v0;
	v4 =	vld.idx.msk [tilespmem:v4+s25+$0x0], $0xffff  }
0x286: {  	v1 =	vadd.f32 v2, v1;
	v2 =	vld.idx.msk [tilespmem:v9+s26+$0x0], $0xffff;
	v9 =	vadd.s32 v13, v62  }
0x287: {  	v3 =	vmul.f32 v3, v6;
	v6 =	vld.idx.msk [tilespmem:v8+s25+$0x0], $0xffff;
	v8 =	vadd.s32 v13, v63;
	v13 =	vor.u32 $0x4023, v0  }
0x288: {  	v11 =	vld.idx.msk [tilespmem:v11+s26+$0x0], $0xffff;
	v14 =	vadd.s32 v13, v62  }
0x289: {  	v1 =	vadd.f32 v3, v1;
	v3 =	vmul.f32 v5, v10;
	v5 =	vld.idx.msk [tilespmem:v7+s25+$0x0], $0xffff;
	v7 =	vadd.s32 v13, v63  }
0x28a: {  	v10 =	vld.idx.msk [tilespmem:v12+s26+$0x0], $0xffff;
	v12 =	vor.u32 $0x4024, v0  }
0x28b: {  	v1 =	vadd.f32 v3, v1;
	v2 =	vmul.f32 v2, v4;
	v3 =	vld.idx.msk [tilespmem:v9+s25+$0x0], $0xffff;
	v4 =	vadd.s32 v12, v62  }
0x28c: {  	v9 =	vadd.s32 v12, v63;
	v12 =	vor.u32 $0x4025, v0;
	v8 =	vld.idx.msk [tilespmem:v8+s26+$0x0], $0xffff  }
0x28d: {  	v1 =	vadd.f32 v2, v1;
	v2 =	vmul.f32 v11, v6;
	v6 =	vld.idx.msk [tilespmem:v14+s25+$0x0], $0xffff;
	v11 =	vadd.s32 v12, v62  }
0x28e: {  	v13 =	vor.u32 $0x4026, v0;
	v12 =	vadd.s32 v12, v63;
	v7 =	vld.idx.msk [tilespmem:v7+s26+$0x0], $0xffff  }
0x28f: {  	v1 =	vadd.f32 v2, v1;
	v2 =	vmul.f32 v10, v5;
	v5 =	vadd.s32 v13, v62  }
0x290: {  	v10 =	vadd.s32 v13, v63;
	v13 =	vor.u32 $0x4027, v0;
	v4 =	vld.idx.msk [tilespmem:v4+s25+$0x0], $0xffff  }
0x291: {  	v1 =	vadd.f32 v2, v1;
	v2 =	vmul.f32 v8, v3;
	v3 =	vld.idx.msk [tilespmem:v9+s26+$0x0], $0xffff;
	v8 =	vadd.s32 v13, v62  }
0x292: {  	v9 =	vld.idx.msk [tilespmem:v11+s25+$0x0], $0xffff;
	v11 =	vadd.s32 v13, v63;
	v13 =	vor.u32 $0x4028, v0  }
0x293: {  	v1 =	vadd.f32 v2, v1;
	v2 =	vmul.f32 v7, v6;
	v6 =	vld.idx.msk [tilespmem:v12+s26+$0x0], $0xffff;
	v7 =	vadd.s32 v13, v62  }
0x294: {  	v12 =	vadd.s32 v13, v63;
	v13 =	vor.u32 $0x4029, v0;
	v5 =	vld.idx.msk [tilespmem:v5+s25+$0x0], $0xffff  }
0x295: {  	v1 =	vadd.f32 v2, v1;
	v2 =	vld.idx.msk [tilespmem:v10+s26+$0x0], $0xffff;
	v10 =	vadd.s32 v13, v62  }
0x296: {  	v3 =	vmul.f32 v3, v4;
	v4 =	vld.idx.msk [tilespmem:v8+s25+$0x0], $0xffff;
	v8 =	vadd.s32 v13, v63;
	v13 =	vor.u32 $0x402A, v0  }
0x297: {  	v11 =	vld.idx.msk [tilespmem:v11+s26+$0x0], $0xffff;
	v14 =	vadd.s32 v13, v62  }
0x298: {  	v1 =	vadd.f32 v3, v1;
	v3 =	vmul.f32 v6, v9;
	v6 =	vld.idx.msk [tilespmem:v7+s25+$0x0], $0xffff;
	v7 =	vadd.s32 v13, v63  }
0x299: {  	v9 =	vld.idx.msk [tilespmem:v12+s26+$0x0], $0xffff;
	v12 =	vor.u32 $0x402B, v0  }
0x29a: {  	v1 =	vadd.f32 v3, v1;
	v2 =	vmul.f32 v2, v5;
	v3 =	vld.idx.msk [tilespmem:v10+s25+$0x0], $0xffff;
	v5 =	vadd.s32 v12, v62  }
0x29b: {  	v10 =	vadd.s32 v12, v63;
	v12 =	vor.u32 $0x402C, v0;
	v8 =	vld.idx.msk [tilespmem:v8+s26+$0x0], $0xffff  }
0x29c: {  	v1 =	vadd.f32 v2, v1;
	v2 =	vmul.f32 v11, v4;
	v4 =	vld.idx.msk [tilespmem:v14+s25+$0x0], $0xffff;
	v11 =	vadd.s32 v12, v62  }
0x29d: {  	v13 =	vor.u32 $0x402D, v0;
	v12 =	vadd.s32 v12, v63;
	v7 =	vld.idx.msk [tilespmem:v7+s26+$0x0], $0xffff  }
0x29e: {  	v1 =	vadd.f32 v2, v1;
	v2 =	vmul.f32 v9, v6;
	v6 =	vadd.s32 v13, v62  }
0x29f: {  	v9 =	vadd.s32 v13, v63;
	v13 =	vor.u32 $0x402E, v0;
	v5 =	vld.idx.msk [tilespmem:v5+s25+$0x0], $0xffff  }
0x2a0: {  	v1 =	vadd.f32 v2, v1;
	v2 =	vmul.f32 v8, v3;
	v3 =	vld.idx.msk [tilespmem:v10+s26+$0x0], $0xffff;
	v8 =	vadd.s32 v13, v62  }
0x2a1: {  	v10 =	vld.idx.msk [tilespmem:v11+s25+$0x0], $0xffff;
	v11 =	vadd.s32 v13, v63;
	v13 =	vor.u32 $0x402F, v0  }
0x2a2: {  	v1 =	vadd.f32 v2, v1;
	v2 =	vmul.f32 v7, v4;
	v4 =	vld.idx.msk [tilespmem:v12+s26+$0x0], $0xffff;
	v7 =	vadd.s32 v13, v62  }
0x2a3: {  	v12 =	vadd.s32 v13, v63;
	v13 =	vor.u32 $0x4030, v0;
	v6 =	vld.idx.msk [tilespmem:v6+s25+$0x0], $0xffff  }
0x2a4: {  	v1 =	vadd.f32 v2, v1;
	v2 =	vld.idx.msk [tilespmem:v9+s26+$0x0], $0xffff;
	v9 =	vadd.s32 v13, v62  }
0x2a5: {  	v3 =	vmul.f32 v3, v5;
	v5 =	vld.idx.msk [tilespmem:v8+s25+$0x0], $0xffff;
	v8 =	vadd.s32 v13, v63;
	v13 =	vor.u32 $0x4031, v0  }
0x2a6: {  	v11 =	vld.idx.msk [tilespmem:v11+s26+$0x0], $0xffff;
	v14 =	vadd.s32 v13, v62  }
0x2a7: {  	v1 =	vadd.f32 v3, v1;
	v3 =	vmul.f32 v4, v10;
	v4 =	vld.idx.msk [tilespmem:v7+s25+$0x0], $0xffff;
	v7 =	vadd.s32 v13, v63  }
0x2a8: {  	v10 =	vld.idx.msk [tilespmem:v12+s26+$0x0], $0xffff;
	v12 =	vor.u32 $0x4032, v0  }
0x2a9: {  	v1 =	vadd.f32 v3, v1;
	v2 =	vmul.f32 v2, v6;
	v3 =	vld.idx.msk [tilespmem:v9+s25+$0x0], $0xffff;
	v6 =	vadd.s32 v12, v62  }
0x2aa: {  	v9 =	vadd.s32 v12, v63;
	v12 =	vor.u32 $0x4033, v0;
	v8 =	vld.idx.msk [tilespmem:v8+s26+$0x0], $0xffff  }
0x2ab: {  	v1 =	vadd.f32 v2, v1;
	v2 =	vmul.f32 v11, v5;
	v5 =	vld.idx.msk [tilespmem:v14+s25+$0x0], $0xffff;
	v11 =	vadd.s32 v12, v62  }
0x2ac: {  	v13 =	vor.u32 $0x4034, v0;
	v12 =	vadd.s32 v12, v63;
	v7 =	vld.idx.msk [tilespmem:v7+s26+$0x0], $0xffff  }
0x2ad: {  	v1 =	vadd.f32 v2, v1;
	v2 =	vmul.f32 v10, v4;
	v4 =	vadd.s32 v13, v62  }
0x2ae: {  	v10 =	vadd.s32 v13, v63;
	v13 =	vor.u32 $0x4035, v0;
	v6 =	vld.idx.msk [tilespmem:v6+s25+$0x0], $0xffff  }
0x2af: {  	v1 =	vadd.f32 v2, v1;
	v2 =	vmul.f32 v8, v3;
	v3 =	vld.idx.msk [tilespmem:v9+s26+$0x0], $0xffff;
	v8 =	vadd.s32 v13, v62  }
0x2b0: {  	v9 =	vld.idx.msk [tilespmem:v11+s25+$0x0], $0xffff;
	v11 =	vadd.s32 v13, v63;
	v13 =	vor.u32 $0x4036, v0  }
0x2b1: {  	v1 =	vadd.f32 v2, v1;
	v2 =	vmul.f32 v7, v5;
	v5 =	vld.idx.msk [tilespmem:v12+s26+$0x0], $0xffff;
	v7 =	vadd.s32 v13, v62  }
0x2b2: {  	v12 =	vadd.s32 v13, v63;
	v13 =	vor.u32 $0x4037, v0;
	v4 =	vld.idx.msk [tilespmem:v4+s25+$0x0], $0xffff  }
0x2b3: {  	v1 =	vadd.f32 v2, v1;
	v2 =	vld.idx.msk [tilespmem:v10+s26+$0x0], $0xffff;
	v10 =	vadd.s32 v13, v62  }
0x2b4: {  	v3 =	vmul.f32 v3, v6;
	v6 =	vld.idx.msk [tilespmem:v8+s25+$0x0], $0xffff;
	v8 =	vadd.s32 v13, v63;
	v13 =	vor.u32 $0x4038, v0  }
0x2b5: {  	v11 =	vld.idx.msk [tilespmem:v11+s26+$0x0], $0xffff;
	v14 =	vadd.s32 v13, v62  }
0x2b6: {  	v1 =	vadd.f32 v3, v1;
	v3 =	vmul.f32 v5, v9;
	v5 =	vld.idx.msk [tilespmem:v7+s25+$0x0], $0xffff;
	v7 =	vadd.s32 v13, v63  }
0x2b7: {  	v9 =	vld.idx.msk [tilespmem:v12+s26+$0x0], $0xffff;
	v12 =	vor.u32 $0x4039, v0  }
0x2b8: {  	v1 =	vadd.f32 v3, v1;
	v2 =	vmul.f32 v2, v4;
	v3 =	vld.idx.msk [tilespmem:v10+s25+$0x0], $0xffff;
	v4 =	vadd.s32 v12, v62  }
0x2b9: {  	v10 =	vadd.s32 v12, v63;
	v12 =	vor.u32 $0x403A, v0;
	v8 =	vld.idx.msk [tilespmem:v8+s26+$0x0], $0xffff  }
0x2ba: {  	v1 =	vadd.f32 v2, v1;
	v2 =	vmul.f32 v11, v6;
	v6 =	vld.idx.msk [tilespmem:v14+s25+$0x0], $0xffff;
	v11 =	vadd.s32 v12, v62  }
0x2bb: {  	v15 =	vmovc v23;
	v23 =	vmov v24;
	v13 =	vor.u32 $0x403B, v0;
	v12 =	vadd.s32 v12, v63;
	v7 =	vld.idx.msk [tilespmem:v7+s26+$0x0], $0xffff  }
0x2bc: {  	v24 =	vmovc v25;
	v1 =	vadd.f32 v2, v1;
	v2 =	vmul.f32 v9, v5;
	v5 =	vadd.s32 v13, v62  }
0x2bd: {  	v25 =	vmovc v26;
	v26 =	vmovc v27;
	v27 =	vmov v28;
	v9 =	vadd.s32 v13, v63;
	v13 =	vor.u32 $0x403C, v0;
	v4 =	vld.idx.msk [tilespmem:v4+s25+$0x0], $0xffff  }
0x2be: {  	v1 =	vadd.f32 v2, v1;
	v2 =	vmul.f32 v8, v3;
	v3 =	vld.idx.msk [tilespmem:v10+s26+$0x0], $0xffff;
	v8 =	vadd.s32 v13, v62  }
0x2bf: {  	v28 =	vmovc v29;
	v29 =	vmovc v30;
	v30 =	vmov v31;
	v10 =	vld.idx.msk [tilespmem:v11+s25+$0x0], $0xffff;
	v11 =	vadd.s32 v13, v63;
	v13 =	vor.u32 $0x403D, v0  }
0x2c0: {  	v1 =	vadd.f32 v2, v1;
	v2 =	vmul.f32 v7, v6;
	v6 =	vld.idx.msk [tilespmem:v12+s26+$0x0], $0xffff;
	v7 =	vadd.s32 v13, v62  }
0x2c1: {  	v31 =	vmovc v32;
	v32 =	vmovc v33;
	v33 =	vmov v34;
	v12 =	vadd.s32 v13, v63;
	v13 =	vor.u32 $0x403E, v0;
	v5 =	vld.idx.msk [tilespmem:v5+s25+$0x0], $0xffff  }
0x2c2: {  	v34 =	vmovc v35;
	v35 =	vmov v36;
	v1 =	vadd.f32 v2, v1;
	v2 =	vld.idx.msk [tilespmem:v9+s26+$0x0], $0xffff;
	v9 =	vadd.s32 v13, v62  }
0x2c3: {  	v36 =	vmovc v37;
	v3 =	vmul.f32 v3, v4;
	v4 =	vld.idx.msk [tilespmem:v8+s25+$0x0], $0xffff;
	v8 =	vadd.s32 v13, v63;
	v13 =	vor.u32 $0x403F, v0  }
0x2c4: {  	v37 =	vmovc v38;
	v38 =	vmovc v39;
	v39 =	vmov v40;
	v40 =	vmov v41;
	v11 =	vld.idx.msk [tilespmem:v11+s26+$0x0], $0xffff;
	v14 =	vadd.s32 v13, v62  }
0x2c5: {  	v1 =	vadd.f32 v3, v1;
	v3 =	vmul.f32 v6, v10;
	v6 =	vadd.s32 v13, v63;
	v7 =	vld.idx.msk [tilespmem:v7+s25+$0x0], $0xffff  }
0x2c6: {  	v41 =	vmovc v42;
	v42 =	vmovc v43;
	v43 =	vmov v44;
	v44 =	vmov v45;
	v45 =	vmov v46;
	v10 =	vld.idx.msk [tilespmem:v12+s26+$0x0], $0xffff  }
0x2c7: {  	v46 =	vmovc v47;
	v47 =	vmov v48;
	v1 =	vadd.f32 v3, v1;
	v2 =	vmul.f32 v2, v5;
	v3 =	vld.idx.msk [tilespmem:v9+s25+$0x0], $0xffff  }
0x2c8: {  	v48 =	vmovc v49;
	v49 =	vmovc v50;
	v50 =	vmov v51;
	v51 =	vmov v52;
	v52 =	vmov v53;
	v5 =	vld.idx.msk [tilespmem:v8+s26+$0x0], $0xffff  }
0x2c9: {  	v53 =	vmovc v54;
	v54 =	vmov v55;
	v1 =	vadd.f32 v2, v1;
	v2 =	vmul.f32 v11, v4;
	v4 =	vld.idx.msk [tilespmem:v14+s25+$0x0], $0xffff  }
0x2ca: {  	v55 =	vmovc v56;
	v56 =	vmovc v57;
	v57 =	vmov v58;
	v58 =	vmov v59;
	v59 =	vmov v60;
	v6 =	vld.idx.msk [tilespmem:v6+s26+$0x0], $0xffff  }
0x2cb: {  	v60 =	vmovc v61;
	v61 =	vmovc v16;
	v16 =	vmov v17;
	v1 =	vadd.f32 v2, v1;
	v2 =	vmul.f32 v10, v7  }
0x2cc: {  	v17 =	vmovc v18;
	v18 =	vmovc v19;
	v19 =	vmov v20;
	v20 =	vmov v21;
	v21 =	vmov v22;
	v22 =	vld [tilespmem:$0x1FF80]  }
0x2cd: {  	v13 =	vld [tilespmem:$0x1FF60];
	v1 =	vadd.f32 v2, v1;
	v2 =	vmul.f32 v5, v3  }
0x2ce: {  	p0 =	sne.s32 s0, $0x780;
	v12 =	vld [tilespmem:$0x1FF50]  }
.Ltmp1:
0x2cf: {  	v9 =	vld [tilespmem:$0x1FF40];
	v1 =	vadd.f32 v2, v1;
	v2 =	vmul.f32 v6, v4;
	(pc) =	sbr.rel @p0 .LBB2_4-.Ltmp1, $4  }
0x2d0: {  	v8 =	vld [tilespmem:$0x1FF30]  }
0x2d1: {  	v14 =	vld [tilespmem:$0x1FF70];
	v1 =	vadd.f32 v2, v1  }
0x2d2: {  	v5 =	vld [tilespmem:$0x1FF10]  }
0x2d3: {  	s0 =	sadd.s32 $0x80, s0;
	v6 =	vld [tilespmem:$0x1FF20];
	[tilespmem:s7+$0x11010] =	vst v1  }
0x2d4: {  	_ =	swait.ge [sflag:s30], $0x80  }
0x2d5: {  	[sflag:s30] =	ssyncset.done $0x0  }
0x2d6: {  	[sflag:s30] =	ssyncadd.s32 $0xFFFFFF80  }
0x2d7: {  	_ =	swait.ge [sflag:s31], $0x80  }
0x2d8: {  	[sflag:s31] =	ssyncset.done $0x0  }
0x2d9: {  	[sflag:s31] =	ssyncadd.s32 $0xFFFFFF80  }
0x2da: {  	_ =	swait.ge [sflag:s30], $0x80  }
0x2db: {  	[sflag:s30] =	ssyncset.done $0x0  }
0x2dc: {  	[sflag:s30] =	ssyncadd.s32 $0xFFFFFF80  }
0x2dd: {  	_ =	swait.ge [sflag:s31], $0x80  }
0x2de: {  	[sflag:s31] =	ssyncset.done $0x0  }
0x2df: {  	[sflag:s31] =	ssyncadd.s32 $0xFFFFFF80  }
0x2e0: {  	_ =	swait.ge [sflag:s30], $0x80  }
0x2e1: {  	[sflag:s30] =	ssyncset.done $0x0  }
0x2e2: {  	[sflag:s30] =	ssyncadd.s32 $0xFFFFFF80  }
0x2e3: {  	_ =	swait.ge [sflag:s31], $0x80  }
0x2e4: {  	[sflag:s31] =	ssyncset.done $0x0  }
0x2e5: {  	[sflag:s31] =	ssyncadd.s32 $0xFFFFFF80  }
0x2e6: {  	_ =	swait.ge [sflag:s30], $0x80  }
0x2e7: {  	[sflag:s30] =	ssyncset.done $0x0  }
0x2e8: {  	[sflag:s30] =	ssyncadd.s32 $0xFFFFFF80  }
0x2e9: {  	_ =	swait.ge [sflag:s31], $0x80  }
0x2ea: {  	[sflag:s31] =	ssyncset.done $0x0  }
0x2eb: {  	s0 =	simm.s32 $0x0;
	[sflag:s31] =	ssyncadd.s32 $0xFFFFFF80  }
0x2ec: {  	v1 =	vld [tilespmem:s0+$0x10C00]  }
0x2ed: {  	v2 =	vld [tilespmem:s0+$0x10E00];
	_ =	sdelay $0x3  }
0x2ee: {  	v63 =	vld [tilespmem:s0+$0x11000]  }
0x2ef: {  	v1 =	vadd.f32 v2, v1  }
0x2f0: {  	s7 =	simm.s32 $0x10  }
0x2f1: {  	s8 =	simm.s32 $0x80;
	v62 =	vld [tilespmem:s7+$0x10C00];
	v1 =	vadd.f32 $3.500000000e+00, v1  }
.LBB2_6:
0x2f2: {  	p0 =	sne.s32 s8, $0x7C0;
	v2 =	vld [tilespmem:s7+$0x10E00]  }
0x2f3: {  	v1 =	vadd.f32 v1, v63;
	_ =	sdelay $0x1  }
.Ltmp2:
0x2f4: {  	[tilespmem:s0+$0x11000] =	vst v1;
	s0 =	smov.u32 s7;
	(pc) =	sbr.rel @p0 .LBB2_6-.Ltmp2, $4  }
0x2f5: {  	v63 =	vld [tilespmem:s0+$0x11000]  }
0x2f6: {  	v1 =	vadd.f32 v2, v62  }
0x2f7: {  	s7 =	sshra.s32 s8, $0x2  }
0x2f8: {  	s8 =	sadd.s32 $0x40, s8;
	v62 =	vld [tilespmem:s7+$0x10C00];
	v1 =	vadd.f32 $3.500000000e+00, v1  }
0x2f9: {  	v2 =	vld [tilespmem:s7+$0x10E00]  }
0x2fa: {  	v1 =	vadd.f32 v1, v63;
	_ =	sdelay $0x1  }
0x2fb: {  	[tilespmem:s0+$0x11000] =	vst v1  }
0x2fc: {  	v1 =	vld [tilespmem:s7+$0x11000]  }
0x2fd: {  	v2 =	vadd.f32 v2, v62;
	_ =	sdelay $0x1  }
0x2fe: {  	v2 =	vadd.f32 $3.500000000e+00, v2;
	_ =	sdelay $0x1  }
0x2ff: {  	s6 =	sadd.s32 $0x1, s6;
	v1 =	vadd.f32 v2, v1  }
0x300: {  	p0 =	sne.s32 s6, s16  }
.Ltmp3:
0x301: {  	s9 =	simm.s32 $0x11000;
	[tilespmem:s7+$0x11000] =	vst v1;
	(pc) =	sbr.rel @p0 .LBB2_1-.Ltmp3, $4  }
0x302: {  	[hbm4b:s15+s2] =	stream.linear.scatter [tilespmem:s9], [sflag:$0x5], $0x200, $0x38;
	[tilespmem:$0x11200] =	vst v63  }
0x303: {  	_ =	swait.ge [sflag:s17], $0x200  }
0x304: {  	[sflag:s17] =	ssyncset.done $0x0  }
0x305: {  	[sflag:s17] =	ssyncadd.s32 $0xFFFFFE00  }
0x306: {  	_ =	sfence.sel $0x180000  }
0x307: {  	[bflag:$0x0] =	sbarrier.arrive $0xFFFF  }
0x308: {  	_ =	strace $0x90000047  }
0x309: {  	s0 =	stileid.u32;
	[bflag:$0x2] =	sbarrier.arrive $0xFFFF  }
0x30a: {  	p0 =	sne.s32 s0, $0x0;
	s0 =	rddreg [dreg:$0x4]  }
0x30b: {  	s0 =	sadd.s32 @!p0 $0x100000, s0  }
0x30c: {  	[sflag:s0] =	ssyncadd.tile.s32 @!p0 $0x1;
	_ =	shalt  }
.Lfunc_end2:
_tile_overlayer_lowered:
.L_overlay_start_2:
0x30d: {  	(tag) =	ssettag $0x2  }
0x30e: {  	s0 =	rddreg [dreg:$0x0];
	s2 =	stileid.u32  }
0x30f: {  	s1 =	rddreg [dreg:$0x1];
	p0 =	sne.s32 s2, $0x0  }
0x310: {  	s3 =	rddreg [dreg:$0x2];
	[bflag:$0x3] =	sbarrier.arrive $0xFFFF;
	s2 =	simm.s32 @!p0 $0x1C05  }
0x311: {  	[timem:s3], [sflag:s2] =	dma.local @!p0 [hbm:s0], s1  }
0x312: {  	s0 =	simm.s32 @!p0 $0x5  }
0x313: {  	_ =	swait.ge @!p0 [sflag:s0], s1  }
0x314: {  	s1 =	ssub.s32 @!p0 $0x0, s1;
	[sflag:s0] =	ssyncset.done @!p0 $0x0  }
0x315: {  	[sflag:s0] =	ssyncadd.s32 @!p0 s1  }
0x316: {  	[bflag:$0x3] =	sbarrier.arrive $0xFFFF  }
0x317: {  	_ =	shalt  }

</sc_bundles>
